<compile_context>
chip_gen: v7x
topology: tpu7x:2x2x1
jax: 0.10.2.dev20260603
libtpu: 0.0.44.dev20260713+nightly
codegen_flags: <defaults>
</compile_context>

<pallas_src>
import functools

import jax
import jax.numpy as jnp
from jax import lax
from jax.experimental import pallas as pl
from jax.experimental.pallas import tpu as pltpu
from jax.experimental.pallas import tpu_sc as plsc

N = 10000
H = 128
ESM = 1280
E = 160000
EL = 160000

NC, NS, L = 2, 16, 16
NW = NC * NS
CH = 624
CH_LAST = N - (NS - 1) * CH
EPT = E // NS
BLK = 80
NBLK = EPT // BLK
NB = 3
CHK = 25
NCHK = NBLK // CHK

CB = 128
NCB = EL // CB

_mesh = plsc.VectorSubcoreMesh(
    core_axis_name="c", subcore_axis_name="s", num_cores=NC, num_subcores=NS)


def _projA_body(xp_ref, wlp_ref, bp_ref, embp_ref, w1tp_ref, w1bp_ref,
                xr_ref, wlr_ref, br_ref, embr_ref, w1tr_ref, w1br_ref,
                yp_ref, yr_ref):
    pp = jnp.dot(xp_ref[...].astype(jnp.bfloat16),
                 wlp_ref[...].astype(jnp.bfloat16),
                 preferred_element_type=jnp.float32) + bp_ref[...]
    yp_ref[...] = (
        jnp.dot(pp, w1tp_ref[...], preferred_element_type=jnp.float32)
        + jnp.dot(embp_ref[...], w1bp_ref[...],
                  preferred_element_type=jnp.float32))
    pr = jnp.dot(xr_ref[...].astype(jnp.bfloat16),
                 wlr_ref[...].astype(jnp.bfloat16),
                 preferred_element_type=jnp.float32) + br_ref[...]
    yr_ref[...] = (
        jnp.dot(pr, w1tr_ref[...], preferred_element_type=jnp.float32)
        + jnp.dot(embr_ref[...], w1br_ref[...],
                  preferred_element_type=jnp.float32))


def _projA(xp, wlp, bp, embp, w1p, xr, wlr, br, embr, w1r):
    R = 1000
    xspec = pl.BlockSpec((R, ESM), lambda i: (i, 0))
    wspec = pl.BlockSpec((ESM, H), lambda i: (0, 0))
    bspec = pl.BlockSpec((1, H), lambda i: (0, 0))
    espec = pl.BlockSpec((R, H), lambda i: (i, 0))
    hspec = pl.BlockSpec((H, H), lambda i: (0, 0))
    yspec = pl.BlockSpec((R, H), lambda i: (i, 0))
    return pl.pallas_call(
        _projA_body,
        grid=(N // R,),
        in_specs=[xspec, wspec, bspec, espec, hspec, hspec,
                  xspec, wspec, bspec, espec, hspec, hspec],
        out_specs=[yspec, yspec],
        out_shape=[jax.ShapeDtypeStruct((N, H), jnp.float32),
                   jax.ShapeDtypeStruct((N, H), jnp.float32)],
    )(xp, wlp, bp.reshape(1, H), embp, w1p[:H], w1p[H:],
      xr, wlr, br.reshape(1, H), embr, w1r[:H], w1r[H:])


def _stageC_body(sp_ref, dp_ref, sr_ref, dr_ref, w2p_ref, w2r_ref,
                 y2p_ref, y2r_ref, ip_ref, ir_ref):
    inv_p = 1.0 / jnp.maximum(dp_ref[...], 1.0)
    inv_r = 1.0 / jnp.maximum(dr_ref[...], 1.0)
    hp = jnp.maximum(sp_ref[...] * inv_p, 0.0)
    hr = jnp.maximum(sr_ref[...] * inv_r, 0.0)
    y2p_ref[...] = jnp.dot(hp, w2p_ref[...], preferred_element_type=jnp.float32)
    y2r_ref[...] = jnp.dot(hr, w2r_ref[...], preferred_element_type=jnp.float32)
    ip_ref[...] = inv_p
    ir_ref[...] = inv_r


def _stageC(sum1_pep, deg_pep, sum1_prot, deg_prot, w2p, w2r):
    R = 1000
    return pl.pallas_call(
        _stageC_body,
        grid=(N // R,),
        in_specs=[
            pl.BlockSpec((R, H), lambda i: (i, 0)),
            pl.BlockSpec((R, 1), lambda i: (i, 0)),
            pl.BlockSpec((R, H), lambda i: (i, 0)),
            pl.BlockSpec((R, 1), lambda i: (i, 0)),
            pl.BlockSpec((H, H), lambda i: (0, 0)),
            pl.BlockSpec((H, H), lambda i: (0, 0)),
        ],
        out_specs=[
            pl.BlockSpec((R, H), lambda i: (i, 0)),
            pl.BlockSpec((R, H), lambda i: (i, 0)),
            pl.BlockSpec((R, 1), lambda i: (i, 0)),
            pl.BlockSpec((R, 1), lambda i: (i, 0)),
        ],
        out_shape=[
            jax.ShapeDtypeStruct((N, H), jnp.float32),
            jax.ShapeDtypeStruct((N, H), jnp.float32),
            jax.ShapeDtypeStruct((N, 1), jnp.float32),
            jax.ShapeDtypeStruct((N, 1), jnp.float32),
        ],
    )(sum1_pep, deg_pep.reshape(N, 1), sum1_prot, deg_prot.reshape(N, 1),
      w2p, w2r)


def _scale2_body(sp_ref, ip_ref, sr_ref, ir_ref, zp_ref, zr_ref):
    zp_ref[...] = sp_ref[...] * ip_ref[...]
    zr_ref[...] = sr_ref[...] * ir_ref[...]


def _scale2(sum2_pep, invd_pep, sum2_prot, invd_prot):
    R = 2000
    return pl.pallas_call(
        _scale2_body,
        grid=(N // R,),
        in_specs=[
            pl.BlockSpec((R, H), lambda i: (i, 0)),
            pl.BlockSpec((R, 1), lambda i: (i, 0)),
            pl.BlockSpec((R, H), lambda i: (i, 0)),
            pl.BlockSpec((R, 1), lambda i: (i, 0)),
        ],
        out_specs=[
            pl.BlockSpec((R, H), lambda i: (i, 0)),
            pl.BlockSpec((R, H), lambda i: (i, 0)),
        ],
        out_shape=[jax.ShapeDtypeStruct((N, H), jnp.float32),
                   jax.ShapeDtypeStruct((N, H), jnp.float32)],
    )(sum2_pep, invd_pep, sum2_prot, invd_prot)


def _make_segsum(with_deg):
    out_type = [
        jax.ShapeDtypeStruct((N, H), jnp.float32),
        jax.ShapeDtypeStruct((N, H), jnp.float32),
    ]
    if with_deg:
        out_type += [
            jax.ShapeDtypeStruct((N,), jnp.float32),
            jax.ShapeDtypeStruct((N,), jnp.float32),
        ]
    scratch = [
        pltpu.VMEM((CHK, 1, BLK), jnp.int32),
        pltpu.VMEM((CHK, 1, BLK), jnp.int32),
        pltpu.VMEM((NB, BLK, H), jnp.float32),
        pltpu.VMEM((BLK,), jnp.float32),
        pltpu.VMEM_SHARED((N, H), jnp.float32),
        pltpu.VMEM_SHARED((N,), jnp.float32),
        pltpu.SemaphoreType.DMA,
        pltpu.SemaphoreType.DMA,
        pltpu.SemaphoreType.DMA,
    ]

    def body(y_pep, y_prot, src_pp, dst_pp, src_rp, dst_rp, zrow, zdeg,
             *rest):
        if with_deg:
            sum_prot, sum_pep, deg_prot, deg_pep = rest[:4]
            scr = rest[4:]
        else:
            sum_prot, sum_pep = rest[:2]
            deg_prot = deg_pep = None
            scr = rest[2:]
        src_v, dst_v, rows_v, ones_v, acc_sh, dacc_sh, gsem, ssem, dsem = scr

        c = lax.axis_index("c")
        s = lax.axis_index("s")

        def run(y_hbm, src4, dst4, out_sum, out_deg):
            @pl.when(s < NS - 1)
            def _():
                pltpu.sync_copy(zrow.at[pl.ds(s * CH, CH)],
                                acc_sh.at[pl.ds(s * CH, CH)])

            @pl.when(s == NS - 1)
            def _():
                pltpu.sync_copy(zrow.at[pl.ds((NS - 1) * CH, CH_LAST)],
                                acc_sh.at[pl.ds((NS - 1) * CH, CH_LAST)])

            if with_deg:
                for i in range(BLK // L):
                    ones_v[pl.ds(i * L, L)] = jnp.full((L,), 1.0, jnp.float32)

                @pl.when(s == 0)
                def _():
                    pltpu.sync_copy(zdeg, dacc_sh)

            plsc.subcore_barrier()

            def chunk_body(ci, carry):
                pltpu.sync_copy(src4.at[s, ci], src_v)
                pltpu.sync_copy(dst4.at[s, ci], dst_v)
                for k in range(NB - 1):
                    pltpu.async_copy(
                        y_hbm.at[src_v.at[k, 0]], rows_v.at[k], gsem)

                def blk_body(b, carry2):
                    cur = lax.rem(b, NB)
                    dsl = dst_v.at[b, 0]
                    pltpu.make_async_copy(
                        y_hbm.at[src_v.at[b, 0]], rows_v.at[cur],
                        gsem).wait()
                    pltpu.async_copy(rows_v.at[cur], acc_sh.at[dsl], ssem,
                                     add=True)
                    if with_deg:
                        @pl.when(b > 0)
                        def _():
                            pltpu.make_async_copy(
                                ones_v, dacc_sh.at[dsl], dsem).wait()

                        pltpu.async_copy(ones_v, dacc_sh.at[dsl], dsem,
                                         add=True)

                    @pl.when(b + NB - 1 < CHK)
                    def _():
                        nxt = lax.rem(b + NB - 1, NB)

                        @pl.when(b >= 1)
                        def _():
                            pltpu.make_async_copy(
                                rows_v.at[cur], acc_sh.at[dsl], ssem).wait()

                        pltpu.async_copy(
                            y_hbm.at[src_v.at[b + NB - 1, 0]], rows_v.at[nxt],
                            gsem)

                    return carry2

                lax.fori_loop(0, CHK, blk_body, 0)
                for _ in range(NB):
                    pltpu.make_async_copy(
                        rows_v.at[0], acc_sh.at[dst_v.at[0, 0]], ssem).wait()
                if with_deg:
                    pltpu.make_async_copy(
                        ones_v, dacc_sh.at[dst_v.at[0, 0]], dsem).wait()
                return carry

            lax.fori_loop(0, NCHK, chunk_body, 0)

            plsc.subcore_barrier()

            @pl.when(s < NS - 1)
            def _():
                pltpu.sync_copy(acc_sh.at[pl.ds(s * CH, CH)],
                                out_sum.at[pl.ds(s * CH, CH)])

            @pl.when(s == NS - 1)
            def _():
                pltpu.sync_copy(acc_sh.at[pl.ds((NS - 1) * CH, CH_LAST)],
                                out_sum.at[pl.ds((NS - 1) * CH, CH_LAST)])

            if with_deg:
                @pl.when(s == 0)
                def _():
                    pltpu.sync_copy(dacc_sh, out_deg)

        @pl.when(c == 0)
        def _():
            run(y_pep, src_pp, dst_pp, sum_prot, deg_prot)

        @pl.when(c == 1)
        def _():
            run(y_prot, src_rp, dst_rp, sum_pep, deg_pep)

    return pl.kernel(body, out_type=out_type, mesh=_mesh,
                     scratch_types=scratch)


_segsum_deg = _make_segsum(True)
_segsum_nodeg = _make_segsum(False)


NT0 = NCB // NW
NTMAX = NT0 + 1


@functools.partial(
    pl.kernel,
    out_type=[
        jax.ShapeDtypeStruct((EL, H), jnp.float32),
        jax.ShapeDtypeStruct((EL, H), jnp.float32),
    ],
    mesh=_mesh,
    scratch_types=[
        pltpu.VMEM((NTMAX, 1, CB), jnp.int32),
        pltpu.VMEM((NTMAX, 1, CB), jnp.int32),
        pltpu.VMEM((3, CB, H), jnp.float32),
        pltpu.VMEM((3, CB, H), jnp.float32),
        pltpu.SemaphoreType.DMA,
        pltpu.SemaphoreType.DMA,
    ],
)
def _classifier_sc(zs_pep, zs_prot, eli_i, eli_j,
                   ag, bg,
                   iv, jv, av, bv, gsem, wsem):
    c = lax.axis_index("c")
    s = lax.axis_index("s")
    w = s * NC + c

    nt = jnp.where(w >= NW - 2, NTMAX, NT0)
    start = NT0 * w + jnp.maximum(w - (NW - 2), 0)

    pltpu.sync_copy(eli_i.at[pl.ds(start, NT0)], iv.at[pl.ds(0, NT0)])
    pltpu.sync_copy(eli_j.at[pl.ds(start, NT0)], jv.at[pl.ds(0, NT0)])

    @pl.when(nt == NTMAX)
    def _():
        pltpu.sync_copy(eli_i.at[pl.ds(start + NT0, 1)],
                        iv.at[pl.ds(NT0, 1)])
        pltpu.sync_copy(eli_j.at[pl.ds(start + NT0, 1)],
                        jv.at[pl.ds(NT0, 1)])

    def issue_gather(t):
        buf = lax.rem(t, 3)
        pltpu.async_copy(zs_pep.at[iv.at[t, 0]], av.at[buf], gsem)
        pltpu.async_copy(zs_prot.at[jv.at[t, 0]], bv.at[buf], gsem)

    issue_gather(0)
    issue_gather(1)

    def t_body(t, carry):
        @pl.when(t < nt)
        def _():
            buf = lax.rem(t, 3)
            off = (start + t) * CB
            pltpu.make_async_copy(
                zs_pep.at[iv.at[t, 0]], av.at[buf], gsem).wait()
            pltpu.make_async_copy(
                zs_prot.at[jv.at[t, 0]], bv.at[buf], gsem).wait()
            pltpu.async_copy(av.at[buf], ag.at[pl.ds(off, CB)], wsem)
            pltpu.async_copy(bv.at[buf], bg.at[pl.ds(off, CB)], wsem)

            @pl.when(t + 2 < nt)
            def _():
                @pl.when(t >= 1)
                def _():
                    pltpu.make_async_copy(
                        av.at[0], ag.at[pl.ds(0, CB)], wsem).wait()
                    pltpu.make_async_copy(
                        bv.at[0], bg.at[pl.ds(0, CB)], wsem).wait()

                issue_gather(t + 2)

        return carry

    lax.fori_loop(0, NTMAX, t_body, 0)

    for _ in range(3):
        pltpu.make_async_copy(av.at[0], ag.at[pl.ds(0, CB)], wsem).wait()
        pltpu.make_async_copy(bv.at[0], bg.at[pl.ds(0, CB)], wsem).wait()


RFL = 1000
RFS = 8


def _finC_body(a_ref, b_ref, out_ref):
    ones = jnp.ones((1, H), jnp.float32)
    for k in range(RFS):
        ab = a_ref[pl.ds(k * RFL, RFL), :] * b_ref[pl.ds(k * RFL, RFL), :]
        out_ref[pl.ds(k, 1), :] = jax.lax.dot_general(
            ones, ab, dimension_numbers=(((1,), (1,)), ((), ())),
            preferred_element_type=jnp.float32)


def _finC(ag, bg):
    return pl.pallas_call(
        _finC_body,
        grid=(EL // (RFS * RFL),),
        in_specs=[
            pl.BlockSpec((RFS * RFL, H), lambda i: (i, 0)),
            pl.BlockSpec((RFS * RFL, H), lambda i: (i, 0)),
        ],
        out_specs=pl.BlockSpec((RFS, RFL), lambda i: (i, 0)),
        out_shape=jax.ShapeDtypeStruct((EL // RFL, RFL), jnp.float32),
    )(ag, bg)


def kernel(pep_x, prot_x, pep_node_id, prot_node_id, edge_index_p2pr,
           edge_index_pr2p, edge_label_index, W_pep_lin, b_pep_lin,
           W_prot_lin, b_prot_lin, pep_emb, prot_emb, W1_p2pr, W1_pr2p,
           W2_p2pr, W2_pr2p):
    del pep_node_id, prot_node_id

    y1_pep, y1_prot = _projA(
        pep_x, W_pep_lin, b_pep_lin, pep_emb, W1_p2pr,
        prot_x, W_prot_lin, b_prot_lin, prot_emb, W1_pr2p)

    esh = (NS, NCHK, CHK, 1, BLK)
    src_pp = edge_index_p2pr[0].reshape(esh)
    dst_pp = edge_index_p2pr[1].reshape(esh)
    src_rp = edge_index_pr2p[0].reshape(esh)
    dst_rp = edge_index_pr2p[1].reshape(esh)
    zrow = jnp.zeros((N, H), jnp.float32)
    zdeg = jnp.zeros((N,), jnp.float32)

    sum1_prot, sum1_pep, deg_prot, deg_pep = _segsum_deg(
        y1_pep, y1_prot, src_pp, dst_pp, src_rp, dst_rp, zrow, zdeg)

    y2_pep, y2_prot, invd_pep, invd_prot = _stageC(
        sum1_pep, deg_pep, sum1_prot, deg_prot, W2_p2pr, W2_pr2p)

    sum2_prot, sum2_pep = _segsum_nodeg(
        y2_pep, y2_prot, src_pp, dst_pp, src_rp, dst_rp, zrow, zdeg)

    z2_pep, z2_prot = _scale2(sum2_pep, invd_pep, sum2_prot, invd_prot)

    ag, bg = _classifier_sc(
        z2_pep, z2_prot,
        edge_label_index[0].reshape(NCB, 1, CB),
        edge_label_index[1].reshape(NCB, 1, CB))
    return _finC(ag, bg).reshape(EL)

# --- scband reference (transcript-rebuilt; emitter-appended) ---
"""Pipeline reference for scband-ppihetero-26482768347975 (READ-ONLY COPY).

The authoritative reference and input builder live on the scoring server;
editing this copy changes nothing except your own understanding.
"""

import jax, jax.numpy as jnp
import numpy as np

N_PEP = 10000
N_PROT = 10000
E = 160000
EL = 160000
H = 128
ESM = 1280


def setup_inputs(seed: int = 0) -> dict:
    key = jax.random.key(seed)
    ks = jax.random.split(key, 20)
    inp = {}
    inp['pep_x'] = jax.random.normal(ks[0], (N_PEP, ESM), dtype=jnp.float32)
    inp['prot_x'] = jax.random.normal(ks[1], (N_PROT, ESM), dtype=jnp.float32)
    inp['pep_node_id'] = jnp.arange(N_PEP, dtype=jnp.int32)
    inp['prot_node_id'] = jnp.arange(N_PROT, dtype=jnp.int32)
    inp['edge_index_p2pr'] = jax.random.randint(ks[2], (2, E), 0, N_PEP, dtype=jnp.int32)
    inp['edge_index_pr2p'] = jax.random.randint(ks[3], (2, E), 0, N_PROT, dtype=jnp.int32)
    inp['edge_label_index'] = jax.random.randint(ks[4], (2, EL), 0, N_PEP, dtype=jnp.int32)
    # learned params
    inp['W_pep_lin'] = jax.random.normal(ks[5], (ESM, H), dtype=jnp.float32) * 0.02
    inp['b_pep_lin'] = jnp.zeros((H,), dtype=jnp.float32)
    inp['W_prot_lin'] = jax.random.normal(ks[6], (ESM, H), dtype=jnp.float32) * 0.02
    inp['b_prot_lin'] = jnp.zeros((H,), dtype=jnp.float32)
    inp['pep_emb'] = jax.random.normal(ks[7], (N_PEP, H), dtype=jnp.float32) * 0.02
    inp['prot_emb'] = jax.random.normal(ks[8], (N_PROT, H), dtype=jnp.float32) * 0.02
    # hetero GNN weights: one weight per edge type per layer (to_hetero expansion)
    inp['W1_p2pr'] = jax.random.normal(ks[9], (2 * H, H), dtype=jnp.float32) * 0.02
    inp['W1_pr2p'] = jax.random.normal(ks[10], (2 * H, H), dtype=jnp.float32) * 0.02
    inp['W2_p2pr'] = jax.random.normal(ks[11], (H, H), dtype=jnp.float32) * 0.02
    inp['W2_pr2p'] = jax.random.normal(ks[12], (H, H), dtype=jnp.float32) * 0.02
    return inp


def _mean_conv(x_src, edge_index, W, n_dst):
    # message = Linear(x_src)[src]; aggregate mean onto dst
    m = jnp.take(x_src, edge_index[0], axis=0) @ W
    agg = jax.ops.segment_sum(m, edge_index[1], num_segments=n_dst)
    deg = jax.ops.segment_sum(jnp.ones((edge_index.shape[1],), jnp.float32), edge_index[1], num_segments=n_dst)
    return agg / jnp.clip(deg, 1.0)[:, None]


def reference(pep_x, prot_x, pep_node_id, prot_node_id, edge_index_p2pr, edge_index_pr2p, edge_label_index, W_pep_lin, b_pep_lin, W_prot_lin, b_prot_lin, pep_emb, prot_emb, W1_p2pr, W1_pr2p, W2_p2pr, W2_pr2p):
    # feat_src == 'esm_emb': concat linear(esm) with node embedding
    x_pep = jnp.concatenate([pep_x @ W_pep_lin + b_pep_lin, jnp.take(pep_emb, pep_node_id, axis=0)], axis=1)
    x_prot = jnp.concatenate([prot_x @ W_prot_lin + b_prot_lin, jnp.take(prot_emb, prot_node_id, axis=0)], axis=1)
    # hetero GNN layer 1 (drop_rate = 0)
    h_prot = _mean_conv(x_pep, edge_index_p2pr, W1_p2pr, N_PROT)
    h_pep = _mean_conv(x_prot, edge_index_pr2p, W1_pr2p, N_PEP)
    h_prot = jax.nn.relu(h_prot)
    h_pep = jax.nn.relu(h_pep)
    # hetero GNN layer 2
    z_prot = _mean_conv(h_pep, edge_index_p2pr, W2_p2pr, N_PROT)
    z_pep = _mean_conv(h_prot, edge_index_pr2p, W2_pr2p, N_PEP)
    # classifier: edge dot product
    e_pep = jnp.take(z_pep, edge_label_index[0], axis=0)
    e_prot = jnp.take(z_prot, edge_label_index[1], axis=0)
    pred = jnp.sum(e_pep * e_prot, axis=-1)
    return pred

if __name__ == "__main__":
    import jax
    _d = setup_inputs()
    print(jax.jit(kernel)(*tuple(_d.values())))

</pallas_src>

<mosaic_0001>
#map = affine_map<(d0, d1) -> (0, 0)>
#map1 = affine_map<(d0, d1) -> (0, 0, 0, 0, 0)>
#map2 = affine_map<(d0, d1) -> (0)>
module attributes {stable_mosaic.version = 14 : i64} {
  func.func @body(%arg0: i32, %arg1: i32, %arg2: memref<10000x128xf32, #tpu.memory_space<hbm>>, %arg3: memref<10000x128xf32, #tpu.memory_space<hbm>>, %arg4: memref<16x5x25x1x80xi32, #tpu.memory_space<hbm>>, %arg5: memref<16x5x25x1x80xi32, #tpu.memory_space<hbm>>, %arg6: memref<16x5x25x1x80xi32, #tpu.memory_space<hbm>>, %arg7: memref<16x5x25x1x80xi32, #tpu.memory_space<hbm>>, %arg8: memref<10000x128xf32, #tpu.memory_space<hbm>>, %arg9: memref<10000xf32, #tpu.memory_space<hbm>>, %arg10: memref<10000x128xf32, #tpu.memory_space<hbm>>, %arg11: memref<10000x128xf32, #tpu.memory_space<hbm>>, %arg12: memref<25x1x80xi32, #tpu.memory_space<vmem>>, %arg13: memref<25x1x80xi32, #tpu.memory_space<vmem>>, %arg14: memref<3x80x128xf32, #tpu.memory_space<vmem>>, %arg15: memref<80xf32, #tpu.memory_space<vmem>>, %arg16: memref<10000x128xf32, #tpu.memory_space<vmem_shared>>, %arg17: memref<10000xf32, #tpu.memory_space<vmem_shared>>, %arg18: memref<!tpu.dma_semaphore, #tpu.memory_space<semaphore_mem>>, %arg19: memref<!tpu.dma_semaphore, #tpu.memory_space<semaphore_mem>>, %arg20: memref<!tpu.dma_semaphore, #tpu.memory_space<semaphore_mem>>) attributes {dimension_semantics = [#tpu.dimension_semantics<core_parallel>, #tpu.dimension_semantics<subcore_parallel>], iteration_bounds = array<i64: 2, 16>, scalar_prefetch = 0 : i64, scratch_operands = 9 : i64, tpu.core_type = #tpu.core_type<sc_vector_subcore>, window_params = [{transform_indices = #map}, {transform_indices = #map}, {transform_indices = #map1}, {transform_indices = #map1}, {transform_indices = #map1}, {transform_indices = #map1}, {transform_indices = #map}, {transform_indices = #map2}, {transform_indices = #map}, {transform_indices = #map}]} {
    %eq3A = arith.constant 0 : i32
    %eq3A_0 = arith.cmpi eq, %arg0, %eq3A : i32
    %convert_element_type3A = arith.extui %eq3A_0 : i1 to i32
    %cond3A = arith.constant 0 : i32
    %cond3A_1 = arith.cmpi ne, %convert_element_type3A, %cond3A : i32
    scf.if %cond3A_1 {
      %lt3A = arith.constant 15 : i32
      %lt3A_7 = arith.cmpi slt, %arg1, %lt3A : i32
      %convert_element_type3A_8 = arith.extui %lt3A_7 : i1 to i32
      %cond3A_9 = arith.constant 0 : i32
      %cond3A_10 = arith.cmpi ne, %convert_element_type3A_8, %cond3A_9 : i32
      scf.if %cond3A_10 {
        %mul3A = arith.constant 624 : i32
        %mul3A_32 = arith.muli %arg1, %mul3A : i32
        %mul3A_33 = arith.constant 624 : i32
        %mul3A_34 = arith.muli %arg1, %mul3A_33 : i32
        "tpu.region"() ({
          %run_scoped3A = tpu.sem_alloc : memref<!tpu.dma_semaphore, #tpu.memory_space<semaphore_mem>>
          %dma_start3A = arith.constant 0 : i32
          %dma_start3A_35 = tpu.memref_slice %arg16[%mul3A_34, %dma_start3A] : memref<10000x128xf32, #tpu.memory_space<vmem_shared>> -> memref<624x128xf32, #tpu.memory_space<vmem_shared>>
          %dma_start3A_36 = arith.constant 0 : i32
          %dma_start3A_37 = tpu.memref_slice %arg8[%mul3A_32, %dma_start3A_36] : memref<10000x128xf32, #tpu.memory_space<hbm>> -> memref<624x128xf32, #tpu.memory_space<hbm>>
          tpu.enqueue_dma source(%dma_start3A_37 : memref<624x128xf32, #tpu.memory_space<hbm>>) target(%dma_start3A_35 : memref<624x128xf32, #tpu.memory_space<vmem_shared>>) target_semaphore(%run_scoped3A : memref<!tpu.dma_semaphore, #tpu.memory_space<semaphore_mem>>)
          %dma_wait3A = arith.constant 0 : i32
          %dma_wait3A_38 = tpu.memref_slice %arg16[%mul3A_34, %dma_wait3A] : memref<10000x128xf32, #tpu.memory_space<vmem_shared>> -> memref<624x128xf32, #tpu.memory_space<vmem_shared>>
          %dma_wait3A_39 = arith.constant 0 : i32
          %dma_wait3A_40 = tpu.memref_slice %arg8[%mul3A_32, %dma_wait3A_39] : memref<10000x128xf32, #tpu.memory_space<hbm>> -> memref<624x128xf32, #tpu.memory_space<hbm>>
          tpu.wait_dma2 semaphore(%run_scoped3A : memref<!tpu.dma_semaphore, #tpu.memory_space<semaphore_mem>>) src(%dma_wait3A_40 : memref<624x128xf32, #tpu.memory_space<hbm>>) dst(%dma_wait3A_38 : memref<624x128xf32, #tpu.memory_space<vmem_shared>>)
          tpu.yield
        }) : () -> ()
      } else {
      }
      %eq3A_11 = arith.constant 15 : i32
      %eq3A_12 = arith.cmpi eq, %arg1, %eq3A_11 : i32
      %convert_element_type3A_13 = arith.extui %eq3A_12 : i1 to i32
      %cond3A_14 = arith.constant 0 : i32
      %cond3A_15 = arith.cmpi ne, %convert_element_type3A_13, %cond3A_14 : i32
      scf.if %cond3A_15 {
        "tpu.region"() ({
          %run_scoped3A = tpu.sem_alloc : memref<!tpu.dma_semaphore, #tpu.memory_space<semaphore_mem>>
          %dma_start3A = arith.constant 9360 : i32
          %dma_start3A_32 = arith.constant 0 : i32
          %dma_start3A_33 = tpu.memref_slice %arg16[%dma_start3A, %dma_start3A_32] : memref<10000x128xf32, #tpu.memory_space<vmem_shared>> -> memref<640x128xf32, #tpu.memory_space<vmem_shared>>
          %dma_start3A_34 = arith.constant 9360 : i32
          %dma_start3A_35 = arith.constant 0 : i32
          %dma_start3A_36 = tpu.memref_slice %arg8[%dma_start3A_34, %dma_start3A_35] : memref<10000x128xf32, #tpu.memory_space<hbm>> -> memref<640x128xf32, #tpu.memory_space<hbm>>
          tpu.enqueue_dma source(%dma_start3A_36 : memref<640x128xf32, #tpu.memory_space<hbm>>) target(%dma_start3A_33 : memref<640x128xf32, #tpu.memory_space<vmem_shared>>) target_semaphore(%run_scoped3A : memref<!tpu.dma_semaphore, #tpu.memory_space<semaphore_mem>>)
          %dma_wait3A = arith.constant 9360 : i32
          %dma_wait3A_37 = arith.constant 0 : i32
          %dma_wait3A_38 = tpu.memref_slice %arg16[%dma_wait3A, %dma_wait3A_37] : memref<10000x128xf32, #tpu.memory_space<vmem_shared>> -> memref<640x128xf32, #tpu.memory_space<vmem_shared>>
          %dma_wait3A_39 = arith.constant 9360 : i32
          %dma_wait3A_40 = arith.constant 0 : i32
          %dma_wait3A_41 = tpu.memref_slice %arg8[%dma_wait3A_39, %dma_wait3A_40] : memref<10000x128xf32, #tpu.memory_space<hbm>> -> memref<640x128xf32, #tpu.memory_space<hbm>>
          tpu.wait_dma2 semaphore(%run_scoped3A : memref<!tpu.dma_semaphore, #tpu.memory_space<semaphore_mem>>) src(%dma_wait3A_41 : memref<640x128xf32, #tpu.memory_space<hbm>>) dst(%dma_wait3A_38 : memref<640x128xf32, #tpu.memory_space<vmem_shared>>)
          tpu.yield
        }) : () -> ()
      } else {
      }
      %barrier3A = arith.constant 0 : index
      tpu.barrier barrier_id(%barrier3A)
      %scan3A = arith.constant 0 : i32
      %scan3A_16 = arith.constant 0 : i32
      %scan3A_17 = arith.constant 5 : i32
      %scan3A_18 = arith.addi %scan3A_16, %scan3A_17 : i32
      %scan3A_19 = arith.constant 1 : i32
      scf.for %scan3A_32 = %scan3A_16 to %scan3A_18 step %scan3A_19  : i32 {
        "tpu.region"() ({
          %run_scoped3A = tpu.sem_alloc : memref<!tpu.dma_semaphore, #tpu.memory_space<semaphore_mem>>
          %dma_start3A_102 = arith.constant 0 : i32
          %dma_start3A_103 = arith.constant 0 : i32
          %dma_start3A_104 = arith.constant 0 : i32
          %dma_start3A_105 = tpu.memref_slice %arg4[%arg1, %scan3A_32, %dma_start3A_102, %dma_start3A_103, %dma_start3A_104] : memref<16x5x25x1x80xi32, #tpu.memory_space<hbm>> -> memref<1x1x25x1x80xi32, #tpu.memory_space<hbm>>
          %dma_start3A_106 = tpu.memref_squeeze %dma_start3A_105 : memref<1x1x25x1x80xi32, #tpu.memory_space<hbm>> -> memref<25x1x80xi32, #tpu.memory_space<hbm>>
          %dma_start3A_107 = arith.constant 0 : i32
          %dma_start3A_108 = arith.constant 0 : i32
          %dma_start3A_109 = arith.constant 0 : i32
          %dma_start3A_110 = tpu.memref_slice %arg4[%arg1, %scan3A_32, %dma_start3A_107, %dma_start3A_108, %dma_start3A_109] : memref<16x5x25x1x80xi32, #tpu.memory_space<hbm>> -> memref<1x1x25x1x80xi32, #tpu.memory_space<hbm>>
          %dma_start3A_111 = tpu.memref_squeeze %dma_start3A_110 : memref<1x1x25x1x80xi32, #tpu.memory_space<hbm>> -> memref<25x1x80xi32, #tpu.memory_space<hbm>>
          tpu.enqueue_dma source(%dma_start3A_111 : memref<25x1x80xi32, #tpu.memory_space<hbm>>) target(%arg12 : memref<25x1x80xi32, #tpu.memory_space<vmem>>) target_semaphore(%run_scoped3A : memref<!tpu.dma_semaphore, #tpu.memory_space<semaphore_mem>>)
          %dma_wait3A_112 = arith.constant 0 : i32
          %dma_wait3A_113 = arith.constant 0 : i32
          %dma_wait3A_114 = arith.constant 0 : i32
          %dma_wait3A_115 = tpu.memref_slice %arg4[%arg1, %scan3A_32, %dma_wait3A_112, %dma_wait3A_113, %dma_wait3A_114] : memref<16x5x25x1x80xi32, #tpu.memory_space<hbm>> -> memref<1x1x25x1x80xi32, #tpu.memory_space<hbm>>
          %dma_wait3A_116 = tpu.memref_squeeze %dma_wait3A_115 : memref<1x1x25x1x80xi32, #tpu.memory_space<hbm>> -> memref<25x1x80xi32, #tpu.memory_space<hbm>>
          %dma_wait3A_117 = arith.constant 0 : i32
          %dma_wait3A_118 = arith.constant 0 : i32
          %dma_wait3A_119 = arith.constant 0 : i32
          %dma_wait3A_120 = tpu.memref_slice %arg4[%arg1, %scan3A_32, %dma_wait3A_117, %dma_wait3A_118, %dma_wait3A_119] : memref<16x5x25x1x80xi32, #tpu.memory_space<hbm>> -> memref<1x1x25x1x80xi32, #tpu.memory_space<hbm>>
          %dma_wait3A_121 = tpu.memref_squeeze %dma_wait3A_120 : memref<1x1x25x1x80xi32, #tpu.memory_space<hbm>> -> memref<25x1x80xi32, #tpu.memory_space<hbm>>
          tpu.wait_dma2 semaphore(%run_scoped3A : memref<!tpu.dma_semaphore, #tpu.memory_space<semaphore_mem>>) src(%dma_wait3A_121 : memref<25x1x80xi32, #tpu.memory_space<hbm>>) dst(%arg12 : memref<25x1x80xi32, #tpu.memory_space<vmem>>)
          tpu.yield
        }) : () -> ()
        "tpu.region"() ({
          %run_scoped3A = tpu.sem_alloc : memref<!tpu.dma_semaphore, #tpu.memory_space<semaphore_mem>>
          %dma_start3A_102 = arith.constant 0 : i32
          %dma_start3A_103 = arith.constant 0 : i32
          %dma_start3A_104 = arith.constant 0 : i32
          %dma_start3A_105 = tpu.memref_slice %arg5[%arg1, %scan3A_32, %dma_start3A_102, %dma_start3A_103, %dma_start3A_104] : memref<16x5x25x1x80xi32, #tpu.memory_space<hbm>> -> memref<1x1x25x1x80xi32, #tpu.memory_space<hbm>>
          %dma_start3A_106 = tpu.memref_squeeze %dma_start3A_105 : memref<1x1x25x1x80xi32, #tpu.memory_space<hbm>> -> memref<25x1x80xi32, #tpu.memory_space<hbm>>
          %dma_start3A_107 = arith.constant 0 : i32
          %dma_start3A_108 = arith.constant 0 : i32
          %dma_start3A_109 = arith.constant 0 : i32
          %dma_start3A_110 = tpu.memref_slice %arg5[%arg1, %scan3A_32, %dma_start3A_107, %dma_start3A_108, %dma_start3A_109] : memref<16x5x25x1x80xi32, #tpu.memory_space<hbm>> -> memref<1x1x25x1x80xi32, #tpu.memory_space<hbm>>
          %dma_start3A_111 = tpu.memref_squeeze %dma_start3A_110 : memref<1x1x25x1x80xi32, #tpu.memory_space<hbm>> -> memref<25x1x80xi32, #tpu.memory_space<hbm>>
          tpu.enqueue_dma source(%dma_start3A_111 : memref<25x1x80xi32, #tpu.memory_space<hbm>>) target(%arg13 : memref<25x1x80xi32, #tpu.memory_space<vmem>>) target_semaphore(%run_scoped3A : memref<!tpu.dma_semaphore, #tpu.memory_space<semaphore_mem>>)
          %dma_wait3A_112 = arith.constant 0 : i32
          %dma_wait3A_113 = arith.constant 0 : i32
          %dma_wait3A_114 = arith.constant 0 : i32
          %dma_wait3A_115 = tpu.memref_slice %arg5[%arg1, %scan3A_32, %dma_wait3A_112, %dma_wait3A_113, %dma_wait3A_114] : memref<16x5x25x1x80xi32, #tpu.memory_space<hbm>> -> memref<1x1x25x1x80xi32, #tpu.memory_space<hbm>>
          %dma_wait3A_116 = tpu.memref_squeeze %dma_wait3A_115 : memref<1x1x25x1x80xi32, #tpu.memory_space<hbm>> -> memref<25x1x80xi32, #tpu.memory_space<hbm>>
          %dma_wait3A_117 = arith.constant 0 : i32
          %dma_wait3A_118 = arith.constant 0 : i32
          %dma_wait3A_119 = arith.constant 0 : i32
          %dma_wait3A_120 = tpu.memref_slice %arg5[%arg1, %scan3A_32, %dma_wait3A_117, %dma_wait3A_118, %dma_wait3A_119] : memref<16x5x25x1x80xi32, #tpu.memory_space<hbm>> -> memref<1x1x25x1x80xi32, #tpu.memory_space<hbm>>
          %dma_wait3A_121 = tpu.memref_squeeze %dma_wait3A_120 : memref<1x1x25x1x80xi32, #tpu.memory_space<hbm>> -> memref<25x1x80xi32, #tpu.memory_space<hbm>>
          tpu.wait_dma2 semaphore(%run_scoped3A : memref<!tpu.dma_semaphore, #tpu.memory_space<semaphore_mem>>) src(%dma_wait3A_121 : memref<25x1x80xi32, #tpu.memory_space<hbm>>) dst(%arg13 : memref<25x1x80xi32, #tpu.memory_space<vmem>>)
          tpu.yield
        }) : () -> ()
        %dma_start3A = arith.constant 0 : i32
        %dma_start3A_33 = arith.constant 0 : i32
        %dma_start3A_34 = arith.constant 0 : i32
        %dma_start3A_35 = arith.constant 0 : i32
        %dma_start3A_36 = arith.constant 0 : i32
        %dma_start3A_37 = tpu.memref_slice %arg14[%dma_start3A_34, %dma_start3A_35, %dma_start3A_36] : memref<3x80x128xf32, #tpu.memory_space<vmem>> -> memref<1x80x128xf32, #tpu.memory_space<vmem>>
        %dma_start3A_38 = tpu.memref_squeeze %dma_start3A_37 : memref<1x80x128xf32, #tpu.memory_space<vmem>> -> memref<80x128xf32, #tpu.memory_space<vmem>>
        %dma_start3A_39 = arith.constant 0 : i32
        %dma_start3A_40 = tpu.memref_slice %arg12[%dma_start3A, %dma_start3A_33, %dma_start3A_39] : memref<25x1x80xi32, #tpu.memory_space<vmem>> -> memref<1x1x80xi32, #tpu.memory_space<vmem>>
        %dma_start3A_41 = tpu.memref_squeeze %dma_start3A_40 : memref<1x1x80xi32, #tpu.memory_space<vmem>> -> memref<80xi32, #tpu.memory_space<vmem>>
        %dma_start3A_42 = arith.constant 0 : i32
        %dma_start3A_43 = arith.constant 0 : i32
        %dma_start3A_44 = tpu.memref_slice %arg2[%dma_start3A_42, %dma_start3A_43] : memref<10000x128xf32, #tpu.memory_space<hbm>> -> memref<10000x128xf32, #tpu.memory_space<hbm>>
        tpu.enqueue_indirect_dma source(%dma_start3A_44 : memref<10000x128xf32, #tpu.memory_space<hbm>>) target(%dma_start3A_38 : memref<80x128xf32, #tpu.memory_space<vmem>>) offsets(%dma_start3A_41 : memref<80xi32, #tpu.memory_space<vmem>>) semaphore(%arg18 : memref<!tpu.dma_semaphore, #tpu.memory_space<semaphore_mem>>)
        %dma_start3A_45 = arith.constant 1 : i32
        %dma_start3A_46 = arith.constant 0 : i32
        %dma_start3A_47 = arith.constant 1 : i32
        %dma_start3A_48 = arith.constant 0 : i32
        %dma_start3A_49 = arith.constant 0 : i32
        %dma_start3A_50 = tpu.memref_slice %arg14[%dma_start3A_47, %dma_start3A_48, %dma_start3A_49] : memref<3x80x128xf32, #tpu.memory_space<vmem>> -> memref<1x80x128xf32, #tpu.memory_space<vmem>>
        %dma_start3A_51 = tpu.memref_squeeze %dma_start3A_50 : memref<1x80x128xf32, #tpu.memory_space<vmem>> -> memref<80x128xf32, #tpu.memory_space<vmem>>
        %dma_start3A_52 = arith.constant 0 : i32
        %dma_start3A_53 = tpu.memref_slice %arg12[%dma_start3A_45, %dma_start3A_46, %dma_start3A_52] : memref<25x1x80xi32, #tpu.memory_space<vmem>> -> memref<1x1x80xi32, #tpu.memory_space<vmem>>
        %dma_start3A_54 = tpu.memref_squeeze %dma_start3A_53 : memref<1x1x80xi32, #tpu.memory_space<vmem>> -> memref<80xi32, #tpu.memory_space<vmem>>
        %dma_start3A_55 = arith.constant 0 : i32
        %dma_start3A_56 = arith.constant 0 : i32
        %dma_start3A_57 = tpu.memref_slice %arg2[%dma_start3A_55, %dma_start3A_56] : memref<10000x128xf32, #tpu.memory_space<hbm>> -> memref<10000x128xf32, #tpu.memory_space<hbm>>
        tpu.enqueue_indirect_dma source(%dma_start3A_57 : memref<10000x128xf32, #tpu.memory_space<hbm>>) target(%dma_start3A_51 : memref<80x128xf32, #tpu.memory_space<vmem>>) offsets(%dma_start3A_54 : memref<80xi32, #tpu.memory_space<vmem>>) semaphore(%arg18 : memref<!tpu.dma_semaphore, #tpu.memory_space<semaphore_mem>>)
        %scan3A_58 = arith.constant 0 : i32
        %scan3A_59 = arith.constant 0 : i32
        %scan3A_60 = arith.constant 25 : i32
        %scan3A_61 = arith.addi %scan3A_59, %scan3A_60 : i32
        %scan3A_62 = arith.constant 1 : i32
        scf.for %scan3A_102 = %scan3A_59 to %scan3A_61 step %scan3A_62  : i32 {
          %rem3A = arith.constant 3 : i32
          %rem3A_103 = arith.remsi %scan3A_102, %rem3A : i32
          %dma_wait3A_104 = arith.constant 0 : i32
          %dma_wait3A_105 = arith.constant 0 : i32
          %dma_wait3A_106 = arith.constant 0 : i32
          %dma_wait3A_107 = tpu.memref_slice %arg14[%rem3A_103, %dma_wait3A_105, %dma_wait3A_106] : memref<3x80x128xf32, #tpu.memory_space<vmem>> -> memref<1x80x128xf32, #tpu.memory_space<vmem>>
          %dma_wait3A_108 = tpu.memref_squeeze %dma_wait3A_107 : memref<1x80x128xf32, #tpu.memory_space<vmem>> -> memref<80x128xf32, #tpu.memory_space<vmem>>
          %dma_wait3A_109 = arith.constant 0 : i32
          %dma_wait3A_110 = tpu.memref_slice %arg12[%scan3A_102, %dma_wait3A_104, %dma_wait3A_109] : memref<25x1x80xi32, #tpu.memory_space<vmem>> -> memref<1x1x80xi32, #tpu.memory_space<vmem>>
          %dma_wait3A_111 = tpu.memref_squeeze %dma_wait3A_110 : memref<1x1x80xi32, #tpu.memory_space<vmem>> -> memref<80xi32, #tpu.memory_space<vmem>>
          %dma_wait3A_112 = arith.constant 0 : i32
          %dma_wait3A_113 = arith.constant 0 : i32
          %dma_wait3A_114 = tpu.memref_slice %arg2[%dma_wait3A_112, %dma_wait3A_113] : memref<10000x128xf32, #tpu.memory_space<hbm>> -> memref<10000x128xf32, #tpu.memory_space<hbm>>
          tpu.wait_indirect_dma semaphore(%arg18 : memref<!tpu.dma_semaphore, #tpu.memory_space<semaphore_mem>>) src(%dma_wait3A_114 : memref<10000x128xf32, #tpu.memory_space<hbm>>) dst(%dma_wait3A_108 : memref<80x128xf32, #tpu.memory_space<vmem>>)
          %dma_start3A_115 = arith.constant 0 : i32
          %dma_start3A_116 = arith.constant 0 : i32
          %dma_start3A_117 = arith.constant 0 : i32
          %dma_start3A_118 = tpu.memref_slice %arg14[%rem3A_103, %dma_start3A_116, %dma_start3A_117] : memref<3x80x128xf32, #tpu.memory_space<vmem>> -> memref<1x80x128xf32, #tpu.memory_space<vmem>>
          %dma_start3A_119 = tpu.memref_squeeze %dma_start3A_118 : memref<1x80x128xf32, #tpu.memory_space<vmem>> -> memref<80x128xf32, #tpu.memory_space<vmem>>
          %dma_start3A_120 = arith.constant 0 : i32
          %dma_start3A_121 = tpu.memref_slice %arg13[%scan3A_102, %dma_start3A_115, %dma_start3A_120] : memref<25x1x80xi32, #tpu.memory_space<vmem>> -> memref<1x1x80xi32, #tpu.memory_space<vmem>>
          %dma_start3A_122 = tpu.memref_squeeze %dma_start3A_121 : memref<1x1x80xi32, #tpu.memory_space<vmem>> -> memref<80xi32, #tpu.memory_space<vmem>>
          %dma_start3A_123 = arith.constant 0 : i32
          %dma_start3A_124 = arith.constant 0 : i32
          %dma_start3A_125 = tpu.memref_slice %arg16[%dma_start3A_123, %dma_start3A_124] : memref<10000x128xf32, #tpu.memory_space<vmem_shared>> -> memref<10000x128xf32, #tpu.memory_space<vmem_shared>>
          tpu.enqueue_indirect_dma source(%dma_start3A_119 : memref<80x128xf32, #tpu.memory_space<vmem>>) target(%dma_start3A_125 : memref<10000x128xf32, #tpu.memory_space<vmem_shared>>) offsets(%dma_start3A_122 : memref<80xi32, #tpu.memory_space<vmem>>) semaphore(%arg19 : memref<!tpu.dma_semaphore, #tpu.memory_space<semaphore_mem>>) {add = true}
          %add3A = arith.constant 3 : i32
          %add3A_126 = arith.addi %scan3A_102, %add3A : i32
          %sub3A = arith.constant 1 : i32
          %sub3A_127 = arith.subi %add3A_126, %sub3A : i32
          %lt3A_128 = arith.constant 25 : i32
          %lt3A_129 = arith.cmpi slt, %sub3A_127, %lt3A_128 : i32
          %convert_element_type3A_130 = arith.extui %lt3A_129 : i1 to i32
          %cond3A_131 = arith.constant 0 : i32
          %cond3A_132 = arith.constant 0 : i32
          %cond3A_133 = arith.cmpi ne, %convert_element_type3A_130, %cond3A_132 : i32
          scf.if %cond3A_133 {
            %add3A_134 = arith.constant 3 : i32
            %add3A_135 = arith.addi %scan3A_102, %add3A_134 : i32
            %sub3A_136 = arith.constant 1 : i32
            %sub3A_137 = arith.subi %add3A_135, %sub3A_136 : i32
            %rem3A_138 = arith.constant 3 : i32
            %rem3A_139 = arith.remsi %sub3A_137, %rem3A_138 : i32
            %ge3A = arith.constant 1 : i32
            %ge3A_140 = arith.cmpi sge, %scan3A_102, %ge3A : i32
            %convert_element_type3A_141 = arith.extui %ge3A_140 : i1 to i32
            %cond3A_142 = arith.constant 0 : i32
            %cond3A_143 = arith.cmpi ne, %convert_element_type3A_141, %cond3A_142 : i32
            scf.if %cond3A_143 {
              %dma_wait3A_159 = arith.constant 0 : i32
              %dma_wait3A_160 = arith.constant 0 : i32
              %dma_wait3A_161 = tpu.memref_slice %arg14[%rem3A_103, %dma_wait3A_159, %dma_wait3A_160] : memref<3x80x128xf32, #tpu.memory_space<vmem>> -> memref<1x80x128xf32, #tpu.memory_space<vmem>>
              %dma_wait3A_162 = tpu.memref_squeeze %dma_wait3A_161 : memref<1x80x128xf32, #tpu.memory_space<vmem>> -> memref<80x128xf32, #tpu.memory_space<vmem>>
              %dma_wait3A_163 = arith.constant 0 : i32
              %dma_wait3A_164 = tpu.memref_slice %arg13[%scan3A_102, %cond3A_131, %dma_wait3A_163] : memref<25x1x80xi32, #tpu.memory_space<vmem>> -> memref<1x1x80xi32, #tpu.memory_space<vmem>>
              %dma_wait3A_165 = tpu.memref_squeeze %dma_wait3A_164 : memref<1x1x80xi32, #tpu.memory_space<vmem>> -> memref<80xi32, #tpu.memory_space<vmem>>
              %dma_wait3A_166 = arith.constant 0 : i32
              %dma_wait3A_167 = arith.constant 0 : i32
              %dma_wait3A_168 = tpu.memref_slice %arg16[%dma_wait3A_166, %dma_wait3A_167] : memref<10000x128xf32, #tpu.memory_space<vmem_shared>> -> memref<10000x128xf32, #tpu.memory_space<vmem_shared>>
              tpu.wait_indirect_dma semaphore(%arg19 : memref<!tpu.dma_semaphore, #tpu.memory_space<semaphore_mem>>) src(%dma_wait3A_162 : memref<80x128xf32, #tpu.memory_space<vmem>>) dst(%dma_wait3A_168 : memref<10000x128xf32, #tpu.memory_space<vmem_shared>>)
            } else {
            }
            %add3A_144 = arith.constant 3 : i32
            %add3A_145 = arith.addi %scan3A_102, %add3A_144 : i32
            %sub3A_146 = arith.constant 1 : i32
            %sub3A_147 = arith.subi %add3A_145, %sub3A_146 : i32
            %dma_start3A_148 = arith.constant 0 : i32
            %dma_start3A_149 = arith.constant 0 : i32
            %dma_start3A_150 = arith.constant 0 : i32
            %dma_start3A_151 = tpu.memref_slice %arg14[%rem3A_139, %dma_start3A_149, %dma_start3A_150] : memref<3x80x128xf32, #tpu.memory_space<vmem>> -> memref<1x80x128xf32, #tpu.memory_space<vmem>>
            %dma_start3A_152 = tpu.memref_squeeze %dma_start3A_151 : memref<1x80x128xf32, #tpu.memory_space<vmem>> -> memref<80x128xf32, #tpu.memory_space<vmem>>
            %dma_start3A_153 = arith.constant 0 : i32
            %dma_start3A_154 = tpu.memref_slice %arg12[%sub3A_147, %dma_start3A_148, %dma_start3A_153] : memref<25x1x80xi32, #tpu.memory_space<vmem>> -> memref<1x1x80xi32, #tpu.memory_space<vmem>>
            %dma_start3A_155 = tpu.memref_squeeze %dma_start3A_154 : memref<1x1x80xi32, #tpu.memory_space<vmem>> -> memref<80xi32, #tpu.memory_space<vmem>>
            %dma_start3A_156 = arith.constant 0 : i32
            %dma_start3A_157 = arith.constant 0 : i32
            %dma_start3A_158 = tpu.memref_slice %arg2[%dma_start3A_156, %dma_start3A_157] : memref<10000x128xf32, #tpu.memory_space<hbm>> -> memref<10000x128xf32, #tpu.memory_space<hbm>>
            tpu.enqueue_indirect_dma source(%dma_start3A_158 : memref<10000x128xf32, #tpu.memory_space<hbm>>) target(%dma_start3A_152 : memref<80x128xf32, #tpu.memory_space<vmem>>) offsets(%dma_start3A_155 : memref<80xi32, #tpu.memory_space<vmem>>) semaphore(%arg18 : memref<!tpu.dma_semaphore, #tpu.memory_space<semaphore_mem>>)
          } else {
          }
        }
        %scan3A_63 = arith.constant 25 : i32
        %dma_wait3A = arith.constant 0 : i32
        %dma_wait3A_64 = arith.constant 0 : i32
        %dma_wait3A_65 = arith.constant 0 : i32
        %dma_wait3A_66 = arith.constant 0 : i32
        %dma_wait3A_67 = arith.constant 0 : i32
        %dma_wait3A_68 = tpu.memref_slice %arg14[%dma_wait3A, %dma_wait3A_66, %dma_wait3A_67] : memref<3x80x128xf32, #tpu.memory_space<vmem>> -> memref<1x80x128xf32, #tpu.memory_space<vmem>>
        %dma_wait3A_69 = tpu.memref_squeeze %dma_wait3A_68 : memref<1x80x128xf32, #tpu.memory_space<vmem>> -> memref<80x128xf32, #tpu.memory_space<vmem>>
        %dma_wait3A_70 = arith.constant 0 : i32
        %dma_wait3A_71 = tpu.memref_slice %arg13[%dma_wait3A_64, %dma_wait3A_65, %dma_wait3A_70] : memref<25x1x80xi32, #tpu.memory_space<vmem>> -> memref<1x1x80xi32, #tpu.memory_space<vmem>>
        %dma_wait3A_72 = tpu.memref_squeeze %dma_wait3A_71 : memref<1x1x80xi32, #tpu.memory_space<vmem>> -> memref<80xi32, #tpu.memory_space<vmem>>
        %dma_wait3A_73 = arith.constant 0 : i32
        %dma_wait3A_74 = arith.constant 0 : i32
        %dma_wait3A_75 = tpu.memref_slice %arg16[%dma_wait3A_73, %dma_wait3A_74] : memref<10000x128xf32, #tpu.memory_space<vmem_shared>> -> memref<10000x128xf32, #tpu.memory_space<vmem_shared>>
        tpu.wait_indirect_dma semaphore(%arg19 : memref<!tpu.dma_semaphore, #tpu.memory_space<semaphore_mem>>) src(%dma_wait3A_69 : memref<80x128xf32, #tpu.memory_space<vmem>>) dst(%dma_wait3A_75 : memref<10000x128xf32, #tpu.memory_space<vmem_shared>>)
        %dma_wait3A_76 = arith.constant 0 : i32
        %dma_wait3A_77 = arith.constant 0 : i32
        %dma_wait3A_78 = arith.constant 0 : i32
        %dma_wait3A_79 = arith.constant 0 : i32
        %dma_wait3A_80 = arith.constant 0 : i32
        %dma_wait3A_81 = tpu.memref_slice %arg14[%dma_wait3A_76, %dma_wait3A_79, %dma_wait3A_80] : memref<3x80x128xf32, #tpu.memory_space<vmem>> -> memref<1x80x128xf32, #tpu.memory_space<vmem>>
        %dma_wait3A_82 = tpu.memref_squeeze %dma_wait3A_81 : memref<1x80x128xf32, #tpu.memory_space<vmem>> -> memref<80x128xf32, #tpu.memory_space<vmem>>
        %dma_wait3A_83 = arith.constant 0 : i32
        %dma_wait3A_84 = tpu.memref_slice %arg13[%dma_wait3A_77, %dma_wait3A_78, %dma_wait3A_83] : memref<25x1x80xi32, #tpu.memory_space<vmem>> -> memref<1x1x80xi32, #tpu.memory_space<vmem>>
        %dma_wait3A_85 = tpu.memref_squeeze %dma_wait3A_84 : memref<1x1x80xi32, #tpu.memory_space<vmem>> -> memref<80xi32, #tpu.memory_space<vmem>>
        %dma_wait3A_86 = arith.constant 0 : i32
        %dma_wait3A_87 = arith.constant 0 : i32
        %dma_wait3A_88 = tpu.memref_slice %arg16[%dma_wait3A_86, %dma_wait3A_87] : memref<10000x128xf32, #tpu.memory_space<vmem_shared>> -> memref<10000x128xf32, #tpu.memory_space<vmem_shared>>
        tpu.wait_indirect_dma semaphore(%arg19 : memref<!tpu.dma_semaphore, #tpu.memory_space<semaphore_mem>>) src(%dma_wait3A_82 : memref<80x128xf32, #tpu.memory_space<vmem>>) dst(%dma_wait3A_88 : memref<10000x128xf32, #tpu.memory_space<vmem_shared>>)
        %dma_wait3A_89 = arith.constant 0 : i32
        %dma_wait3A_90 = arith.constant 0 : i32
        %dma_wait3A_91 = arith.constant 0 : i32
        %dma_wait3A_92 = arith.constant 0 : i32
        %dma_wait3A_93 = arith.constant 0 : i32
        %dma_wait3A_94 = tpu.memref_slice %arg14[%dma_wait3A_89, %dma_wait3A_92, %dma_wait3A_93] : memref<3x80x128xf32, #tpu.memory_space<vmem>> -> memref<1x80x128xf32, #tpu.memory_space<vmem>>
        %dma_wait3A_95 = tpu.memref_squeeze %dma_wait3A_94 : memref<1x80x128xf32, #tpu.memory_space<vmem>> -> memref<80x128xf32, #tpu.memory_space<vmem>>
        %dma_wait3A_96 = arith.constant 0 : i32
        %dma_wait3A_97 = tpu.memref_slice %arg13[%dma_wait3A_90, %dma_wait3A_91, %dma_wait3A_96] : memref<25x1x80xi32, #tpu.memory_space<vmem>> -> memref<1x1x80xi32, #tpu.memory_space<vmem>>
        %dma_wait3A_98 = tpu.memref_squeeze %dma_wait3A_97 : memref<1x1x80xi32, #tpu.memory_space<vmem>> -> memref<80xi32, #tpu.memory_space<vmem>>
        %dma_wait3A_99 = arith.constant 0 : i32
        %dma_wait3A_100 = arith.constant 0 : i32
        %dma_wait3A_101 = tpu.memref_slice %arg16[%dma_wait3A_99, %dma_wait3A_100] : memref<10000x128xf32, #tpu.memory_space<vmem_shared>> -> memref<10000x128xf32, #tpu.memory_space<vmem_shared>>
        tpu.wait_indirect_dma semaphore(%arg19 : memref<!tpu.dma_semaphore, #tpu.memory_space<semaphore_mem>>) src(%dma_wait3A_95 : memref<80x128xf32, #tpu.memory_space<vmem>>) dst(%dma_wait3A_101 : memref<10000x128xf32, #tpu.memory_space<vmem_shared>>)
      }
      %scan3A_20 = arith.constant 5 : i32
      %barrier3A_21 = arith.constant 0 : index
      tpu.barrier barrier_id(%barrier3A_21)
      %lt3A_22 = arith.constant 15 : i32
      %lt3A_23 = arith.cmpi slt, %arg1, %lt3A_22 : i32
      %convert_element_type3A_24 = arith.extui %lt3A_23 : i1 to i32
      %cond3A_25 = arith.constant 0 : i32
      %cond3A_26 = arith.cmpi ne, %convert_element_type3A_24, %cond3A_25 : i32
      scf.if %cond3A_26 {
        %mul3A = arith.constant 624 : i32
        %mul3A_32 = arith.muli %arg1, %mul3A : i32
        %mul3A_33 = arith.constant 624 : i32
        %mul3A_34 = arith.muli %arg1, %mul3A_33 : i32
        "tpu.region"() ({
          %run_scoped3A = tpu.sem_alloc : memref<!tpu.dma_semaphore, #tpu.memory_space<semaphore_mem>>
          %dma_start3A = arith.constant 0 : i32
          %dma_start3A_35 = tpu.memref_slice %arg10[%mul3A_34, %dma_start3A] : memref<10000x128xf32, #tpu.memory_space<hbm>> -> memref<624x128xf32, #tpu.memory_space<hbm>>
          %dma_start3A_36 = arith.constant 0 : i32
          %dma_start3A_37 = tpu.memref_slice %arg16[%mul3A_32, %dma_start3A_36] : memref<10000x128xf32, #tpu.memory_space<vmem_shared>> -> memref<624x128xf32, #tpu.memory_space<vmem_shared>>
          tpu.enqueue_dma source(%dma_start3A_37 : memref<624x128xf32, #tpu.memory_space<vmem_shared>>) target(%dma_start3A_35 : memref<624x128xf32, #tpu.memory_space<hbm>>) target_semaphore(%run_scoped3A : memref<!tpu.dma_semaphore, #tpu.memory_space<semaphore_mem>>)
          %dma_wait3A = arith.constant 0 : i32
          %dma_wait3A_38 = tpu.memref_slice %arg10[%mul3A_34, %dma_wait3A] : memref<10000x128xf32, #tpu.memory_space<hbm>> -> memref<624x128xf32, #tpu.memory_space<hbm>>
          %dma_wait3A_39 = arith.constant 0 : i32
          %dma_wait3A_40 = tpu.memref_slice %arg16[%mul3A_32, %dma_wait3A_39] : memref<10000x128xf32, #tpu.memory_space<vmem_shared>> -> memref<624x128xf32, #tpu.memory_space<vmem_shared>>
          tpu.wait_dma2 semaphore(%run_scoped3A : memref<!tpu.dma_semaphore, #tpu.memory_space<semaphore_mem>>) src(%dma_wait3A_40 : memref<624x128xf32, #tpu.memory_space<vmem_shared>>) dst(%dma_wait3A_38 : memref<624x128xf32, #tpu.memory_space<hbm>>)
          tpu.yield
        }) : () -> ()
      } else {
      }
      %eq3A_27 = arith.constant 15 : i32
      %eq3A_28 = arith.cmpi eq, %arg1, %eq3A_27 : i32
      %convert_element_type3A_29 = arith.extui %eq3A_28 : i1 to i32
      %cond3A_30 = arith.constant 0 : i32
      %cond3A_31 = arith.cmpi ne, %convert_element_type3A_29, %cond3A_30 : i32
      scf.if %cond3A_31 {
        "tpu.region"() ({
          %run_scoped3A = tpu.sem_alloc : memref<!tpu.dma_semaphore, #tpu.memory_space<semaphore_mem>>
          %dma_start3A = arith.constant 9360 : i32
          %dma_start3A_32 = arith.constant 0 : i32
          %dma_start3A_33 = tpu.memref_slice %arg10[%dma_start3A, %dma_start3A_32] : memref<10000x128xf32, #tpu.memory_space<hbm>> -> memref<640x128xf32, #tpu.memory_space<hbm>>
          %dma_start3A_34 = arith.constant 9360 : i32
          %dma_start3A_35 = arith.constant 0 : i32
          %dma_start3A_36 = tpu.memref_slice %arg16[%dma_start3A_34, %dma_start3A_35] : memref<10000x128xf32, #tpu.memory_space<vmem_shared>> -> memref<640x128xf32, #tpu.memory_space<vmem_shared>>
          tpu.enqueue_dma source(%dma_start3A_36 : memref<640x128xf32, #tpu.memory_space<vmem_shared>>) target(%dma_start3A_33 : memref<640x128xf32, #tpu.memory_space<hbm>>) target_semaphore(%run_scoped3A : memref<!tpu.dma_semaphore, #tpu.memory_space<semaphore_mem>>)
          %dma_wait3A = arith.constant 9360 : i32
          %dma_wait3A_37 = arith.constant 0 : i32
          %dma_wait3A_38 = tpu.memref_slice %arg10[%dma_wait3A, %dma_wait3A_37] : memref<10000x128xf32, #tpu.memory_space<hbm>> -> memref<640x128xf32, #tpu.memory_space<hbm>>
          %dma_wait3A_39 = arith.constant 9360 : i32
          %dma_wait3A_40 = arith.constant 0 : i32
          %dma_wait3A_41 = tpu.memref_slice %arg16[%dma_wait3A_39, %dma_wait3A_40] : memref<10000x128xf32, #tpu.memory_space<vmem_shared>> -> memref<640x128xf32, #tpu.memory_space<vmem_shared>>
          tpu.wait_dma2 semaphore(%run_scoped3A : memref<!tpu.dma_semaphore, #tpu.memory_space<semaphore_mem>>) src(%dma_wait3A_41 : memref<640x128xf32, #tpu.memory_space<vmem_shared>>) dst(%dma_wait3A_38 : memref<640x128xf32, #tpu.memory_space<hbm>>)
          tpu.yield
        }) : () -> ()
      } else {
      }
    } else {
    }
    %eq3A_2 = arith.constant 1 : i32
    %eq3A_3 = arith.cmpi eq, %arg0, %eq3A_2 : i32
    %convert_element_type3A_4 = arith.extui %eq3A_3 : i1 to i32
    %cond3A_5 = arith.constant 0 : i32
    %cond3A_6 = arith.cmpi ne, %convert_element_type3A_4, %cond3A_5 : i32
    scf.if %cond3A_6 {
      %lt3A = arith.constant 15 : i32
      %lt3A_7 = arith.cmpi slt, %arg1, %lt3A : i32
      %convert_element_type3A_8 = arith.extui %lt3A_7 : i1 to i32
      %cond3A_9 = arith.constant 0 : i32
      %cond3A_10 = arith.cmpi ne, %convert_element_type3A_8, %cond3A_9 : i32
      scf.if %cond3A_10 {
        %mul3A = arith.constant 624 : i32
        %mul3A_32 = arith.muli %arg1, %mul3A : i32
        %mul3A_33 = arith.constant 624 : i32
        %mul3A_34 = arith.muli %arg1, %mul3A_33 : i32
        "tpu.region"() ({
          %run_scoped3A = tpu.sem_alloc : memref<!tpu.dma_semaphore, #tpu.memory_space<semaphore_mem>>
          %dma_start3A = arith.constant 0 : i32
          %dma_start3A_35 = tpu.memref_slice %arg16[%mul3A_34, %dma_start3A] : memref<10000x128xf32, #tpu.memory_space<vmem_shared>> -> memref<624x128xf32, #tpu.memory_space<vmem_shared>>
          %dma_start3A_36 = arith.constant 0 : i32
          %dma_start3A_37 = tpu.memref_slice %arg8[%mul3A_32, %dma_start3A_36] : memref<10000x128xf32, #tpu.memory_space<hbm>> -> memref<624x128xf32, #tpu.memory_space<hbm>>
          tpu.enqueue_dma source(%dma_start3A_37 : memref<624x128xf32, #tpu.memory_space<hbm>>) target(%dma_start3A_35 : memref<624x128xf32, #tpu.memory_space<vmem_shared>>) target_semaphore(%run_scoped3A : memref<!tpu.dma_semaphore, #tpu.memory_space<semaphore_mem>>)
          %dma_wait3A = arith.constant 0 : i32
          %dma_wait3A_38 = tpu.memref_slice %arg16[%mul3A_34, %dma_wait3A] : memref<10000x128xf32, #tpu.memory_space<vmem_shared>> -> memref<624x128xf32, #tpu.memory_space<vmem_shared>>
          %dma_wait3A_39 = arith.constant 0 : i32
          %dma_wait3A_40 = tpu.memref_slice %arg8[%mul3A_32, %dma_wait3A_39] : memref<10000x128xf32, #tpu.memory_space<hbm>> -> memref<624x128xf32, #tpu.memory_space<hbm>>
          tpu.wait_dma2 semaphore(%run_scoped3A : memref<!tpu.dma_semaphore, #tpu.memory_space<semaphore_mem>>) src(%dma_wait3A_40 : memref<624x128xf32, #tpu.memory_space<hbm>>) dst(%dma_wait3A_38 : memref<624x128xf32, #tpu.memory_space<vmem_shared>>)
          tpu.yield
        }) : () -> ()
      } else {
      }
      %eq3A_11 = arith.constant 15 : i32
      %eq3A_12 = arith.cmpi eq, %arg1, %eq3A_11 : i32
      %convert_element_type3A_13 = arith.extui %eq3A_12 : i1 to i32
      %cond3A_14 = arith.constant 0 : i32
      %cond3A_15 = arith.cmpi ne, %convert_element_type3A_13, %cond3A_14 : i32
      scf.if %cond3A_15 {
        "tpu.region"() ({
          %run_scoped3A = tpu.sem_alloc : memref<!tpu.dma_semaphore, #tpu.memory_space<semaphore_mem>>
          %dma_start3A = arith.constant 9360 : i32
          %dma_start3A_32 = arith.constant 0 : i32
          %dma_start3A_33 = tpu.memref_slice %arg16[%dma_start3A, %dma_start3A_32] : memref<10000x128xf32, #tpu.memory_space<vmem_shared>> -> memref<640x128xf32, #tpu.memory_space<vmem_shared>>
          %dma_start3A_34 = arith.constant 9360 : i32
          %dma_start3A_35 = arith.constant 0 : i32
          %dma_start3A_36 = tpu.memref_slice %arg8[%dma_start3A_34, %dma_start3A_35] : memref<10000x128xf32, #tpu.memory_space<hbm>> -> memref<640x128xf32, #tpu.memory_space<hbm>>
          tpu.enqueue_dma source(%dma_start3A_36 : memref<640x128xf32, #tpu.memory_space<hbm>>) target(%dma_start3A_33 : memref<640x128xf32, #tpu.memory_space<vmem_shared>>) target_semaphore(%run_scoped3A : memref<!tpu.dma_semaphore, #tpu.memory_space<semaphore_mem>>)
          %dma_wait3A = arith.constant 9360 : i32
          %dma_wait3A_37 = arith.constant 0 : i32
          %dma_wait3A_38 = tpu.memref_slice %arg16[%dma_wait3A, %dma_wait3A_37] : memref<10000x128xf32, #tpu.memory_space<vmem_shared>> -> memref<640x128xf32, #tpu.memory_space<vmem_shared>>
          %dma_wait3A_39 = arith.constant 9360 : i32
          %dma_wait3A_40 = arith.constant 0 : i32
          %dma_wait3A_41 = tpu.memref_slice %arg8[%dma_wait3A_39, %dma_wait3A_40] : memref<10000x128xf32, #tpu.memory_space<hbm>> -> memref<640x128xf32, #tpu.memory_space<hbm>>
          tpu.wait_dma2 semaphore(%run_scoped3A : memref<!tpu.dma_semaphore, #tpu.memory_space<semaphore_mem>>) src(%dma_wait3A_41 : memref<640x128xf32, #tpu.memory_space<hbm>>) dst(%dma_wait3A_38 : memref<640x128xf32, #tpu.memory_space<vmem_shared>>)
          tpu.yield
        }) : () -> ()
      } else {
      }
      %barrier3A = arith.constant 0 : index
      tpu.barrier barrier_id(%barrier3A)
      %scan3A = arith.constant 0 : i32
      %scan3A_16 = arith.constant 0 : i32
      %scan3A_17 = arith.constant 5 : i32
      %scan3A_18 = arith.addi %scan3A_16, %scan3A_17 : i32
      %scan3A_19 = arith.constant 1 : i32
      scf.for %scan3A_32 = %scan3A_16 to %scan3A_18 step %scan3A_19  : i32 {
        "tpu.region"() ({
          %run_scoped3A = tpu.sem_alloc : memref<!tpu.dma_semaphore, #tpu.memory_space<semaphore_mem>>
          %dma_start3A_102 = arith.constant 0 : i32
          %dma_start3A_103 = arith.constant 0 : i32
          %dma_start3A_104 = arith.constant 0 : i32
          %dma_start3A_105 = tpu.memref_slice %arg6[%arg1, %scan3A_32, %dma_start3A_102, %dma_start3A_103, %dma_start3A_104] : memref<16x5x25x1x80xi32, #tpu.memory_space<hbm>> -> memref<1x1x25x1x80xi32, #tpu.memory_space<hbm>>
          %dma_start3A_106 = tpu.memref_squeeze %dma_start3A_105 : memref<1x1x25x1x80xi32, #tpu.memory_space<hbm>> -> memref<25x1x80xi32, #tpu.memory_space<hbm>>
          %dma_start3A_107 = arith.constant 0 : i32
          %dma_start3A_108 = arith.constant 0 : i32
          %dma_start3A_109 = arith.constant 0 : i32
          %dma_start3A_110 = tpu.memref_slice %arg6[%arg1, %scan3A_32, %dma_start3A_107, %dma_start3A_108, %dma_start3A_109] : memref<16x5x25x1x80xi32, #tpu.memory_space<hbm>> -> memref<1x1x25x1x80xi32, #tpu.memory_space<hbm>>
          %dma_start3A_111 = tpu.memref_squeeze %dma_start3A_110 : memref<1x1x25x1x80xi32, #tpu.memory_space<hbm>> -> memref<25x1x80xi32, #tpu.memory_space<hbm>>
          tpu.enqueue_dma source(%dma_start3A_111 : memref<25x1x80xi32, #tpu.memory_space<hbm>>) target(%arg12 : memref<25x1x80xi32, #tpu.memory_space<vmem>>) target_semaphore(%run_scoped3A : memref<!tpu.dma_semaphore, #tpu.memory_space<semaphore_mem>>)
          %dma_wait3A_112 = arith.constant 0 : i32
          %dma_wait3A_113 = arith.constant 0 : i32
          %dma_wait3A_114 = arith.constant 0 : i32
          %dma_wait3A_115 = tpu.memref_slice %arg6[%arg1, %scan3A_32, %dma_wait3A_112, %dma_wait3A_113, %dma_wait3A_114] : memref<16x5x25x1x80xi32, #tpu.memory_space<hbm>> -> memref<1x1x25x1x80xi32, #tpu.memory_space<hbm>>
          %dma_wait3A_116 = tpu.memref_squeeze %dma_wait3A_115 : memref<1x1x25x1x80xi32, #tpu.memory_space<hbm>> -> memref<25x1x80xi32, #tpu.memory_space<hbm>>
          %dma_wait3A_117 = arith.constant 0 : i32
          %dma_wait3A_118 = arith.constant 0 : i32
          %dma_wait3A_119 = arith.constant 0 : i32
          %dma_wait3A_120 = tpu.memref_slice %arg6[%arg1, %scan3A_32, %dma_wait3A_117, %dma_wait3A_118, %dma_wait3A_119] : memref<16x5x25x1x80xi32, #tpu.memory_space<hbm>> -> memref<1x1x25x1x80xi32, #tpu.memory_space<hbm>>
          %dma_wait3A_121 = tpu.memref_squeeze %dma_wait3A_120 : memref<1x1x25x1x80xi32, #tpu.memory_space<hbm>> -> memref<25x1x80xi32, #tpu.memory_space<hbm>>
          tpu.wait_dma2 semaphore(%run_scoped3A : memref<!tpu.dma_semaphore, #tpu.memory_space<semaphore_mem>>) src(%dma_wait3A_121 : memref<25x1x80xi32, #tpu.memory_space<hbm>>) dst(%arg12 : memref<25x1x80xi32, #tpu.memory_space<vmem>>)
          tpu.yield
        }) : () -> ()
        "tpu.region"() ({
          %run_scoped3A = tpu.sem_alloc : memref<!tpu.dma_semaphore, #tpu.memory_space<semaphore_mem>>
          %dma_start3A_102 = arith.constant 0 : i32
          %dma_start3A_103 = arith.constant 0 : i32
          %dma_start3A_104 = arith.constant 0 : i32
          %dma_start3A_105 = tpu.memref_slice %arg7[%arg1, %scan3A_32, %dma_start3A_102, %dma_start3A_103, %dma_start3A_104] : memref<16x5x25x1x80xi32, #tpu.memory_space<hbm>> -> memref<1x1x25x1x80xi32, #tpu.memory_space<hbm>>
          %dma_start3A_106 = tpu.memref_squeeze %dma_start3A_105 : memref<1x1x25x1x80xi32, #tpu.memory_space<hbm>> -> memref<25x1x80xi32, #tpu.memory_space<hbm>>
          %dma_start3A_107 = arith.constant 0 : i32
          %dma_start3A_108 = arith.constant 0 : i32
          %dma_start3A_109 = arith.constant 0 : i32
          %dma_start3A_110 = tpu.memref_slice %arg7[%arg1, %scan3A_32, %dma_start3A_107, %dma_start3A_108, %dma_start3A_109] : memref<16x5x25x1x80xi32, #tpu.memory_space<hbm>> -> memref<1x1x25x1x80xi32, #tpu.memory_space<hbm>>
          %dma_start3A_111 = tpu.memref_squeeze %dma_start3A_110 : memref<1x1x25x1x80xi32, #tpu.memory_space<hbm>> -> memref<25x1x80xi32, #tpu.memory_space<hbm>>
          tpu.enqueue_dma source(%dma_start3A_111 : memref<25x1x80xi32, #tpu.memory_space<hbm>>) target(%arg13 : memref<25x1x80xi32, #tpu.memory_space<vmem>>) target_semaphore(%run_scoped3A : memref<!tpu.dma_semaphore, #tpu.memory_space<semaphore_mem>>)
          %dma_wait3A_112 = arith.constant 0 : i32
          %dma_wait3A_113 = arith.constant 0 : i32
          %dma_wait3A_114 = arith.constant 0 : i32
          %dma_wait3A_115 = tpu.memref_slice %arg7[%arg1, %scan3A_32, %dma_wait3A_112, %dma_wait3A_113, %dma_wait3A_114] : memref<16x5x25x1x80xi32, #tpu.memory_space<hbm>> -> memref<1x1x25x1x80xi32, #tpu.memory_space<hbm>>
          %dma_wait3A_116 = tpu.memref_squeeze %dma_wait3A_115 : memref<1x1x25x1x80xi32, #tpu.memory_space<hbm>> -> memref<25x1x80xi32, #tpu.memory_space<hbm>>
          %dma_wait3A_117 = arith.constant 0 : i32
          %dma_wait3A_118 = arith.constant 0 : i32
          %dma_wait3A_119 = arith.constant 0 : i32
          %dma_wait3A_120 = tpu.memref_slice %arg7[%arg1, %scan3A_32, %dma_wait3A_117, %dma_wait3A_118, %dma_wait3A_119] : memref<16x5x25x1x80xi32, #tpu.memory_space<hbm>> -> memref<1x1x25x1x80xi32, #tpu.memory_space<hbm>>
          %dma_wait3A_121 = tpu.memref_squeeze %dma_wait3A_120 : memref<1x1x25x1x80xi32, #tpu.memory_space<hbm>> -> memref<25x1x80xi32, #tpu.memory_space<hbm>>
          tpu.wait_dma2 semaphore(%run_scoped3A : memref<!tpu.dma_semaphore, #tpu.memory_space<semaphore_mem>>) src(%dma_wait3A_121 : memref<25x1x80xi32, #tpu.memory_space<hbm>>) dst(%arg13 : memref<25x1x80xi32, #tpu.memory_space<vmem>>)
          tpu.yield
        }) : () -> ()
        %dma_start3A = arith.constant 0 : i32
        %dma_start3A_33 = arith.constant 0 : i32
        %dma_start3A_34 = arith.constant 0 : i32
        %dma_start3A_35 = arith.constant 0 : i32
        %dma_start3A_36 = arith.constant 0 : i32
        %dma_start3A_37 = tpu.memref_slice %arg14[%dma_start3A_34, %dma_start3A_35, %dma_start3A_36] : memref<3x80x128xf32, #tpu.memory_space<vmem>> -> memref<1x80x128xf32, #tpu.memory_space<vmem>>
        %dma_start3A_38 = tpu.memref_squeeze %dma_start3A_37 : memref<1x80x128xf32, #tpu.memory_space<vmem>> -> memref<80x128xf32, #tpu.memory_space<vmem>>
        %dma_start3A_39 = arith.constant 0 : i32
        %dma_start3A_40 = tpu.memref_slice %arg12[%dma_start3A, %dma_start3A_33, %dma_start3A_39] : memref<25x1x80xi32, #tpu.memory_space<vmem>> -> memref<1x1x80xi32, #tpu.memory_space<vmem>>
        %dma_start3A_41 = tpu.memref_squeeze %dma_start3A_40 : memref<1x1x80xi32, #tpu.memory_space<vmem>> -> memref<80xi32, #tpu.memory_space<vmem>>
        %dma_start3A_42 = arith.constant 0 : i32
        %dma_start3A_43 = arith.constant 0 : i32
        %dma_start3A_44 = tpu.memref_slice %arg3[%dma_start3A_42, %dma_start3A_43] : memref<10000x128xf32, #tpu.memory_space<hbm>> -> memref<10000x128xf32, #tpu.memory_space<hbm>>
        tpu.enqueue_indirect_dma source(%dma_start3A_44 : memref<10000x128xf32, #tpu.memory_space<hbm>>) target(%dma_start3A_38 : memref<80x128xf32, #tpu.memory_space<vmem>>) offsets(%dma_start3A_41 : memref<80xi32, #tpu.memory_space<vmem>>) semaphore(%arg18 : memref<!tpu.dma_semaphore, #tpu.memory_space<semaphore_mem>>)
        %dma_start3A_45 = arith.constant 1 : i32
        %dma_start3A_46 = arith.constant 0 : i32
        %dma_start3A_47 = arith.constant 1 : i32
        %dma_start3A_48 = arith.constant 0 : i32
        %dma_start3A_49 = arith.constant 0 : i32
        %dma_start3A_50 = tpu.memref_slice %arg14[%dma_start3A_47, %dma_start3A_48, %dma_start3A_49] : memref<3x80x128xf32, #tpu.memory_space<vmem>> -> memref<1x80x128xf32, #tpu.memory_space<vmem>>
        %dma_start3A_51 = tpu.memref_squeeze %dma_start3A_50 : memref<1x80x128xf32, #tpu.memory_space<vmem>> -> memref<80x128xf32, #tpu.memory_space<vmem>>
        %dma_start3A_52 = arith.constant 0 : i32
        %dma_start3A_53 = tpu.memref_slice %arg12[%dma_start3A_45, %dma_start3A_46, %dma_start3A_52] : memref<25x1x80xi32, #tpu.memory_space<vmem>> -> memref<1x1x80xi32, #tpu.memory_space<vmem>>
        %dma_start3A_54 = tpu.memref_squeeze %dma_start3A_53 : memref<1x1x80xi32, #tpu.memory_space<vmem>> -> memref<80xi32, #tpu.memory_space<vmem>>
        %dma_start3A_55 = arith.constant 0 : i32
        %dma_start3A_56 = arith.constant 0 : i32
        %dma_start3A_57 = tpu.memref_slice %arg3[%dma_start3A_55, %dma_start3A_56] : memref<10000x128xf32, #tpu.memory_space<hbm>> -> memref<10000x128xf32, #tpu.memory_space<hbm>>
        tpu.enqueue_indirect_dma source(%dma_start3A_57 : memref<10000x128xf32, #tpu.memory_space<hbm>>) target(%dma_start3A_51 : memref<80x128xf32, #tpu.memory_space<vmem>>) offsets(%dma_start3A_54 : memref<80xi32, #tpu.memory_space<vmem>>) semaphore(%arg18 : memref<!tpu.dma_semaphore, #tpu.memory_space<semaphore_mem>>)
        %scan3A_58 = arith.constant 0 : i32
        %scan3A_59 = arith.constant 0 : i32
        %scan3A_60 = arith.constant 25 : i32
        %scan3A_61 = arith.addi %scan3A_59, %scan3A_60 : i32
        %scan3A_62 = arith.constant 1 : i32
        scf.for %scan3A_102 = %scan3A_59 to %scan3A_61 step %scan3A_62  : i32 {
          %rem3A = arith.constant 3 : i32
          %rem3A_103 = arith.remsi %scan3A_102, %rem3A : i32
          %dma_wait3A_104 = arith.constant 0 : i32
          %dma_wait3A_105 = arith.constant 0 : i32
          %dma_wait3A_106 = arith.constant 0 : i32
          %dma_wait3A_107 = tpu.memref_slice %arg14[%rem3A_103, %dma_wait3A_105, %dma_wait3A_106] : memref<3x80x128xf32, #tpu.memory_space<vmem>> -> memref<1x80x128xf32, #tpu.memory_space<vmem>>
          %dma_wait3A_108 = tpu.memref_squeeze %dma_wait3A_107 : memref<1x80x128xf32, #tpu.memory_space<vmem>> -> memref<80x128xf32, #tpu.memory_space<vmem>>
          %dma_wait3A_109 = arith.constant 0 : i32
          %dma_wait3A_110 = tpu.memref_slice %arg12[%scan3A_102, %dma_wait3A_104, %dma_wait3A_109] : memref<25x1x80xi32, #tpu.memory_space<vmem>> -> memref<1x1x80xi32, #tpu.memory_space<vmem>>
          %dma_wait3A_111 = tpu.memref_squeeze %dma_wait3A_110 : memref<1x1x80xi32, #tpu.memory_space<vmem>> -> memref<80xi32, #tpu.memory_space<vmem>>
          %dma_wait3A_112 = arith.constant 0 : i32
          %dma_wait3A_113 = arith.constant 0 : i32
          %dma_wait3A_114 = tpu.memref_slice %arg3[%dma_wait3A_112, %dma_wait3A_113] : memref<10000x128xf32, #tpu.memory_space<hbm>> -> memref<10000x128xf32, #tpu.memory_space<hbm>>
          tpu.wait_indirect_dma semaphore(%arg18 : memref<!tpu.dma_semaphore, #tpu.memory_space<semaphore_mem>>) src(%dma_wait3A_114 : memref<10000x128xf32, #tpu.memory_space<hbm>>) dst(%dma_wait3A_108 : memref<80x128xf32, #tpu.memory_space<vmem>>)
          %dma_start3A_115 = arith.constant 0 : i32
          %dma_start3A_116 = arith.constant 0 : i32
          %dma_start3A_117 = arith.constant 0 : i32
          %dma_start3A_118 = tpu.memref_slice %arg14[%rem3A_103, %dma_start3A_116, %dma_start3A_117] : memref<3x80x128xf32, #tpu.memory_space<vmem>> -> memref<1x80x128xf32, #tpu.memory_space<vmem>>
          %dma_start3A_119 = tpu.memref_squeeze %dma_start3A_118 : memref<1x80x128xf32, #tpu.memory_space<vmem>> -> memref<80x128xf32, #tpu.memory_space<vmem>>
          %dma_start3A_120 = arith.constant 0 : i32
          %dma_start3A_121 = tpu.memref_slice %arg13[%scan3A_102, %dma_start3A_115, %dma_start3A_120] : memref<25x1x80xi32, #tpu.memory_space<vmem>> -> memref<1x1x80xi32, #tpu.memory_space<vmem>>
          %dma_start3A_122 = tpu.memref_squeeze %dma_start3A_121 : memref<1x1x80xi32, #tpu.memory_space<vmem>> -> memref<80xi32, #tpu.memory_space<vmem>>
          %dma_start3A_123 = arith.constant 0 : i32
          %dma_start3A_124 = arith.constant 0 : i32
          %dma_start3A_125 = tpu.memref_slice %arg16[%dma_start3A_123, %dma_start3A_124] : memref<10000x128xf32, #tpu.memory_space<vmem_shared>> -> memref<10000x128xf32, #tpu.memory_space<vmem_shared>>
          tpu.enqueue_indirect_dma source(%dma_start3A_119 : memref<80x128xf32, #tpu.memory_space<vmem>>) target(%dma_start3A_125 : memref<10000x128xf32, #tpu.memory_space<vmem_shared>>) offsets(%dma_start3A_122 : memref<80xi32, #tpu.memory_space<vmem>>) semaphore(%arg19 : memref<!tpu.dma_semaphore, #tpu.memory_space<semaphore_mem>>) {add = true}
          %add3A = arith.constant 3 : i32
          %add3A_126 = arith.addi %scan3A_102, %add3A : i32
          %sub3A = arith.constant 1 : i32
          %sub3A_127 = arith.subi %add3A_126, %sub3A : i32
          %lt3A_128 = arith.constant 25 : i32
          %lt3A_129 = arith.cmpi slt, %sub3A_127, %lt3A_128 : i32
          %convert_element_type3A_130 = arith.extui %lt3A_129 : i1 to i32
          %cond3A_131 = arith.constant 0 : i32
          %cond3A_132 = arith.constant 0 : i32
          %cond3A_133 = arith.cmpi ne, %convert_element_type3A_130, %cond3A_132 : i32
          scf.if %cond3A_133 {
            %add3A_134 = arith.constant 3 : i32
            %add3A_135 = arith.addi %scan3A_102, %add3A_134 : i32
            %sub3A_136 = arith.constant 1 : i32
            %sub3A_137 = arith.subi %add3A_135, %sub3A_136 : i32
            %rem3A_138 = arith.constant 3 : i32
            %rem3A_139 = arith.remsi %sub3A_137, %rem3A_138 : i32
            %ge3A = arith.constant 1 : i32
            %ge3A_140 = arith.cmpi sge, %scan3A_102, %ge3A : i32
            %convert_element_type3A_141 = arith.extui %ge3A_140 : i1 to i32
            %cond3A_142 = arith.constant 0 : i32
            %cond3A_143 = arith.cmpi ne, %convert_element_type3A_141, %cond3A_142 : i32
            scf.if %cond3A_143 {
              %dma_wait3A_159 = arith.constant 0 : i32
              %dma_wait3A_160 = arith.constant 0 : i32
              %dma_wait3A_161 = tpu.memref_slice %arg14[%rem3A_103, %dma_wait3A_159, %dma_wait3A_160] : memref<3x80x128xf32, #tpu.memory_space<vmem>> -> memref<1x80x128xf32, #tpu.memory_space<vmem>>
              %dma_wait3A_162 = tpu.memref_squeeze %dma_wait3A_161 : memref<1x80x128xf32, #tpu.memory_space<vmem>> -> memref<80x128xf32, #tpu.memory_space<vmem>>
              %dma_wait3A_163 = arith.constant 0 : i32
              %dma_wait3A_164 = tpu.memref_slice %arg13[%scan3A_102, %cond3A_131, %dma_wait3A_163] : memref<25x1x80xi32, #tpu.memory_space<vmem>> -> memref<1x1x80xi32, #tpu.memory_space<vmem>>
              %dma_wait3A_165 = tpu.memref_squeeze %dma_wait3A_164 : memref<1x1x80xi32, #tpu.memory_space<vmem>> -> memref<80xi32, #tpu.memory_space<vmem>>
              %dma_wait3A_166 = arith.constant 0 : i32
              %dma_wait3A_167 = arith.constant 0 : i32
              %dma_wait3A_168 = tpu.memref_slice %arg16[%dma_wait3A_166, %dma_wait3A_167] : memref<10000x128xf32, #tpu.memory_space<vmem_shared>> -> memref<10000x128xf32, #tpu.memory_space<vmem_shared>>
              tpu.wait_indirect_dma semaphore(%arg19 : memref<!tpu.dma_semaphore, #tpu.memory_space<semaphore_mem>>) src(%dma_wait3A_162 : memref<80x128xf32, #tpu.memory_space<vmem>>) dst(%dma_wait3A_168 : memref<10000x128xf32, #tpu.memory_space<vmem_shared>>)
            } else {
            }
            %add3A_144 = arith.constant 3 : i32
            %add3A_145 = arith.addi %scan3A_102, %add3A_144 : i32
            %sub3A_146 = arith.constant 1 : i32
            %sub3A_147 = arith.subi %add3A_145, %sub3A_146 : i32
            %dma_start3A_148 = arith.constant 0 : i32
            %dma_start3A_149 = arith.constant 0 : i32
            %dma_start3A_150 = arith.constant 0 : i32
            %dma_start3A_151 = tpu.memref_slice %arg14[%rem3A_139, %dma_start3A_149, %dma_start3A_150] : memref<3x80x128xf32, #tpu.memory_space<vmem>> -> memref<1x80x128xf32, #tpu.memory_space<vmem>>
            %dma_start3A_152 = tpu.memref_squeeze %dma_start3A_151 : memref<1x80x128xf32, #tpu.memory_space<vmem>> -> memref<80x128xf32, #tpu.memory_space<vmem>>
            %dma_start3A_153 = arith.constant 0 : i32
            %dma_start3A_154 = tpu.memref_slice %arg12[%sub3A_147, %dma_start3A_148, %dma_start3A_153] : memref<25x1x80xi32, #tpu.memory_space<vmem>> -> memref<1x1x80xi32, #tpu.memory_space<vmem>>
            %dma_start3A_155 = tpu.memref_squeeze %dma_start3A_154 : memref<1x1x80xi32, #tpu.memory_space<vmem>> -> memref<80xi32, #tpu.memory_space<vmem>>
            %dma_start3A_156 = arith.constant 0 : i32
            %dma_start3A_157 = arith.constant 0 : i32
            %dma_start3A_158 = tpu.memref_slice %arg3[%dma_start3A_156, %dma_start3A_157] : memref<10000x128xf32, #tpu.memory_space<hbm>> -> memref<10000x128xf32, #tpu.memory_space<hbm>>
            tpu.enqueue_indirect_dma source(%dma_start3A_158 : memref<10000x128xf32, #tpu.memory_space<hbm>>) target(%dma_start3A_152 : memref<80x128xf32, #tpu.memory_space<vmem>>) offsets(%dma_start3A_155 : memref<80xi32, #tpu.memory_space<vmem>>) semaphore(%arg18 : memref<!tpu.dma_semaphore, #tpu.memory_space<semaphore_mem>>)
          } else {
          }
        }
        %scan3A_63 = arith.constant 25 : i32
        %dma_wait3A = arith.constant 0 : i32
        %dma_wait3A_64 = arith.constant 0 : i32
        %dma_wait3A_65 = arith.constant 0 : i32
        %dma_wait3A_66 = arith.constant 0 : i32
        %dma_wait3A_67 = arith.constant 0 : i32
        %dma_wait3A_68 = tpu.memref_slice %arg14[%dma_wait3A, %dma_wait3A_66, %dma_wait3A_67] : memref<3x80x128xf32, #tpu.memory_space<vmem>> -> memref<1x80x128xf32, #tpu.memory_space<vmem>>
        %dma_wait3A_69 = tpu.memref_squeeze %dma_wait3A_68 : memref<1x80x128xf32, #tpu.memory_space<vmem>> -> memref<80x128xf32, #tpu.memory_space<vmem>>
        %dma_wait3A_70 = arith.constant 0 : i32
        %dma_wait3A_71 = tpu.memref_slice %arg13[%dma_wait3A_64, %dma_wait3A_65, %dma_wait3A_70] : memref<25x1x80xi32, #tpu.memory_space<vmem>> -> memref<1x1x80xi32, #tpu.memory_space<vmem>>
        %dma_wait3A_72 = tpu.memref_squeeze %dma_wait3A_71 : memref<1x1x80xi32, #tpu.memory_space<vmem>> -> memref<80xi32, #tpu.memory_space<vmem>>
        %dma_wait3A_73 = arith.constant 0 : i32
        %dma_wait3A_74 = arith.constant 0 : i32
        %dma_wait3A_75 = tpu.memref_slice %arg16[%dma_wait3A_73, %dma_wait3A_74] : memref<10000x128xf32, #tpu.memory_space<vmem_shared>> -> memref<10000x128xf32, #tpu.memory_space<vmem_shared>>
        tpu.wait_indirect_dma semaphore(%arg19 : memref<!tpu.dma_semaphore, #tpu.memory_space<semaphore_mem>>) src(%dma_wait3A_69 : memref<80x128xf32, #tpu.memory_space<vmem>>) dst(%dma_wait3A_75 : memref<10000x128xf32, #tpu.memory_space<vmem_shared>>)
        %dma_wait3A_76 = arith.constant 0 : i32
        %dma_wait3A_77 = arith.constant 0 : i32
        %dma_wait3A_78 = arith.constant 0 : i32
        %dma_wait3A_79 = arith.constant 0 : i32
        %dma_wait3A_80 = arith.constant 0 : i32
        %dma_wait3A_81 = tpu.memref_slice %arg14[%dma_wait3A_76, %dma_wait3A_79, %dma_wait3A_80] : memref<3x80x128xf32, #tpu.memory_space<vmem>> -> memref<1x80x128xf32, #tpu.memory_space<vmem>>
        %dma_wait3A_82 = tpu.memref_squeeze %dma_wait3A_81 : memref<1x80x128xf32, #tpu.memory_space<vmem>> -> memref<80x128xf32, #tpu.memory_space<vmem>>
        %dma_wait3A_83 = arith.constant 0 : i32
        %dma_wait3A_84 = tpu.memref_slice %arg13[%dma_wait3A_77, %dma_wait3A_78, %dma_wait3A_83] : memref<25x1x80xi32, #tpu.memory_space<vmem>> -> memref<1x1x80xi32, #tpu.memory_space<vmem>>
        %dma_wait3A_85 = tpu.memref_squeeze %dma_wait3A_84 : memref<1x1x80xi32, #tpu.memory_space<vmem>> -> memref<80xi32, #tpu.memory_space<vmem>>
        %dma_wait3A_86 = arith.constant 0 : i32
        %dma_wait3A_87 = arith.constant 0 : i32
        %dma_wait3A_88 = tpu.memref_slice %arg16[%dma_wait3A_86, %dma_wait3A_87] : memref<10000x128xf32, #tpu.memory_space<vmem_shared>> -> memref<10000x128xf32, #tpu.memory_space<vmem_shared>>
        tpu.wait_indirect_dma semaphore(%arg19 : memref<!tpu.dma_semaphore, #tpu.memory_space<semaphore_mem>>) src(%dma_wait3A_82 : memref<80x128xf32, #tpu.memory_space<vmem>>) dst(%dma_wait3A_88 : memref<10000x128xf32, #tpu.memory_space<vmem_shared>>)
        %dma_wait3A_89 = arith.constant 0 : i32
        %dma_wait3A_90 = arith.constant 0 : i32
        %dma_wait3A_91 = arith.constant 0 : i32
        %dma_wait3A_92 = arith.constant 0 : i32
        %dma_wait3A_93 = arith.constant 0 : i32
        %dma_wait3A_94 = tpu.memref_slice %arg14[%dma_wait3A_89, %dma_wait3A_92, %dma_wait3A_93] : memref<3x80x128xf32, #tpu.memory_space<vmem>> -> memref<1x80x128xf32, #tpu.memory_space<vmem>>
        %dma_wait3A_95 = tpu.memref_squeeze %dma_wait3A_94 : memref<1x80x128xf32, #tpu.memory_space<vmem>> -> memref<80x128xf32, #tpu.memory_space<vmem>>
        %dma_wait3A_96 = arith.constant 0 : i32
        %dma_wait3A_97 = tpu.memref_slice %arg13[%dma_wait3A_90, %dma_wait3A_91, %dma_wait3A_96] : memref<25x1x80xi32, #tpu.memory_space<vmem>> -> memref<1x1x80xi32, #tpu.memory_space<vmem>>
        %dma_wait3A_98 = tpu.memref_squeeze %dma_wait3A_97 : memref<1x1x80xi32, #tpu.memory_space<vmem>> -> memref<80xi32, #tpu.memory_space<vmem>>
        %dma_wait3A_99 = arith.constant 0 : i32
        %dma_wait3A_100 = arith.constant 0 : i32
        %dma_wait3A_101 = tpu.memref_slice %arg16[%dma_wait3A_99, %dma_wait3A_100] : memref<10000x128xf32, #tpu.memory_space<vmem_shared>> -> memref<10000x128xf32, #tpu.memory_space<vmem_shared>>
        tpu.wait_indirect_dma semaphore(%arg19 : memref<!tpu.dma_semaphore, #tpu.memory_space<semaphore_mem>>) src(%dma_wait3A_95 : memref<80x128xf32, #tpu.memory_space<vmem>>) dst(%dma_wait3A_101 : memref<10000x128xf32, #tpu.memory_space<vmem_shared>>)
      }
      %scan3A_20 = arith.constant 5 : i32
      %barrier3A_21 = arith.constant 0 : index
      tpu.barrier barrier_id(%barrier3A_21)
      %lt3A_22 = arith.constant 15 : i32
      %lt3A_23 = arith.cmpi slt, %arg1, %lt3A_22 : i32
      %convert_element_type3A_24 = arith.extui %lt3A_23 : i1 to i32
      %cond3A_25 = arith.constant 0 : i32
      %cond3A_26 = arith.cmpi ne, %convert_element_type3A_24, %cond3A_25 : i32
      scf.if %cond3A_26 {
        %mul3A = arith.constant 624 : i32
        %mul3A_32 = arith.muli %arg1, %mul3A : i32
        %mul3A_33 = arith.constant 624 : i32
        %mul3A_34 = arith.muli %arg1, %mul3A_33 : i32
        "tpu.region"() ({
          %run_scoped3A = tpu.sem_alloc : memref<!tpu.dma_semaphore, #tpu.memory_space<semaphore_mem>>
          %dma_start3A = arith.constant 0 : i32
          %dma_start3A_35 = tpu.memref_slice %arg11[%mul3A_34, %dma_start3A] : memref<10000x128xf32, #tpu.memory_space<hbm>> -> memref<624x128xf32, #tpu.memory_space<hbm>>
          %dma_start3A_36 = arith.constant 0 : i32
          %dma_start3A_37 = tpu.memref_slice %arg16[%mul3A_32, %dma_start3A_36] : memref<10000x128xf32, #tpu.memory_space<vmem_shared>> -> memref<624x128xf32, #tpu.memory_space<vmem_shared>>
          tpu.enqueue_dma source(%dma_start3A_37 : memref<624x128xf32, #tpu.memory_space<vmem_shared>>) target(%dma_start3A_35 : memref<624x128xf32, #tpu.memory_space<hbm>>) target_semaphore(%run_scoped3A : memref<!tpu.dma_semaphore, #tpu.memory_space<semaphore_mem>>)
          %dma_wait3A = arith.constant 0 : i32
          %dma_wait3A_38 = tpu.memref_slice %arg11[%mul3A_34, %dma_wait3A] : memref<10000x128xf32, #tpu.memory_space<hbm>> -> memref<624x128xf32, #tpu.memory_space<hbm>>
          %dma_wait3A_39 = arith.constant 0 : i32
          %dma_wait3A_40 = tpu.memref_slice %arg16[%mul3A_32, %dma_wait3A_39] : memref<10000x128xf32, #tpu.memory_space<vmem_shared>> -> memref<624x128xf32, #tpu.memory_space<vmem_shared>>
          tpu.wait_dma2 semaphore(%run_scoped3A : memref<!tpu.dma_semaphore, #tpu.memory_space<semaphore_mem>>) src(%dma_wait3A_40 : memref<624x128xf32, #tpu.memory_space<vmem_shared>>) dst(%dma_wait3A_38 : memref<624x128xf32, #tpu.memory_space<hbm>>)
          tpu.yield
        }) : () -> ()
      } else {
      }
      %eq3A_27 = arith.constant 15 : i32
      %eq3A_28 = arith.cmpi eq, %arg1, %eq3A_27 : i32
      %convert_element_type3A_29 = arith.extui %eq3A_28 : i1 to i32
      %cond3A_30 = arith.constant 0 : i32
      %cond3A_31 = arith.cmpi ne, %convert_element_type3A_29, %cond3A_30 : i32
      scf.if %cond3A_31 {
        "tpu.region"() ({
          %run_scoped3A = tpu.sem_alloc : memref<!tpu.dma_semaphore, #tpu.memory_space<semaphore_mem>>
          %dma_start3A = arith.constant 9360 : i32
          %dma_start3A_32 = arith.constant 0 : i32
          %dma_start3A_33 = tpu.memref_slice %arg11[%dma_start3A, %dma_start3A_32] : memref<10000x128xf32, #tpu.memory_space<hbm>> -> memref<640x128xf32, #tpu.memory_space<hbm>>
          %dma_start3A_34 = arith.constant 9360 : i32
          %dma_start3A_35 = arith.constant 0 : i32
          %dma_start3A_36 = tpu.memref_slice %arg16[%dma_start3A_34, %dma_start3A_35] : memref<10000x128xf32, #tpu.memory_space<vmem_shared>> -> memref<640x128xf32, #tpu.memory_space<vmem_shared>>
          tpu.enqueue_dma source(%dma_start3A_36 : memref<640x128xf32, #tpu.memory_space<vmem_shared>>) target(%dma_start3A_33 : memref<640x128xf32, #tpu.memory_space<hbm>>) target_semaphore(%run_scoped3A : memref<!tpu.dma_semaphore, #tpu.memory_space<semaphore_mem>>)
          %dma_wait3A = arith.constant 9360 : i32
          %dma_wait3A_37 = arith.constant 0 : i32
          %dma_wait3A_38 = tpu.memref_slice %arg11[%dma_wait3A, %dma_wait3A_37] : memref<10000x128xf32, #tpu.memory_space<hbm>> -> memref<640x128xf32, #tpu.memory_space<hbm>>
          %dma_wait3A_39 = arith.constant 9360 : i32
          %dma_wait3A_40 = arith.constant 0 : i32
          %dma_wait3A_41 = tpu.memref_slice %arg16[%dma_wait3A_39, %dma_wait3A_40] : memref<10000x128xf32, #tpu.memory_space<vmem_shared>> -> memref<640x128xf32, #tpu.memory_space<vmem_shared>>
          tpu.wait_dma2 semaphore(%run_scoped3A : memref<!tpu.dma_semaphore, #tpu.memory_space<semaphore_mem>>) src(%dma_wait3A_41 : memref<640x128xf32, #tpu.memory_space<vmem_shared>>) dst(%dma_wait3A_38 : memref<640x128xf32, #tpu.memory_space<hbm>>)
          tpu.yield
        }) : () -> ()
      } else {
      }
    } else {
    }
    return
  }
}

#map = affine_map<(d0, d1) -> (0, 0)>
#map1 = affine_map<(d0, d1) -> (0, 0, 0)>
module attributes {stable_mosaic.version = 14 : i64} {
  func.func @_classifier_sc(%arg0: i32, %arg1: i32, %arg2: memref<10000x128xf32, #tpu.memory_space<hbm>>, %arg3: memref<10000x128xf32, #tpu.memory_space<hbm>>, %arg4: memref<1250x1x128xi32, #tpu.memory_space<hbm>>, %arg5: memref<1250x1x128xi32, #tpu.memory_space<hbm>>, %arg6: memref<160000x128xf32, #tpu.memory_space<hbm>>, %arg7: memref<160000x128xf32, #tpu.memory_space<hbm>>, %arg8: memref<40x1x128xi32, #tpu.memory_space<vmem>>, %arg9: memref<40x1x128xi32, #tpu.memory_space<vmem>>, %arg10: memref<3x128x128xf32, #tpu.memory_space<vmem>>, %arg11: memref<3x128x128xf32, #tpu.memory_space<vmem>>, %arg12: memref<!tpu.dma_semaphore, #tpu.memory_space<semaphore_mem>>, %arg13: memref<!tpu.dma_semaphore, #tpu.memory_space<semaphore_mem>>) attributes {dimension_semantics = [#tpu.dimension_semantics<core_parallel>, #tpu.dimension_semantics<subcore_parallel>], iteration_bounds = array<i64: 2, 16>, scalar_prefetch = 0 : i64, scratch_operands = 6 : i64, tpu.core_type = #tpu.core_type<sc_vector_subcore>, window_params = [{transform_indices = #map}, {transform_indices = #map}, {transform_indices = #map1}, {transform_indices = #map1}, {transform_indices = #map}, {transform_indices = #map}]} {
    %mul3A = arith.constant 2 : i32
    %mul3A_0 = arith.muli %arg1, %mul3A : i32
    %add3A = arith.addi %mul3A_0, %arg0 : i32
    %ge3A = arith.constant 30 : i32
    %ge3A_1 = arith.cmpi sge, %add3A, %ge3A : i32
    %jit3A = arith.constant 40 : i32
    %jit3A_2 = arith.constant 39 : i32
    %select_n3A = arith.select %ge3A_1, %jit3A, %jit3A_2 : i32
    %mul3A_3 = arith.constant 39 : i32
    %mul3A_4 = arith.muli %mul3A_3, %add3A : i32
    %sub3A = arith.constant 30 : i32
    %sub3A_5 = arith.subi %add3A, %sub3A : i32
    %max3A = arith.constant 0 : i32
    %max3A_6 = arith.maxsi %sub3A_5, %max3A : i32
    %add3A_7 = arith.addi %mul3A_4, %max3A_6 : i32
    "tpu.region"() ({
      %run_scoped3A = tpu.sem_alloc : memref<!tpu.dma_semaphore, #tpu.memory_space<semaphore_mem>>
      %dma_start3A_156 = arith.constant 0 : i32
      %dma_start3A_157 = arith.constant 0 : i32
      %dma_start3A_158 = arith.constant 0 : i32
      %dma_start3A_159 = tpu.memref_slice %arg8[%dma_start3A_156, %dma_start3A_157, %dma_start3A_158] : memref<40x1x128xi32, #tpu.memory_space<vmem>> -> memref<39x1x128xi32, #tpu.memory_space<vmem>>
      %dma_start3A_160 = arith.constant 0 : i32
      %dma_start3A_161 = arith.constant 0 : i32
      %dma_start3A_162 = tpu.memref_slice %arg4[%add3A_7, %dma_start3A_160, %dma_start3A_161] : memref<1250x1x128xi32, #tpu.memory_space<hbm>> -> memref<39x1x128xi32, #tpu.memory_space<hbm>>
      %dma_start3A_163 = arith.constant 0 : i32
      %dma_start3A_164 = arith.constant 0 : i32
      %dma_start3A_165 = arith.constant 0 : i32
      %dma_start3A_166 = tpu.memref_slice %arg8[%dma_start3A_163, %dma_start3A_164, %dma_start3A_165] : memref<40x1x128xi32, #tpu.memory_space<vmem>> -> memref<39x1x128xi32, #tpu.memory_space<vmem>>
      %dma_start3A_167 = arith.constant 0 : i32
      %dma_start3A_168 = arith.constant 0 : i32
      %dma_start3A_169 = tpu.memref_slice %arg4[%add3A_7, %dma_start3A_167, %dma_start3A_168] : memref<1250x1x128xi32, #tpu.memory_space<hbm>> -> memref<39x1x128xi32, #tpu.memory_space<hbm>>
      tpu.enqueue_dma source(%dma_start3A_169 : memref<39x1x128xi32, #tpu.memory_space<hbm>>) target(%dma_start3A_166 : memref<39x1x128xi32, #tpu.memory_space<vmem>>) target_semaphore(%run_scoped3A : memref<!tpu.dma_semaphore, #tpu.memory_space<semaphore_mem>>)
      %dma_wait3A_170 = arith.constant 0 : i32
      %dma_wait3A_171 = arith.constant 0 : i32
      %dma_wait3A_172 = arith.constant 0 : i32
      %dma_wait3A_173 = tpu.memref_slice %arg8[%dma_wait3A_170, %dma_wait3A_171, %dma_wait3A_172] : memref<40x1x128xi32, #tpu.memory_space<vmem>> -> memref<39x1x128xi32, #tpu.memory_space<vmem>>
      %dma_wait3A_174 = arith.constant 0 : i32
      %dma_wait3A_175 = arith.constant 0 : i32
      %dma_wait3A_176 = tpu.memref_slice %arg4[%add3A_7, %dma_wait3A_174, %dma_wait3A_175] : memref<1250x1x128xi32, #tpu.memory_space<hbm>> -> memref<39x1x128xi32, #tpu.memory_space<hbm>>
      %dma_wait3A_177 = arith.constant 0 : i32
      %dma_wait3A_178 = arith.constant 0 : i32
      %dma_wait3A_179 = arith.constant 0 : i32
      %dma_wait3A_180 = tpu.memref_slice %arg8[%dma_wait3A_177, %dma_wait3A_178, %dma_wait3A_179] : memref<40x1x128xi32, #tpu.memory_space<vmem>> -> memref<39x1x128xi32, #tpu.memory_space<vmem>>
      %dma_wait3A_181 = arith.constant 0 : i32
      %dma_wait3A_182 = arith.constant 0 : i32
      %dma_wait3A_183 = tpu.memref_slice %arg4[%add3A_7, %dma_wait3A_181, %dma_wait3A_182] : memref<1250x1x128xi32, #tpu.memory_space<hbm>> -> memref<39x1x128xi32, #tpu.memory_space<hbm>>
      tpu.wait_dma2 semaphore(%run_scoped3A : memref<!tpu.dma_semaphore, #tpu.memory_space<semaphore_mem>>) src(%dma_wait3A_183 : memref<39x1x128xi32, #tpu.memory_space<hbm>>) dst(%dma_wait3A_180 : memref<39x1x128xi32, #tpu.memory_space<vmem>>)
      tpu.yield
    }) : () -> ()
    "tpu.region"() ({
      %run_scoped3A = tpu.sem_alloc : memref<!tpu.dma_semaphore, #tpu.memory_space<semaphore_mem>>
      %dma_start3A_156 = arith.constant 0 : i32
      %dma_start3A_157 = arith.constant 0 : i32
      %dma_start3A_158 = arith.constant 0 : i32
      %dma_start3A_159 = tpu.memref_slice %arg9[%dma_start3A_156, %dma_start3A_157, %dma_start3A_158] : memref<40x1x128xi32, #tpu.memory_space<vmem>> -> memref<39x1x128xi32, #tpu.memory_space<vmem>>
      %dma_start3A_160 = arith.constant 0 : i32
      %dma_start3A_161 = arith.constant 0 : i32
      %dma_start3A_162 = tpu.memref_slice %arg5[%add3A_7, %dma_start3A_160, %dma_start3A_161] : memref<1250x1x128xi32, #tpu.memory_space<hbm>> -> memref<39x1x128xi32, #tpu.memory_space<hbm>>
      %dma_start3A_163 = arith.constant 0 : i32
      %dma_start3A_164 = arith.constant 0 : i32
      %dma_start3A_165 = arith.constant 0 : i32
      %dma_start3A_166 = tpu.memref_slice %arg9[%dma_start3A_163, %dma_start3A_164, %dma_start3A_165] : memref<40x1x128xi32, #tpu.memory_space<vmem>> -> memref<39x1x128xi32, #tpu.memory_space<vmem>>
      %dma_start3A_167 = arith.constant 0 : i32
      %dma_start3A_168 = arith.constant 0 : i32
      %dma_start3A_169 = tpu.memref_slice %arg5[%add3A_7, %dma_start3A_167, %dma_start3A_168] : memref<1250x1x128xi32, #tpu.memory_space<hbm>> -> memref<39x1x128xi32, #tpu.memory_space<hbm>>
      tpu.enqueue_dma source(%dma_start3A_169 : memref<39x1x128xi32, #tpu.memory_space<hbm>>) target(%dma_start3A_166 : memref<39x1x128xi32, #tpu.memory_space<vmem>>) target_semaphore(%run_scoped3A : memref<!tpu.dma_semaphore, #tpu.memory_space<semaphore_mem>>)
      %dma_wait3A_170 = arith.constant 0 : i32
      %dma_wait3A_171 = arith.constant 0 : i32
      %dma_wait3A_172 = arith.constant 0 : i32
      %dma_wait3A_173 = tpu.memref_slice %arg9[%dma_wait3A_170, %dma_wait3A_171, %dma_wait3A_172] : memref<40x1x128xi32, #tpu.memory_space<vmem>> -> memref<39x1x128xi32, #tpu.memory_space<vmem>>
      %dma_wait3A_174 = arith.constant 0 : i32
      %dma_wait3A_175 = arith.constant 0 : i32
      %dma_wait3A_176 = tpu.memref_slice %arg5[%add3A_7, %dma_wait3A_174, %dma_wait3A_175] : memref<1250x1x128xi32, #tpu.memory_space<hbm>> -> memref<39x1x128xi32, #tpu.memory_space<hbm>>
      %dma_wait3A_177 = arith.constant 0 : i32
      %dma_wait3A_178 = arith.constant 0 : i32
      %dma_wait3A_179 = arith.constant 0 : i32
      %dma_wait3A_180 = tpu.memref_slice %arg9[%dma_wait3A_177, %dma_wait3A_178, %dma_wait3A_179] : memref<40x1x128xi32, #tpu.memory_space<vmem>> -> memref<39x1x128xi32, #tpu.memory_space<vmem>>
      %dma_wait3A_181 = arith.constant 0 : i32
      %dma_wait3A_182 = arith.constant 0 : i32
      %dma_wait3A_183 = tpu.memref_slice %arg5[%add3A_7, %dma_wait3A_181, %dma_wait3A_182] : memref<1250x1x128xi32, #tpu.memory_space<hbm>> -> memref<39x1x128xi32, #tpu.memory_space<hbm>>
      tpu.wait_dma2 semaphore(%run_scoped3A : memref<!tpu.dma_semaphore, #tpu.memory_space<semaphore_mem>>) src(%dma_wait3A_183 : memref<39x1x128xi32, #tpu.memory_space<hbm>>) dst(%dma_wait3A_180 : memref<39x1x128xi32, #tpu.memory_space<vmem>>)
      tpu.yield
    }) : () -> ()
    %eq3A = arith.constant 40 : i32
    %eq3A_8 = arith.cmpi eq, %select_n3A, %eq3A : i32
    %convert_element_type3A = arith.extui %eq3A_8 : i1 to i32
    %cond3A = arith.constant 0 : i32
    %cond3A_9 = arith.cmpi ne, %convert_element_type3A, %cond3A : i32
    scf.if %cond3A_9 {
      %add3A_156 = arith.constant 39 : i32
      %add3A_157 = arith.addi %add3A_7, %add3A_156 : i32
      "tpu.region"() ({
        %run_scoped3A = tpu.sem_alloc : memref<!tpu.dma_semaphore, #tpu.memory_space<semaphore_mem>>
        %dma_start3A_160 = arith.constant 39 : i32
        %dma_start3A_161 = arith.constant 0 : i32
        %dma_start3A_162 = arith.constant 0 : i32
        %dma_start3A_163 = tpu.memref_slice %arg8[%dma_start3A_160, %dma_start3A_161, %dma_start3A_162] : memref<40x1x128xi32, #tpu.memory_space<vmem>> -> memref<1x1x128xi32, #tpu.memory_space<vmem>>
        %dma_start3A_164 = arith.constant 0 : i32
        %dma_start3A_165 = arith.constant 0 : i32
        %dma_start3A_166 = tpu.memref_slice %arg4[%add3A_157, %dma_start3A_164, %dma_start3A_165] : memref<1250x1x128xi32, #tpu.memory_space<hbm>> -> memref<1x1x128xi32, #tpu.memory_space<hbm>>
        %dma_start3A_167 = arith.constant 39 : i32
        %dma_start3A_168 = arith.constant 0 : i32
        %dma_start3A_169 = arith.constant 0 : i32
        %dma_start3A_170 = tpu.memref_slice %arg8[%dma_start3A_167, %dma_start3A_168, %dma_start3A_169] : memref<40x1x128xi32, #tpu.memory_space<vmem>> -> memref<1x1x128xi32, #tpu.memory_space<vmem>>
        %dma_start3A_171 = arith.constant 0 : i32
        %dma_start3A_172 = arith.constant 0 : i32
        %dma_start3A_173 = tpu.memref_slice %arg4[%add3A_157, %dma_start3A_171, %dma_start3A_172] : memref<1250x1x128xi32, #tpu.memory_space<hbm>> -> memref<1x1x128xi32, #tpu.memory_space<hbm>>
        tpu.enqueue_dma source(%dma_start3A_173 : memref<1x1x128xi32, #tpu.memory_space<hbm>>) target(%dma_start3A_170 : memref<1x1x128xi32, #tpu.memory_space<vmem>>) target_semaphore(%run_scoped3A : memref<!tpu.dma_semaphore, #tpu.memory_space<semaphore_mem>>)
        %dma_wait3A_174 = arith.constant 39 : i32
        %dma_wait3A_175 = arith.constant 0 : i32
        %dma_wait3A_176 = arith.constant 0 : i32
        %dma_wait3A_177 = tpu.memref_slice %arg8[%dma_wait3A_174, %dma_wait3A_175, %dma_wait3A_176] : memref<40x1x128xi32, #tpu.memory_space<vmem>> -> memref<1x1x128xi32, #tpu.memory_space<vmem>>
        %dma_wait3A_178 = arith.constant 0 : i32
        %dma_wait3A_179 = arith.constant 0 : i32
        %dma_wait3A_180 = tpu.memref_slice %arg4[%add3A_157, %dma_wait3A_178, %dma_wait3A_179] : memref<1250x1x128xi32, #tpu.memory_space<hbm>> -> memref<1x1x128xi32, #tpu.memory_space<hbm>>
        %dma_wait3A_181 = arith.constant 39 : i32
        %dma_wait3A_182 = arith.constant 0 : i32
        %dma_wait3A_183 = arith.constant 0 : i32
        %dma_wait3A_184 = tpu.memref_slice %arg8[%dma_wait3A_181, %dma_wait3A_182, %dma_wait3A_183] : memref<40x1x128xi32, #tpu.memory_space<vmem>> -> memref<1x1x128xi32, #tpu.memory_space<vmem>>
        %dma_wait3A_185 = arith.constant 0 : i32
        %dma_wait3A_186 = arith.constant 0 : i32
        %dma_wait3A_187 = tpu.memref_slice %arg4[%add3A_157, %dma_wait3A_185, %dma_wait3A_186] : memref<1250x1x128xi32, #tpu.memory_space<hbm>> -> memref<1x1x128xi32, #tpu.memory_space<hbm>>
        tpu.wait_dma2 semaphore(%run_scoped3A : memref<!tpu.dma_semaphore, #tpu.memory_space<semaphore_mem>>) src(%dma_wait3A_187 : memref<1x1x128xi32, #tpu.memory_space<hbm>>) dst(%dma_wait3A_184 : memref<1x1x128xi32, #tpu.memory_space<vmem>>)
        tpu.yield
      }) : () -> ()
      %add3A_158 = arith.constant 39 : i32
      %add3A_159 = arith.addi %add3A_7, %add3A_158 : i32
      "tpu.region"() ({
        %run_scoped3A = tpu.sem_alloc : memref<!tpu.dma_semaphore, #tpu.memory_space<semaphore_mem>>
        %dma_start3A_160 = arith.constant 39 : i32
        %dma_start3A_161 = arith.constant 0 : i32
        %dma_start3A_162 = arith.constant 0 : i32
        %dma_start3A_163 = tpu.memref_slice %arg9[%dma_start3A_160, %dma_start3A_161, %dma_start3A_162] : memref<40x1x128xi32, #tpu.memory_space<vmem>> -> memref<1x1x128xi32, #tpu.memory_space<vmem>>
        %dma_start3A_164 = arith.constant 0 : i32
        %dma_start3A_165 = arith.constant 0 : i32
        %dma_start3A_166 = tpu.memref_slice %arg5[%add3A_159, %dma_start3A_164, %dma_start3A_165] : memref<1250x1x128xi32, #tpu.memory_space<hbm>> -> memref<1x1x128xi32, #tpu.memory_space<hbm>>
        %dma_start3A_167 = arith.constant 39 : i32
        %dma_start3A_168 = arith.constant 0 : i32
        %dma_start3A_169 = arith.constant 0 : i32
        %dma_start3A_170 = tpu.memref_slice %arg9[%dma_start3A_167, %dma_start3A_168, %dma_start3A_169] : memref<40x1x128xi32, #tpu.memory_space<vmem>> -> memref<1x1x128xi32, #tpu.memory_space<vmem>>
        %dma_start3A_171 = arith.constant 0 : i32
        %dma_start3A_172 = arith.constant 0 : i32
        %dma_start3A_173 = tpu.memref_slice %arg5[%add3A_159, %dma_start3A_171, %dma_start3A_172] : memref<1250x1x128xi32, #tpu.memory_space<hbm>> -> memref<1x1x128xi32, #tpu.memory_space<hbm>>
        tpu.enqueue_dma source(%dma_start3A_173 : memref<1x1x128xi32, #tpu.memory_space<hbm>>) target(%dma_start3A_170 : memref<1x1x128xi32, #tpu.memory_space<vmem>>) target_semaphore(%run_scoped3A : memref<!tpu.dma_semaphore, #tpu.memory_space<semaphore_mem>>)
        %dma_wait3A_174 = arith.constant 39 : i32
        %dma_wait3A_175 = arith.constant 0 : i32
        %dma_wait3A_176 = arith.constant 0 : i32
        %dma_wait3A_177 = tpu.memref_slice %arg9[%dma_wait3A_174, %dma_wait3A_175, %dma_wait3A_176] : memref<40x1x128xi32, #tpu.memory_space<vmem>> -> memref<1x1x128xi32, #tpu.memory_space<vmem>>
        %dma_wait3A_178 = arith.constant 0 : i32
        %dma_wait3A_179 = arith.constant 0 : i32
        %dma_wait3A_180 = tpu.memref_slice %arg5[%add3A_159, %dma_wait3A_178, %dma_wait3A_179] : memref<1250x1x128xi32, #tpu.memory_space<hbm>> -> memref<1x1x128xi32, #tpu.memory_space<hbm>>
        %dma_wait3A_181 = arith.constant 39 : i32
        %dma_wait3A_182 = arith.constant 0 : i32
        %dma_wait3A_183 = arith.constant 0 : i32
        %dma_wait3A_184 = tpu.memref_slice %arg9[%dma_wait3A_181, %dma_wait3A_182, %dma_wait3A_183] : memref<40x1x128xi32, #tpu.memory_space<vmem>> -> memref<1x1x128xi32, #tpu.memory_space<vmem>>
        %dma_wait3A_185 = arith.constant 0 : i32
        %dma_wait3A_186 = arith.constant 0 : i32
        %dma_wait3A_187 = tpu.memref_slice %arg5[%add3A_159, %dma_wait3A_185, %dma_wait3A_186] : memref<1250x1x128xi32, #tpu.memory_space<hbm>> -> memref<1x1x128xi32, #tpu.memory_space<hbm>>
        tpu.wait_dma2 semaphore(%run_scoped3A : memref<!tpu.dma_semaphore, #tpu.memory_space<semaphore_mem>>) src(%dma_wait3A_187 : memref<1x1x128xi32, #tpu.memory_space<hbm>>) dst(%dma_wait3A_184 : memref<1x1x128xi32, #tpu.memory_space<vmem>>)
        tpu.yield
      }) : () -> ()
    } else {
    }
    %rem3A = arith.constant 0 : i32
    %rem3A_10 = arith.constant 3 : i32
    %rem3A_11 = arith.remsi %rem3A, %rem3A_10 : i32
    %dma_start3A = arith.constant 0 : i32
    %dma_start3A_12 = arith.constant 0 : i32
    %dma_start3A_13 = arith.constant 0 : i32
    %dma_start3A_14 = arith.constant 0 : i32
    %dma_start3A_15 = tpu.memref_slice %arg10[%rem3A_11, %dma_start3A_13, %dma_start3A_14] : memref<3x128x128xf32, #tpu.memory_space<vmem>> -> memref<1x128x128xf32, #tpu.memory_space<vmem>>
    %dma_start3A_16 = tpu.memref_squeeze %dma_start3A_15 : memref<1x128x128xf32, #tpu.memory_space<vmem>> -> memref<128x128xf32, #tpu.memory_space<vmem>>
    %dma_start3A_17 = arith.constant 0 : i32
    %dma_start3A_18 = tpu.memref_slice %arg8[%dma_start3A, %dma_start3A_12, %dma_start3A_17] : memref<40x1x128xi32, #tpu.memory_space<vmem>> -> memref<1x1x128xi32, #tpu.memory_space<vmem>>
    %dma_start3A_19 = tpu.memref_squeeze %dma_start3A_18 : memref<1x1x128xi32, #tpu.memory_space<vmem>> -> memref<128xi32, #tpu.memory_space<vmem>>
    %dma_start3A_20 = arith.constant 0 : i32
    %dma_start3A_21 = arith.constant 0 : i32
    %dma_start3A_22 = tpu.memref_slice %arg2[%dma_start3A_20, %dma_start3A_21] : memref<10000x128xf32, #tpu.memory_space<hbm>> -> memref<10000x128xf32, #tpu.memory_space<hbm>>
    tpu.enqueue_indirect_dma source(%dma_start3A_22 : memref<10000x128xf32, #tpu.memory_space<hbm>>) target(%dma_start3A_16 : memref<128x128xf32, #tpu.memory_space<vmem>>) offsets(%dma_start3A_19 : memref<128xi32, #tpu.memory_space<vmem>>) semaphore(%arg12 : memref<!tpu.dma_semaphore, #tpu.memory_space<semaphore_mem>>)
    %dma_start3A_23 = arith.constant 0 : i32
    %dma_start3A_24 = arith.constant 0 : i32
    %dma_start3A_25 = arith.constant 0 : i32
    %dma_start3A_26 = arith.constant 0 : i32
    %dma_start3A_27 = tpu.memref_slice %arg11[%rem3A_11, %dma_start3A_25, %dma_start3A_26] : memref<3x128x128xf32, #tpu.memory_space<vmem>> -> memref<1x128x128xf32, #tpu.memory_space<vmem>>
    %dma_start3A_28 = tpu.memref_squeeze %dma_start3A_27 : memref<1x128x128xf32, #tpu.memory_space<vmem>> -> memref<128x128xf32, #tpu.memory_space<vmem>>
    %dma_start3A_29 = arith.constant 0 : i32
    %dma_start3A_30 = tpu.memref_slice %arg9[%dma_start3A_23, %dma_start3A_24, %dma_start3A_29] : memref<40x1x128xi32, #tpu.memory_space<vmem>> -> memref<1x1x128xi32, #tpu.memory_space<vmem>>
    %dma_start3A_31 = tpu.memref_squeeze %dma_start3A_30 : memref<1x1x128xi32, #tpu.memory_space<vmem>> -> memref<128xi32, #tpu.memory_space<vmem>>
    %dma_start3A_32 = arith.constant 0 : i32
    %dma_start3A_33 = arith.constant 0 : i32
    %dma_start3A_34 = tpu.memref_slice %arg3[%dma_start3A_32, %dma_start3A_33] : memref<10000x128xf32, #tpu.memory_space<hbm>> -> memref<10000x128xf32, #tpu.memory_space<hbm>>
    tpu.enqueue_indirect_dma source(%dma_start3A_34 : memref<10000x128xf32, #tpu.memory_space<hbm>>) target(%dma_start3A_28 : memref<128x128xf32, #tpu.memory_space<vmem>>) offsets(%dma_start3A_31 : memref<128xi32, #tpu.memory_space<vmem>>) semaphore(%arg12 : memref<!tpu.dma_semaphore, #tpu.memory_space<semaphore_mem>>)
    %rem3A_35 = arith.constant 1 : i32
    %rem3A_36 = arith.constant 3 : i32
    %rem3A_37 = arith.remsi %rem3A_35, %rem3A_36 : i32
    %dma_start3A_38 = arith.constant 1 : i32
    %dma_start3A_39 = arith.constant 0 : i32
    %dma_start3A_40 = arith.constant 0 : i32
    %dma_start3A_41 = arith.constant 0 : i32
    %dma_start3A_42 = tpu.memref_slice %arg10[%rem3A_37, %dma_start3A_40, %dma_start3A_41] : memref<3x128x128xf32, #tpu.memory_space<vmem>> -> memref<1x128x128xf32, #tpu.memory_space<vmem>>
    %dma_start3A_43 = tpu.memref_squeeze %dma_start3A_42 : memref<1x128x128xf32, #tpu.memory_space<vmem>> -> memref<128x128xf32, #tpu.memory_space<vmem>>
    %dma_start3A_44 = arith.constant 0 : i32
    %dma_start3A_45 = tpu.memref_slice %arg8[%dma_start3A_38, %dma_start3A_39, %dma_start3A_44] : memref<40x1x128xi32, #tpu.memory_space<vmem>> -> memref<1x1x128xi32, #tpu.memory_space<vmem>>
    %dma_start3A_46 = tpu.memref_squeeze %dma_start3A_45 : memref<1x1x128xi32, #tpu.memory_space<vmem>> -> memref<128xi32, #tpu.memory_space<vmem>>
    %dma_start3A_47 = arith.constant 0 : i32
    %dma_start3A_48 = arith.constant 0 : i32
    %dma_start3A_49 = tpu.memref_slice %arg2[%dma_start3A_47, %dma_start3A_48] : memref<10000x128xf32, #tpu.memory_space<hbm>> -> memref<10000x128xf32, #tpu.memory_space<hbm>>
    tpu.enqueue_indirect_dma source(%dma_start3A_49 : memref<10000x128xf32, #tpu.memory_space<hbm>>) target(%dma_start3A_43 : memref<128x128xf32, #tpu.memory_space<vmem>>) offsets(%dma_start3A_46 : memref<128xi32, #tpu.memory_space<vmem>>) semaphore(%arg12 : memref<!tpu.dma_semaphore, #tpu.memory_space<semaphore_mem>>)
    %dma_start3A_50 = arith.constant 1 : i32
    %dma_start3A_51 = arith.constant 0 : i32
    %dma_start3A_52 = arith.constant 0 : i32
    %dma_start3A_53 = arith.constant 0 : i32
    %dma_start3A_54 = tpu.memref_slice %arg11[%rem3A_37, %dma_start3A_52, %dma_start3A_53] : memref<3x128x128xf32, #tpu.memory_space<vmem>> -> memref<1x128x128xf32, #tpu.memory_space<vmem>>
    %dma_start3A_55 = tpu.memref_squeeze %dma_start3A_54 : memref<1x128x128xf32, #tpu.memory_space<vmem>> -> memref<128x128xf32, #tpu.memory_space<vmem>>
    %dma_start3A_56 = arith.constant 0 : i32
    %dma_start3A_57 = tpu.memref_slice %arg9[%dma_start3A_50, %dma_start3A_51, %dma_start3A_56] : memref<40x1x128xi32, #tpu.memory_space<vmem>> -> memref<1x1x128xi32, #tpu.memory_space<vmem>>
    %dma_start3A_58 = tpu.memref_squeeze %dma_start3A_57 : memref<1x1x128xi32, #tpu.memory_space<vmem>> -> memref<128xi32, #tpu.memory_space<vmem>>
    %dma_start3A_59 = arith.constant 0 : i32
    %dma_start3A_60 = arith.constant 0 : i32
    %dma_start3A_61 = tpu.memref_slice %arg3[%dma_start3A_59, %dma_start3A_60] : memref<10000x128xf32, #tpu.memory_space<hbm>> -> memref<10000x128xf32, #tpu.memory_space<hbm>>
    tpu.enqueue_indirect_dma source(%dma_start3A_61 : memref<10000x128xf32, #tpu.memory_space<hbm>>) target(%dma_start3A_55 : memref<128x128xf32, #tpu.memory_space<vmem>>) offsets(%dma_start3A_58 : memref<128xi32, #tpu.memory_space<vmem>>) semaphore(%arg12 : memref<!tpu.dma_semaphore, #tpu.memory_space<semaphore_mem>>)
    %scan3A = arith.constant 0 : i32
    %scan3A_62 = arith.constant 0 : i32
    %scan3A_63 = arith.constant 40 : i32
    %scan3A_64 = arith.addi %scan3A_62, %scan3A_63 : i32
    %scan3A_65 = arith.constant 1 : i32
    scf.for %scan3A_156 = %scan3A_62 to %scan3A_64 step %scan3A_65  : i32 {
      %lt3A = arith.cmpi slt, %scan3A_156, %select_n3A : i32
      %convert_element_type3A_157 = arith.extui %lt3A : i1 to i32
      %cond3A_158 = arith.constant 0 : i32
      %cond3A_159 = arith.cmpi ne, %convert_element_type3A_157, %cond3A_158 : i32
      scf.if %cond3A_159 {
        %rem3A_160 = arith.constant 3 : i32
        %rem3A_161 = arith.remsi %scan3A_156, %rem3A_160 : i32
        %add3A_162 = arith.addi %add3A_7, %scan3A_156 : i32
        %mul3A_163 = arith.constant 128 : i32
        %mul3A_164 = arith.muli %add3A_162, %mul3A_163 : i32
        %dma_wait3A_165 = arith.constant 0 : i32
        %dma_wait3A_166 = arith.constant 0 : i32
        %dma_wait3A_167 = arith.constant 0 : i32
        %dma_wait3A_168 = tpu.memref_slice %arg10[%rem3A_161, %dma_wait3A_166, %dma_wait3A_167] : memref<3x128x128xf32, #tpu.memory_space<vmem>> -> memref<1x128x128xf32, #tpu.memory_space<vmem>>
        %dma_wait3A_169 = tpu.memref_squeeze %dma_wait3A_168 : memref<1x128x128xf32, #tpu.memory_space<vmem>> -> memref<128x128xf32, #tpu.memory_space<vmem>>
        %dma_wait3A_170 = arith.constant 0 : i32
        %dma_wait3A_171 = tpu.memref_slice %arg8[%scan3A_156, %dma_wait3A_165, %dma_wait3A_170] : memref<40x1x128xi32, #tpu.memory_space<vmem>> -> memref<1x1x128xi32, #tpu.memory_space<vmem>>
        %dma_wait3A_172 = tpu.memref_squeeze %dma_wait3A_171 : memref<1x1x128xi32, #tpu.memory_space<vmem>> -> memref<128xi32, #tpu.memory_space<vmem>>
        %dma_wait3A_173 = arith.constant 0 : i32
        %dma_wait3A_174 = arith.constant 0 : i32
        %dma_wait3A_175 = tpu.memref_slice %arg2[%dma_wait3A_173, %dma_wait3A_174] : memref<10000x128xf32, #tpu.memory_space<hbm>> -> memref<10000x128xf32, #tpu.memory_space<hbm>>
        tpu.wait_indirect_dma semaphore(%arg12 : memref<!tpu.dma_semaphore, #tpu.memory_space<semaphore_mem>>) src(%dma_wait3A_175 : memref<10000x128xf32, #tpu.memory_space<hbm>>) dst(%dma_wait3A_169 : memref<128x128xf32, #tpu.memory_space<vmem>>)
        %dma_wait3A_176 = arith.constant 0 : i32
        %dma_wait3A_177 = arith.constant 0 : i32
        %dma_wait3A_178 = arith.constant 0 : i32
        %dma_wait3A_179 = tpu.memref_slice %arg11[%rem3A_161, %dma_wait3A_177, %dma_wait3A_178] : memref<3x128x128xf32, #tpu.memory_space<vmem>> -> memref<1x128x128xf32, #tpu.memory_space<vmem>>
        %dma_wait3A_180 = tpu.memref_squeeze %dma_wait3A_179 : memref<1x128x128xf32, #tpu.memory_space<vmem>> -> memref<128x128xf32, #tpu.memory_space<vmem>>
        %dma_wait3A_181 = arith.constant 0 : i32
        %dma_wait3A_182 = tpu.memref_slice %arg9[%scan3A_156, %dma_wait3A_176, %dma_wait3A_181] : memref<40x1x128xi32, #tpu.memory_space<vmem>> -> memref<1x1x128xi32, #tpu.memory_space<vmem>>
        %dma_wait3A_183 = tpu.memref_squeeze %dma_wait3A_182 : memref<1x1x128xi32, #tpu.memory_space<vmem>> -> memref<128xi32, #tpu.memory_space<vmem>>
        %dma_wait3A_184 = arith.constant 0 : i32
        %dma_wait3A_185 = arith.constant 0 : i32
        %dma_wait3A_186 = tpu.memref_slice %arg3[%dma_wait3A_184, %dma_wait3A_185] : memref<10000x128xf32, #tpu.memory_space<hbm>> -> memref<10000x128xf32, #tpu.memory_space<hbm>>
        tpu.wait_indirect_dma semaphore(%arg12 : memref<!tpu.dma_semaphore, #tpu.memory_space<semaphore_mem>>) src(%dma_wait3A_186 : memref<10000x128xf32, #tpu.memory_space<hbm>>) dst(%dma_wait3A_180 : memref<128x128xf32, #tpu.memory_space<vmem>>)
        %dma_start3A_187 = arith.constant 0 : i32
        %dma_start3A_188 = arith.constant 0 : i32
        %dma_start3A_189 = tpu.memref_slice %arg10[%rem3A_161, %dma_start3A_187, %dma_start3A_188] : memref<3x128x128xf32, #tpu.memory_space<vmem>> -> memref<1x128x128xf32, #tpu.memory_space<vmem>>
        %dma_start3A_190 = tpu.memref_squeeze %dma_start3A_189 : memref<1x128x128xf32, #tpu.memory_space<vmem>> -> memref<128x128xf32, #tpu.memory_space<vmem>>
        %dma_start3A_191 = arith.constant 0 : i32
        %dma_start3A_192 = tpu.memref_slice %arg6[%mul3A_164, %dma_start3A_191] : memref<160000x128xf32, #tpu.memory_space<hbm>> -> memref<128x128xf32, #tpu.memory_space<hbm>>
        %dma_start3A_193 = arith.constant 0 : i32
        %dma_start3A_194 = tpu.memref_slice %arg6[%mul3A_164, %dma_start3A_193] : memref<160000x128xf32, #tpu.memory_space<hbm>> -> memref<128x128xf32, #tpu.memory_space<hbm>>
        %dma_start3A_195 = arith.constant 0 : i32
        %dma_start3A_196 = arith.constant 0 : i32
        %dma_start3A_197 = tpu.memref_slice %arg10[%rem3A_161, %dma_start3A_195, %dma_start3A_196] : memref<3x128x128xf32, #tpu.memory_space<vmem>> -> memref<1x128x128xf32, #tpu.memory_space<vmem>>
        %dma_start3A_198 = tpu.memref_squeeze %dma_start3A_197 : memref<1x128x128xf32, #tpu.memory_space<vmem>> -> memref<128x128xf32, #tpu.memory_space<vmem>>
        tpu.enqueue_dma source(%dma_start3A_198 : memref<128x128xf32, #tpu.memory_space<vmem>>) target(%dma_start3A_194 : memref<128x128xf32, #tpu.memory_space<hbm>>) target_semaphore(%arg13 : memref<!tpu.dma_semaphore, #tpu.memory_space<semaphore_mem>>)
        %dma_start3A_199 = arith.constant 0 : i32
        %dma_start3A_200 = arith.constant 0 : i32
        %dma_start3A_201 = tpu.memref_slice %arg11[%rem3A_161, %dma_start3A_199, %dma_start3A_200] : memref<3x128x128xf32, #tpu.memory_space<vmem>> -> memref<1x128x128xf32, #tpu.memory_space<vmem>>
        %dma_start3A_202 = tpu.memref_squeeze %dma_start3A_201 : memref<1x128x128xf32, #tpu.memory_space<vmem>> -> memref<128x128xf32, #tpu.memory_space<vmem>>
        %dma_start3A_203 = arith.constant 0 : i32
        %dma_start3A_204 = tpu.memref_slice %arg7[%mul3A_164, %dma_start3A_203] : memref<160000x128xf32, #tpu.memory_space<hbm>> -> memref<128x128xf32, #tpu.memory_space<hbm>>
        %dma_start3A_205 = arith.constant 0 : i32
        %dma_start3A_206 = tpu.memref_slice %arg7[%mul3A_164, %dma_start3A_205] : memref<160000x128xf32, #tpu.memory_space<hbm>> -> memref<128x128xf32, #tpu.memory_space<hbm>>
        %dma_start3A_207 = arith.constant 0 : i32
        %dma_start3A_208 = arith.constant 0 : i32
        %dma_start3A_209 = tpu.memref_slice %arg11[%rem3A_161, %dma_start3A_207, %dma_start3A_208] : memref<3x128x128xf32, #tpu.memory_space<vmem>> -> memref<1x128x128xf32, #tpu.memory_space<vmem>>
        %dma_start3A_210 = tpu.memref_squeeze %dma_start3A_209 : memref<1x128x128xf32, #tpu.memory_space<vmem>> -> memref<128x128xf32, #tpu.memory_space<vmem>>
        tpu.enqueue_dma source(%dma_start3A_210 : memref<128x128xf32, #tpu.memory_space<vmem>>) target(%dma_start3A_206 : memref<128x128xf32, #tpu.memory_space<hbm>>) target_semaphore(%arg13 : memref<!tpu.dma_semaphore, #tpu.memory_space<semaphore_mem>>)
        %add3A_211 = arith.constant 2 : i32
        %add3A_212 = arith.addi %scan3A_156, %add3A_211 : i32
        %lt3A_213 = arith.cmpi slt, %add3A_212, %select_n3A : i32
        %convert_element_type3A_214 = arith.extui %lt3A_213 : i1 to i32
        %cond3A_215 = arith.constant 0 : i32
        %cond3A_216 = arith.cmpi ne, %convert_element_type3A_214, %cond3A_215 : i32
        scf.if %cond3A_216 {
          %ge3A_217 = arith.constant 1 : i32
          %ge3A_218 = arith.cmpi sge, %scan3A_156, %ge3A_217 : i32
          %convert_element_type3A_219 = arith.extui %ge3A_218 : i1 to i32
          %cond3A_220 = arith.constant 0 : i32
          %cond3A_221 = arith.cmpi ne, %convert_element_type3A_219, %cond3A_220 : i32
          scf.if %cond3A_221 {
            %dma_wait3A_248 = arith.constant 0 : i32
            %dma_wait3A_249 = arith.constant 0 : i32
            %dma_wait3A_250 = arith.constant 0 : i32
            %dma_wait3A_251 = tpu.memref_slice %arg10[%dma_wait3A_248, %dma_wait3A_249, %dma_wait3A_250] : memref<3x128x128xf32, #tpu.memory_space<vmem>> -> memref<1x128x128xf32, #tpu.memory_space<vmem>>
            %dma_wait3A_252 = tpu.memref_squeeze %dma_wait3A_251 : memref<1x128x128xf32, #tpu.memory_space<vmem>> -> memref<128x128xf32, #tpu.memory_space<vmem>>
            %dma_wait3A_253 = arith.constant 0 : i32
            %dma_wait3A_254 = arith.constant 0 : i32
            %dma_wait3A_255 = tpu.memref_slice %arg6[%dma_wait3A_253, %dma_wait3A_254] : memref<160000x128xf32, #tpu.memory_space<hbm>> -> memref<128x128xf32, #tpu.memory_space<hbm>>
            %dma_wait3A_256 = arith.constant 0 : i32
            %dma_wait3A_257 = arith.constant 0 : i32
            %dma_wait3A_258 = tpu.memref_slice %arg6[%dma_wait3A_256, %dma_wait3A_257] : memref<160000x128xf32, #tpu.memory_space<hbm>> -> memref<128x128xf32, #tpu.memory_space<hbm>>
            %dma_wait3A_259 = arith.constant 0 : i32
            %dma_wait3A_260 = arith.constant 0 : i32
            %dma_wait3A_261 = tpu.memref_slice %arg10[%dma_wait3A_248, %dma_wait3A_259, %dma_wait3A_260] : memref<3x128x128xf32, #tpu.memory_space<vmem>> -> memref<1x128x128xf32, #tpu.memory_space<vmem>>
            %dma_wait3A_262 = tpu.memref_squeeze %dma_wait3A_261 : memref<1x128x128xf32, #tpu.memory_space<vmem>> -> memref<128x128xf32, #tpu.memory_space<vmem>>
            tpu.wait_dma2 semaphore(%arg13 : memref<!tpu.dma_semaphore, #tpu.memory_space<semaphore_mem>>) src(%dma_wait3A_262 : memref<128x128xf32, #tpu.memory_space<vmem>>) dst(%dma_wait3A_258 : memref<128x128xf32, #tpu.memory_space<hbm>>)
            %dma_wait3A_263 = arith.constant 0 : i32
            %dma_wait3A_264 = arith.constant 0 : i32
            %dma_wait3A_265 = arith.constant 0 : i32
            %dma_wait3A_266 = tpu.memref_slice %arg11[%dma_wait3A_263, %dma_wait3A_264, %dma_wait3A_265] : memref<3x128x128xf32, #tpu.memory_space<vmem>> -> memref<1x128x128xf32, #tpu.memory_space<vmem>>
            %dma_wait3A_267 = tpu.memref_squeeze %dma_wait3A_266 : memref<1x128x128xf32, #tpu.memory_space<vmem>> -> memref<128x128xf32, #tpu.memory_space<vmem>>
            %dma_wait3A_268 = arith.constant 0 : i32
            %dma_wait3A_269 = arith.constant 0 : i32
            %dma_wait3A_270 = tpu.memref_slice %arg7[%dma_wait3A_268, %dma_wait3A_269] : memref<160000x128xf32, #tpu.memory_space<hbm>> -> memref<128x128xf32, #tpu.memory_space<hbm>>
            %dma_wait3A_271 = arith.constant 0 : i32
            %dma_wait3A_272 = arith.constant 0 : i32
            %dma_wait3A_273 = tpu.memref_slice %arg7[%dma_wait3A_271, %dma_wait3A_272] : memref<160000x128xf32, #tpu.memory_space<hbm>> -> memref<128x128xf32, #tpu.memory_space<hbm>>
            %dma_wait3A_274 = arith.constant 0 : i32
            %dma_wait3A_275 = arith.constant 0 : i32
            %dma_wait3A_276 = tpu.memref_slice %arg11[%dma_wait3A_263, %dma_wait3A_274, %dma_wait3A_275] : memref<3x128x128xf32, #tpu.memory_space<vmem>> -> memref<1x128x128xf32, #tpu.memory_space<vmem>>
            %dma_wait3A_277 = tpu.memref_squeeze %dma_wait3A_276 : memref<1x128x128xf32, #tpu.memory_space<vmem>> -> memref<128x128xf32, #tpu.memory_space<vmem>>
            tpu.wait_dma2 semaphore(%arg13 : memref<!tpu.dma_semaphore, #tpu.memory_space<semaphore_mem>>) src(%dma_wait3A_277 : memref<128x128xf32, #tpu.memory_space<vmem>>) dst(%dma_wait3A_273 : memref<128x128xf32, #tpu.memory_space<hbm>>)
          } else {
          }
          %add3A_222 = arith.constant 2 : i32
          %add3A_223 = arith.addi %scan3A_156, %add3A_222 : i32
          %rem3A_224 = arith.constant 3 : i32
          %rem3A_225 = arith.remsi %add3A_223, %rem3A_224 : i32
          %dma_start3A_226 = arith.constant 0 : i32
          %dma_start3A_227 = arith.constant 0 : i32
          %dma_start3A_228 = arith.constant 0 : i32
          %dma_start3A_229 = tpu.memref_slice %arg10[%rem3A_225, %dma_start3A_227, %dma_start3A_228] : memref<3x128x128xf32, #tpu.memory_space<vmem>> -> memref<1x128x128xf32, #tpu.memory_space<vmem>>
          %dma_start3A_230 = tpu.memref_squeeze %dma_start3A_229 : memref<1x128x128xf32, #tpu.memory_space<vmem>> -> memref<128x128xf32, #tpu.memory_space<vmem>>
          %dma_start3A_231 = arith.constant 0 : i32
          %dma_start3A_232 = tpu.memref_slice %arg8[%add3A_223, %dma_start3A_226, %dma_start3A_231] : memref<40x1x128xi32, #tpu.memory_space<vmem>> -> memref<1x1x128xi32, #tpu.memory_space<vmem>>
          %dma_start3A_233 = tpu.memref_squeeze %dma_start3A_232 : memref<1x1x128xi32, #tpu.memory_space<vmem>> -> memref<128xi32, #tpu.memory_space<vmem>>
          %dma_start3A_234 = arith.constant 0 : i32
          %dma_start3A_235 = arith.constant 0 : i32
          %dma_start3A_236 = tpu.memref_slice %arg2[%dma_start3A_234, %dma_start3A_235] : memref<10000x128xf32, #tpu.memory_space<hbm>> -> memref<10000x128xf32, #tpu.memory_space<hbm>>
          tpu.enqueue_indirect_dma source(%dma_start3A_236 : memref<10000x128xf32, #tpu.memory_space<hbm>>) target(%dma_start3A_230 : memref<128x128xf32, #tpu.memory_space<vmem>>) offsets(%dma_start3A_233 : memref<128xi32, #tpu.memory_space<vmem>>) semaphore(%arg12 : memref<!tpu.dma_semaphore, #tpu.memory_space<semaphore_mem>>)
          %dma_start3A_237 = arith.constant 0 : i32
          %dma_start3A_238 = arith.constant 0 : i32
          %dma_start3A_239 = arith.constant 0 : i32
          %dma_start3A_240 = tpu.memref_slice %arg11[%rem3A_225, %dma_start3A_238, %dma_start3A_239] : memref<3x128x128xf32, #tpu.memory_space<vmem>> -> memref<1x128x128xf32, #tpu.memory_space<vmem>>
          %dma_start3A_241 = tpu.memref_squeeze %dma_start3A_240 : memref<1x128x128xf32, #tpu.memory_space<vmem>> -> memref<128x128xf32, #tpu.memory_space<vmem>>
          %dma_start3A_242 = arith.constant 0 : i32
          %dma_start3A_243 = tpu.memref_slice %arg9[%add3A_223, %dma_start3A_237, %dma_start3A_242] : memref<40x1x128xi32, #tpu.memory_space<vmem>> -> memref<1x1x128xi32, #tpu.memory_space<vmem>>
          %dma_start3A_244 = tpu.memref_squeeze %dma_start3A_243 : memref<1x1x128xi32, #tpu.memory_space<vmem>> -> memref<128xi32, #tpu.memory_space<vmem>>
          %dma_start3A_245 = arith.constant 0 : i32
          %dma_start3A_246 = arith.constant 0 : i32
          %dma_start3A_247 = tpu.memref_slice %arg3[%dma_start3A_245, %dma_start3A_246] : memref<10000x128xf32, #tpu.memory_space<hbm>> -> memref<10000x128xf32, #tpu.memory_space<hbm>>
          tpu.enqueue_indirect_dma source(%dma_start3A_247 : memref<10000x128xf32, #tpu.memory_space<hbm>>) target(%dma_start3A_241 : memref<128x128xf32, #tpu.memory_space<vmem>>) offsets(%dma_start3A_244 : memref<128xi32, #tpu.memory_space<vmem>>) semaphore(%arg12 : memref<!tpu.dma_semaphore, #tpu.memory_space<semaphore_mem>>)
        } else {
        }
      } else {
      }
    }
    %scan3A_66 = arith.constant 40 : i32
    %dma_wait3A = arith.constant 0 : i32
    %dma_wait3A_67 = arith.constant 0 : i32
    %dma_wait3A_68 = arith.constant 0 : i32
    %dma_wait3A_69 = tpu.memref_slice %arg10[%dma_wait3A, %dma_wait3A_67, %dma_wait3A_68] : memref<3x128x128xf32, #tpu.memory_space<vmem>> -> memref<1x128x128xf32, #tpu.memory_space<vmem>>
    %dma_wait3A_70 = tpu.memref_squeeze %dma_wait3A_69 : memref<1x128x128xf32, #tpu.memory_space<vmem>> -> memref<128x128xf32, #tpu.memory_space<vmem>>
    %dma_wait3A_71 = arith.constant 0 : i32
    %dma_wait3A_72 = arith.constant 0 : i32
    %dma_wait3A_73 = tpu.memref_slice %arg6[%dma_wait3A_71, %dma_wait3A_72] : memref<160000x128xf32, #tpu.memory_space<hbm>> -> memref<128x128xf32, #tpu.memory_space<hbm>>
    %dma_wait3A_74 = arith.constant 0 : i32
    %dma_wait3A_75 = arith.constant 0 : i32
    %dma_wait3A_76 = tpu.memref_slice %arg6[%dma_wait3A_74, %dma_wait3A_75] : memref<160000x128xf32, #tpu.memory_space<hbm>> -> memref<128x128xf32, #tpu.memory_space<hbm>>
    %dma_wait3A_77 = arith.constant 0 : i32
    %dma_wait3A_78 = arith.constant 0 : i32
    %dma_wait3A_79 = tpu.memref_slice %arg10[%dma_wait3A, %dma_wait3A_77, %dma_wait3A_78] : memref<3x128x128xf32, #tpu.memory_space<vmem>> -> memref<1x128x128xf32, #tpu.memory_space<vmem>>
    %dma_wait3A_80 = tpu.memref_squeeze %dma_wait3A_79 : memref<1x128x128xf32, #tpu.memory_space<vmem>> -> memref<128x128xf32, #tpu.memory_space<vmem>>
    tpu.wait_dma2 semaphore(%arg13 : memref<!tpu.dma_semaphore, #tpu.memory_space<semaphore_mem>>) src(%dma_wait3A_80 : memref<128x128xf32, #tpu.memory_space<vmem>>) dst(%dma_wait3A_76 : memref<128x128xf32, #tpu.memory_space<hbm>>)
    %dma_wait3A_81 = arith.constant 0 : i32
    %dma_wait3A_82 = arith.constant 0 : i32
    %dma_wait3A_83 = arith.constant 0 : i32
    %dma_wait3A_84 = tpu.memref_slice %arg11[%dma_wait3A_81, %dma_wait3A_82, %dma_wait3A_83] : memref<3x128x128xf32, #tpu.memory_space<vmem>> -> memref<1x128x128xf32, #tpu.memory_space<vmem>>
    %dma_wait3A_85 = tpu.memref_squeeze %dma_wait3A_84 : memref<1x128x128xf32, #tpu.memory_space<vmem>> -> memref<128x128xf32, #tpu.memory_space<vmem>>
    %dma_wait3A_86 = arith.constant 0 : i32
    %dma_wait3A_87 = arith.constant 0 : i32
    %dma_wait3A_88 = tpu.memref_slice %arg7[%dma_wait3A_86, %dma_wait3A_87] : memref<160000x128xf32, #tpu.memory_space<hbm>> -> memref<128x128xf32, #tpu.memory_space<hbm>>
    %dma_wait3A_89 = arith.constant 0 : i32
    %dma_wait3A_90 = arith.constant 0 : i32
    %dma_wait3A_91 = tpu.memref_slice %arg7[%dma_wait3A_89, %dma_wait3A_90] : memref<160000x128xf32, #tpu.memory_space<hbm>> -> memref<128x128xf32, #tpu.memory_space<hbm>>
    %dma_wait3A_92 = arith.constant 0 : i32
    %dma_wait3A_93 = arith.constant 0 : i32
    %dma_wait3A_94 = tpu.memref_slice %arg11[%dma_wait3A_81, %dma_wait3A_92, %dma_wait3A_93] : memref<3x128x128xf32, #tpu.memory_space<vmem>> -> memref<1x128x128xf32, #tpu.memory_space<vmem>>
    %dma_wait3A_95 = tpu.memref_squeeze %dma_wait3A_94 : memref<1x128x128xf32, #tpu.memory_space<vmem>> -> memref<128x128xf32, #tpu.memory_space<vmem>>
    tpu.wait_dma2 semaphore(%arg13 : memref<!tpu.dma_semaphore, #tpu.memory_space<semaphore_mem>>) src(%dma_wait3A_95 : memref<128x128xf32, #tpu.memory_space<vmem>>) dst(%dma_wait3A_91 : memref<128x128xf32, #tpu.memory_space<hbm>>)
    %dma_wait3A_96 = arith.constant 0 : i32
    %dma_wait3A_97 = arith.constant 0 : i32
    %dma_wait3A_98 = arith.constant 0 : i32
    %dma_wait3A_99 = tpu.memref_slice %arg10[%dma_wait3A_96, %dma_wait3A_97, %dma_wait3A_98] : memref<3x128x128xf32, #tpu.memory_space<vmem>> -> memref<1x128x128xf32, #tpu.memory_space<vmem>>
    %dma_wait3A_100 = tpu.memref_squeeze %dma_wait3A_99 : memref<1x128x128xf32, #tpu.memory_space<vmem>> -> memref<128x128xf32, #tpu.memory_space<vmem>>
    %dma_wait3A_101 = arith.constant 0 : i32
    %dma_wait3A_102 = arith.constant 0 : i32
    %dma_wait3A_103 = tpu.memref_slice %arg6[%dma_wait3A_101, %dma_wait3A_102] : memref<160000x128xf32, #tpu.memory_space<hbm>> -> memref<128x128xf32, #tpu.memory_space<hbm>>
    %dma_wait3A_104 = arith.constant 0 : i32
    %dma_wait3A_105 = arith.constant 0 : i32
    %dma_wait3A_106 = tpu.memref_slice %arg6[%dma_wait3A_104, %dma_wait3A_105] : memref<160000x128xf32, #tpu.memory_space<hbm>> -> memref<128x128xf32, #tpu.memory_space<hbm>>
    %dma_wait3A_107 = arith.constant 0 : i32
    %dma_wait3A_108 = arith.constant 0 : i32
    %dma_wait3A_109 = tpu.memref_slice %arg10[%dma_wait3A_96, %dma_wait3A_107, %dma_wait3A_108] : memref<3x128x128xf32, #tpu.memory_space<vmem>> -> memref<1x128x128xf32, #tpu.memory_space<vmem>>
    %dma_wait3A_110 = tpu.memref_squeeze %dma_wait3A_109 : memref<1x128x128xf32, #tpu.memory_space<vmem>> -> memref<128x128xf32, #tpu.memory_space<vmem>>
    tpu.wait_dma2 semaphore(%arg13 : memref<!tpu.dma_semaphore, #tpu.memory_space<semaphore_mem>>) src(%dma_wait3A_110 : memref<128x128xf32, #tpu.memory_space<vmem>>) dst(%dma_wait3A_106 : memref<128x128xf32, #tpu.memory_space<hbm>>)
    %dma_wait3A_111 = arith.constant 0 : i32
    %dma_wait3A_112 = arith.constant 0 : i32
    %dma_wait3A_113 = arith.constant 0 : i32
    %dma_wait3A_114 = tpu.memref_slice %arg11[%dma_wait3A_111, %dma_wait3A_112, %dma_wait3A_113] : memref<3x128x128xf32, #tpu.memory_space<vmem>> -> memref<1x128x128xf32, #tpu.memory_space<vmem>>
    %dma_wait3A_115 = tpu.memref_squeeze %dma_wait3A_114 : memref<1x128x128xf32, #tpu.memory_space<vmem>> -> memref<128x128xf32, #tpu.memory_space<vmem>>
    %dma_wait3A_116 = arith.constant 0 : i32
    %dma_wait3A_117 = arith.constant 0 : i32
    %dma_wait3A_118 = tpu.memref_slice %arg7[%dma_wait3A_116, %dma_wait3A_117] : memref<160000x128xf32, #tpu.memory_space<hbm>> -> memref<128x128xf32, #tpu.memory_space<hbm>>
    %dma_wait3A_119 = arith.constant 0 : i32
    %dma_wait3A_120 = arith.constant 0 : i32
    %dma_wait3A_121 = tpu.memref_slice %arg7[%dma_wait3A_119, %dma_wait3A_120] : memref<160000x128xf32, #tpu.memory_space<hbm>> -> memref<128x128xf32, #tpu.memory_space<hbm>>
    %dma_wait3A_122 = arith.constant 0 : i32
    %dma_wait3A_123 = arith.constant 0 : i32
    %dma_wait3A_124 = tpu.memref_slice %arg11[%dma_wait3A_111, %dma_wait3A_122, %dma_wait3A_123] : memref<3x128x128xf32, #tpu.memory_space<vmem>> -> memref<1x128x128xf32, #tpu.memory_space<vmem>>
    %dma_wait3A_125 = tpu.memref_squeeze %dma_wait3A_124 : memref<1x128x128xf32, #tpu.memory_space<vmem>> -> memref<128x128xf32, #tpu.memory_space<vmem>>
    tpu.wait_dma2 semaphore(%arg13 : memref<!tpu.dma_semaphore, #tpu.memory_space<semaphore_mem>>) src(%dma_wait3A_125 : memref<128x128xf32, #tpu.memory_space<vmem>>) dst(%dma_wait3A_121 : memref<128x128xf32, #tpu.memory_space<hbm>>)
    %dma_wait3A_126 = arith.constant 0 : i32
    %dma_wait3A_127 = arith.constant 0 : i32
    %dma_wait3A_128 = arith.constant 0 : i32
    %dma_wait3A_129 = tpu.memref_slice %arg10[%dma_wait3A_126, %dma_wait3A_127, %dma_wait3A_128] : memref<3x128x128xf32, #tpu.memory_space<vmem>> -> memref<1x128x128xf32, #tpu.memory_space<vmem>>
    %dma_wait3A_130 = tpu.memref_squeeze %dma_wait3A_129 : memref<1x128x128xf32, #tpu.memory_space<vmem>> -> memref<128x128xf32, #tpu.memory_space<vmem>>
    %dma_wait3A_131 = arith.constant 0 : i32
    %dma_wait3A_132 = arith.constant 0 : i32
    %dma_wait3A_133 = tpu.memref_slice %arg6[%dma_wait3A_131, %dma_wait3A_132] : memref<160000x128xf32, #tpu.memory_space<hbm>> -> memref<128x128xf32, #tpu.memory_space<hbm>>
    %dma_wait3A_134 = arith.constant 0 : i32
    %dma_wait3A_135 = arith.constant 0 : i32
    %dma_wait3A_136 = tpu.memref_slice %arg6[%dma_wait3A_134, %dma_wait3A_135] : memref<160000x128xf32, #tpu.memory_space<hbm>> -> memref<128x128xf32, #tpu.memory_space<hbm>>
    %dma_wait3A_137 = arith.constant 0 : i32
    %dma_wait3A_138 = arith.constant 0 : i32
    %dma_wait3A_139 = tpu.memref_slice %arg10[%dma_wait3A_126, %dma_wait3A_137, %dma_wait3A_138] : memref<3x128x128xf32, #tpu.memory_space<vmem>> -> memref<1x128x128xf32, #tpu.memory_space<vmem>>
    %dma_wait3A_140 = tpu.memref_squeeze %dma_wait3A_139 : memref<1x128x128xf32, #tpu.memory_space<vmem>> -> memref<128x128xf32, #tpu.memory_space<vmem>>
    tpu.wait_dma2 semaphore(%arg13 : memref<!tpu.dma_semaphore, #tpu.memory_space<semaphore_mem>>) src(%dma_wait3A_140 : memref<128x128xf32, #tpu.memory_space<vmem>>) dst(%dma_wait3A_136 : memref<128x128xf32, #tpu.memory_space<hbm>>)
    %dma_wait3A_141 = arith.constant 0 : i32
    %dma_wait3A_142 = arith.constant 0 : i32
    %dma_wait3A_143 = arith.constant 0 : i32
    %dma_wait3A_144 = tpu.memref_slice %arg11[%dma_wait3A_141, %dma_wait3A_142, %dma_wait3A_143] : memref<3x128x128xf32, #tpu.memory_space<vmem>> -> memref<1x128x128xf32, #tpu.memory_space<vmem>>
    %dma_wait3A_145 = tpu.memref_squeeze %dma_wait3A_144 : memref<1x128x128xf32, #tpu.memory_space<vmem>> -> memref<128x128xf32, #tpu.memory_space<vmem>>
    %dma_wait3A_146 = arith.constant 0 : i32
    %dma_wait3A_147 = arith.constant 0 : i32
    %dma_wait3A_148 = tpu.memref_slice %arg7[%dma_wait3A_146, %dma_wait3A_147] : memref<160000x128xf32, #tpu.memory_space<hbm>> -> memref<128x128xf32, #tpu.memory_space<hbm>>
    %dma_wait3A_149 = arith.constant 0 : i32
    %dma_wait3A_150 = arith.constant 0 : i32
    %dma_wait3A_151 = tpu.memref_slice %arg7[%dma_wait3A_149, %dma_wait3A_150] : memref<160000x128xf32, #tpu.memory_space<hbm>> -> memref<128x128xf32, #tpu.memory_space<hbm>>
    %dma_wait3A_152 = arith.constant 0 : i32
    %dma_wait3A_153 = arith.constant 0 : i32
    %dma_wait3A_154 = tpu.memref_slice %arg11[%dma_wait3A_141, %dma_wait3A_152, %dma_wait3A_153] : memref<3x128x128xf32, #tpu.memory_space<vmem>> -> memref<1x128x128xf32, #tpu.memory_space<vmem>>
    %dma_wait3A_155 = tpu.memref_squeeze %dma_wait3A_154 : memref<1x128x128xf32, #tpu.memory_space<vmem>> -> memref<128x128xf32, #tpu.memory_space<vmem>>
    tpu.wait_dma2 semaphore(%arg13 : memref<!tpu.dma_semaphore, #tpu.memory_space<semaphore_mem>>) src(%dma_wait3A_155 : memref<128x128xf32, #tpu.memory_space<vmem>>) dst(%dma_wait3A_151 : memref<128x128xf32, #tpu.memory_space<hbm>>)
    return
  }
}

#map = affine_map<(d0, d1) -> (0, 0)>
#map1 = affine_map<(d0, d1) -> (0, 0, 0, 0, 0)>
#map2 = affine_map<(d0, d1) -> (0)>
module attributes {stable_mosaic.version = 14 : i64} {
  func.func @body(%arg0: i32, %arg1: i32, %arg2: memref<10000x128xf32, #tpu.memory_space<hbm>>, %arg3: memref<10000x128xf32, #tpu.memory_space<hbm>>, %arg4: memref<16x5x25x1x80xi32, #tpu.memory_space<hbm>>, %arg5: memref<16x5x25x1x80xi32, #tpu.memory_space<hbm>>, %arg6: memref<16x5x25x1x80xi32, #tpu.memory_space<hbm>>, %arg7: memref<16x5x25x1x80xi32, #tpu.memory_space<hbm>>, %arg8: memref<10000x128xf32, #tpu.memory_space<hbm>>, %arg9: memref<10000xf32, #tpu.memory_space<hbm>>, %arg10: memref<10000x128xf32, #tpu.memory_space<hbm>>, %arg11: memref<10000x128xf32, #tpu.memory_space<hbm>>, %arg12: memref<10000xf32, #tpu.memory_space<hbm>>, %arg13: memref<10000xf32, #tpu.memory_space<hbm>>, %arg14: memref<25x1x80xi32, #tpu.memory_space<vmem>>, %arg15: memref<25x1x80xi32, #tpu.memory_space<vmem>>, %arg16: memref<3x80x128xf32, #tpu.memory_space<vmem>>, %arg17: memref<80xf32, #tpu.memory_space<vmem>>, %arg18: memref<10000x128xf32, #tpu.memory_space<vmem_shared>>, %arg19: memref<10000xf32, #tpu.memory_space<vmem_shared>>, %arg20: memref<!tpu.dma_semaphore, #tpu.memory_space<semaphore_mem>>, %arg21: memref<!tpu.dma_semaphore, #tpu.memory_space<semaphore_mem>>, %arg22: memref<!tpu.dma_semaphore, #tpu.memory_space<semaphore_mem>>) attributes {dimension_semantics = [#tpu.dimension_semantics<core_parallel>, #tpu.dimension_semantics<subcore_parallel>], iteration_bounds = array<i64: 2, 16>, scalar_prefetch = 0 : i64, scratch_operands = 9 : i64, tpu.core_type = #tpu.core_type<sc_vector_subcore>, window_params = [{transform_indices = #map}, {transform_indices = #map}, {transform_indices = #map1}, {transform_indices = #map1}, {transform_indices = #map1}, {transform_indices = #map1}, {transform_indices = #map}, {transform_indices = #map2}, {transform_indices = #map}, {transform_indices = #map}, {transform_indices = #map2}, {transform_indices = #map2}]} {
    %eq3A = arith.constant 0 : i32
    %eq3A_0 = arith.cmpi eq, %arg0, %eq3A : i32
    %convert_element_type3A = arith.extui %eq3A_0 : i1 to i32
    %cond3A = arith.constant 0 : i32
    %cond3A_1 = arith.cmpi ne, %convert_element_type3A, %cond3A : i32
    scf.if %cond3A_1 {
      %lt3A = arith.constant 15 : i32
      %lt3A_7 = arith.cmpi slt, %arg1, %lt3A : i32
      %convert_element_type3A_8 = arith.extui %lt3A_7 : i1 to i32
      %cond3A_9 = arith.constant 0 : i32
      %cond3A_10 = arith.cmpi ne, %convert_element_type3A_8, %cond3A_9 : i32
      scf.if %cond3A_10 {
        %mul3A = arith.constant 624 : i32
        %mul3A_70 = arith.muli %arg1, %mul3A : i32
        %mul3A_71 = arith.constant 624 : i32
        %mul3A_72 = arith.muli %arg1, %mul3A_71 : i32
        "tpu.region"() ({
          %run_scoped3A = tpu.sem_alloc : memref<!tpu.dma_semaphore, #tpu.memory_space<semaphore_mem>>
          %dma_start3A = arith.constant 0 : i32
          %dma_start3A_73 = tpu.memref_slice %arg18[%mul3A_72, %dma_start3A] : memref<10000x128xf32, #tpu.memory_space<vmem_shared>> -> memref<624x128xf32, #tpu.memory_space<vmem_shared>>
          %dma_start3A_74 = arith.constant 0 : i32
          %dma_start3A_75 = tpu.memref_slice %arg8[%mul3A_70, %dma_start3A_74] : memref<10000x128xf32, #tpu.memory_space<hbm>> -> memref<624x128xf32, #tpu.memory_space<hbm>>
          tpu.enqueue_dma source(%dma_start3A_75 : memref<624x128xf32, #tpu.memory_space<hbm>>) target(%dma_start3A_73 : memref<624x128xf32, #tpu.memory_space<vmem_shared>>) target_semaphore(%run_scoped3A : memref<!tpu.dma_semaphore, #tpu.memory_space<semaphore_mem>>)
          %dma_wait3A = arith.constant 0 : i32
          %dma_wait3A_76 = tpu.memref_slice %arg18[%mul3A_72, %dma_wait3A] : memref<10000x128xf32, #tpu.memory_space<vmem_shared>> -> memref<624x128xf32, #tpu.memory_space<vmem_shared>>
          %dma_wait3A_77 = arith.constant 0 : i32
          %dma_wait3A_78 = tpu.memref_slice %arg8[%mul3A_70, %dma_wait3A_77] : memref<10000x128xf32, #tpu.memory_space<hbm>> -> memref<624x128xf32, #tpu.memory_space<hbm>>
          tpu.wait_dma2 semaphore(%run_scoped3A : memref<!tpu.dma_semaphore, #tpu.memory_space<semaphore_mem>>) src(%dma_wait3A_78 : memref<624x128xf32, #tpu.memory_space<hbm>>) dst(%dma_wait3A_76 : memref<624x128xf32, #tpu.memory_space<vmem_shared>>)
          tpu.yield
        }) : () -> ()
      } else {
      }
      %eq3A_11 = arith.constant 15 : i32
      %eq3A_12 = arith.cmpi eq, %arg1, %eq3A_11 : i32
      %convert_element_type3A_13 = arith.extui %eq3A_12 : i1 to i32
      %cond3A_14 = arith.constant 0 : i32
      %cond3A_15 = arith.cmpi ne, %convert_element_type3A_13, %cond3A_14 : i32
      scf.if %cond3A_15 {
        "tpu.region"() ({
          %run_scoped3A = tpu.sem_alloc : memref<!tpu.dma_semaphore, #tpu.memory_space<semaphore_mem>>
          %dma_start3A = arith.constant 9360 : i32
          %dma_start3A_70 = arith.constant 0 : i32
          %dma_start3A_71 = tpu.memref_slice %arg18[%dma_start3A, %dma_start3A_70] : memref<10000x128xf32, #tpu.memory_space<vmem_shared>> -> memref<640x128xf32, #tpu.memory_space<vmem_shared>>
          %dma_start3A_72 = arith.constant 9360 : i32
          %dma_start3A_73 = arith.constant 0 : i32
          %dma_start3A_74 = tpu.memref_slice %arg8[%dma_start3A_72, %dma_start3A_73] : memref<10000x128xf32, #tpu.memory_space<hbm>> -> memref<640x128xf32, #tpu.memory_space<hbm>>
          tpu.enqueue_dma source(%dma_start3A_74 : memref<640x128xf32, #tpu.memory_space<hbm>>) target(%dma_start3A_71 : memref<640x128xf32, #tpu.memory_space<vmem_shared>>) target_semaphore(%run_scoped3A : memref<!tpu.dma_semaphore, #tpu.memory_space<semaphore_mem>>)
          %dma_wait3A = arith.constant 9360 : i32
          %dma_wait3A_75 = arith.constant 0 : i32
          %dma_wait3A_76 = tpu.memref_slice %arg18[%dma_wait3A, %dma_wait3A_75] : memref<10000x128xf32, #tpu.memory_space<vmem_shared>> -> memref<640x128xf32, #tpu.memory_space<vmem_shared>>
          %dma_wait3A_77 = arith.constant 9360 : i32
          %dma_wait3A_78 = arith.constant 0 : i32
          %dma_wait3A_79 = tpu.memref_slice %arg8[%dma_wait3A_77, %dma_wait3A_78] : memref<10000x128xf32, #tpu.memory_space<hbm>> -> memref<640x128xf32, #tpu.memory_space<hbm>>
          tpu.wait_dma2 semaphore(%run_scoped3A : memref<!tpu.dma_semaphore, #tpu.memory_space<semaphore_mem>>) src(%dma_wait3A_79 : memref<640x128xf32, #tpu.memory_space<hbm>>) dst(%dma_wait3A_76 : memref<640x128xf32, #tpu.memory_space<vmem_shared>>)
          tpu.yield
        }) : () -> ()
      } else {
      }
      %broadcast_in_dim3A = arith.constant 1.000000e+00 : f32
      %broadcast_in_dim3A_16 = vector.broadcast %broadcast_in_dim3A : f32 to vector<16xf32>
      %swap3A = arith.constant 0 : index
      %swap3A_17 = tpu.vector_load %arg17[%swap3A] {strides = array<i32>} : memref<80xf32, #tpu.memory_space<vmem>>, vector<16xf32>,
      %swap3A_18 = vector.shape_cast %swap3A_17 : vector<16xf32> to vector<16xf32>
      %swap3A_19 = vector.shape_cast %broadcast_in_dim3A_16 : vector<16xf32> to vector<16xf32>
      tpu.vector_store %arg17[%swap3A], %swap3A_19 {strides = array<i32>} : memref<80xf32, #tpu.memory_space<vmem>>, vector<16xf32>,
      %broadcast_in_dim3A_20 = arith.constant 1.000000e+00 : f32
      %broadcast_in_dim3A_21 = vector.broadcast %broadcast_in_dim3A_20 : f32 to vector<16xf32>
      %swap3A_22 = arith.constant 16 : index
      %swap3A_23 = tpu.vector_load %arg17[%swap3A_22] {strides = array<i32>} : memref<80xf32, #tpu.memory_space<vmem>>, vector<16xf32>,
      %swap3A_24 = vector.shape_cast %swap3A_23 : vector<16xf32> to vector<16xf32>
      %swap3A_25 = vector.shape_cast %broadcast_in_dim3A_21 : vector<16xf32> to vector<16xf32>
      tpu.vector_store %arg17[%swap3A_22], %swap3A_25 {strides = array<i32>} : memref<80xf32, #tpu.memory_space<vmem>>, vector<16xf32>,
      %broadcast_in_dim3A_26 = arith.constant 1.000000e+00 : f32
      %broadcast_in_dim3A_27 = vector.broadcast %broadcast_in_dim3A_26 : f32 to vector<16xf32>
      %swap3A_28 = arith.constant 32 : index
      %swap3A_29 = tpu.vector_load %arg17[%swap3A_28] {strides = array<i32>} : memref<80xf32, #tpu.memory_space<vmem>>, vector<16xf32>,
      %swap3A_30 = vector.shape_cast %swap3A_29 : vector<16xf32> to vector<16xf32>
      %swap3A_31 = vector.shape_cast %broadcast_in_dim3A_27 : vector<16xf32> to vector<16xf32>
      tpu.vector_store %arg17[%swap3A_28], %swap3A_31 {strides = array<i32>} : memref<80xf32, #tpu.memory_space<vmem>>, vector<16xf32>,
      %broadcast_in_dim3A_32 = arith.constant 1.000000e+00 : f32
      %broadcast_in_dim3A_33 = vector.broadcast %broadcast_in_dim3A_32 : f32 to vector<16xf32>
      %swap3A_34 = arith.constant 48 : index
      %swap3A_35 = tpu.vector_load %arg17[%swap3A_34] {strides = array<i32>} : memref<80xf32, #tpu.memory_space<vmem>>, vector<16xf32>,
      %swap3A_36 = vector.shape_cast %swap3A_35 : vector<16xf32> to vector<16xf32>
      %swap3A_37 = vector.shape_cast %broadcast_in_dim3A_33 : vector<16xf32> to vector<16xf32>
      tpu.vector_store %arg17[%swap3A_34], %swap3A_37 {strides = array<i32>} : memref<80xf32, #tpu.memory_space<vmem>>, vector<16xf32>,
      %broadcast_in_dim3A_38 = arith.constant 1.000000e+00 : f32
      %broadcast_in_dim3A_39 = vector.broadcast %broadcast_in_dim3A_38 : f32 to vector<16xf32>
      %swap3A_40 = arith.constant 64 : index
      %swap3A_41 = tpu.vector_load %arg17[%swap3A_40] {strides = array<i32>} : memref<80xf32, #tpu.memory_space<vmem>>, vector<16xf32>,
      %swap3A_42 = vector.shape_cast %swap3A_41 : vector<16xf32> to vector<16xf32>
      %swap3A_43 = vector.shape_cast %broadcast_in_dim3A_39 : vector<16xf32> to vector<16xf32>
      tpu.vector_store %arg17[%swap3A_40], %swap3A_43 {strides = array<i32>} : memref<80xf32, #tpu.memory_space<vmem>>, vector<16xf32>,
      %eq3A_44 = arith.constant 0 : i32
      %eq3A_45 = arith.cmpi eq, %arg1, %eq3A_44 : i32
      %convert_element_type3A_46 = arith.extui %eq3A_45 : i1 to i32
      %cond3A_47 = arith.constant 0 : i32
      %cond3A_48 = arith.cmpi ne, %convert_element_type3A_46, %cond3A_47 : i32
      scf.if %cond3A_48 {
        "tpu.region"() ({
          %run_scoped3A = tpu.sem_alloc : memref<!tpu.dma_semaphore, #tpu.memory_space<semaphore_mem>>
          tpu.enqueue_dma source(%arg9 : memref<10000xf32, #tpu.memory_space<hbm>>) target(%arg19 : memref<10000xf32, #tpu.memory_space<vmem_shared>>) target_semaphore(%run_scoped3A : memref<!tpu.dma_semaphore, #tpu.memory_space<semaphore_mem>>)
          tpu.wait_dma2 semaphore(%run_scoped3A : memref<!tpu.dma_semaphore, #tpu.memory_space<semaphore_mem>>) src(%arg9 : memref<10000xf32, #tpu.memory_space<hbm>>) dst(%arg19 : memref<10000xf32, #tpu.memory_space<vmem_shared>>)
          tpu.yield
        }) : () -> ()
      } else {
      }
      %barrier3A = arith.constant 0 : index
      tpu.barrier barrier_id(%barrier3A)
      %scan3A = arith.constant 0 : i32
      %scan3A_49 = arith.constant 0 : i32
      %scan3A_50 = arith.constant 5 : i32
      %scan3A_51 = arith.addi %scan3A_49, %scan3A_50 : i32
      %scan3A_52 = arith.constant 1 : i32
      scf.for %scan3A_70 = %scan3A_49 to %scan3A_51 step %scan3A_52  : i32 {
        "tpu.region"() ({
          %run_scoped3A = tpu.sem_alloc : memref<!tpu.dma_semaphore, #tpu.memory_space<semaphore_mem>>
          %dma_start3A_147 = arith.constant 0 : i32
          %dma_start3A_148 = arith.constant 0 : i32
          %dma_start3A_149 = arith.constant 0 : i32
          %dma_start3A_150 = tpu.memref_slice %arg4[%arg1, %scan3A_70, %dma_start3A_147, %dma_start3A_148, %dma_start3A_149] : memref<16x5x25x1x80xi32, #tpu.memory_space<hbm>> -> memref<1x1x25x1x80xi32, #tpu.memory_space<hbm>>
          %dma_start3A_151 = tpu.memref_squeeze %dma_start3A_150 : memref<1x1x25x1x80xi32, #tpu.memory_space<hbm>> -> memref<25x1x80xi32, #tpu.memory_space<hbm>>
          %dma_start3A_152 = arith.constant 0 : i32
          %dma_start3A_153 = arith.constant 0 : i32
          %dma_start3A_154 = arith.constant 0 : i32
          %dma_start3A_155 = tpu.memref_slice %arg4[%arg1, %scan3A_70, %dma_start3A_152, %dma_start3A_153, %dma_start3A_154] : memref<16x5x25x1x80xi32, #tpu.memory_space<hbm>> -> memref<1x1x25x1x80xi32, #tpu.memory_space<hbm>>
          %dma_start3A_156 = tpu.memref_squeeze %dma_start3A_155 : memref<1x1x25x1x80xi32, #tpu.memory_space<hbm>> -> memref<25x1x80xi32, #tpu.memory_space<hbm>>
          tpu.enqueue_dma source(%dma_start3A_156 : memref<25x1x80xi32, #tpu.memory_space<hbm>>) target(%arg14 : memref<25x1x80xi32, #tpu.memory_space<vmem>>) target_semaphore(%run_scoped3A : memref<!tpu.dma_semaphore, #tpu.memory_space<semaphore_mem>>)
          %dma_wait3A_157 = arith.constant 0 : i32
          %dma_wait3A_158 = arith.constant 0 : i32
          %dma_wait3A_159 = arith.constant 0 : i32
          %dma_wait3A_160 = tpu.memref_slice %arg4[%arg1, %scan3A_70, %dma_wait3A_157, %dma_wait3A_158, %dma_wait3A_159] : memref<16x5x25x1x80xi32, #tpu.memory_space<hbm>> -> memref<1x1x25x1x80xi32, #tpu.memory_space<hbm>>
          %dma_wait3A_161 = tpu.memref_squeeze %dma_wait3A_160 : memref<1x1x25x1x80xi32, #tpu.memory_space<hbm>> -> memref<25x1x80xi32, #tpu.memory_space<hbm>>
          %dma_wait3A_162 = arith.constant 0 : i32
          %dma_wait3A_163 = arith.constant 0 : i32
          %dma_wait3A_164 = arith.constant 0 : i32
          %dma_wait3A_165 = tpu.memref_slice %arg4[%arg1, %scan3A_70, %dma_wait3A_162, %dma_wait3A_163, %dma_wait3A_164] : memref<16x5x25x1x80xi32, #tpu.memory_space<hbm>> -> memref<1x1x25x1x80xi32, #tpu.memory_space<hbm>>
          %dma_wait3A_166 = tpu.memref_squeeze %dma_wait3A_165 : memref<1x1x25x1x80xi32, #tpu.memory_space<hbm>> -> memref<25x1x80xi32, #tpu.memory_space<hbm>>
          tpu.wait_dma2 semaphore(%run_scoped3A : memref<!tpu.dma_semaphore, #tpu.memory_space<semaphore_mem>>) src(%dma_wait3A_166 : memref<25x1x80xi32, #tpu.memory_space<hbm>>) dst(%arg14 : memref<25x1x80xi32, #tpu.memory_space<vmem>>)
          tpu.yield
        }) : () -> ()
        "tpu.region"() ({
          %run_scoped3A = tpu.sem_alloc : memref<!tpu.dma_semaphore, #tpu.memory_space<semaphore_mem>>
          %dma_start3A_147 = arith.constant 0 : i32
          %dma_start3A_148 = arith.constant 0 : i32
          %dma_start3A_149 = arith.constant 0 : i32
          %dma_start3A_150 = tpu.memref_slice %arg5[%arg1, %scan3A_70, %dma_start3A_147, %dma_start3A_148, %dma_start3A_149] : memref<16x5x25x1x80xi32, #tpu.memory_space<hbm>> -> memref<1x1x25x1x80xi32, #tpu.memory_space<hbm>>
          %dma_start3A_151 = tpu.memref_squeeze %dma_start3A_150 : memref<1x1x25x1x80xi32, #tpu.memory_space<hbm>> -> memref<25x1x80xi32, #tpu.memory_space<hbm>>
          %dma_start3A_152 = arith.constant 0 : i32
          %dma_start3A_153 = arith.constant 0 : i32
          %dma_start3A_154 = arith.constant 0 : i32
          %dma_start3A_155 = tpu.memref_slice %arg5[%arg1, %scan3A_70, %dma_start3A_152, %dma_start3A_153, %dma_start3A_154] : memref<16x5x25x1x80xi32, #tpu.memory_space<hbm>> -> memref<1x1x25x1x80xi32, #tpu.memory_space<hbm>>
          %dma_start3A_156 = tpu.memref_squeeze %dma_start3A_155 : memref<1x1x25x1x80xi32, #tpu.memory_space<hbm>> -> memref<25x1x80xi32, #tpu.memory_space<hbm>>
          tpu.enqueue_dma source(%dma_start3A_156 : memref<25x1x80xi32, #tpu.memory_space<hbm>>) target(%arg15 : memref<25x1x80xi32, #tpu.memory_space<vmem>>) target_semaphore(%run_scoped3A : memref<!tpu.dma_semaphore, #tpu.memory_space<semaphore_mem>>)
          %dma_wait3A_157 = arith.constant 0 : i32
          %dma_wait3A_158 = arith.constant 0 : i32
          %dma_wait3A_159 = arith.constant 0 : i32
          %dma_wait3A_160 = tpu.memref_slice %arg5[%arg1, %scan3A_70, %dma_wait3A_157, %dma_wait3A_158, %dma_wait3A_159] : memref<16x5x25x1x80xi32, #tpu.memory_space<hbm>> -> memref<1x1x25x1x80xi32, #tpu.memory_space<hbm>>
          %dma_wait3A_161 = tpu.memref_squeeze %dma_wait3A_160 : memref<1x1x25x1x80xi32, #tpu.memory_space<hbm>> -> memref<25x1x80xi32, #tpu.memory_space<hbm>>
          %dma_wait3A_162 = arith.constant 0 : i32
          %dma_wait3A_163 = arith.constant 0 : i32
          %dma_wait3A_164 = arith.constant 0 : i32
          %dma_wait3A_165 = tpu.memref_slice %arg5[%arg1, %scan3A_70, %dma_wait3A_162, %dma_wait3A_163, %dma_wait3A_164] : memref<16x5x25x1x80xi32, #tpu.memory_space<hbm>> -> memref<1x1x25x1x80xi32, #tpu.memory_space<hbm>>
          %dma_wait3A_166 = tpu.memref_squeeze %dma_wait3A_165 : memref<1x1x25x1x80xi32, #tpu.memory_space<hbm>> -> memref<25x1x80xi32, #tpu.memory_space<hbm>>
          tpu.wait_dma2 semaphore(%run_scoped3A : memref<!tpu.dma_semaphore, #tpu.memory_space<semaphore_mem>>) src(%dma_wait3A_166 : memref<25x1x80xi32, #tpu.memory_space<hbm>>) dst(%arg15 : memref<25x1x80xi32, #tpu.memory_space<vmem>>)
          tpu.yield
        }) : () -> ()
        %dma_start3A = arith.constant 0 : i32
        %dma_start3A_71 = arith.constant 0 : i32
        %dma_start3A_72 = arith.constant 0 : i32
        %dma_start3A_73 = arith.constant 0 : i32
        %dma_start3A_74 = arith.constant 0 : i32
        %dma_start3A_75 = tpu.memref_slice %arg16[%dma_start3A_72, %dma_start3A_73, %dma_start3A_74] : memref<3x80x128xf32, #tpu.memory_space<vmem>> -> memref<1x80x128xf32, #tpu.memory_space<vmem>>
        %dma_start3A_76 = tpu.memref_squeeze %dma_start3A_75 : memref<1x80x128xf32, #tpu.memory_space<vmem>> -> memref<80x128xf32, #tpu.memory_space<vmem>>
        %dma_start3A_77 = arith.constant 0 : i32
        %dma_start3A_78 = tpu.memref_slice %arg14[%dma_start3A, %dma_start3A_71, %dma_start3A_77] : memref<25x1x80xi32, #tpu.memory_space<vmem>> -> memref<1x1x80xi32, #tpu.memory_space<vmem>>
        %dma_start3A_79 = tpu.memref_squeeze %dma_start3A_78 : memref<1x1x80xi32, #tpu.memory_space<vmem>> -> memref<80xi32, #tpu.memory_space<vmem>>
        %dma_start3A_80 = arith.constant 0 : i32
        %dma_start3A_81 = arith.constant 0 : i32
        %dma_start3A_82 = tpu.memref_slice %arg2[%dma_start3A_80, %dma_start3A_81] : memref<10000x128xf32, #tpu.memory_space<hbm>> -> memref<10000x128xf32, #tpu.memory_space<hbm>>
        tpu.enqueue_indirect_dma source(%dma_start3A_82 : memref<10000x128xf32, #tpu.memory_space<hbm>>) target(%dma_start3A_76 : memref<80x128xf32, #tpu.memory_space<vmem>>) offsets(%dma_start3A_79 : memref<80xi32, #tpu.memory_space<vmem>>) semaphore(%arg20 : memref<!tpu.dma_semaphore, #tpu.memory_space<semaphore_mem>>)
        %dma_start3A_83 = arith.constant 1 : i32
        %dma_start3A_84 = arith.constant 0 : i32
        %dma_start3A_85 = arith.constant 1 : i32
        %dma_start3A_86 = arith.constant 0 : i32
        %dma_start3A_87 = arith.constant 0 : i32
        %dma_start3A_88 = tpu.memref_slice %arg16[%dma_start3A_85, %dma_start3A_86, %dma_start3A_87] : memref<3x80x128xf32, #tpu.memory_space<vmem>> -> memref<1x80x128xf32, #tpu.memory_space<vmem>>
        %dma_start3A_89 = tpu.memref_squeeze %dma_start3A_88 : memref<1x80x128xf32, #tpu.memory_space<vmem>> -> memref<80x128xf32, #tpu.memory_space<vmem>>
        %dma_start3A_90 = arith.constant 0 : i32
        %dma_start3A_91 = tpu.memref_slice %arg14[%dma_start3A_83, %dma_start3A_84, %dma_start3A_90] : memref<25x1x80xi32, #tpu.memory_space<vmem>> -> memref<1x1x80xi32, #tpu.memory_space<vmem>>
        %dma_start3A_92 = tpu.memref_squeeze %dma_start3A_91 : memref<1x1x80xi32, #tpu.memory_space<vmem>> -> memref<80xi32, #tpu.memory_space<vmem>>
        %dma_start3A_93 = arith.constant 0 : i32
        %dma_start3A_94 = arith.constant 0 : i32
        %dma_start3A_95 = tpu.memref_slice %arg2[%dma_start3A_93, %dma_start3A_94] : memref<10000x128xf32, #tpu.memory_space<hbm>> -> memref<10000x128xf32, #tpu.memory_space<hbm>>
        tpu.enqueue_indirect_dma source(%dma_start3A_95 : memref<10000x128xf32, #tpu.memory_space<hbm>>) target(%dma_start3A_89 : memref<80x128xf32, #tpu.memory_space<vmem>>) offsets(%dma_start3A_92 : memref<80xi32, #tpu.memory_space<vmem>>) semaphore(%arg20 : memref<!tpu.dma_semaphore, #tpu.memory_space<semaphore_mem>>)
        %scan3A_96 = arith.constant 0 : i32
        %scan3A_97 = arith.constant 0 : i32
        %scan3A_98 = arith.constant 25 : i32
        %scan3A_99 = arith.addi %scan3A_97, %scan3A_98 : i32
        %scan3A_100 = arith.constant 1 : i32
        scf.for %scan3A_147 = %scan3A_97 to %scan3A_99 step %scan3A_100  : i32 {
          %rem3A = arith.constant 3 : i32
          %rem3A_148 = arith.remsi %scan3A_147, %rem3A : i32
          %dma_wait3A_149 = arith.constant 0 : i32
          %dma_wait3A_150 = arith.constant 0 : i32
          %dma_wait3A_151 = arith.constant 0 : i32
          %dma_wait3A_152 = tpu.memref_slice %arg16[%rem3A_148, %dma_wait3A_150, %dma_wait3A_151] : memref<3x80x128xf32, #tpu.memory_space<vmem>> -> memref<1x80x128xf32, #tpu.memory_space<vmem>>
          %dma_wait3A_153 = tpu.memref_squeeze %dma_wait3A_152 : memref<1x80x128xf32, #tpu.memory_space<vmem>> -> memref<80x128xf32, #tpu.memory_space<vmem>>
          %dma_wait3A_154 = arith.constant 0 : i32
          %dma_wait3A_155 = tpu.memref_slice %arg14[%scan3A_147, %dma_wait3A_149, %dma_wait3A_154] : memref<25x1x80xi32, #tpu.memory_space<vmem>> -> memref<1x1x80xi32, #tpu.memory_space<vmem>>
          %dma_wait3A_156 = tpu.memref_squeeze %dma_wait3A_155 : memref<1x1x80xi32, #tpu.memory_space<vmem>> -> memref<80xi32, #tpu.memory_space<vmem>>
          %dma_wait3A_157 = arith.constant 0 : i32
          %dma_wait3A_158 = arith.constant 0 : i32
          %dma_wait3A_159 = tpu.memref_slice %arg2[%dma_wait3A_157, %dma_wait3A_158] : memref<10000x128xf32, #tpu.memory_space<hbm>> -> memref<10000x128xf32, #tpu.memory_space<hbm>>
          tpu.wait_indirect_dma semaphore(%arg20 : memref<!tpu.dma_semaphore, #tpu.memory_space<semaphore_mem>>) src(%dma_wait3A_159 : memref<10000x128xf32, #tpu.memory_space<hbm>>) dst(%dma_wait3A_153 : memref<80x128xf32, #tpu.memory_space<vmem>>)
          %dma_start3A_160 = arith.constant 0 : i32
          %dma_start3A_161 = arith.constant 0 : i32
          %dma_start3A_162 = arith.constant 0 : i32
          %dma_start3A_163 = tpu.memref_slice %arg16[%rem3A_148, %dma_start3A_161, %dma_start3A_162] : memref<3x80x128xf32, #tpu.memory_space<vmem>> -> memref<1x80x128xf32, #tpu.memory_space<vmem>>
          %dma_start3A_164 = tpu.memref_squeeze %dma_start3A_163 : memref<1x80x128xf32, #tpu.memory_space<vmem>> -> memref<80x128xf32, #tpu.memory_space<vmem>>
          %dma_start3A_165 = arith.constant 0 : i32
          %dma_start3A_166 = tpu.memref_slice %arg15[%scan3A_147, %dma_start3A_160, %dma_start3A_165] : memref<25x1x80xi32, #tpu.memory_space<vmem>> -> memref<1x1x80xi32, #tpu.memory_space<vmem>>
          %dma_start3A_167 = tpu.memref_squeeze %dma_start3A_166 : memref<1x1x80xi32, #tpu.memory_space<vmem>> -> memref<80xi32, #tpu.memory_space<vmem>>
          %dma_start3A_168 = arith.constant 0 : i32
          %dma_start3A_169 = arith.constant 0 : i32
          %dma_start3A_170 = tpu.memref_slice %arg18[%dma_start3A_168, %dma_start3A_169] : memref<10000x128xf32, #tpu.memory_space<vmem_shared>> -> memref<10000x128xf32, #tpu.memory_space<vmem_shared>>
          tpu.enqueue_indirect_dma source(%dma_start3A_164 : memref<80x128xf32, #tpu.memory_space<vmem>>) target(%dma_start3A_170 : memref<10000x128xf32, #tpu.memory_space<vmem_shared>>) offsets(%dma_start3A_167 : memref<80xi32, #tpu.memory_space<vmem>>) semaphore(%arg21 : memref<!tpu.dma_semaphore, #tpu.memory_space<semaphore_mem>>) {add = true}
          %gt3A = arith.constant 0 : i32
          %gt3A_171 = arith.cmpi sgt, %scan3A_147, %gt3A : i32
          %convert_element_type3A_172 = arith.extui %gt3A_171 : i1 to i32
          %cond3A_173 = arith.constant 0 : i32
          %cond3A_174 = arith.constant 0 : i32
          %cond3A_175 = arith.cmpi ne, %convert_element_type3A_172, %cond3A_174 : i32
          scf.if %cond3A_175 {
            %dma_wait3A_190 = arith.constant 0 : i32
            %dma_wait3A_191 = tpu.memref_slice %arg15[%scan3A_147, %cond3A_173, %dma_wait3A_190] : memref<25x1x80xi32, #tpu.memory_space<vmem>> -> memref<1x1x80xi32, #tpu.memory_space<vmem>>
            %dma_wait3A_192 = tpu.memref_squeeze %dma_wait3A_191 : memref<1x1x80xi32, #tpu.memory_space<vmem>> -> memref<80xi32, #tpu.memory_space<vmem>>
            %dma_wait3A_193 = arith.constant 0 : i32
            %dma_wait3A_194 = tpu.memref_slice %arg19[%dma_wait3A_193] : memref<10000xf32, #tpu.memory_space<vmem_shared>> -> memref<10000xf32, #tpu.memory_space<vmem_shared>>
            tpu.wait_indirect_dma semaphore(%arg22 : memref<!tpu.dma_semaphore, #tpu.memory_space<semaphore_mem>>) src(%arg17 : memref<80xf32, #tpu.memory_space<vmem>>) dst(%dma_wait3A_194 : memref<10000xf32, #tpu.memory_space<vmem_shared>>)
          } else {
          }
          %dma_start3A_176 = arith.constant 0 : i32
          %dma_start3A_177 = arith.constant 0 : i32
          %dma_start3A_178 = tpu.memref_slice %arg15[%scan3A_147, %dma_start3A_176, %dma_start3A_177] : memref<25x1x80xi32, #tpu.memory_space<vmem>> -> memref<1x1x80xi32, #tpu.memory_space<vmem>>
          %dma_start3A_179 = tpu.memref_squeeze %dma_start3A_178 : memref<1x1x80xi32, #tpu.memory_space<vmem>> -> memref<80xi32, #tpu.memory_space<vmem>>
          %dma_start3A_180 = arith.constant 0 : i32
          %dma_start3A_181 = tpu.memref_slice %arg19[%dma_start3A_180] : memref<10000xf32, #tpu.memory_space<vmem_shared>> -> memref<10000xf32, #tpu.memory_space<vmem_shared>>
          tpu.enqueue_indirect_dma source(%arg17 : memref<80xf32, #tpu.memory_space<vmem>>) target(%dma_start3A_181 : memref<10000xf32, #tpu.memory_space<vmem_shared>>) offsets(%dma_start3A_179 : memref<80xi32, #tpu.memory_space<vmem>>) semaphore(%arg22 : memref<!tpu.dma_semaphore, #tpu.memory_space<semaphore_mem>>) {add = true}
          %add3A = arith.constant 3 : i32
          %add3A_182 = arith.addi %scan3A_147, %add3A : i32
          %sub3A = arith.constant 1 : i32
          %sub3A_183 = arith.subi %add3A_182, %sub3A : i32
          %lt3A_184 = arith.constant 25 : i32
          %lt3A_185 = arith.cmpi slt, %sub3A_183, %lt3A_184 : i32
          %convert_element_type3A_186 = arith.extui %lt3A_185 : i1 to i32
          %cond3A_187 = arith.constant 0 : i32
          %cond3A_188 = arith.constant 0 : i32
          %cond3A_189 = arith.cmpi ne, %convert_element_type3A_186, %cond3A_188 : i32
          scf.if %cond3A_189 {
            %add3A_190 = arith.constant 3 : i32
            %add3A_191 = arith.addi %scan3A_147, %add3A_190 : i32
            %sub3A_192 = arith.constant 1 : i32
            %sub3A_193 = arith.subi %add3A_191, %sub3A_192 : i32
            %rem3A_194 = arith.constant 3 : i32
            %rem3A_195 = arith.remsi %sub3A_193, %rem3A_194 : i32
            %ge3A = arith.constant 1 : i32
            %ge3A_196 = arith.cmpi sge, %scan3A_147, %ge3A : i32
            %convert_element_type3A_197 = arith.extui %ge3A_196 : i1 to i32
            %cond3A_198 = arith.constant 0 : i32
            %cond3A_199 = arith.cmpi ne, %convert_element_type3A_197, %cond3A_198 : i32
            scf.if %cond3A_199 {
              %dma_wait3A_215 = arith.constant 0 : i32
              %dma_wait3A_216 = arith.constant 0 : i32
              %dma_wait3A_217 = tpu.memref_slice %arg16[%rem3A_148, %dma_wait3A_215, %dma_wait3A_216] : memref<3x80x128xf32, #tpu.memory_space<vmem>> -> memref<1x80x128xf32, #tpu.memory_space<vmem>>
              %dma_wait3A_218 = tpu.memref_squeeze %dma_wait3A_217 : memref<1x80x128xf32, #tpu.memory_space<vmem>> -> memref<80x128xf32, #tpu.memory_space<vmem>>
              %dma_wait3A_219 = arith.constant 0 : i32
              %dma_wait3A_220 = tpu.memref_slice %arg15[%scan3A_147, %cond3A_187, %dma_wait3A_219] : memref<25x1x80xi32, #tpu.memory_space<vmem>> -> memref<1x1x80xi32, #tpu.memory_space<vmem>>
              %dma_wait3A_221 = tpu.memref_squeeze %dma_wait3A_220 : memref<1x1x80xi32, #tpu.memory_space<vmem>> -> memref<80xi32, #tpu.memory_space<vmem>>
              %dma_wait3A_222 = arith.constant 0 : i32
              %dma_wait3A_223 = arith.constant 0 : i32
              %dma_wait3A_224 = tpu.memref_slice %arg18[%dma_wait3A_222, %dma_wait3A_223] : memref<10000x128xf32, #tpu.memory_space<vmem_shared>> -> memref<10000x128xf32, #tpu.memory_space<vmem_shared>>
              tpu.wait_indirect_dma semaphore(%arg21 : memref<!tpu.dma_semaphore, #tpu.memory_space<semaphore_mem>>) src(%dma_wait3A_218 : memref<80x128xf32, #tpu.memory_space<vmem>>) dst(%dma_wait3A_224 : memref<10000x128xf32, #tpu.memory_space<vmem_shared>>)
            } else {
            }
            %add3A_200 = arith.constant 3 : i32
            %add3A_201 = arith.addi %scan3A_147, %add3A_200 : i32
            %sub3A_202 = arith.constant 1 : i32
            %sub3A_203 = arith.subi %add3A_201, %sub3A_202 : i32
            %dma_start3A_204 = arith.constant 0 : i32
            %dma_start3A_205 = arith.constant 0 : i32
            %dma_start3A_206 = arith.constant 0 : i32
            %dma_start3A_207 = tpu.memref_slice %arg16[%rem3A_195, %dma_start3A_205, %dma_start3A_206] : memref<3x80x128xf32, #tpu.memory_space<vmem>> -> memref<1x80x128xf32, #tpu.memory_space<vmem>>
            %dma_start3A_208 = tpu.memref_squeeze %dma_start3A_207 : memref<1x80x128xf32, #tpu.memory_space<vmem>> -> memref<80x128xf32, #tpu.memory_space<vmem>>
            %dma_start3A_209 = arith.constant 0 : i32
            %dma_start3A_210 = tpu.memref_slice %arg14[%sub3A_203, %dma_start3A_204, %dma_start3A_209] : memref<25x1x80xi32, #tpu.memory_space<vmem>> -> memref<1x1x80xi32, #tpu.memory_space<vmem>>
            %dma_start3A_211 = tpu.memref_squeeze %dma_start3A_210 : memref<1x1x80xi32, #tpu.memory_space<vmem>> -> memref<80xi32, #tpu.memory_space<vmem>>
            %dma_start3A_212 = arith.constant 0 : i32
            %dma_start3A_213 = arith.constant 0 : i32
            %dma_start3A_214 = tpu.memref_slice %arg2[%dma_start3A_212, %dma_start3A_213] : memref<10000x128xf32, #tpu.memory_space<hbm>> -> memref<10000x128xf32, #tpu.memory_space<hbm>>
            tpu.enqueue_indirect_dma source(%dma_start3A_214 : memref<10000x128xf32, #tpu.memory_space<hbm>>) target(%dma_start3A_208 : memref<80x128xf32, #tpu.memory_space<vmem>>) offsets(%dma_start3A_211 : memref<80xi32, #tpu.memory_space<vmem>>) semaphore(%arg20 : memref<!tpu.dma_semaphore, #tpu.memory_space<semaphore_mem>>)
          } else {
          }
        }
        %scan3A_101 = arith.constant 25 : i32
        %dma_wait3A = arith.constant 0 : i32
        %dma_wait3A_102 = arith.constant 0 : i32
        %dma_wait3A_103 = arith.constant 0 : i32
        %dma_wait3A_104 = arith.constant 0 : i32
        %dma_wait3A_105 = arith.constant 0 : i32
        %dma_wait3A_106 = tpu.memref_slice %arg16[%dma_wait3A, %dma_wait3A_104, %dma_wait3A_105] : memref<3x80x128xf32, #tpu.memory_space<vmem>> -> memref<1x80x128xf32, #tpu.memory_space<vmem>>
        %dma_wait3A_107 = tpu.memref_squeeze %dma_wait3A_106 : memref<1x80x128xf32, #tpu.memory_space<vmem>> -> memref<80x128xf32, #tpu.memory_space<vmem>>
        %dma_wait3A_108 = arith.constant 0 : i32
        %dma_wait3A_109 = tpu.memref_slice %arg15[%dma_wait3A_102, %dma_wait3A_103, %dma_wait3A_108] : memref<25x1x80xi32, #tpu.memory_space<vmem>> -> memref<1x1x80xi32, #tpu.memory_space<vmem>>
        %dma_wait3A_110 = tpu.memref_squeeze %dma_wait3A_109 : memref<1x1x80xi32, #tpu.memory_space<vmem>> -> memref<80xi32, #tpu.memory_space<vmem>>
        %dma_wait3A_111 = arith.constant 0 : i32
        %dma_wait3A_112 = arith.constant 0 : i32
        %dma_wait3A_113 = tpu.memref_slice %arg18[%dma_wait3A_111, %dma_wait3A_112] : memref<10000x128xf32, #tpu.memory_space<vmem_shared>> -> memref<10000x128xf32, #tpu.memory_space<vmem_shared>>
        tpu.wait_indirect_dma semaphore(%arg21 : memref<!tpu.dma_semaphore, #tpu.memory_space<semaphore_mem>>) src(%dma_wait3A_107 : memref<80x128xf32, #tpu.memory_space<vmem>>) dst(%dma_wait3A_113 : memref<10000x128xf32, #tpu.memory_space<vmem_shared>>)
        %dma_wait3A_114 = arith.constant 0 : i32
        %dma_wait3A_115 = arith.constant 0 : i32
        %dma_wait3A_116 = arith.constant 0 : i32
        %dma_wait3A_117 = arith.constant 0 : i32
        %dma_wait3A_118 = arith.constant 0 : i32
        %dma_wait3A_119 = tpu.memref_slice %arg16[%dma_wait3A_114, %dma_wait3A_117, %dma_wait3A_118] : memref<3x80x128xf32, #tpu.memory_space<vmem>> -> memref<1x80x128xf32, #tpu.memory_space<vmem>>
        %dma_wait3A_120 = tpu.memref_squeeze %dma_wait3A_119 : memref<1x80x128xf32, #tpu.memory_space<vmem>> -> memref<80x128xf32, #tpu.memory_space<vmem>>
        %dma_wait3A_121 = arith.constant 0 : i32
        %dma_wait3A_122 = tpu.memref_slice %arg15[%dma_wait3A_115, %dma_wait3A_116, %dma_wait3A_121] : memref<25x1x80xi32, #tpu.memory_space<vmem>> -> memref<1x1x80xi32, #tpu.memory_space<vmem>>
        %dma_wait3A_123 = tpu.memref_squeeze %dma_wait3A_122 : memref<1x1x80xi32, #tpu.memory_space<vmem>> -> memref<80xi32, #tpu.memory_space<vmem>>
        %dma_wait3A_124 = arith.constant 0 : i32
        %dma_wait3A_125 = arith.constant 0 : i32
        %dma_wait3A_126 = tpu.memref_slice %arg18[%dma_wait3A_124, %dma_wait3A_125] : memref<10000x128xf32, #tpu.memory_space<vmem_shared>> -> memref<10000x128xf32, #tpu.memory_space<vmem_shared>>
        tpu.wait_indirect_dma semaphore(%arg21 : memref<!tpu.dma_semaphore, #tpu.memory_space<semaphore_mem>>) src(%dma_wait3A_120 : memref<80x128xf32, #tpu.memory_space<vmem>>) dst(%dma_wait3A_126 : memref<10000x128xf32, #tpu.memory_space<vmem_shared>>)
        %dma_wait3A_127 = arith.constant 0 : i32
        %dma_wait3A_128 = arith.constant 0 : i32
        %dma_wait3A_129 = arith.constant 0 : i32
        %dma_wait3A_130 = arith.constant 0 : i32
        %dma_wait3A_131 = arith.constant 0 : i32
        %dma_wait3A_132 = tpu.memref_slice %arg16[%dma_wait3A_127, %dma_wait3A_130, %dma_wait3A_131] : memref<3x80x128xf32, #tpu.memory_space<vmem>> -> memref<1x80x128xf32, #tpu.memory_space<vmem>>
        %dma_wait3A_133 = tpu.memref_squeeze %dma_wait3A_132 : memref<1x80x128xf32, #tpu.memory_space<vmem>> -> memref<80x128xf32, #tpu.memory_space<vmem>>
        %dma_wait3A_134 = arith.constant 0 : i32
        %dma_wait3A_135 = tpu.memref_slice %arg15[%dma_wait3A_128, %dma_wait3A_129, %dma_wait3A_134] : memref<25x1x80xi32, #tpu.memory_space<vmem>> -> memref<1x1x80xi32, #tpu.memory_space<vmem>>
        %dma_wait3A_136 = tpu.memref_squeeze %dma_wait3A_135 : memref<1x1x80xi32, #tpu.memory_space<vmem>> -> memref<80xi32, #tpu.memory_space<vmem>>
        %dma_wait3A_137 = arith.constant 0 : i32
        %dma_wait3A_138 = arith.constant 0 : i32
        %dma_wait3A_139 = tpu.memref_slice %arg18[%dma_wait3A_137, %dma_wait3A_138] : memref<10000x128xf32, #tpu.memory_space<vmem_shared>> -> memref<10000x128xf32, #tpu.memory_space<vmem_shared>>
        tpu.wait_indirect_dma semaphore(%arg21 : memref<!tpu.dma_semaphore, #tpu.memory_space<semaphore_mem>>) src(%dma_wait3A_133 : memref<80x128xf32, #tpu.memory_space<vmem>>) dst(%dma_wait3A_139 : memref<10000x128xf32, #tpu.memory_space<vmem_shared>>)
        %dma_wait3A_140 = arith.constant 0 : i32
        %dma_wait3A_141 = arith.constant 0 : i32
        %dma_wait3A_142 = arith.constant 0 : i32
        %dma_wait3A_143 = tpu.memref_slice %arg15[%dma_wait3A_140, %dma_wait3A_141, %dma_wait3A_142] : memref<25x1x80xi32, #tpu.memory_space<vmem>> -> memref<1x1x80xi32, #tpu.memory_space<vmem>>
        %dma_wait3A_144 = tpu.memref_squeeze %dma_wait3A_143 : memref<1x1x80xi32, #tpu.memory_space<vmem>> -> memref<80xi32, #tpu.memory_space<vmem>>
        %dma_wait3A_145 = arith.constant 0 : i32
        %dma_wait3A_146 = tpu.memref_slice %arg19[%dma_wait3A_145] : memref<10000xf32, #tpu.memory_space<vmem_shared>> -> memref<10000xf32, #tpu.memory_space<vmem_shared>>
        tpu.wait_indirect_dma semaphore(%arg22 : memref<!tpu.dma_semaphore, #tpu.memory_space<semaphore_mem>>) src(%arg17 : memref<80xf32, #tpu.memory_space<vmem>>) dst(%dma_wait3A_146 : memref<10000xf32, #tpu.memory_space<vmem_shared>>)
      }
      %scan3A_53 = arith.constant 5 : i32
      %barrier3A_54 = arith.constant 0 : index
      tpu.barrier barrier_id(%barrier3A_54)
      %lt3A_55 = arith.constant 15 : i32
      %lt3A_56 = arith.cmpi slt, %arg1, %lt3A_55 : i32
      %convert_element_type3A_57 = arith.extui %lt3A_56 : i1 to i32
      %cond3A_58 = arith.constant 0 : i32
      %cond3A_59 = arith.cmpi ne, %convert_element_type3A_57, %cond3A_58 : i32
      scf.if %cond3A_59 {
        %mul3A = arith.constant 624 : i32
        %mul3A_70 = arith.muli %arg1, %mul3A : i32
        %mul3A_71 = arith.constant 624 : i32
        %mul3A_72 = arith.muli %arg1, %mul3A_71 : i32
        "tpu.region"() ({
          %run_scoped3A = tpu.sem_alloc : memref<!tpu.dma_semaphore, #tpu.memory_space<semaphore_mem>>
          %dma_start3A = arith.constant 0 : i32
          %dma_start3A_73 = tpu.memref_slice %arg10[%mul3A_72, %dma_start3A] : memref<10000x128xf32, #tpu.memory_space<hbm>> -> memref<624x128xf32, #tpu.memory_space<hbm>>
          %dma_start3A_74 = arith.constant 0 : i32
          %dma_start3A_75 = tpu.memref_slice %arg18[%mul3A_70, %dma_start3A_74] : memref<10000x128xf32, #tpu.memory_space<vmem_shared>> -> memref<624x128xf32, #tpu.memory_space<vmem_shared>>
          tpu.enqueue_dma source(%dma_start3A_75 : memref<624x128xf32, #tpu.memory_space<vmem_shared>>) target(%dma_start3A_73 : memref<624x128xf32, #tpu.memory_space<hbm>>) target_semaphore(%run_scoped3A : memref<!tpu.dma_semaphore, #tpu.memory_space<semaphore_mem>>)
          %dma_wait3A = arith.constant 0 : i32
          %dma_wait3A_76 = tpu.memref_slice %arg10[%mul3A_72, %dma_wait3A] : memref<10000x128xf32, #tpu.memory_space<hbm>> -> memref<624x128xf32, #tpu.memory_space<hbm>>
          %dma_wait3A_77 = arith.constant 0 : i32
          %dma_wait3A_78 = tpu.memref_slice %arg18[%mul3A_70, %dma_wait3A_77] : memref<10000x128xf32, #tpu.memory_space<vmem_shared>> -> memref<624x128xf32, #tpu.memory_space<vmem_shared>>
          tpu.wait_dma2 semaphore(%run_scoped3A : memref<!tpu.dma_semaphore, #tpu.memory_space<semaphore_mem>>) src(%dma_wait3A_78 : memref<624x128xf32, #tpu.memory_space<vmem_shared>>) dst(%dma_wait3A_76 : memref<624x128xf32, #tpu.memory_space<hbm>>)
          tpu.yield
        }) : () -> ()
      } else {
      }
      %eq3A_60 = arith.constant 15 : i32
      %eq3A_61 = arith.cmpi eq, %arg1, %eq3A_60 : i32
      %convert_element_type3A_62 = arith.extui %eq3A_61 : i1 to i32
      %cond3A_63 = arith.constant 0 : i32
      %cond3A_64 = arith.cmpi ne, %convert_element_type3A_62, %cond3A_63 : i32
      scf.if %cond3A_64 {
        "tpu.region"() ({
          %run_scoped3A = tpu.sem_alloc : memref<!tpu.dma_semaphore, #tpu.memory_space<semaphore_mem>>
          %dma_start3A = arith.constant 9360 : i32
          %dma_start3A_70 = arith.constant 0 : i32
          %dma_start3A_71 = tpu.memref_slice %arg10[%dma_start3A, %dma_start3A_70] : memref<10000x128xf32, #tpu.memory_space<hbm>> -> memref<640x128xf32, #tpu.memory_space<hbm>>
          %dma_start3A_72 = arith.constant 9360 : i32
          %dma_start3A_73 = arith.constant 0 : i32
          %dma_start3A_74 = tpu.memref_slice %arg18[%dma_start3A_72, %dma_start3A_73] : memref<10000x128xf32, #tpu.memory_space<vmem_shared>> -> memref<640x128xf32, #tpu.memory_space<vmem_shared>>
          tpu.enqueue_dma source(%dma_start3A_74 : memref<640x128xf32, #tpu.memory_space<vmem_shared>>) target(%dma_start3A_71 : memref<640x128xf32, #tpu.memory_space<hbm>>) target_semaphore(%run_scoped3A : memref<!tpu.dma_semaphore, #tpu.memory_space<semaphore_mem>>)
          %dma_wait3A = arith.constant 9360 : i32
          %dma_wait3A_75 = arith.constant 0 : i32
          %dma_wait3A_76 = tpu.memref_slice %arg10[%dma_wait3A, %dma_wait3A_75] : memref<10000x128xf32, #tpu.memory_space<hbm>> -> memref<640x128xf32, #tpu.memory_space<hbm>>
          %dma_wait3A_77 = arith.constant 9360 : i32
          %dma_wait3A_78 = arith.constant 0 : i32
          %dma_wait3A_79 = tpu.memref_slice %arg18[%dma_wait3A_77, %dma_wait3A_78] : memref<10000x128xf32, #tpu.memory_space<vmem_shared>> -> memref<640x128xf32, #tpu.memory_space<vmem_shared>>
          tpu.wait_dma2 semaphore(%run_scoped3A : memref<!tpu.dma_semaphore, #tpu.memory_space<semaphore_mem>>) src(%dma_wait3A_79 : memref<640x128xf32, #tpu.memory_space<vmem_shared>>) dst(%dma_wait3A_76 : memref<640x128xf32, #tpu.memory_space<hbm>>)
          tpu.yield
        }) : () -> ()
      } else {
      }
      %eq3A_65 = arith.constant 0 : i32
      %eq3A_66 = arith.cmpi eq, %arg1, %eq3A_65 : i32
      %convert_element_type3A_67 = arith.extui %eq3A_66 : i1 to i32
      %cond3A_68 = arith.constant 0 : i32
      %cond3A_69 = arith.cmpi ne, %convert_element_type3A_67, %cond3A_68 : i32
      scf.if %cond3A_69 {
        "tpu.region"() ({
          %run_scoped3A = tpu.sem_alloc : memref<!tpu.dma_semaphore, #tpu.memory_space<semaphore_mem>>
          tpu.enqueue_dma source(%arg19 : memref<10000xf32, #tpu.memory_space<vmem_shared>>) target(%arg12 : memref<10000xf32, #tpu.memory_space<hbm>>) target_semaphore(%run_scoped3A : memref<!tpu.dma_semaphore, #tpu.memory_space<semaphore_mem>>)
          tpu.wait_dma2 semaphore(%run_scoped3A : memref<!tpu.dma_semaphore, #tpu.memory_space<semaphore_mem>>) src(%arg19 : memref<10000xf32, #tpu.memory_space<vmem_shared>>) dst(%arg12 : memref<10000xf32, #tpu.memory_space<hbm>>)
          tpu.yield
        }) : () -> ()
      } else {
      }
    } else {
    }
    %eq3A_2 = arith.constant 1 : i32
    %eq3A_3 = arith.cmpi eq, %arg0, %eq3A_2 : i32
    %convert_element_type3A_4 = arith.extui %eq3A_3 : i1 to i32
    %cond3A_5 = arith.constant 0 : i32
    %cond3A_6 = arith.cmpi ne, %convert_element_type3A_4, %cond3A_5 : i32
    scf.if %cond3A_6 {
      %lt3A = arith.constant 15 : i32
      %lt3A_7 = arith.cmpi slt, %arg1, %lt3A : i32
      %convert_element_type3A_8 = arith.extui %lt3A_7 : i1 to i32
      %cond3A_9 = arith.constant 0 : i32
      %cond3A_10 = arith.cmpi ne, %convert_element_type3A_8, %cond3A_9 : i32
      scf.if %cond3A_10 {
        %mul3A = arith.constant 624 : i32
        %mul3A_70 = arith.muli %arg1, %mul3A : i32
        %mul3A_71 = arith.constant 624 : i32
        %mul3A_72 = arith.muli %arg1, %mul3A_71 : i32
        "tpu.region"() ({
          %run_scoped3A = tpu.sem_alloc : memref<!tpu.dma_semaphore, #tpu.memory_space<semaphore_mem>>
          %dma_start3A = arith.constant 0 : i32
          %dma_start3A_73 = tpu.memref_slice %arg18[%mul3A_72, %dma_start3A] : memref<10000x128xf32, #tpu.memory_space<vmem_shared>> -> memref<624x128xf32, #tpu.memory_space<vmem_shared>>
          %dma_start3A_74 = arith.constant 0 : i32
          %dma_start3A_75 = tpu.memref_slice %arg8[%mul3A_70, %dma_start3A_74] : memref<10000x128xf32, #tpu.memory_space<hbm>> -> memref<624x128xf32, #tpu.memory_space<hbm>>
          tpu.enqueue_dma source(%dma_start3A_75 : memref<624x128xf32, #tpu.memory_space<hbm>>) target(%dma_start3A_73 : memref<624x128xf32, #tpu.memory_space<vmem_shared>>) target_semaphore(%run_scoped3A : memref<!tpu.dma_semaphore, #tpu.memory_space<semaphore_mem>>)
          %dma_wait3A = arith.constant 0 : i32
          %dma_wait3A_76 = tpu.memref_slice %arg18[%mul3A_72, %dma_wait3A] : memref<10000x128xf32, #tpu.memory_space<vmem_shared>> -> memref<624x128xf32, #tpu.memory_space<vmem_shared>>
          %dma_wait3A_77 = arith.constant 0 : i32
          %dma_wait3A_78 = tpu.memref_slice %arg8[%mul3A_70, %dma_wait3A_77] : memref<10000x128xf32, #tpu.memory_space<hbm>> -> memref<624x128xf32, #tpu.memory_space<hbm>>
          tpu.wait_dma2 semaphore(%run_scoped3A : memref<!tpu.dma_semaphore, #tpu.memory_space<semaphore_mem>>) src(%dma_wait3A_78 : memref<624x128xf32, #tpu.memory_space<hbm>>) dst(%dma_wait3A_76 : memref<624x128xf32, #tpu.memory_space<vmem_shared>>)
          tpu.yield
        }) : () -> ()
      } else {
      }
      %eq3A_11 = arith.constant 15 : i32
      %eq3A_12 = arith.cmpi eq, %arg1, %eq3A_11 : i32
      %convert_element_type3A_13 = arith.extui %eq3A_12 : i1 to i32
      %cond3A_14 = arith.constant 0 : i32
      %cond3A_15 = arith.cmpi ne, %convert_element_type3A_13, %cond3A_14 : i32
      scf.if %cond3A_15 {
        "tpu.region"() ({
          %run_scoped3A = tpu.sem_alloc : memref<!tpu.dma_semaphore, #tpu.memory_space<semaphore_mem>>
          %dma_start3A = arith.constant 9360 : i32
          %dma_start3A_70 = arith.constant 0 : i32
          %dma_start3A_71 = tpu.memref_slice %arg18[%dma_start3A, %dma_start3A_70] : memref<10000x128xf32, #tpu.memory_space<vmem_shared>> -> memref<640x128xf32, #tpu.memory_space<vmem_shared>>
          %dma_start3A_72 = arith.constant 9360 : i32
          %dma_start3A_73 = arith.constant 0 : i32
          %dma_start3A_74 = tpu.memref_slice %arg8[%dma_start3A_72, %dma_start3A_73] : memref<10000x128xf32, #tpu.memory_space<hbm>> -> memref<640x128xf32, #tpu.memory_space<hbm>>
          tpu.enqueue_dma source(%dma_start3A_74 : memref<640x128xf32, #tpu.memory_space<hbm>>) target(%dma_start3A_71 : memref<640x128xf32, #tpu.memory_space<vmem_shared>>) target_semaphore(%run_scoped3A : memref<!tpu.dma_semaphore, #tpu.memory_space<semaphore_mem>>)
          %dma_wait3A = arith.constant 9360 : i32
          %dma_wait3A_75 = arith.constant 0 : i32
          %dma_wait3A_76 = tpu.memref_slice %arg18[%dma_wait3A, %dma_wait3A_75] : memref<10000x128xf32, #tpu.memory_space<vmem_shared>> -> memref<640x128xf32, #tpu.memory_space<vmem_shared>>
          %dma_wait3A_77 = arith.constant 9360 : i32
          %dma_wait3A_78 = arith.constant 0 : i32
          %dma_wait3A_79 = tpu.memref_slice %arg8[%dma_wait3A_77, %dma_wait3A_78] : memref<10000x128xf32, #tpu.memory_space<hbm>> -> memref<640x128xf32, #tpu.memory_space<hbm>>
          tpu.wait_dma2 semaphore(%run_scoped3A : memref<!tpu.dma_semaphore, #tpu.memory_space<semaphore_mem>>) src(%dma_wait3A_79 : memref<640x128xf32, #tpu.memory_space<hbm>>) dst(%dma_wait3A_76 : memref<640x128xf32, #tpu.memory_space<vmem_shared>>)
          tpu.yield
        }) : () -> ()
      } else {
      }
      %broadcast_in_dim3A = arith.constant 1.000000e+00 : f32
      %broadcast_in_dim3A_16 = vector.broadcast %broadcast_in_dim3A : f32 to vector<16xf32>
      %swap3A = arith.constant 0 : index
      %swap3A_17 = tpu.vector_load %arg17[%swap3A] {strides = array<i32>} : memref<80xf32, #tpu.memory_space<vmem>>, vector<16xf32>,
      %swap3A_18 = vector.shape_cast %swap3A_17 : vector<16xf32> to vector<16xf32>
      %swap3A_19 = vector.shape_cast %broadcast_in_dim3A_16 : vector<16xf32> to vector<16xf32>
      tpu.vector_store %arg17[%swap3A], %swap3A_19 {strides = array<i32>} : memref<80xf32, #tpu.memory_space<vmem>>, vector<16xf32>,
      %broadcast_in_dim3A_20 = arith.constant 1.000000e+00 : f32
      %broadcast_in_dim3A_21 = vector.broadcast %broadcast_in_dim3A_20 : f32 to vector<16xf32>
      %swap3A_22 = arith.constant 16 : index
      %swap3A_23 = tpu.vector_load %arg17[%swap3A_22] {strides = array<i32>} : memref<80xf32, #tpu.memory_space<vmem>>, vector<16xf32>,
      %swap3A_24 = vector.shape_cast %swap3A_23 : vector<16xf32> to vector<16xf32>
      %swap3A_25 = vector.shape_cast %broadcast_in_dim3A_21 : vector<16xf32> to vector<16xf32>
      tpu.vector_store %arg17[%swap3A_22], %swap3A_25 {strides = array<i32>} : memref<80xf32, #tpu.memory_space<vmem>>, vector<16xf32>,
      %broadcast_in_dim3A_26 = arith.constant 1.000000e+00 : f32
      %broadcast_in_dim3A_27 = vector.broadcast %broadcast_in_dim3A_26 : f32 to vector<16xf32>
      %swap3A_28 = arith.constant 32 : index
      %swap3A_29 = tpu.vector_load %arg17[%swap3A_28] {strides = array<i32>} : memref<80xf32, #tpu.memory_space<vmem>>, vector<16xf32>,
      %swap3A_30 = vector.shape_cast %swap3A_29 : vector<16xf32> to vector<16xf32>
      %swap3A_31 = vector.shape_cast %broadcast_in_dim3A_27 : vector<16xf32> to vector<16xf32>
      tpu.vector_store %arg17[%swap3A_28], %swap3A_31 {strides = array<i32>} : memref<80xf32, #tpu.memory_space<vmem>>, vector<16xf32>,
      %broadcast_in_dim3A_32 = arith.constant 1.000000e+00 : f32
      %broadcast_in_dim3A_33 = vector.broadcast %broadcast_in_dim3A_32 : f32 to vector<16xf32>
      %swap3A_34 = arith.constant 48 : index
      %swap3A_35 = tpu.vector_load %arg17[%swap3A_34] {strides = array<i32>} : memref<80xf32, #tpu.memory_space<vmem>>, vector<16xf32>,
      %swap3A_36 = vector.shape_cast %swap3A_35 : vector<16xf32> to vector<16xf32>
      %swap3A_37 = vector.shape_cast %broadcast_in_dim3A_33 : vector<16xf32> to vector<16xf32>
      tpu.vector_store %arg17[%swap3A_34], %swap3A_37 {strides = array<i32>} : memref<80xf32, #tpu.memory_space<vmem>>, vector<16xf32>,
      %broadcast_in_dim3A_38 = arith.constant 1.000000e+00 : f32
      %broadcast_in_dim3A_39 = vector.broadcast %broadcast_in_dim3A_38 : f32 to vector<16xf32>
      %swap3A_40 = arith.constant 64 : index
      %swap3A_41 = tpu.vector_load %arg17[%swap3A_40] {strides = array<i32>} : memref<80xf32, #tpu.memory_space<vmem>>, vector<16xf32>,
      %swap3A_42 = vector.shape_cast %swap3A_41 : vector<16xf32> to vector<16xf32>
      %swap3A_43 = vector.shape_cast %broadcast_in_dim3A_39 : vector<16xf32> to vector<16xf32>
      tpu.vector_store %arg17[%swap3A_40], %swap3A_43 {strides = array<i32>} : memref<80xf32, #tpu.memory_space<vmem>>, vector<16xf32>,
      %eq3A_44 = arith.constant 0 : i32
      %eq3A_45 = arith.cmpi eq, %arg1, %eq3A_44 : i32
      %convert_element_type3A_46 = arith.extui %eq3A_45 : i1 to i32
      %cond3A_47 = arith.constant 0 : i32
      %cond3A_48 = arith.cmpi ne, %convert_element_type3A_46, %cond3A_47 : i32
      scf.if %cond3A_48 {
        "tpu.region"() ({
          %run_scoped3A = tpu.sem_alloc : memref<!tpu.dma_semaphore, #tpu.memory_space<semaphore_mem>>
          tpu.enqueue_dma source(%arg9 : memref<10000xf32, #tpu.memory_space<hbm>>) target(%arg19 : memref<10000xf32, #tpu.memory_space<vmem_shared>>) target_semaphore(%run_scoped3A : memref<!tpu.dma_semaphore, #tpu.memory_space<semaphore_mem>>)
          tpu.wait_dma2 semaphore(%run_scoped3A : memref<!tpu.dma_semaphore, #tpu.memory_space<semaphore_mem>>) src(%arg9 : memref<10000xf32, #tpu.memory_space<hbm>>) dst(%arg19 : memref<10000xf32, #tpu.memory_space<vmem_shared>>)
          tpu.yield
        }) : () -> ()
      } else {
      }
      %barrier3A = arith.constant 0 : index
      tpu.barrier barrier_id(%barrier3A)
      %scan3A = arith.constant 0 : i32
      %scan3A_49 = arith.constant 0 : i32
      %scan3A_50 = arith.constant 5 : i32
      %scan3A_51 = arith.addi %scan3A_49, %scan3A_50 : i32
      %scan3A_52 = arith.constant 1 : i32
      scf.for %scan3A_70 = %scan3A_49 to %scan3A_51 step %scan3A_52  : i32 {
        "tpu.region"() ({
          %run_scoped3A = tpu.sem_alloc : memref<!tpu.dma_semaphore, #tpu.memory_space<semaphore_mem>>
          %dma_start3A_147 = arith.constant 0 : i32
          %dma_start3A_148 = arith.constant 0 : i32
          %dma_start3A_149 = arith.constant 0 : i32
          %dma_start3A_150 = tpu.memref_slice %arg6[%arg1, %scan3A_70, %dma_start3A_147, %dma_start3A_148, %dma_start3A_149] : memref<16x5x25x1x80xi32, #tpu.memory_space<hbm>> -> memref<1x1x25x1x80xi32, #tpu.memory_space<hbm>>
          %dma_start3A_151 = tpu.memref_squeeze %dma_start3A_150 : memref<1x1x25x1x80xi32, #tpu.memory_space<hbm>> -> memref<25x1x80xi32, #tpu.memory_space<hbm>>
          %dma_start3A_152 = arith.constant 0 : i32
          %dma_start3A_153 = arith.constant 0 : i32
          %dma_start3A_154 = arith.constant 0 : i32
          %dma_start3A_155 = tpu.memref_slice %arg6[%arg1, %scan3A_70, %dma_start3A_152, %dma_start3A_153, %dma_start3A_154] : memref<16x5x25x1x80xi32, #tpu.memory_space<hbm>> -> memref<1x1x25x1x80xi32, #tpu.memory_space<hbm>>
          %dma_start3A_156 = tpu.memref_squeeze %dma_start3A_155 : memref<1x1x25x1x80xi32, #tpu.memory_space<hbm>> -> memref<25x1x80xi32, #tpu.memory_space<hbm>>
          tpu.enqueue_dma source(%dma_start3A_156 : memref<25x1x80xi32, #tpu.memory_space<hbm>>) target(%arg14 : memref<25x1x80xi32, #tpu.memory_space<vmem>>) target_semaphore(%run_scoped3A : memref<!tpu.dma_semaphore, #tpu.memory_space<semaphore_mem>>)
          %dma_wait3A_157 = arith.constant 0 : i32
          %dma_wait3A_158 = arith.constant 0 : i32
          %dma_wait3A_159 = arith.constant 0 : i32
          %dma_wait3A_160 = tpu.memref_slice %arg6[%arg1, %scan3A_70, %dma_wait3A_157, %dma_wait3A_158, %dma_wait3A_159] : memref<16x5x25x1x80xi32, #tpu.memory_space<hbm>> -> memref<1x1x25x1x80xi32, #tpu.memory_space<hbm>>
          %dma_wait3A_161 = tpu.memref_squeeze %dma_wait3A_160 : memref<1x1x25x1x80xi32, #tpu.memory_space<hbm>> -> memref<25x1x80xi32, #tpu.memory_space<hbm>>
          %dma_wait3A_162 = arith.constant 0 : i32
          %dma_wait3A_163 = arith.constant 0 : i32
          %dma_wait3A_164 = arith.constant 0 : i32
          %dma_wait3A_165 = tpu.memref_slice %arg6[%arg1, %scan3A_70, %dma_wait3A_162, %dma_wait3A_163, %dma_wait3A_164] : memref<16x5x25x1x80xi32, #tpu.memory_space<hbm>> -> memref<1x1x25x1x80xi32, #tpu.memory_space<hbm>>
          %dma_wait3A_166 = tpu.memref_squeeze %dma_wait3A_165 : memref<1x1x25x1x80xi32, #tpu.memory_space<hbm>> -> memref<25x1x80xi32, #tpu.memory_space<hbm>>
          tpu.wait_dma2 semaphore(%run_scoped3A : memref<!tpu.dma_semaphore, #tpu.memory_space<semaphore_mem>>) src(%dma_wait3A_166 : memref<25x1x80xi32, #tpu.memory_space<hbm>>) dst(%arg14 : memref<25x1x80xi32, #tpu.memory_space<vmem>>)
          tpu.yield
        }) : () -> ()
        "tpu.region"() ({
          %run_scoped3A = tpu.sem_alloc : memref<!tpu.dma_semaphore, #tpu.memory_space<semaphore_mem>>
          %dma_start3A_147 = arith.constant 0 : i32
          %dma_start3A_148 = arith.constant 0 : i32
          %dma_start3A_149 = arith.constant 0 : i32
          %dma_start3A_150 = tpu.memref_slice %arg7[%arg1, %scan3A_70, %dma_start3A_147, %dma_start3A_148, %dma_start3A_149] : memref<16x5x25x1x80xi32, #tpu.memory_space<hbm>> -> memref<1x1x25x1x80xi32, #tpu.memory_space<hbm>>
          %dma_start3A_151 = tpu.memref_squeeze %dma_start3A_150 : memref<1x1x25x1x80xi32, #tpu.memory_space<hbm>> -> memref<25x1x80xi32, #tpu.memory_space<hbm>>
          %dma_start3A_152 = arith.constant 0 : i32
          %dma_start3A_153 = arith.constant 0 : i32
          %dma_start3A_154 = arith.constant 0 : i32
          %dma_start3A_155 = tpu.memref_slice %arg7[%arg1, %scan3A_70, %dma_start3A_152, %dma_start3A_153, %dma_start3A_154] : memref<16x5x25x1x80xi32, #tpu.memory_space<hbm>> -> memref<1x1x25x1x80xi32, #tpu.memory_space<hbm>>
          %dma_start3A_156 = tpu.memref_squeeze %dma_start3A_155 : memref<1x1x25x1x80xi32, #tpu.memory_space<hbm>> -> memref<25x1x80xi32, #tpu.memory_space<hbm>>
          tpu.enqueue_dma source(%dma_start3A_156 : memref<25x1x80xi32, #tpu.memory_space<hbm>>) target(%arg15 : memref<25x1x80xi32, #tpu.memory_space<vmem>>) target_semaphore(%run_scoped3A : memref<!tpu.dma_semaphore, #tpu.memory_space<semaphore_mem>>)
          %dma_wait3A_157 = arith.constant 0 : i32
          %dma_wait3A_158 = arith.constant 0 : i32
          %dma_wait3A_159 = arith.constant 0 : i32
          %dma_wait3A_160 = tpu.memref_slice %arg7[%arg1, %scan3A_70, %dma_wait3A_157, %dma_wait3A_158, %dma_wait3A_159] : memref<16x5x25x1x80xi32, #tpu.memory_space<hbm>> -> memref<1x1x25x1x80xi32, #tpu.memory_space<hbm>>
          %dma_wait3A_161 = tpu.memref_squeeze %dma_wait3A_160 : memref<1x1x25x1x80xi32, #tpu.memory_space<hbm>> -> memref<25x1x80xi32, #tpu.memory_space<hbm>>
          %dma_wait3A_162 = arith.constant 0 : i32
          %dma_wait3A_163 = arith.constant 0 : i32
          %dma_wait3A_164 = arith.constant 0 : i32
          %dma_wait3A_165 = tpu.memref_slice %arg7[%arg1, %scan3A_70, %dma_wait3A_162, %dma_wait3A_163, %dma_wait3A_164] : memref<16x5x25x1x80xi32, #tpu.memory_space<hbm>> -> memref<1x1x25x1x80xi32, #tpu.memory_space<hbm>>
          %dma_wait3A_166 = tpu.memref_squeeze %dma_wait3A_165 : memref<1x1x25x1x80xi32, #tpu.memory_space<hbm>> -> memref<25x1x80xi32, #tpu.memory_space<hbm>>
          tpu.wait_dma2 semaphore(%run_scoped3A : memref<!tpu.dma_semaphore, #tpu.memory_space<semaphore_mem>>) src(%dma_wait3A_166 : memref<25x1x80xi32, #tpu.memory_space<hbm>>) dst(%arg15 : memref<25x1x80xi32, #tpu.memory_space<vmem>>)
          tpu.yield
        }) : () -> ()
        %dma_start3A = arith.constant 0 : i32
        %dma_start3A_71 = arith.constant 0 : i32
        %dma_start3A_72 = arith.constant 0 : i32
        %dma_start3A_73 = arith.constant 0 : i32
        %dma_start3A_74 = arith.constant 0 : i32
        %dma_start3A_75 = tpu.memref_slice %arg16[%dma_start3A_72, %dma_start3A_73, %dma_start3A_74] : memref<3x80x128xf32, #tpu.memory_space<vmem>> -> memref<1x80x128xf32, #tpu.memory_space<vmem>>
        %dma_start3A_76 = tpu.memref_squeeze %dma_start3A_75 : memref<1x80x128xf32, #tpu.memory_space<vmem>> -> memref<80x128xf32, #tpu.memory_space<vmem>>
        %dma_start3A_77 = arith.constant 0 : i32
        %dma_start3A_78 = tpu.memref_slice %arg14[%dma_start3A, %dma_start3A_71, %dma_start3A_77] : memref<25x1x80xi32, #tpu.memory_space<vmem>> -> memref<1x1x80xi32, #tpu.memory_space<vmem>>
        %dma_start3A_79 = tpu.memref_squeeze %dma_start3A_78 : memref<1x1x80xi32, #tpu.memory_space<vmem>> -> memref<80xi32, #tpu.memory_space<vmem>>
        %dma_start3A_80 = arith.constant 0 : i32
        %dma_start3A_81 = arith.constant 0 : i32
        %dma_start3A_82 = tpu.memref_slice %arg3[%dma_start3A_80, %dma_start3A_81] : memref<10000x128xf32, #tpu.memory_space<hbm>> -> memref<10000x128xf32, #tpu.memory_space<hbm>>
        tpu.enqueue_indirect_dma source(%dma_start3A_82 : memref<10000x128xf32, #tpu.memory_space<hbm>>) target(%dma_start3A_76 : memref<80x128xf32, #tpu.memory_space<vmem>>) offsets(%dma_start3A_79 : memref<80xi32, #tpu.memory_space<vmem>>) semaphore(%arg20 : memref<!tpu.dma_semaphore, #tpu.memory_space<semaphore_mem>>)
        %dma_start3A_83 = arith.constant 1 : i32
        %dma_start3A_84 = arith.constant 0 : i32
        %dma_start3A_85 = arith.constant 1 : i32
        %dma_start3A_86 = arith.constant 0 : i32
        %dma_start3A_87 = arith.constant 0 : i32
        %dma_start3A_88 = tpu.memref_slice %arg16[%dma_start3A_85, %dma_start3A_86, %dma_start3A_87] : memref<3x80x128xf32, #tpu.memory_space<vmem>> -> memref<1x80x128xf32, #tpu.memory_space<vmem>>
        %dma_start3A_89 = tpu.memref_squeeze %dma_start3A_88 : memref<1x80x128xf32, #tpu.memory_space<vmem>> -> memref<80x128xf32, #tpu.memory_space<vmem>>
        %dma_start3A_90 = arith.constant 0 : i32
        %dma_start3A_91 = tpu.memref_slice %arg14[%dma_start3A_83, %dma_start3A_84, %dma_start3A_90] : memref<25x1x80xi32, #tpu.memory_space<vmem>> -> memref<1x1x80xi32, #tpu.memory_space<vmem>>
        %dma_start3A_92 = tpu.memref_squeeze %dma_start3A_91 : memref<1x1x80xi32, #tpu.memory_space<vmem>> -> memref<80xi32, #tpu.memory_space<vmem>>
        %dma_start3A_93 = arith.constant 0 : i32
        %dma_start3A_94 = arith.constant 0 : i32
        %dma_start3A_95 = tpu.memref_slice %arg3[%dma_start3A_93, %dma_start3A_94] : memref<10000x128xf32, #tpu.memory_space<hbm>> -> memref<10000x128xf32, #tpu.memory_space<hbm>>
        tpu.enqueue_indirect_dma source(%dma_start3A_95 : memref<10000x128xf32, #tpu.memory_space<hbm>>) target(%dma_start3A_89 : memref<80x128xf32, #tpu.memory_space<vmem>>) offsets(%dma_start3A_92 : memref<80xi32, #tpu.memory_space<vmem>>) semaphore(%arg20 : memref<!tpu.dma_semaphore, #tpu.memory_space<semaphore_mem>>)
        %scan3A_96 = arith.constant 0 : i32
        %scan3A_97 = arith.constant 0 : i32
        %scan3A_98 = arith.constant 25 : i32
        %scan3A_99 = arith.addi %scan3A_97, %scan3A_98 : i32
        %scan3A_100 = arith.constant 1 : i32
        scf.for %scan3A_147 = %scan3A_97 to %scan3A_99 step %scan3A_100  : i32 {
          %rem3A = arith.constant 3 : i32
          %rem3A_148 = arith.remsi %scan3A_147, %rem3A : i32
          %dma_wait3A_149 = arith.constant 0 : i32
          %dma_wait3A_150 = arith.constant 0 : i32
          %dma_wait3A_151 = arith.constant 0 : i32
          %dma_wait3A_152 = tpu.memref_slice %arg16[%rem3A_148, %dma_wait3A_150, %dma_wait3A_151] : memref<3x80x128xf32, #tpu.memory_space<vmem>> -> memref<1x80x128xf32, #tpu.memory_space<vmem>>
          %dma_wait3A_153 = tpu.memref_squeeze %dma_wait3A_152 : memref<1x80x128xf32, #tpu.memory_space<vmem>> -> memref<80x128xf32, #tpu.memory_space<vmem>>
          %dma_wait3A_154 = arith.constant 0 : i32
          %dma_wait3A_155 = tpu.memref_slice %arg14[%scan3A_147, %dma_wait3A_149, %dma_wait3A_154] : memref<25x1x80xi32, #tpu.memory_space<vmem>> -> memref<1x1x80xi32, #tpu.memory_space<vmem>>
          %dma_wait3A_156 = tpu.memref_squeeze %dma_wait3A_155 : memref<1x1x80xi32, #tpu.memory_space<vmem>> -> memref<80xi32, #tpu.memory_space<vmem>>
          %dma_wait3A_157 = arith.constant 0 : i32
          %dma_wait3A_158 = arith.constant 0 : i32
          %dma_wait3A_159 = tpu.memref_slice %arg3[%dma_wait3A_157, %dma_wait3A_158] : memref<10000x128xf32, #tpu.memory_space<hbm>> -> memref<10000x128xf32, #tpu.memory_space<hbm>>
          tpu.wait_indirect_dma semaphore(%arg20 : memref<!tpu.dma_semaphore, #tpu.memory_space<semaphore_mem>>) src(%dma_wait3A_159 : memref<10000x128xf32, #tpu.memory_space<hbm>>) dst(%dma_wait3A_153 : memref<80x128xf32, #tpu.memory_space<vmem>>)
          %dma_start3A_160 = arith.constant 0 : i32
          %dma_start3A_161 = arith.constant 0 : i32
          %dma_start3A_162 = arith.constant 0 : i32
          %dma_start3A_163 = tpu.memref_slice %arg16[%rem3A_148, %dma_start3A_161, %dma_start3A_162] : memref<3x80x128xf32, #tpu.memory_space<vmem>> -> memref<1x80x128xf32, #tpu.memory_space<vmem>>
          %dma_start3A_164 = tpu.memref_squeeze %dma_start3A_163 : memref<1x80x128xf32, #tpu.memory_space<vmem>> -> memref<80x128xf32, #tpu.memory_space<vmem>>
          %dma_start3A_165 = arith.constant 0 : i32
          %dma_start3A_166 = tpu.memref_slice %arg15[%scan3A_147, %dma_start3A_160, %dma_start3A_165] : memref<25x1x80xi32, #tpu.memory_space<vmem>> -> memref<1x1x80xi32, #tpu.memory_space<vmem>>
          %dma_start3A_167 = tpu.memref_squeeze %dma_start3A_166 : memref<1x1x80xi32, #tpu.memory_space<vmem>> -> memref<80xi32, #tpu.memory_space<vmem>>
          %dma_start3A_168 = arith.constant 0 : i32
          %dma_start3A_169 = arith.constant 0 : i32
          %dma_start3A_170 = tpu.memref_slice %arg18[%dma_start3A_168, %dma_start3A_169] : memref<10000x128xf32, #tpu.memory_space<vmem_shared>> -> memref<10000x128xf32, #tpu.memory_space<vmem_shared>>
          tpu.enqueue_indirect_dma source(%dma_start3A_164 : memref<80x128xf32, #tpu.memory_space<vmem>>) target(%dma_start3A_170 : memref<10000x128xf32, #tpu.memory_space<vmem_shared>>) offsets(%dma_start3A_167 : memref<80xi32, #tpu.memory_space<vmem>>) semaphore(%arg21 : memref<!tpu.dma_semaphore, #tpu.memory_space<semaphore_mem>>) {add = true}
          %gt3A = arith.constant 0 : i32
          %gt3A_171 = arith.cmpi sgt, %scan3A_147, %gt3A : i32
          %convert_element_type3A_172 = arith.extui %gt3A_171 : i1 to i32
          %cond3A_173 = arith.constant 0 : i32
          %cond3A_174 = arith.constant 0 : i32
          %cond3A_175 = arith.cmpi ne, %convert_element_type3A_172, %cond3A_174 : i32
          scf.if %cond3A_175 {
            %dma_wait3A_190 = arith.constant 0 : i32
            %dma_wait3A_191 = tpu.memref_slice %arg15[%scan3A_147, %cond3A_173, %dma_wait3A_190] : memref<25x1x80xi32, #tpu.memory_space<vmem>> -> memref<1x1x80xi32, #tpu.memory_space<vmem>>
            %dma_wait3A_192 = tpu.memref_squeeze %dma_wait3A_191 : memref<1x1x80xi32, #tpu.memory_space<vmem>> -> memref<80xi32, #tpu.memory_space<vmem>>
            %dma_wait3A_193 = arith.constant 0 : i32
            %dma_wait3A_194 = tpu.memref_slice %arg19[%dma_wait3A_193] : memref<10000xf32, #tpu.memory_space<vmem_shared>> -> memref<10000xf32, #tpu.memory_space<vmem_shared>>
            tpu.wait_indirect_dma semaphore(%arg22 : memref<!tpu.dma_semaphore, #tpu.memory_space<semaphore_mem>>) src(%arg17 : memref<80xf32, #tpu.memory_space<vmem>>) dst(%dma_wait3A_194 : memref<10000xf32, #tpu.memory_space<vmem_shared>>)
          } else {
          }
          %dma_start3A_176 = arith.constant 0 : i32
          %dma_start3A_177 = arith.constant 0 : i32
          %dma_start3A_178 = tpu.memref_slice %arg15[%scan3A_147, %dma_start3A_176, %dma_start3A_177] : memref<25x1x80xi32, #tpu.memory_space<vmem>> -> memref<1x1x80xi32, #tpu.memory_space<vmem>>
          %dma_start3A_179 = tpu.memref_squeeze %dma_start3A_178 : memref<1x1x80xi32, #tpu.memory_space<vmem>> -> memref<80xi32, #tpu.memory_space<vmem>>
          %dma_start3A_180 = arith.constant 0 : i32
          %dma_start3A_181 = tpu.memref_slice %arg19[%dma_start3A_180] : memref<10000xf32, #tpu.memory_space<vmem_shared>> -> memref<10000xf32, #tpu.memory_space<vmem_shared>>
          tpu.enqueue_indirect_dma source(%arg17 : memref<80xf32, #tpu.memory_space<vmem>>) target(%dma_start3A_181 : memref<10000xf32, #tpu.memory_space<vmem_shared>>) offsets(%dma_start3A_179 : memref<80xi32, #tpu.memory_space<vmem>>) semaphore(%arg22 : memref<!tpu.dma_semaphore, #tpu.memory_space<semaphore_mem>>) {add = true}
          %add3A = arith.constant 3 : i32
          %add3A_182 = arith.addi %scan3A_147, %add3A : i32
          %sub3A = arith.constant 1 : i32
          %sub3A_183 = arith.subi %add3A_182, %sub3A : i32
          %lt3A_184 = arith.constant 25 : i32
          %lt3A_185 = arith.cmpi slt, %sub3A_183, %lt3A_184 : i32
          %convert_element_type3A_186 = arith.extui %lt3A_185 : i1 to i32
          %cond3A_187 = arith.constant 0 : i32
          %cond3A_188 = arith.constant 0 : i32
          %cond3A_189 = arith.cmpi ne, %convert_element_type3A_186, %cond3A_188 : i32
          scf.if %cond3A_189 {
            %add3A_190 = arith.constant 3 : i32
            %add3A_191 = arith.addi %scan3A_147, %add3A_190 : i32
            %sub3A_192 = arith.constant 1 : i32
            %sub3A_193 = arith.subi %add3A_191, %sub3A_192 : i32
            %rem3A_194 = arith.constant 3 : i32
            %rem3A_195 = arith.remsi %sub3A_193, %rem3A_194 : i32
            %ge3A = arith.constant 1 : i32
            %ge3A_196 = arith.cmpi sge, %scan3A_147, %ge3A : i32
            %convert_element_type3A_197 = arith.extui %ge3A_196 : i1 to i32
            %cond3A_198 = arith.constant 0 : i32
            %cond3A_199 = arith.cmpi ne, %convert_element_type3A_197, %cond3A_198 : i32
            scf.if %cond3A_199 {
              %dma_wait3A_215 = arith.constant 0 : i32
              %dma_wait3A_216 = arith.constant 0 : i32
              %dma_wait3A_217 = tpu.memref_slice %arg16[%rem3A_148, %dma_wait3A_215, %dma_wait3A_216] : memref<3x80x128xf32, #tpu.memory_space<vmem>> -> memref<1x80x128xf32, #tpu.memory_space<vmem>>
              %dma_wait3A_218 = tpu.memref_squeeze %dma_wait3A_217 : memref<1x80x128xf32, #tpu.memory_space<vmem>> -> memref<80x128xf32, #tpu.memory_space<vmem>>
              %dma_wait3A_219 = arith.constant 0 : i32
              %dma_wait3A_220 = tpu.memref_slice %arg15[%scan3A_147, %cond3A_187, %dma_wait3A_219] : memref<25x1x80xi32, #tpu.memory_space<vmem>> -> memref<1x1x80xi32, #tpu.memory_space<vmem>>
              %dma_wait3A_221 = tpu.memref_squeeze %dma_wait3A_220 : memref<1x1x80xi32, #tpu.memory_space<vmem>> -> memref<80xi32, #tpu.memory_space<vmem>>
              %dma_wait3A_222 = arith.constant 0 : i32
              %dma_wait3A_223 = arith.constant 0 : i32
              %dma_wait3A_224 = tpu.memref_slice %arg18[%dma_wait3A_222, %dma_wait3A_223] : memref<10000x128xf32, #tpu.memory_space<vmem_shared>> -> memref<10000x128xf32, #tpu.memory_space<vmem_shared>>
              tpu.wait_indirect_dma semaphore(%arg21 : memref<!tpu.dma_semaphore, #tpu.memory_space<semaphore_mem>>) src(%dma_wait3A_218 : memref<80x128xf32, #tpu.memory_space<vmem>>) dst(%dma_wait3A_224 : memref<10000x128xf32, #tpu.memory_space<vmem_shared>>)
            } else {
            }
            %add3A_200 = arith.constant 3 : i32
            %add3A_201 = arith.addi %scan3A_147, %add3A_200 : i32
            %sub3A_202 = arith.constant 1 : i32
            %sub3A_203 = arith.subi %add3A_201, %sub3A_202 : i32
            %dma_start3A_204 = arith.constant 0 : i32
            %dma_start3A_205 = arith.constant 0 : i32
            %dma_start3A_206 = arith.constant 0 : i32
            %dma_start3A_207 = tpu.memref_slice %arg16[%rem3A_195, %dma_start3A_205, %dma_start3A_206] : memref<3x80x128xf32, #tpu.memory_space<vmem>> -> memref<1x80x128xf32, #tpu.memory_space<vmem>>
            %dma_start3A_208 = tpu.memref_squeeze %dma_start3A_207 : memref<1x80x128xf32, #tpu.memory_space<vmem>> -> memref<80x128xf32, #tpu.memory_space<vmem>>
            %dma_start3A_209 = arith.constant 0 : i32
            %dma_start3A_210 = tpu.memref_slice %arg14[%sub3A_203, %dma_start3A_204, %dma_start3A_209] : memref<25x1x80xi32, #tpu.memory_space<vmem>> -> memref<1x1x80xi32, #tpu.memory_space<vmem>>
            %dma_start3A_211 = tpu.memref_squeeze %dma_start3A_210 : memref<1x1x80xi32, #tpu.memory_space<vmem>> -> memref<80xi32, #tpu.memory_space<vmem>>
            %dma_start3A_212 = arith.constant 0 : i32
            %dma_start3A_213 = arith.constant 0 : i32
            %dma_start3A_214 = tpu.memref_slice %arg3[%dma_start3A_212, %dma_start3A_213] : memref<10000x128xf32, #tpu.memory_space<hbm>> -> memref<10000x128xf32, #tpu.memory_space<hbm>>
            tpu.enqueue_indirect_dma source(%dma_start3A_214 : memref<10000x128xf32, #tpu.memory_space<hbm>>) target(%dma_start3A_208 : memref<80x128xf32, #tpu.memory_space<vmem>>) offsets(%dma_start3A_211 : memref<80xi32, #tpu.memory_space<vmem>>) semaphore(%arg20 : memref<!tpu.dma_semaphore, #tpu.memory_space<semaphore_mem>>)
          } else {
          }
        }
        %scan3A_101 = arith.constant 25 : i32
        %dma_wait3A = arith.constant 0 : i32
        %dma_wait3A_102 = arith.constant 0 : i32
        %dma_wait3A_103 = arith.constant 0 : i32
        %dma_wait3A_104 = arith.constant 0 : i32
        %dma_wait3A_105 = arith.constant 0 : i32
        %dma_wait3A_106 = tpu.memref_slice %arg16[%dma_wait3A, %dma_wait3A_104, %dma_wait3A_105] : memref<3x80x128xf32, #tpu.memory_space<vmem>> -> memref<1x80x128xf32, #tpu.memory_space<vmem>>
        %dma_wait3A_107 = tpu.memref_squeeze %dma_wait3A_106 : memref<1x80x128xf32, #tpu.memory_space<vmem>> -> memref<80x128xf32, #tpu.memory_space<vmem>>
        %dma_wait3A_108 = arith.constant 0 : i32
        %dma_wait3A_109 = tpu.memref_slice %arg15[%dma_wait3A_102, %dma_wait3A_103, %dma_wait3A_108] : memref<25x1x80xi32, #tpu.memory_space<vmem>> -> memref<1x1x80xi32, #tpu.memory_space<vmem>>
        %dma_wait3A_110 = tpu.memref_squeeze %dma_wait3A_109 : memref<1x1x80xi32, #tpu.memory_space<vmem>> -> memref<80xi32, #tpu.memory_space<vmem>>
        %dma_wait3A_111 = arith.constant 0 : i32
        %dma_wait3A_112 = arith.constant 0 : i32
        %dma_wait3A_113 = tpu.memref_slice %arg18[%dma_wait3A_111, %dma_wait3A_112] : memref<10000x128xf32, #tpu.memory_space<vmem_shared>> -> memref<10000x128xf32, #tpu.memory_space<vmem_shared>>
        tpu.wait_indirect_dma semaphore(%arg21 : memref<!tpu.dma_semaphore, #tpu.memory_space<semaphore_mem>>) src(%dma_wait3A_107 : memref<80x128xf32, #tpu.memory_space<vmem>>) dst(%dma_wait3A_113 : memref<10000x128xf32, #tpu.memory_space<vmem_shared>>)
        %dma_wait3A_114 = arith.constant 0 : i32
        %dma_wait3A_115 = arith.constant 0 : i32
        %dma_wait3A_116 = arith.constant 0 : i32
        %dma_wait3A_117 = arith.constant 0 : i32
        %dma_wait3A_118 = arith.constant 0 : i32
        %dma_wait3A_119 = tpu.memref_slice %arg16[%dma_wait3A_114, %dma_wait3A_117, %dma_wait3A_118] : memref<3x80x128xf32, #tpu.memory_space<vmem>> -> memref<1x80x128xf32, #tpu.memory_space<vmem>>
        %dma_wait3A_120 = tpu.memref_squeeze %dma_wait3A_119 : memref<1x80x128xf32, #tpu.memory_space<vmem>> -> memref<80x128xf32, #tpu.memory_space<vmem>>
        %dma_wait3A_121 = arith.constant 0 : i32
        %dma_wait3A_122 = tpu.memref_slice %arg15[%dma_wait3A_115, %dma_wait3A_116, %dma_wait3A_121] : memref<25x1x80xi32, #tpu.memory_space<vmem>> -> memref<1x1x80xi32, #tpu.memory_space<vmem>>
        %dma_wait3A_123 = tpu.memref_squeeze %dma_wait3A_122 : memref<1x1x80xi32, #tpu.memory_space<vmem>> -> memref<80xi32, #tpu.memory_space<vmem>>
        %dma_wait3A_124 = arith.constant 0 : i32
        %dma_wait3A_125 = arith.constant 0 : i32
        %dma_wait3A_126 = tpu.memref_slice %arg18[%dma_wait3A_124, %dma_wait3A_125] : memref<10000x128xf32, #tpu.memory_space<vmem_shared>> -> memref<10000x128xf32, #tpu.memory_space<vmem_shared>>
        tpu.wait_indirect_dma semaphore(%arg21 : memref<!tpu.dma_semaphore, #tpu.memory_space<semaphore_mem>>) src(%dma_wait3A_120 : memref<80x128xf32, #tpu.memory_space<vmem>>) dst(%dma_wait3A_126 : memref<10000x128xf32, #tpu.memory_space<vmem_shared>>)
        %dma_wait3A_127 = arith.constant 0 : i32
        %dma_wait3A_128 = arith.constant 0 : i32
        %dma_wait3A_129 = arith.constant 0 : i32
        %dma_wait3A_130 = arith.constant 0 : i32
        %dma_wait3A_131 = arith.constant 0 : i32
        %dma_wait3A_132 = tpu.memref_slice %arg16[%dma_wait3A_127, %dma_wait3A_130, %dma_wait3A_131] : memref<3x80x128xf32, #tpu.memory_space<vmem>> -> memref<1x80x128xf32, #tpu.memory_space<vmem>>
        %dma_wait3A_133 = tpu.memref_squeeze %dma_wait3A_132 : memref<1x80x128xf32, #tpu.memory_space<vmem>> -> memref<80x128xf32, #tpu.memory_space<vmem>>
        %dma_wait3A_134 = arith.constant 0 : i32
        %dma_wait3A_135 = tpu.memref_slice %arg15[%dma_wait3A_128, %dma_wait3A_129, %dma_wait3A_134] : memref<25x1x80xi32, #tpu.memory_space<vmem>> -> memref<1x1x80xi32, #tpu.memory_space<vmem>>
        %dma_wait3A_136 = tpu.memref_squeeze %dma_wait3A_135 : memref<1x1x80xi32, #tpu.memory_space<vmem>> -> memref<80xi32, #tpu.memory_space<vmem>>
        %dma_wait3A_137 = arith.constant 0 : i32
        %dma_wait3A_138 = arith.constant 0 : i32
        %dma_wait3A_139 = tpu.memref_slice %arg18[%dma_wait3A_137, %dma_wait3A_138] : memref<10000x128xf32, #tpu.memory_space<vmem_shared>> -> memref<10000x128xf32, #tpu.memory_space<vmem_shared>>
        tpu.wait_indirect_dma semaphore(%arg21 : memref<!tpu.dma_semaphore, #tpu.memory_space<semaphore_mem>>) src(%dma_wait3A_133 : memref<80x128xf32, #tpu.memory_space<vmem>>) dst(%dma_wait3A_139 : memref<10000x128xf32, #tpu.memory_space<vmem_shared>>)
        %dma_wait3A_140 = arith.constant 0 : i32
        %dma_wait3A_141 = arith.constant 0 : i32
        %dma_wait3A_142 = arith.constant 0 : i32
        %dma_wait3A_143 = tpu.memref_slice %arg15[%dma_wait3A_140, %dma_wait3A_141, %dma_wait3A_142] : memref<25x1x80xi32, #tpu.memory_space<vmem>> -> memref<1x1x80xi32, #tpu.memory_space<vmem>>
        %dma_wait3A_144 = tpu.memref_squeeze %dma_wait3A_143 : memref<1x1x80xi32, #tpu.memory_space<vmem>> -> memref<80xi32, #tpu.memory_space<vmem>>
        %dma_wait3A_145 = arith.constant 0 : i32
        %dma_wait3A_146 = tpu.memref_slice %arg19[%dma_wait3A_145] : memref<10000xf32, #tpu.memory_space<vmem_shared>> -> memref<10000xf32, #tpu.memory_space<vmem_shared>>
        tpu.wait_indirect_dma semaphore(%arg22 : memref<!tpu.dma_semaphore, #tpu.memory_space<semaphore_mem>>) src(%arg17 : memref<80xf32, #tpu.memory_space<vmem>>) dst(%dma_wait3A_146 : memref<10000xf32, #tpu.memory_space<vmem_shared>>)
      }
      %scan3A_53 = arith.constant 5 : i32
      %barrier3A_54 = arith.constant 0 : index
      tpu.barrier barrier_id(%barrier3A_54)
      %lt3A_55 = arith.constant 15 : i32
      %lt3A_56 = arith.cmpi slt, %arg1, %lt3A_55 : i32
      %convert_element_type3A_57 = arith.extui %lt3A_56 : i1 to i32
      %cond3A_58 = arith.constant 0 : i32
      %cond3A_59 = arith.cmpi ne, %convert_element_type3A_57, %cond3A_58 : i32
      scf.if %cond3A_59 {
        %mul3A = arith.constant 624 : i32
        %mul3A_70 = arith.muli %arg1, %mul3A : i32
        %mul3A_71 = arith.constant 624 : i32
        %mul3A_72 = arith.muli %arg1, %mul3A_71 : i32
        "tpu.region"() ({
          %run_scoped3A = tpu.sem_alloc : memref<!tpu.dma_semaphore, #tpu.memory_space<semaphore_mem>>
          %dma_start3A = arith.constant 0 : i32
          %dma_start3A_73 = tpu.memref_slice %arg11[%mul3A_72, %dma_start3A] : memref<10000x128xf32, #tpu.memory_space<hbm>> -> memref<624x128xf32, #tpu.memory_space<hbm>>
          %dma_start3A_74 = arith.constant 0 : i32
          %dma_start3A_75 = tpu.memref_slice %arg18[%mul3A_70, %dma_start3A_74] : memref<10000x128xf32, #tpu.memory_space<vmem_shared>> -> memref<624x128xf32, #tpu.memory_space<vmem_shared>>
          tpu.enqueue_dma source(%dma_start3A_75 : memref<624x128xf32, #tpu.memory_space<vmem_shared>>) target(%dma_start3A_73 : memref<624x128xf32, #tpu.memory_space<hbm>>) target_semaphore(%run_scoped3A : memref<!tpu.dma_semaphore, #tpu.memory_space<semaphore_mem>>)
          %dma_wait3A = arith.constant 0 : i32
          %dma_wait3A_76 = tpu.memref_slice %arg11[%mul3A_72, %dma_wait3A] : memref<10000x128xf32, #tpu.memory_space<hbm>> -> memref<624x128xf32, #tpu.memory_space<hbm>>
          %dma_wait3A_77 = arith.constant 0 : i32
          %dma_wait3A_78 = tpu.memref_slice %arg18[%mul3A_70, %dma_wait3A_77] : memref<10000x128xf32, #tpu.memory_space<vmem_shared>> -> memref<624x128xf32, #tpu.memory_space<vmem_shared>>
          tpu.wait_dma2 semaphore(%run_scoped3A : memref<!tpu.dma_semaphore, #tpu.memory_space<semaphore_mem>>) src(%dma_wait3A_78 : memref<624x128xf32, #tpu.memory_space<vmem_shared>>) dst(%dma_wait3A_76 : memref<624x128xf32, #tpu.memory_space<hbm>>)
          tpu.yield
        }) : () -> ()
      } else {
      }
      %eq3A_60 = arith.constant 15 : i32
      %eq3A_61 = arith.cmpi eq, %arg1, %eq3A_60 : i32
      %convert_element_type3A_62 = arith.extui %eq3A_61 : i1 to i32
      %cond3A_63 = arith.constant 0 : i32
      %cond3A_64 = arith.cmpi ne, %convert_element_type3A_62, %cond3A_63 : i32
      scf.if %cond3A_64 {
        "tpu.region"() ({
          %run_scoped3A = tpu.sem_alloc : memref<!tpu.dma_semaphore, #tpu.memory_space<semaphore_mem>>
          %dma_start3A = arith.constant 9360 : i32
          %dma_start3A_70 = arith.constant 0 : i32
          %dma_start3A_71 = tpu.memref_slice %arg11[%dma_start3A, %dma_start3A_70] : memref<10000x128xf32, #tpu.memory_space<hbm>> -> memref<640x128xf32, #tpu.memory_space<hbm>>
          %dma_start3A_72 = arith.constant 9360 : i32
          %dma_start3A_73 = arith.constant 0 : i32
          %dma_start3A_74 = tpu.memref_slice %arg18[%dma_start3A_72, %dma_start3A_73] : memref<10000x128xf32, #tpu.memory_space<vmem_shared>> -> memref<640x128xf32, #tpu.memory_space<vmem_shared>>
          tpu.enqueue_dma source(%dma_start3A_74 : memref<640x128xf32, #tpu.memory_space<vmem_shared>>) target(%dma_start3A_71 : memref<640x128xf32, #tpu.memory_space<hbm>>) target_semaphore(%run_scoped3A : memref<!tpu.dma_semaphore, #tpu.memory_space<semaphore_mem>>)
          %dma_wait3A = arith.constant 9360 : i32
          %dma_wait3A_75 = arith.constant 0 : i32
          %dma_wait3A_76 = tpu.memref_slice %arg11[%dma_wait3A, %dma_wait3A_75] : memref<10000x128xf32, #tpu.memory_space<hbm>> -> memref<640x128xf32, #tpu.memory_space<hbm>>
          %dma_wait3A_77 = arith.constant 9360 : i32
          %dma_wait3A_78 = arith.constant 0 : i32
          %dma_wait3A_79 = tpu.memref_slice %arg18[%dma_wait3A_77, %dma_wait3A_78] : memref<10000x128xf32, #tpu.memory_space<vmem_shared>> -> memref<640x128xf32, #tpu.memory_space<vmem_shared>>
          tpu.wait_dma2 semaphore(%run_scoped3A : memref<!tpu.dma_semaphore, #tpu.memory_space<semaphore_mem>>) src(%dma_wait3A_79 : memref<640x128xf32, #tpu.memory_space<vmem_shared>>) dst(%dma_wait3A_76 : memref<640x128xf32, #tpu.memory_space<hbm>>)
          tpu.yield
        }) : () -> ()
      } else {
      }
      %eq3A_65 = arith.constant 0 : i32
      %eq3A_66 = arith.cmpi eq, %arg1, %eq3A_65 : i32
      %convert_element_type3A_67 = arith.extui %eq3A_66 : i1 to i32
      %cond3A_68 = arith.constant 0 : i32
      %cond3A_69 = arith.cmpi ne, %convert_element_type3A_67, %cond3A_68 : i32
      scf.if %cond3A_69 {
        "tpu.region"() ({
          %run_scoped3A = tpu.sem_alloc : memref<!tpu.dma_semaphore, #tpu.memory_space<semaphore_mem>>
          tpu.enqueue_dma source(%arg19 : memref<10000xf32, #tpu.memory_space<vmem_shared>>) target(%arg13 : memref<10000xf32, #tpu.memory_space<hbm>>) target_semaphore(%run_scoped3A : memref<!tpu.dma_semaphore, #tpu.memory_space<semaphore_mem>>)
          tpu.wait_dma2 semaphore(%run_scoped3A : memref<!tpu.dma_semaphore, #tpu.memory_space<semaphore_mem>>) src(%arg19 : memref<10000xf32, #tpu.memory_space<vmem_shared>>) dst(%arg13 : memref<10000xf32, #tpu.memory_space<hbm>>)
          tpu.yield
        }) : () -> ()
      } else {
      }
    } else {
    }
    return
  }
}

module attributes {stable_mosaic.version = 14 : i64} {
  func.func @_projA_body(%arg0: i32, %arg1: memref<1000x1280xf32, #tpu.memory_space<vmem>>, %arg2: memref<1280x128xf32, #tpu.memory_space<vmem>>, %arg3: memref<1x128xf32, #tpu.memory_space<vmem>>, %arg4: memref<1000x128xf32, #tpu.memory_space<vmem>>, %arg5: memref<128x128xf32, #tpu.memory_space<vmem>>, %arg6: memref<128x128xf32, #tpu.memory_space<vmem>>, %arg7: memref<1000x1280xf32, #tpu.memory_space<vmem>>, %arg8: memref<1280x128xf32, #tpu.memory_space<vmem>>, %arg9: memref<1x128xf32, #tpu.memory_space<vmem>>, %arg10: memref<1000x128xf32, #tpu.memory_space<vmem>>, %arg11: memref<128x128xf32, #tpu.memory_space<vmem>>, %arg12: memref<128x128xf32, #tpu.memory_space<vmem>>, %arg13: memref<1000x128xf32, #tpu.memory_space<vmem>>, %arg14: memref<1000x128xf32, #tpu.memory_space<vmem>>) attributes {dimension_semantics = [#tpu.dimension_semantics<arbitrary>], iteration_bounds = array<i64: 10>, scalar_prefetch = 0 : i64, scratch_operands = 0 : i64, tpu.core_type = #tpu.core_type<tc>, window_params = [{transform_indices = @transform_0, window_bounds = array<i64: 1000, 1280>}, {pipeline_mode = #tpu.pipeline_mode<synchronous>, transform_indices = @transform_1, window_bounds = array<i64: 1280, 128>}, {pipeline_mode = #tpu.pipeline_mode<synchronous>, transform_indices = @transform_2, window_bounds = array<i64: 1, 128>}, {transform_indices = @transform_3, window_bounds = array<i64: 1000, 128>}, {pipeline_mode = #tpu.pipeline_mode<synchronous>, transform_indices = @transform_4, window_bounds = array<i64: 128, 128>}, {pipeline_mode = #tpu.pipeline_mode<synchronous>, transform_indices = @transform_5, window_bounds = array<i64: 128, 128>}, {transform_indices = @transform_6, window_bounds = array<i64: 1000, 1280>}, {pipeline_mode = #tpu.pipeline_mode<synchronous>, transform_indices = @transform_7, window_bounds = array<i64: 1280, 128>}, {pipeline_mode = #tpu.pipeline_mode<synchronous>, transform_indices = @transform_8, window_bounds = array<i64: 1, 128>}, {transform_indices = @transform_9, window_bounds = array<i64: 1000, 128>}, {pipeline_mode = #tpu.pipeline_mode<synchronous>, transform_indices = @transform_10, window_bounds = array<i64: 128, 128>}, {pipeline_mode = #tpu.pipeline_mode<synchronous>, transform_indices = @transform_11, window_bounds = array<i64: 128, 128>}, {transform_indices = @transform_12, window_bounds = array<i64: 1000, 128>}, {transform_indices = @transform_13, window_bounds = array<i64: 1000, 128>}]} {
    %get3A = arith.constant 0 : index
    %get3A_0 = arith.constant 0 : index
    %get3A_1 = vector.load %arg1[%get3A, %get3A_0] : memref<1000x1280xf32, #tpu.memory_space<vmem>>, vector<1000x1280xf32>
    %convert_element_type3A = arith.truncf %get3A_1 : vector<1000x1280xf32> to vector<1000x1280xbf16>
    %get3A_2 = arith.constant 0 : index
    %get3A_3 = arith.constant 0 : index
    %get3A_4 = vector.load %arg2[%get3A_2, %get3A_3] : memref<1280x128xf32, #tpu.memory_space<vmem>>, vector<1280x128xf32>
    %convert_element_type3A_5 = arith.truncf %get3A_4 : vector<1280x128xf32> to vector<1280x128xbf16>
    %dot_general3A = arith.constant dense<0.000000e+00> : vector<1000x128xf32>
    %dot_general3A_6 = tpu.matmul %convert_element_type3A, %convert_element_type3A_5, %dot_general3A {dimension_numbers = #tpu.dot_dimension_numbers<[1], [0], [0], [1], [0, 0, 1, 1], [], []>, transpose_lhs_hint = false} : vector<1000x1280xbf16>, vector<1280x128xbf16>, vector<1000x128xf32> -> vector<1000x128xf32>
    %get3A_7 = arith.constant 0 : index
    %get3A_8 = arith.constant 0 : index
    %get3A_9 = vector.load %arg3[%get3A_7, %get3A_8] : memref<1x128xf32, #tpu.memory_space<vmem>>, vector<1x128xf32>
    %add3A = vector.broadcast %get3A_9 : vector<1x128xf32> to vector<1000x128xf32>
    %add3A_10 = arith.addf %dot_general3A_6, %add3A : vector<1000x128xf32>
    %get3A_11 = arith.constant 0 : index
    %get3A_12 = arith.constant 0 : index
    %get3A_13 = vector.load %arg5[%get3A_11, %get3A_12] : memref<128x128xf32, #tpu.memory_space<vmem>>, vector<128x128xf32>
    %dot_general3A_14 = arith.constant dense<0.000000e+00> : vector<1000x128xf32>
    %dot_general3A_15 = tpu.matmul %add3A_10, %get3A_13, %dot_general3A_14 {dimension_numbers = #tpu.dot_dimension_numbers<[1], [0], [0], [1], [0, 0, 1, 1], [], []>, transpose_lhs_hint = false} : vector<1000x128xf32>, vector<128x128xf32>, vector<1000x128xf32> -> vector<1000x128xf32>
    %get3A_16 = arith.constant 0 : index
    %get3A_17 = arith.constant 0 : index
    %get3A_18 = vector.load %arg4[%get3A_16, %get3A_17] : memref<1000x128xf32, #tpu.memory_space<vmem>>, vector<1000x128xf32>
    %get3A_19 = arith.constant 0 : index
    %get3A_20 = arith.constant 0 : index
    %get3A_21 = vector.load %arg6[%get3A_19, %get3A_20] : memref<128x128xf32, #tpu.memory_space<vmem>>, vector<128x128xf32>
    %dot_general3A_22 = arith.constant dense<0.000000e+00> : vector<1000x128xf32>
    %dot_general3A_23 = tpu.matmul %get3A_18, %get3A_21, %dot_general3A_22 {dimension_numbers = #tpu.dot_dimension_numbers<[1], [0], [0], [1], [0, 0, 1, 1], [], []>, transpose_lhs_hint = false} : vector<1000x128xf32>, vector<128x128xf32>, vector<1000x128xf32> -> vector<1000x128xf32>
    %add3A_24 = arith.addf %dot_general3A_15, %dot_general3A_23 : vector<1000x128xf32>
    %swap3A = arith.constant 0 : index
    %swap3A_25 = arith.constant 0 : index
    %swap3A_26 = vector.load %arg13[%swap3A, %swap3A_25] : memref<1000x128xf32, #tpu.memory_space<vmem>>, vector<1000x128xf32>
    tpu.vector_store %arg13[%swap3A, %swap3A_25], %add3A_24 {strides = array<i32>} : memref<1000x128xf32, #tpu.memory_space<vmem>>, vector<1000x128xf32>,
    %get3A_27 = arith.constant 0 : index
    %get3A_28 = arith.constant 0 : index
    %get3A_29 = vector.load %arg7[%get3A_27, %get3A_28] : memref<1000x1280xf32, #tpu.memory_space<vmem>>, vector<1000x1280xf32>
    %convert_element_type3A_30 = arith.truncf %get3A_29 : vector<1000x1280xf32> to vector<1000x1280xbf16>
    %get3A_31 = arith.constant 0 : index
    %get3A_32 = arith.constant 0 : index
    %get3A_33 = vector.load %arg8[%get3A_31, %get3A_32] : memref<1280x128xf32, #tpu.memory_space<vmem>>, vector<1280x128xf32>
    %convert_element_type3A_34 = arith.truncf %get3A_33 : vector<1280x128xf32> to vector<1280x128xbf16>
    %dot_general3A_35 = arith.constant dense<0.000000e+00> : vector<1000x128xf32>
    %dot_general3A_36 = tpu.matmul %convert_element_type3A_30, %convert_element_type3A_34, %dot_general3A_35 {dimension_numbers = #tpu.dot_dimension_numbers<[1], [0], [0], [1], [0, 0, 1, 1], [], []>, transpose_lhs_hint = false} : vector<1000x1280xbf16>, vector<1280x128xbf16>, vector<1000x128xf32> -> vector<1000x128xf32>
    %get3A_37 = arith.constant 0 : index
    %get3A_38 = arith.constant 0 : index
    %get3A_39 = vector.load %arg9[%get3A_37, %get3A_38] : memref<1x128xf32, #tpu.memory_space<vmem>>, vector<1x128xf32>
    %add3A_40 = vector.broadcast %get3A_39 : vector<1x128xf32> to vector<1000x128xf32>
    %add3A_41 = arith.addf %dot_general3A_36, %add3A_40 : vector<1000x128xf32>
    %get3A_42 = arith.constant 0 : index
    %get3A_43 = arith.constant 0 : index
    %get3A_44 = vector.load %arg11[%get3A_42, %get3A_43] : memref<128x128xf32, #tpu.memory_space<vmem>>, vector<128x128xf32>
    %dot_general3A_45 = arith.constant dense<0.000000e+00> : vector<1000x128xf32>
    %dot_general3A_46 = tpu.matmul %add3A_41, %get3A_44, %dot_general3A_45 {dimension_numbers = #tpu.dot_dimension_numbers<[1], [0], [0], [1], [0, 0, 1, 1], [], []>, transpose_lhs_hint = false} : vector<1000x128xf32>, vector<128x128xf32>, vector<1000x128xf32> -> vector<1000x128xf32>
    %get3A_47 = arith.constant 0 : index
    %get3A_48 = arith.constant 0 : index
    %get3A_49 = vector.load %arg10[%get3A_47, %get3A_48] : memref<1000x128xf32, #tpu.memory_space<vmem>>, vector<1000x128xf32>
    %get3A_50 = arith.constant 0 : index
    %get3A_51 = arith.constant 0 : index
    %get3A_52 = vector.load %arg12[%get3A_50, %get3A_51] : memref<128x128xf32, #tpu.memory_space<vmem>>, vector<128x128xf32>
    %dot_general3A_53 = arith.constant dense<0.000000e+00> : vector<1000x128xf32>
    %dot_general3A_54 = tpu.matmul %get3A_49, %get3A_52, %dot_general3A_53 {dimension_numbers = #tpu.dot_dimension_numbers<[1], [0], [0], [1], [0, 0, 1, 1], [], []>, transpose_lhs_hint = false} : vector<1000x128xf32>, vector<128x128xf32>, vector<1000x128xf32> -> vector<1000x128xf32>
    %add3A_55 = arith.addf %dot_general3A_46, %dot_general3A_54 : vector<1000x128xf32>
    %swap3A_56 = arith.constant 0 : index
    %swap3A_57 = arith.constant 0 : index
    %swap3A_58 = vector.load %arg14[%swap3A_56, %swap3A_57] : memref<1000x128xf32, #tpu.memory_space<vmem>>, vector<1000x128xf32>
    tpu.vector_store %arg14[%swap3A_56, %swap3A_57], %add3A_55 {strides = array<i32>} : memref<1000x128xf32, #tpu.memory_space<vmem>>, vector<1000x128xf32>,
    return
  }
  func.func @transform_0(%arg0: i32) -> (i32, i32) {
    %c0_i32 = arith.constant 0 : i32
    %c0_i32_0 = arith.constant 0 : i32
    return %arg0, %c0_i32 : i32, i32
  }
  func.func @transform_1(%arg0: i32) -> (i32, i32) {
    %c0_i32 = arith.constant 0 : i32
    %c0_i32_0 = arith.constant 0 : i32
    %c0_i32_1 = arith.constant 0 : i32
    return %c0_i32, %c0_i32_0 : i32, i32
  }
  func.func @transform_2(%arg0: i32) -> (i32, i32) {
    %c0_i32 = arith.constant 0 : i32
    %c0_i32_0 = arith.constant 0 : i32
    %c0_i32_1 = arith.constant 0 : i32
    return %c0_i32, %c0_i32_0 : i32, i32
  }
  func.func @transform_3(%arg0: i32) -> (i32, i32) {
    %c0_i32 = arith.constant 0 : i32
    %c0_i32_0 = arith.constant 0 : i32
    return %arg0, %c0_i32 : i32, i32
  }
  func.func @transform_4(%arg0: i32) -> (i32, i32) {
    %c0_i32 = arith.constant 0 : i32
    %c0_i32_0 = arith.constant 0 : i32
    %c0_i32_1 = arith.constant 0 : i32
    return %c0_i32, %c0_i32_0 : i32, i32
  }
  func.func @transform_5(%arg0: i32) -> (i32, i32) {
    %c0_i32 = arith.constant 0 : i32
    %c0_i32_0 = arith.constant 0 : i32
    %c0_i32_1 = arith.constant 0 : i32
    return %c0_i32, %c0_i32_0 : i32, i32
  }
  func.func @transform_6(%arg0: i32) -> (i32, i32) {
    %c0_i32 = arith.constant 0 : i32
    %c0_i32_0 = arith.constant 0 : i32
    return %arg0, %c0_i32 : i32, i32
  }
  func.func @transform_7(%arg0: i32) -> (i32, i32) {
    %c0_i32 = arith.constant 0 : i32
    %c0_i32_0 = arith.constant 0 : i32
    %c0_i32_1 = arith.constant 0 : i32
    return %c0_i32, %c0_i32_0 : i32, i32
  }
  func.func @transform_8(%arg0: i32) -> (i32, i32) {
    %c0_i32 = arith.constant 0 : i32
    %c0_i32_0 = arith.constant 0 : i32
    %c0_i32_1 = arith.constant 0 : i32
    return %c0_i32, %c0_i32_0 : i32, i32
  }
  func.func @transform_9(%arg0: i32) -> (i32, i32) {
    %c0_i32 = arith.constant 0 : i32
    %c0_i32_0 = arith.constant 0 : i32
    return %arg0, %c0_i32 : i32, i32
  }
  func.func @transform_10(%arg0: i32) -> (i32, i32) {
    %c0_i32 = arith.constant 0 : i32
    %c0_i32_0 = arith.constant 0 : i32
    %c0_i32_1 = arith.constant 0 : i32
    return %c0_i32, %c0_i32_0 : i32, i32
  }
  func.func @transform_11(%arg0: i32) -> (i32, i32) {
    %c0_i32 = arith.constant 0 : i32
    %c0_i32_0 = arith.constant 0 : i32
    %c0_i32_1 = arith.constant 0 : i32
    return %c0_i32, %c0_i32_0 : i32, i32
  }
  func.func @transform_12(%arg0: i32) -> (i32, i32) {
    %c0_i32 = arith.constant 0 : i32
    %c0_i32_0 = arith.constant 0 : i32
    return %arg0, %c0_i32 : i32, i32
  }
  func.func @transform_13(%arg0: i32) -> (i32, i32) {
    %c0_i32 = arith.constant 0 : i32
    %c0_i32_0 = arith.constant 0 : i32
    return %arg0, %c0_i32 : i32, i32
  }
}

module attributes {stable_mosaic.version = 14 : i64} {
  func.func @_stageC_body(%arg0: i32, %arg1: memref<1000x128xf32, #tpu.memory_space<vmem>>, %arg2: memref<1000x1xf32, #tpu.memory_space<vmem>>, %arg3: memref<1000x128xf32, #tpu.memory_space<vmem>>, %arg4: memref<1000x1xf32, #tpu.memory_space<vmem>>, %arg5: memref<128x128xf32, #tpu.memory_space<vmem>>, %arg6: memref<128x128xf32, #tpu.memory_space<vmem>>, %arg7: memref<1000x128xf32, #tpu.memory_space<vmem>>, %arg8: memref<1000x128xf32, #tpu.memory_space<vmem>>, %arg9: memref<1000x1xf32, #tpu.memory_space<vmem>>, %arg10: memref<1000x1xf32, #tpu.memory_space<vmem>>) attributes {dimension_semantics = [#tpu.dimension_semantics<arbitrary>], iteration_bounds = array<i64: 10>, scalar_prefetch = 0 : i64, scratch_operands = 0 : i64, tpu.core_type = #tpu.core_type<tc>, window_params = [{transform_indices = @transform_0, window_bounds = array<i64: 1000, 128>}, {transform_indices = @transform_1, window_bounds = array<i64: 1000, 1>}, {transform_indices = @transform_2, window_bounds = array<i64: 1000, 128>}, {transform_indices = @transform_3, window_bounds = array<i64: 1000, 1>}, {pipeline_mode = #tpu.pipeline_mode<synchronous>, transform_indices = @transform_4, window_bounds = array<i64: 128, 128>}, {pipeline_mode = #tpu.pipeline_mode<synchronous>, transform_indices = @transform_5, window_bounds = array<i64: 128, 128>}, {transform_indices = @transform_6, window_bounds = array<i64: 1000, 128>}, {transform_indices = @transform_7, window_bounds = array<i64: 1000, 128>}, {transform_indices = @transform_8, window_bounds = array<i64: 1000, 1>}, {transform_indices = @transform_9, window_bounds = array<i64: 1000, 1>}]} {
    %get3A = arith.constant 0 : index
    %get3A_0 = arith.constant 0 : index
    %get3A_1 = vector.load %arg2[%get3A, %get3A_0] : memref<1000x1xf32, #tpu.memory_space<vmem>>, vector<1000x1xf32>
    %max3A = arith.constant 1.000000e+00 : f32
    %max3A_2 = vector.broadcast %max3A : f32 to vector<1000x1xf32>
    %max3A_3 = arith.maximumf %get3A_1, %max3A_2 : vector<1000x1xf32>
    %div3A = arith.constant 1.000000e+00 : f32
    %div3A_4 = vector.broadcast %div3A : f32 to vector<1000x1xf32>
    %div3A_5 = arith.divf %div3A_4, %max3A_3 : vector<1000x1xf32>
    %get3A_6 = arith.constant 0 : index
    %get3A_7 = arith.constant 0 : index
    %get3A_8 = vector.load %arg4[%get3A_6, %get3A_7] : memref<1000x1xf32, #tpu.memory_space<vmem>>, vector<1000x1xf32>
    %max3A_9 = arith.constant 1.000000e+00 : f32
    %max3A_10 = vector.broadcast %max3A_9 : f32 to vector<1000x1xf32>
    %max3A_11 = arith.maximumf %get3A_8, %max3A_10 : vector<1000x1xf32>
    %div3A_12 = arith.constant 1.000000e+00 : f32
    %div3A_13 = vector.broadcast %div3A_12 : f32 to vector<1000x1xf32>
    %div3A_14 = arith.divf %div3A_13, %max3A_11 : vector<1000x1xf32>
    %get3A_15 = arith.constant 0 : index
    %get3A_16 = arith.constant 0 : index
    %get3A_17 = vector.load %arg1[%get3A_15, %get3A_16] : memref<1000x128xf32, #tpu.memory_space<vmem>>, vector<1000x128xf32>
    %mul3A = vector.broadcast %div3A_5 : vector<1000x1xf32> to vector<1000x128xf32>
    %mul3A_18 = arith.mulf %get3A_17, %mul3A : vector<1000x128xf32>
    %max3A_19 = arith.constant 0.000000e+00 : f32
    %max3A_20 = vector.broadcast %max3A_19 : f32 to vector<1000x128xf32>
    %max3A_21 = arith.maximumf %mul3A_18, %max3A_20 : vector<1000x128xf32>
    %get3A_22 = arith.constant 0 : index
    %get3A_23 = arith.constant 0 : index
    %get3A_24 = vector.load %arg3[%get3A_22, %get3A_23] : memref<1000x128xf32, #tpu.memory_space<vmem>>, vector<1000x128xf32>
    %mul3A_25 = vector.broadcast %div3A_14 : vector<1000x1xf32> to vector<1000x128xf32>
    %mul3A_26 = arith.mulf %get3A_24, %mul3A_25 : vector<1000x128xf32>
    %max3A_27 = arith.constant 0.000000e+00 : f32
    %max3A_28 = vector.broadcast %max3A_27 : f32 to vector<1000x128xf32>
    %max3A_29 = arith.maximumf %mul3A_26, %max3A_28 : vector<1000x128xf32>
    %get3A_30 = arith.constant 0 : index
    %get3A_31 = arith.constant 0 : index
    %get3A_32 = vector.load %arg5[%get3A_30, %get3A_31] : memref<128x128xf32, #tpu.memory_space<vmem>>, vector<128x128xf32>
    %dot_general3A = arith.constant dense<0.000000e+00> : vector<1000x128xf32>
    %dot_general3A_33 = tpu.matmul %max3A_21, %get3A_32, %dot_general3A {dimension_numbers = #tpu.dot_dimension_numbers<[1], [0], [0], [1], [0, 0, 1, 1], [], []>, transpose_lhs_hint = false} : vector<1000x128xf32>, vector<128x128xf32>, vector<1000x128xf32> -> vector<1000x128xf32>
    %swap3A = arith.constant 0 : index
    %swap3A_34 = arith.constant 0 : index
    %swap3A_35 = vector.load %arg7[%swap3A, %swap3A_34] : memref<1000x128xf32, #tpu.memory_space<vmem>>, vector<1000x128xf32>
    tpu.vector_store %arg7[%swap3A, %swap3A_34], %dot_general3A_33 {strides = array<i32>} : memref<1000x128xf32, #tpu.memory_space<vmem>>, vector<1000x128xf32>,
    %get3A_36 = arith.constant 0 : index
    %get3A_37 = arith.constant 0 : index
    %get3A_38 = vector.load %arg6[%get3A_36, %get3A_37] : memref<128x128xf32, #tpu.memory_space<vmem>>, vector<128x128xf32>
    %dot_general3A_39 = arith.constant dense<0.000000e+00> : vector<1000x128xf32>
    %dot_general3A_40 = tpu.matmul %max3A_29, %get3A_38, %dot_general3A_39 {dimension_numbers = #tpu.dot_dimension_numbers<[1], [0], [0], [1], [0, 0, 1, 1], [], []>, transpose_lhs_hint = false} : vector<1000x128xf32>, vector<128x128xf32>, vector<1000x128xf32> -> vector<1000x128xf32>
    %swap3A_41 = arith.constant 0 : index
    %swap3A_42 = arith.constant 0 : index
    %swap3A_43 = vector.load %arg8[%swap3A_41, %swap3A_42] : memref<1000x128xf32, #tpu.memory_space<vmem>>, vector<1000x128xf32>
    tpu.vector_store %arg8[%swap3A_41, %swap3A_42], %dot_general3A_40 {strides = array<i32>} : memref<1000x128xf32, #tpu.memory_space<vmem>>, vector<1000x128xf32>,
    %swap3A_44 = arith.constant 0 : index
    %swap3A_45 = arith.constant 0 : index
    %swap3A_46 = vector.load %arg9[%swap3A_44, %swap3A_45] : memref<1000x1xf32, #tpu.memory_space<vmem>>, vector<1000x1xf32>
    tpu.vector_store %arg9[%swap3A_44, %swap3A_45], %div3A_5 {strides = array<i32>} : memref<1000x1xf32, #tpu.memory_space<vmem>>, vector<1000x1xf32>,
    %swap3A_47 = arith.constant 0 : index
    %swap3A_48 = arith.constant 0 : index
    %swap3A_49 = vector.load %arg10[%swap3A_47, %swap3A_48] : memref<1000x1xf32, #tpu.memory_space<vmem>>, vector<1000x1xf32>
    tpu.vector_store %arg10[%swap3A_47, %swap3A_48], %div3A_14 {strides = array<i32>} : memref<1000x1xf32, #tpu.memory_space<vmem>>, vector<1000x1xf32>,
    return
  }
  func.func @transform_0(%arg0: i32) -> (i32, i32) {
    %c0_i32 = arith.constant 0 : i32
    %c0_i32_0 = arith.constant 0 : i32
    return %arg0, %c0_i32 : i32, i32
  }
  func.func @transform_1(%arg0: i32) -> (i32, i32) {
    %c0_i32 = arith.constant 0 : i32
    %c0_i32_0 = arith.constant 0 : i32
    return %arg0, %c0_i32 : i32, i32
  }
  func.func @transform_2(%arg0: i32) -> (i32, i32) {
    %c0_i32 = arith.constant 0 : i32
    %c0_i32_0 = arith.constant 0 : i32
    return %arg0, %c0_i32 : i32, i32
  }
  func.func @transform_3(%arg0: i32) -> (i32, i32) {
    %c0_i32 = arith.constant 0 : i32
    %c0_i32_0 = arith.constant 0 : i32
    return %arg0, %c0_i32 : i32, i32
  }
  func.func @transform_4(%arg0: i32) -> (i32, i32) {
    %c0_i32 = arith.constant 0 : i32
    %c0_i32_0 = arith.constant 0 : i32
    %c0_i32_1 = arith.constant 0 : i32
    return %c0_i32, %c0_i32_0 : i32, i32
  }
  func.func @transform_5(%arg0: i32) -> (i32, i32) {
    %c0_i32 = arith.constant 0 : i32
    %c0_i32_0 = arith.constant 0 : i32
    %c0_i32_1 = arith.constant 0 : i32
    return %c0_i32, %c0_i32_0 : i32, i32
  }
  func.func @transform_6(%arg0: i32) -> (i32, i32) {
    %c0_i32 = arith.constant 0 : i32
    %c0_i32_0 = arith.constant 0 : i32
    return %arg0, %c0_i32 : i32, i32
  }
  func.func @transform_7(%arg0: i32) -> (i32, i32) {
    %c0_i32 = arith.constant 0 : i32
    %c0_i32_0 = arith.constant 0 : i32
    return %arg0, %c0_i32 : i32, i32
  }
  func.func @transform_8(%arg0: i32) -> (i32, i32) {
    %c0_i32 = arith.constant 0 : i32
    %c0_i32_0 = arith.constant 0 : i32
    return %arg0, %c0_i32 : i32, i32
  }
  func.func @transform_9(%arg0: i32) -> (i32, i32) {
    %c0_i32 = arith.constant 0 : i32
    %c0_i32_0 = arith.constant 0 : i32
    return %arg0, %c0_i32 : i32, i32
  }
}

module attributes {stable_mosaic.version = 14 : i64} {
  func.func @_scale2_body(%arg0: i32, %arg1: memref<2000x128xf32, #tpu.memory_space<vmem>>, %arg2: memref<2000x1xf32, #tpu.memory_space<vmem>>, %arg3: memref<2000x128xf32, #tpu.memory_space<vmem>>, %arg4: memref<2000x1xf32, #tpu.memory_space<vmem>>, %arg5: memref<2000x128xf32, #tpu.memory_space<vmem>>, %arg6: memref<2000x128xf32, #tpu.memory_space<vmem>>) attributes {dimension_semantics = [#tpu.dimension_semantics<arbitrary>], iteration_bounds = array<i64: 5>, scalar_prefetch = 0 : i64, scratch_operands = 0 : i64, tpu.core_type = #tpu.core_type<tc>, window_params = [{transform_indices = @transform_0, window_bounds = array<i64: 2000, 128>}, {transform_indices = @transform_1, window_bounds = array<i64: 2000, 1>}, {transform_indices = @transform_2, window_bounds = array<i64: 2000, 128>}, {transform_indices = @transform_3, window_bounds = array<i64: 2000, 1>}, {transform_indices = @transform_4, window_bounds = array<i64: 2000, 128>}, {transform_indices = @transform_5, window_bounds = array<i64: 2000, 128>}]} {
    %get3A = arith.constant 0 : index
    %get3A_0 = arith.constant 0 : index
    %get3A_1 = vector.load %arg1[%get3A, %get3A_0] : memref<2000x128xf32, #tpu.memory_space<vmem>>, vector<2000x128xf32>
    %get3A_2 = arith.constant 0 : index
    %get3A_3 = arith.constant 0 : index
    %get3A_4 = vector.load %arg2[%get3A_2, %get3A_3] : memref<2000x1xf32, #tpu.memory_space<vmem>>, vector<2000x1xf32>
    %mul3A = vector.broadcast %get3A_4 : vector<2000x1xf32> to vector<2000x128xf32>
    %mul3A_5 = arith.mulf %get3A_1, %mul3A : vector<2000x128xf32>
    %swap3A = arith.constant 0 : index
    %swap3A_6 = arith.constant 0 : index
    %swap3A_7 = vector.load %arg5[%swap3A, %swap3A_6] : memref<2000x128xf32, #tpu.memory_space<vmem>>, vector<2000x128xf32>
    tpu.vector_store %arg5[%swap3A, %swap3A_6], %mul3A_5 {strides = array<i32>} : memref<2000x128xf32, #tpu.memory_space<vmem>>, vector<2000x128xf32>,
    %get3A_8 = arith.constant 0 : index
    %get3A_9 = arith.constant 0 : index
    %get3A_10 = vector.load %arg3[%get3A_8, %get3A_9] : memref<2000x128xf32, #tpu.memory_space<vmem>>, vector<2000x128xf32>
    %get3A_11 = arith.constant 0 : index
    %get3A_12 = arith.constant 0 : index
    %get3A_13 = vector.load %arg4[%get3A_11, %get3A_12] : memref<2000x1xf32, #tpu.memory_space<vmem>>, vector<2000x1xf32>
    %mul3A_14 = vector.broadcast %get3A_13 : vector<2000x1xf32> to vector<2000x128xf32>
    %mul3A_15 = arith.mulf %get3A_10, %mul3A_14 : vector<2000x128xf32>
    %swap3A_16 = arith.constant 0 : index
    %swap3A_17 = arith.constant 0 : index
    %swap3A_18 = vector.load %arg6[%swap3A_16, %swap3A_17] : memref<2000x128xf32, #tpu.memory_space<vmem>>, vector<2000x128xf32>
    tpu.vector_store %arg6[%swap3A_16, %swap3A_17], %mul3A_15 {strides = array<i32>} : memref<2000x128xf32, #tpu.memory_space<vmem>>, vector<2000x128xf32>,
    return
  }
  func.func @transform_0(%arg0: i32) -> (i32, i32) {
    %c0_i32 = arith.constant 0 : i32
    %c0_i32_0 = arith.constant 0 : i32
    return %arg0, %c0_i32 : i32, i32
  }
  func.func @transform_1(%arg0: i32) -> (i32, i32) {
    %c0_i32 = arith.constant 0 : i32
    %c0_i32_0 = arith.constant 0 : i32
    return %arg0, %c0_i32 : i32, i32
  }
  func.func @transform_2(%arg0: i32) -> (i32, i32) {
    %c0_i32 = arith.constant 0 : i32
    %c0_i32_0 = arith.constant 0 : i32
    return %arg0, %c0_i32 : i32, i32
  }
  func.func @transform_3(%arg0: i32) -> (i32, i32) {
    %c0_i32 = arith.constant 0 : i32
    %c0_i32_0 = arith.constant 0 : i32
    return %arg0, %c0_i32 : i32, i32
  }
  func.func @transform_4(%arg0: i32) -> (i32, i32) {
    %c0_i32 = arith.constant 0 : i32
    %c0_i32_0 = arith.constant 0 : i32
    return %arg0, %c0_i32 : i32, i32
  }
  func.func @transform_5(%arg0: i32) -> (i32, i32) {
    %c0_i32 = arith.constant 0 : i32
    %c0_i32_0 = arith.constant 0 : i32
    return %arg0, %c0_i32 : i32, i32
  }
}

module attributes {stable_mosaic.version = 14 : i64} {
  func.func @_finC_body(%arg0: i32, %arg1: memref<8000x128xf32, #tpu.memory_space<vmem>>, %arg2: memref<8000x128xf32, #tpu.memory_space<vmem>>, %arg3: memref<8x1000xf32, #tpu.memory_space<vmem>>) attributes {dimension_semantics = [#tpu.dimension_semantics<arbitrary>], iteration_bounds = array<i64: 20>, scalar_prefetch = 0 : i64, scratch_operands = 0 : i64, tpu.core_type = #tpu.core_type<tc>, window_params = [{transform_indices = @transform_0, window_bounds = array<i64: 8000, 128>}, {transform_indices = @transform_1, window_bounds = array<i64: 8000, 128>}, {transform_indices = @transform_2, window_bounds = array<i64: 8, 1000>}]} {
    %broadcast_in_dim3A = arith.constant 1.000000e+00 : f32
    %broadcast_in_dim3A_0 = vector.broadcast %broadcast_in_dim3A : f32 to vector<1x128xf32>
    %get3A = arith.constant 0 : index
    %get3A_1 = arith.constant 0 : index
    %get3A_2 = vector.load %arg1[%get3A, %get3A_1] : memref<8000x128xf32, #tpu.memory_space<vmem>>, vector<1000x128xf32>
    %get3A_3 = arith.constant 0 : index
    %get3A_4 = arith.constant 0 : index
    %get3A_5 = vector.load %arg2[%get3A_3, %get3A_4] : memref<8000x128xf32, #tpu.memory_space<vmem>>, vector<1000x128xf32>
    %mul3A = arith.mulf %get3A_2, %get3A_5 : vector<1000x128xf32>
    %dot_general3A = arith.constant dense<0.000000e+00> : vector<1x1000xf32>
    %dot_general3A_6 = tpu.matmul %broadcast_in_dim3A_0, %mul3A, %dot_general3A {dimension_numbers = #tpu.dot_dimension_numbers<[1], [1], [0], [0], [0, 0, 1, 0], [], []>, transpose_lhs_hint = false} : vector<1x128xf32>, vector<1000x128xf32>, vector<1x1000xf32> -> vector<1x1000xf32>
    %swap3A = arith.constant 0 : index
    %swap3A_7 = arith.constant 0 : index
    %swap3A_8 = vector.load %arg3[%swap3A, %swap3A_7] : memref<8x1000xf32, #tpu.memory_space<vmem>>, vector<1x1000xf32>
    tpu.vector_store %arg3[%swap3A, %swap3A_7], %dot_general3A_6 {strides = array<i32>} : memref<8x1000xf32, #tpu.memory_space<vmem>>, vector<1x1000xf32>,
    %get3A_9 = arith.constant 1000 : index
    %get3A_10 = arith.constant 0 : index
    %get3A_11 = vector.load %arg1[%get3A_9, %get3A_10] : memref<8000x128xf32, #tpu.memory_space<vmem>>, vector<1000x128xf32>
    %get3A_12 = arith.constant 1000 : index
    %get3A_13 = arith.constant 0 : index
    %get3A_14 = vector.load %arg2[%get3A_12, %get3A_13] : memref<8000x128xf32, #tpu.memory_space<vmem>>, vector<1000x128xf32>
    %mul3A_15 = arith.mulf %get3A_11, %get3A_14 : vector<1000x128xf32>
    %dot_general3A_16 = arith.constant dense<0.000000e+00> : vector<1x1000xf32>
    %dot_general3A_17 = tpu.matmul %broadcast_in_dim3A_0, %mul3A_15, %dot_general3A_16 {dimension_numbers = #tpu.dot_dimension_numbers<[1], [1], [0], [0], [0, 0, 1, 0], [], []>, transpose_lhs_hint = false} : vector<1x128xf32>, vector<1000x128xf32>, vector<1x1000xf32> -> vector<1x1000xf32>
    %swap3A_18 = arith.constant 1 : index
    %swap3A_19 = arith.constant 0 : index
    %swap3A_20 = vector.load %arg3[%swap3A_18, %swap3A_19] : memref<8x1000xf32, #tpu.memory_space<vmem>>, vector<1x1000xf32>
    tpu.vector_store %arg3[%swap3A_18, %swap3A_19], %dot_general3A_17 {strides = array<i32>} : memref<8x1000xf32, #tpu.memory_space<vmem>>, vector<1x1000xf32>,
    %get3A_21 = arith.constant 2000 : index
    %get3A_22 = arith.constant 0 : index
    %get3A_23 = vector.load %arg1[%get3A_21, %get3A_22] : memref<8000x128xf32, #tpu.memory_space<vmem>>, vector<1000x128xf32>
    %get3A_24 = arith.constant 2000 : index
    %get3A_25 = arith.constant 0 : index
    %get3A_26 = vector.load %arg2[%get3A_24, %get3A_25] : memref<8000x128xf32, #tpu.memory_space<vmem>>, vector<1000x128xf32>
    %mul3A_27 = arith.mulf %get3A_23, %get3A_26 : vector<1000x128xf32>
    %dot_general3A_28 = arith.constant dense<0.000000e+00> : vector<1x1000xf32>
    %dot_general3A_29 = tpu.matmul %broadcast_in_dim3A_0, %mul3A_27, %dot_general3A_28 {dimension_numbers = #tpu.dot_dimension_numbers<[1], [1], [0], [0], [0, 0, 1, 0], [], []>, transpose_lhs_hint = false} : vector<1x128xf32>, vector<1000x128xf32>, vector<1x1000xf32> -> vector<1x1000xf32>
    %swap3A_30 = arith.constant 2 : index
    %swap3A_31 = arith.constant 0 : index
    %swap3A_32 = vector.load %arg3[%swap3A_30, %swap3A_31] : memref<8x1000xf32, #tpu.memory_space<vmem>>, vector<1x1000xf32>
    tpu.vector_store %arg3[%swap3A_30, %swap3A_31], %dot_general3A_29 {strides = array<i32>} : memref<8x1000xf32, #tpu.memory_space<vmem>>, vector<1x1000xf32>,
    %get3A_33 = arith.constant 3000 : index
    %get3A_34 = arith.constant 0 : index
    %get3A_35 = vector.load %arg1[%get3A_33, %get3A_34] : memref<8000x128xf32, #tpu.memory_space<vmem>>, vector<1000x128xf32>
    %get3A_36 = arith.constant 3000 : index
    %get3A_37 = arith.constant 0 : index
    %get3A_38 = vector.load %arg2[%get3A_36, %get3A_37] : memref<8000x128xf32, #tpu.memory_space<vmem>>, vector<1000x128xf32>
    %mul3A_39 = arith.mulf %get3A_35, %get3A_38 : vector<1000x128xf32>
    %dot_general3A_40 = arith.constant dense<0.000000e+00> : vector<1x1000xf32>
    %dot_general3A_41 = tpu.matmul %broadcast_in_dim3A_0, %mul3A_39, %dot_general3A_40 {dimension_numbers = #tpu.dot_dimension_numbers<[1], [1], [0], [0], [0, 0, 1, 0], [], []>, transpose_lhs_hint = false} : vector<1x128xf32>, vector<1000x128xf32>, vector<1x1000xf32> -> vector<1x1000xf32>
    %swap3A_42 = arith.constant 3 : index
    %swap3A_43 = arith.constant 0 : index
    %swap3A_44 = vector.load %arg3[%swap3A_42, %swap3A_43] : memref<8x1000xf32, #tpu.memory_space<vmem>>, vector<1x1000xf32>
    tpu.vector_store %arg3[%swap3A_42, %swap3A_43], %dot_general3A_41 {strides = array<i32>} : memref<8x1000xf32, #tpu.memory_space<vmem>>, vector<1x1000xf32>,
    %get3A_45 = arith.constant 4000 : index
    %get3A_46 = arith.constant 0 : index
    %get3A_47 = vector.load %arg1[%get3A_45, %get3A_46] : memref<8000x128xf32, #tpu.memory_space<vmem>>, vector<1000x128xf32>
    %get3A_48 = arith.constant 4000 : index
    %get3A_49 = arith.constant 0 : index
    %get3A_50 = vector.load %arg2[%get3A_48, %get3A_49] : memref<8000x128xf32, #tpu.memory_space<vmem>>, vector<1000x128xf32>
    %mul3A_51 = arith.mulf %get3A_47, %get3A_50 : vector<1000x128xf32>
    %dot_general3A_52 = arith.constant dense<0.000000e+00> : vector<1x1000xf32>
    %dot_general3A_53 = tpu.matmul %broadcast_in_dim3A_0, %mul3A_51, %dot_general3A_52 {dimension_numbers = #tpu.dot_dimension_numbers<[1], [1], [0], [0], [0, 0, 1, 0], [], []>, transpose_lhs_hint = false} : vector<1x128xf32>, vector<1000x128xf32>, vector<1x1000xf32> -> vector<1x1000xf32>
    %swap3A_54 = arith.constant 4 : index
    %swap3A_55 = arith.constant 0 : index
    %swap3A_56 = vector.load %arg3[%swap3A_54, %swap3A_55] : memref<8x1000xf32, #tpu.memory_space<vmem>>, vector<1x1000xf32>
    tpu.vector_store %arg3[%swap3A_54, %swap3A_55], %dot_general3A_53 {strides = array<i32>} : memref<8x1000xf32, #tpu.memory_space<vmem>>, vector<1x1000xf32>,
    %get3A_57 = arith.constant 5000 : index
    %get3A_58 = arith.constant 0 : index
    %get3A_59 = vector.load %arg1[%get3A_57, %get3A_58] : memref<8000x128xf32, #tpu.memory_space<vmem>>, vector<1000x128xf32>
    %get3A_60 = arith.constant 5000 : index
    %get3A_61 = arith.constant 0 : index
    %get3A_62 = vector.load %arg2[%get3A_60, %get3A_61] : memref<8000x128xf32, #tpu.memory_space<vmem>>, vector<1000x128xf32>
    %mul3A_63 = arith.mulf %get3A_59, %get3A_62 : vector<1000x128xf32>
    %dot_general3A_64 = arith.constant dense<0.000000e+00> : vector<1x1000xf32>
    %dot_general3A_65 = tpu.matmul %broadcast_in_dim3A_0, %mul3A_63, %dot_general3A_64 {dimension_numbers = #tpu.dot_dimension_numbers<[1], [1], [0], [0], [0, 0, 1, 0], [], []>, transpose_lhs_hint = false} : vector<1x128xf32>, vector<1000x128xf32>, vector<1x1000xf32> -> vector<1x1000xf32>
    %swap3A_66 = arith.constant 5 : index
    %swap3A_67 = arith.constant 0 : index
    %swap3A_68 = vector.load %arg3[%swap3A_66, %swap3A_67] : memref<8x1000xf32, #tpu.memory_space<vmem>>, vector<1x1000xf32>
    tpu.vector_store %arg3[%swap3A_66, %swap3A_67], %dot_general3A_65 {strides = array<i32>} : memref<8x1000xf32, #tpu.memory_space<vmem>>, vector<1x1000xf32>,
    %get3A_69 = arith.constant 6000 : index
    %get3A_70 = arith.constant 0 : index
    %get3A_71 = vector.load %arg1[%get3A_69, %get3A_70] : memref<8000x128xf32, #tpu.memory_space<vmem>>, vector<1000x128xf32>
    %get3A_72 = arith.constant 6000 : index
    %get3A_73 = arith.constant 0 : index
    %get3A_74 = vector.load %arg2[%get3A_72, %get3A_73] : memref<8000x128xf32, #tpu.memory_space<vmem>>, vector<1000x128xf32>
    %mul3A_75 = arith.mulf %get3A_71, %get3A_74 : vector<1000x128xf32>
    %dot_general3A_76 = arith.constant dense<0.000000e+00> : vector<1x1000xf32>
    %dot_general3A_77 = tpu.matmul %broadcast_in_dim3A_0, %mul3A_75, %dot_general3A_76 {dimension_numbers = #tpu.dot_dimension_numbers<[1], [1], [0], [0], [0, 0, 1, 0], [], []>, transpose_lhs_hint = false} : vector<1x128xf32>, vector<1000x128xf32>, vector<1x1000xf32> -> vector<1x1000xf32>
    %swap3A_78 = arith.constant 6 : index
    %swap3A_79 = arith.constant 0 : index
    %swap3A_80 = vector.load %arg3[%swap3A_78, %swap3A_79] : memref<8x1000xf32, #tpu.memory_space<vmem>>, vector<1x1000xf32>
    tpu.vector_store %arg3[%swap3A_78, %swap3A_79], %dot_general3A_77 {strides = array<i32>} : memref<8x1000xf32, #tpu.memory_space<vmem>>, vector<1x1000xf32>,
    %get3A_81 = arith.constant 7000 : index
    %get3A_82 = arith.constant 0 : index
    %get3A_83 = vector.load %arg1[%get3A_81, %get3A_82] : memref<8000x128xf32, #tpu.memory_space<vmem>>, vector<1000x128xf32>
    %get3A_84 = arith.constant 7000 : index
    %get3A_85 = arith.constant 0 : index
    %get3A_86 = vector.load %arg2[%get3A_84, %get3A_85] : memref<8000x128xf32, #tpu.memory_space<vmem>>, vector<1000x128xf32>
    %mul3A_87 = arith.mulf %get3A_83, %get3A_86 : vector<1000x128xf32>
    %dot_general3A_88 = arith.constant dense<0.000000e+00> : vector<1x1000xf32>
    %dot_general3A_89 = tpu.matmul %broadcast_in_dim3A_0, %mul3A_87, %dot_general3A_88 {dimension_numbers = #tpu.dot_dimension_numbers<[1], [1], [0], [0], [0, 0, 1, 0], [], []>, transpose_lhs_hint = false} : vector<1x128xf32>, vector<1000x128xf32>, vector<1x1000xf32> -> vector<1x1000xf32>
    %swap3A_90 = arith.constant 7 : index
    %swap3A_91 = arith.constant 0 : index
    %swap3A_92 = vector.load %arg3[%swap3A_90, %swap3A_91] : memref<8x1000xf32, #tpu.memory_space<vmem>>, vector<1x1000xf32>
    tpu.vector_store %arg3[%swap3A_90, %swap3A_91], %dot_general3A_89 {strides = array<i32>} : memref<8x1000xf32, #tpu.memory_space<vmem>>, vector<1x1000xf32>,
    return
  }
  func.func @transform_0(%arg0: i32) -> (i32, i32) {
    %c0_i32 = arith.constant 0 : i32
    %c0_i32_0 = arith.constant 0 : i32
    return %arg0, %c0_i32 : i32, i32
  }
  func.func @transform_1(%arg0: i32) -> (i32, i32) {
    %c0_i32 = arith.constant 0 : i32
    %c0_i32_0 = arith.constant 0 : i32
    return %arg0, %c0_i32 : i32, i32
  }
  func.func @transform_2(%arg0: i32) -> (i32, i32) {
    %c0_i32 = arith.constant 0 : i32
    %c0_i32_0 = arith.constant 0 : i32
    return %arg0, %c0_i32 : i32, i32
  }
}

</mosaic_0001>

<sc_bundles>
// kernel: kernel.12.cloned.1.call-start
scs
__scs_entry_jumppad:
0x0: {  	(pc) =	sbr.rel $0x88, $3  }
0x1: {  	(tag) =	ssettag $0x0;
	lr =	simm.s32 $0x1  }
0x2: {  	[smem:$0x3F92] =	sst lr;
	_ =	strace $0xD0000000  }
0x3: {  	_ = 	snop  }
0x4: {  	_ = 	snop  }
0x5: {  	_ = 	snop  }
0x6: {  	_ = 	snop  }
0x7: {  	_ = 	snop  }
__scs_overlays_trampoline_lowered:
0x8: {  	[smem:$0x3FA1] =	sst s0  }
0x9: {  	[smem:$0x3FA2] =	sst s1  }
0xa: {  	[smem:$0x3FA3] =	sst s2  }
0xb: {  	[smem:$0x3FA4] =	sst s3  }
0xc: {  	[smem:$0x3FA5] =	sst s4  }
0xd: {  	[smem:$0x3FA6] =	sst s5  }
0xe: {  	[smem:$0x3FA7] =	sst s6  }
0xf: {  	[smem:$0x3FA8] =	sst s7  }
0x10: {  	[smem:$0x3FA9] =	sst s8  }
0x11: {  	[smem:$0x3FAA] =	sst s9;
	s0 =	simm.s32 @!p0 $0x0  }
0x12: {  	s1 =	sld [smem:$0x3F90];
	s0 =	simm.s32 @p0 $0x1  }
0x13: {  	[smem:$0x3FAB] =	sst s0;
	s0 =	simm.s32 @!p1 $0x0  }
0x14: {  	s2 =	sld [smem:$0x3F8F];
	s0 =	simm.s32 @p1 $0x1  }
0x15: {  	[smem:$0x3FAC] =	sst s0;
	s0 =	simm.s32 @!p2 $0x0  }
0x16: {  	s3 =	sld [smem:$0x3FDB];
	s0 =	simm.s32 @p2 $0x1  }
0x17: {  	s4 =	simm.s32 $0x1BF5;
	[smem:$0x3FAE] =	sst s0  }
0x18: {  	s0 =	sld [smem:$0x3F91];
	_ =	swait.ge [sflag:s4], $0x0  }
0x19: {  	s7 =	sld [smem:$0x3F92]  }
0x1a: {  	s8 =	sadd.s32 $0xFFFFE003, lr  }
0x1b: {  	s9 =	sadd.s32 $0xFFFFFEF7, lr;
	s5 =	simm.s32 $0xFFFFFFFF;
	p2 =	slt.u32 s8, $0xFFFFF086  }
0x1c: {  	p1 =	slt.u32 s9, $0xF7A;
	s5 =	simm.s32 @!p2 $0x0  }
0x1d: {  	s5 =	simm.s32 @p1 $0x1;
	p0 =	seq.s32 s7, s2  }
0x1e: {  	s7 =	smul.u32 @!p0 $0xF7A, s2;
	p2 =	seq.s32 @!p0 s5, $0x0  }
0x1f: {  	s9 =	smul.u32 $0xF7A, s1;
	s8 =	simm.s32 @!p0 $0x1BF5;
	p2 =	por !p2, p0  }
0x20: {  	[sflag:s8] =	ssyncset.s32 @!p0 $0xFFFFF086;
	s6 =	sadd.s32 @!p0 s3, s7;
	s7 =	simm.s32 @!p0 $0x108  }
0x21: {  	s3 =	sadd.s32 s3, s9;
	s6 =	sadd.s32 @!p0 $0x88, s6;
	s7 =	simm.s32 @p2 $0x1082  }
0x22: {  	[simem:s7], [sflag:s8] =	dma.local @!p0 [hbm:s6], $0xF7A  }
0x23: {  	s9 =	sor.u32 $0xD0000000, s2;
	s6 =	simm.s32 $0x108;
	_ =	swait.ge @!p0 [sflag:s8], $0x0  }
0x24: {  	s3 =	sadd.s32 $0x88, s3;
	s6 =	simm.s32 @!p1 $0x1082;
	[sflag:s4] =	ssyncset.s32 $0xFFFFF086  }
0x25: {  	[simem:s6], [sflag:s4] =	dma.local [hbm:s3], $0xF7A  }
0x26: {  	[smem:$0x3F92] =	sst s1;
	(tag) =	ssettag s2;
	_ =	strace s9  }
0x27: {  	s1 =	sld [smem:$0x3FA2]  }
0x28: {  	s2 =	sld [smem:$0x3FA3]  }
0x29: {  	s4 =	sld [smem:$0x3FA5]  }
0x2a: {  	p0 =	seq.s32 s5, $0x0;
	s5 =	sld [smem:$0x3FA6]  }
0x2b: {  	s6 =	sld [smem:$0x3FA7]  }
0x2c: {  	s7 =	sld [smem:$0x3FA8]  }
0x2d: {  	s3 =	simm.s32 $0x108;
	s8 =	sld [smem:$0x3FA9]  }
0x2e: {  	s3 =	simm.s32 @!p0 $0x1082;
	s9 =	sld [smem:$0x3FAA]  }
0x2f: {  	lr =	sadd.s32 s0, s3;
	s0 =	sld [smem:$0x3FA1]  }
0x30: {  	s3 =	sld [smem:$0x3FA4]  }
0x31: {  	[smem:$0x3FAD] =	sst s10  }
0x32: {  	s10 =	sld [smem:$0x3FAB];
	_ =	sdelay $0x3  }
0x33: {  	p0 =	seq.s32 s10, $0x1;
	s10 =	sld [smem:$0x3FAD];
	_ =	sdelay $0x3  }
0x34: {  	[smem:$0x3FAD] =	sst s10  }
0x35: {  	s10 =	sld [smem:$0x3FAC];
	_ =	sdelay $0x3  }
0x36: {  	p1 =	seq.s32 s10, $0x1;
	s10 =	sld [smem:$0x3FAD];
	_ =	sdelay $0x3  }
0x37: {  	[smem:$0x3FAD] =	sst s10  }
0x38: {  	s10 =	sld [smem:$0x3FAE]  }
0x39: {  	_ = 	snop;
	(pc) =	sbr.ind lr, $3  }
0x3a: {  	_ = 	snop  }
0x3b: {  	_ = 	snop  }
0x3c: {  	p2 =	seq.s32 s10, $0x1;
	s10 =	sld [smem:$0x3FAD]  }
0x3d: {  	_ =	shalt  }
0x3e: {  	_ =	shalt  }
0x3f: {  	_ =	shalt  }
0x40: {  	_ =	shalt  }
0x41: {  	_ =	shalt  }
0x42: {  	_ =	shalt  }
0x43: {  	_ =	shalt  }
0x44: {  	_ =	shalt  }
0x45: {  	_ =	shalt  }
0x46: {  	_ =	shalt  }
0x47: {  	_ =	shalt  }
0x48: {  	_ =	shalt  }
0x49: {  	_ =	shalt  }
0x4a: {  	_ =	shalt  }
0x4b: {  	_ =	shalt  }
0x4c: {  	_ =	shalt  }
0x4d: {  	_ =	shalt  }
0x4e: {  	_ =	shalt  }
0x4f: {  	_ =	shalt  }
0x50: {  	_ =	shalt  }
0x51: {  	_ =	shalt  }
0x52: {  	_ =	shalt  }
0x53: {  	_ =	shalt  }
0x54: {  	_ =	shalt  }
0x55: {  	_ =	shalt  }
0x56: {  	_ =	shalt  }
0x57: {  	_ =	shalt  }
0x58: {  	_ =	shalt  }
0x59: {  	_ =	shalt  }
0x5a: {  	_ =	shalt  }
0x5b: {  	_ =	shalt  }
0x5c: {  	_ =	shalt  }
0x5d: {  	_ =	shalt  }
0x5e: {  	_ =	shalt  }
0x5f: {  	_ =	shalt  }
0x60: {  	_ =	shalt  }
0x61: {  	_ =	shalt  }
0x62: {  	_ =	shalt  }
0x63: {  	_ =	shalt  }
0x64: {  	_ =	shalt  }
0x65: {  	_ =	shalt  }
0x66: {  	_ =	shalt  }
0x67: {  	_ =	shalt  }
0x68: {  	_ =	shalt  }
0x69: {  	_ =	shalt  }
0x6a: {  	_ =	shalt  }
0x6b: {  	_ =	shalt  }
0x6c: {  	_ =	shalt  }
0x6d: {  	_ =	shalt  }
0x6e: {  	_ =	shalt  }
0x6f: {  	_ =	shalt  }
0x70: {  	_ =	shalt  }
0x71: {  	_ =	shalt  }
0x72: {  	_ =	shalt  }
0x73: {  	_ =	shalt  }
0x74: {  	_ =	shalt  }
0x75: {  	_ =	shalt  }
0x76: {  	_ =	shalt  }
0x77: {  	_ =	shalt  }
0x78: {  	_ =	shalt  }
0x79: {  	_ =	shalt  }
0x7a: {  	_ =	shalt  }
0x7b: {  	_ =	shalt  }
0x7c: {  	_ =	shalt  }
0x7d: {  	_ =	shalt  }
0x7e: {  	_ =	shalt  }
0x7f: {  	_ =	shalt  }
0x80: {  	_ =	shalt  }
0x81: {  	_ =	shalt  }
0x82: {  	_ =	shalt  }
0x83: {  	_ =	shalt  }
0x84: {  	_ =	shalt  }
0x85: {  	_ =	shalt  }
0x86: {  	_ =	shalt  }
0x87: {  	_ =	shalt  }
.Lfunc_end0:
.L_simem_size_0:
called_computation.1_lowered:
.L_overlay_start_0:
0x88: {  	s2 =	sld [smem:$0x3FD9]  }
0x89: {  	s3 =	sld [smem:$0x3FFE];
	_ =	sdelay $0x1  }
0x8a: {  	s1 =	srdreg.scid  }
0x8b: {  	s0 =	sand.u32 $0x1, s1  }
0x8c: {  	s16 =	sshll.u32 s0, $0xA;
	s2 =	sadd.s32 s3, s2  }
0x8d: {  	s2 =	sadd.s32 s2, s16  }
0x8e: {  	[smem:$0x3FB9] =	sst s2  }
0x8f: {  	_ = 	snop  }
0x90: {  	(tm) =	ssettm $0x1  }
0x91: {  	s17 =	sld [smem:$0x3FFB];
	_ =	sdelay $0x3  }
0x92: {  	_ =	strace s17  }
0x93: {  	s2 =	sld [smem:$0x3FFC];
	_ =	sdelay $0x3  }
0x94: {  	_ =	strace s2  }
0x95: {  	s2 =	sld [smem:$0x3FFD];
	_ =	sdelay $0x3  }
0x96: {  	_ =	strace s2  }
0x97: {  	_ =	strace $0x8FFFFFFF  }
0x98: {  	s18 =	sld [smem:$0x3FDB];
	_ =	sdelay $0x1  }
0x99: {  	s19 =	simm.s32 $_scs_section_size  }
0x9a: {  	s4 =	simm.s32 $_size__tile_overlayer_lowered;
	s5 =	simm.s32 $_tile_overlayer_lowered  }
0x9b: {  	s22 =	simm.s32 $0x1BFF;
	s21 =	sshll.u32 s5, $0x1;
	s2 =	sadd.s32 s19, s18  }
0x9c: {  	s6 =	simm.s32 $0x0;
	s20 =	sshll.u32 s4, $0x1;
	s4 =	sadd.s32 s21, s2  }
0x9d: {  	[timem:s6], [sflag:s22] =	dma.local [hbm:s4], s20  }
0x9e: {  	_ =	swait.ge [sflag:s22], s20  }
0x9f: {  	s3 =	ssub.s32 $0x0, s20;
	[sflag:s22] =	ssyncset.done $0x0  }
0xa0: {  	[sflag:s22] =	ssyncadd.s32 s3;
	_ =	sdelay $0x1  }
0xa1: {  	s23 =	simm.s32 $0x1B8B  }
0xa2: {  	_ =	swait.ge [sflag:s23], $0x1  }
0xa3: {  	[sflag:s23] =	ssyncset.done $0x0  }
0xa4: {  	s25 =	simm.s32 $0x1B8E;
	s24 =	sld [smem:$0x3FFE];
	[sflag:s23] =	ssyncadd.s32 $0xFFFFFFFF  }
0xa5: {  	s26 =	simm.s32 $execute0_lowered;
	[smem:$0x3FD2] =	sst s25  }
0xa6: {  	s4 =	sshll.u32 s26, $0x1;
	_ =	strace $0x80000049;
	[dreg:$0x1] =	wrdreg $0xFFFFFFFF  }
0xa7: {  	s28 =	simm.s32 $_size_execute0_lowered;
	s2 =	sadd.s32 s2, s4;
	[dreg:$0x0] =	wrdreg $0x0  }
0xa8: {  	s4 =	sshll.u32 s28, $0x1;
	[dreg:$0x2] =	wrdreg s2  }
0xa9: {  	[dreg:$0x3] =	wrdreg s4  }
0xaa: {  	[dreg:$0x4] =	wrdreg $0xC0  }
0xab: {  	_ =	task [dreg:s6], $0x5FFFF  }
0xac: {  	[dreg:$0x1] =	wrdreg $0xFFFFFFFF  }
0xad: {  	[dreg:$0x0] =	wrdreg $0x60  }
0xae: {  	[dreg:$0x2] =	wrdreg s24  }
0xaf: {  	[dreg:$0x3] =	wrdreg $0x91000  }
0xb0: {  	[dreg:$0x4] =	wrdreg $0x9  }
0xb1: {  	_ =	task.clear_ibuf [dreg:s6], $0x5FFFF;
	_ =	strace $0x90000049  }
0xb2: {  	s29 =	simm.s32 $0x9;
	_ =	strace $0x8000004B  }
0xb3: {  	_ =	swait.ge [sflag:s29], $0x1  }
0xb4: {  	[sflag:s29] =	ssyncadd.s32 $0xFFFFFFFF  }
0xb5: {  	_ =	strace $0x9000004B  }
0xb6: {  	_ =	sfence  }
0xb7: {  	s30 =	sld [smem:$0x0];
	_ =	sdelay $0x2  }
0xb8: {  	s31 =	sshll.u32 s1, $0xD;
	s1 =	sshrl.u32 s1, $0x2  }
0xb9: {  	s3 =	sand.u32 $0x4000, s31;
	s1 =	sadd.s32 s1, s30  }
0xba: {  	s0 =	sor.u32 s3, s0;
	s1 =	sshll.u32 s1, $0x11  }
0xbb: {  	s0 =	sor.u32 s1, s0  }
0xbc: {  	s0 =	sadd.s32 $0x8F2B, s0  }
0xbd: {  	[sflag:s0] =	ssyncadd.remote.s32 $0x1  }
0xbe: {  	_ =	sfence.sel $0xFFFF  }
0xbf: {  	[dreg:$0x0] =	wrdreg $0xFFFFFFFF;
	(pc) =	sbr.abs _section_cstart, $3  }
0xc0: {  	[dreg:$0x1] =	wrdreg $0xFFFFFFFF  }
0xc1: {  	_ =	task.clear_ibuf [dreg:s6], $0x2FFFF;
	_ =	strace $0x9FFFFFFF  }
0xc2: {  	(tm) =	ssettm $0x7FFFFFFF  }
0xc3: {  	_ =	shalt  }
tec
execute0_lowered:
.L_overlay_start_1:
0x0: {  	(tag) =	ssettag $0x1  }
0x1: {  	s0 =	rddreg [dreg:$0x0]  }
0x2: {  	s1 =	rddreg [dreg:$0x1];
	s2 =	simm.s32 $0x0  }
0x3: {  	s14 =	stileid.u32;
	s8 =	srdreg.scid;
	s21 =	simm.s32 $0x3  }
0x4: {  	s22 =	simm.s32 $0x50;
	s23 =	simm.s32 $0x1900;
	s24 =	simm.s32 $0x80  }
0x5: {  	s25 =	simm.s32 $0x4100;
	s28 =	simm.s32 $0x2;
	[smem:$0x7FF] =	sst s2  }
0x6: {  	s4 =	sadd.s32 $0x22E00, s0;
	s5 =	sadd.s32 $0x4A000, s0;
	s6 =	sadd.s32 $0xB400, s0  }
0x7: {  	s3 =	smul.u32 $0x2700, s14;
	s7 =	sadd.s32 $0x3600, s0;
	s10 =	sand.u32 $0x1, s8  }
0x8: {  	s11 =	smul.u32 $0x4E000, s14;
	s8 =	sadd.s32 $0x1B000, s0;
	s9 =	sadd.s32 $0x13200, s0  }
0x9: {  	s29 =	sadd.s32 $0x96100, s0;
	s30 =	sadd.s32 $0x10B700, s0;
	p1 =	seq.s32 s14, $0xF  }
0xa: {  	_ =	strace $0x8000004A;
	s12 =	ssub.s32 $0x2, s10;
	[dreg:$0x4] =	wrdreg s29  }
0xb: {  	p0 =	seq.s32 s10, $0x1;
	[dreg:$0x6] =	wrdreg s30;
	s3 =	sadd.s32 s3, s0  }
0xc: {  	s13 =	sshrl.u32 s12, $0x1;
	s11 =	sshrl.u32 s11, $0x2;
	s0 =	sadd.s32 $0xE4500, s0  }
0xd: {  	s13 =	ssub.s32 s12, s13;
	s26 =	sadd.s32 $0x71800, s3;
	[dreg:$0x8] =	wrdreg s0  }
0xe: {  	s10 =	sadd.s32 s11, s1;
	s15 =	sadd.s32 $0xE6E00, s3;
	[dreg:$0x3] =	wrdreg s26  }
.Ltmp0:
0xf: {  	s3 =	sadd.s32 $0xBFC00, s3;
	[dreg:$0x5] =	wrdreg s15;
	(pc) =	sbr.rel .LBB2_1-.Ltmp0, $4  }
0x10: {  	s11 =	sadd.s32 $0x124800, s1;
	[dreg:$0x7] =	wrdreg s3;
	s31 =	smax.u32 s13, $0x1  }
0x11: {  	s0 =	sshll.u32 @!p1 s14, $0x6;
	s11 =	sshrl.u32 @p1 s11, $0x3;
	[dreg:$0x9] =	wrdreg s31  }
0x12: {  	s12 =	smul.u32 $0x3E80, s14;
	s13 =	sor.u32 @!p1 $0x1C03, s0;
	[dreg:$0xa] =	wrdreg s11  }
0x13: {  	s20 =	sshrl.u32 @!p1 s10, $0x3;
	s26 =	simm.s32 $0x1;
	[dreg:$0xb] =	wrdreg s13  }
.LBB2_12:
0x14: {  	s2 =	sadd.s32 $0x1, s2;
	s0 =	rddreg [dreg:$0x9]  }
0x15: {  	p2 =	sne.s32 s2, s0  }
.Ltmp1:
0x16: {  	_ = 	snop;
	(pc) =	sbr.rel @!p2 .LBB2_13-.Ltmp1, $1  }
0x17: {  	_ =	sdelay $0x3  }
.LBB2_1:
.Ltmp2:
0x18: {  	(pc) =	sbr.rel @!p0 .LBB2_2-.Ltmp2, $1  }
0x19: {  	_ =	sdelay $0x3  }
0x1a: {  	s0 =	simm.s32 @p1 $0x1FC3;
	s3 =	rddreg [dreg:$0x4]  }
0x1b: {  	[spmem:s11], [sflag:s0] =	dma.local @p1 [hbm:s3], $0x2800  }
0x1c: {  	s0 =	simm.s32 @p1 $0x3  }
0x1d: {  	_ =	swait.ge @p1 [sflag:s0], $0x2800  }
0x1e: {  	[sflag:s0] =	ssyncset.done @p1 $0x0  }
0x1f: {  	[sflag:s0] =	ssyncadd.s32 @p1 $0xFFFFD800;
	s0 =	rddreg [dreg:$0x3]  }
0x20: {  	[spmem:s20], [sflag:s13] =	dma.local @!p1 [hbm:s0], $0x2700  }
0x21: {  	s0 =	simm.s32 @!p1 $0x3  }
0x22: {  	_ =	swait.ge @!p1 [sflag:s0], $0x2700  }
0x23: {  	[sflag:s0] =	ssyncset.done @!p1 $0x0  }
0x24: {  	[sflag:s0] =	ssyncadd.s32 @!p1 $0xFFFFD900  }
0x25: {  	s29 =	simm.s32 $0x0;
	s30 =	simm.s32 $0x0;
	[bflag:$0x0] =	sbarrier.arrive $0xFFFF  }
.LBB2_8:
0x26: {  	s0 =	smul.u32 $0xC80, s30;
	_ =	sdelay $0x1  }
0x27: {  	s0 =	sadd.s32 s12, s0  }
0x28: {  	s0 =	sshrl.u32 s0, $0x3  }
0x29: {  	s14 =	simm.s32 $0xC80;
	s19 =	smul.u32 $0xAB, s29;
	s3 =	sadd.s32 s8, s0  }
0x2a: {  	[tilespmem:s29], [sflag:$0x3] =	stream.linear.gather [hbm4b:s3+s29], $0xC80, $0x38;
	[tilespmem:$0x1C980] =	vst v63  }
0x2b: {  	p2 =	por $0x0, $0x0;
	s13 =	simm.s32 $0x100;
	_ =	swait.ge [sflag:s21], $0xC80  }
0x2c: {  	s15 =	simm.s32 $0x2;
	s3 =	simm.s32 $0x2;
	[sflag:s21] =	ssyncset.done $0x0  }
0x2d: {  	s0 =	sadd.s32 s9, s0;
	s3 =	smul.u32 @!p2 $0xAB, s3;
	[sflag:s21] =	ssyncadd.s32 $0xFFFFF380  }
0x2e: {  	[tilespmem:s14], [sflag:$0x3] =	stream.linear.gather [hbm4b:s0+s29], $0xC80, $0x38;
	[tilespmem:$0x1C980] =	vst v63  }
0x2f: {  	s31 =	simm.s32 $0x180;
	s3 =	sshrl.u32 @!p2 s3, $0x9;
	s0 =	sshrl.u32 s19, $0x9  }
0x30: {  	s3 =	sand.u32 @!p2 $0x7F, s3;
	p2 =	por p2, p2;
	_ =	swait.ge [sflag:s21], $0xC80  }
0x31: {  	s0 =	sand.u32 $0x7F, s0;
	s11 =	smul.u32 @!p2 $0x3, s3;
	[sflag:s21] =	ssyncset.done $0x0  }
0x32: {  	p3 =	por $0x0, $0x0;
	s0 =	smul.u32 $0x3, s0;
	[sflag:s21] =	ssyncadd.s32 $0xFFFFF380  }
0x33: {  	[tilespmem:s23], [sflag:$0x1] =	stream.indirect.gather [hbm4b:s5+s22], $0x80, s29, s22, $0xb8;
	[tilespmem:$0x1C980] =	vst v63  }
0x34: {  	s3 =	simm.s32 $0xD00;
	p4 =	por @!p2 $0x1, $0x1;
	s10 =	ssub.s32 $0x0, s0  }
0x35: {  	p4 =	por p4, p2;
	s11 =	ssub.s32 @!p2 $0x2, s11;
	s10 =	sand.u32 $0xFF, s10  }
0x36: {  	[tilespmem:s25], [sflag:$0x1] =	stream.indirect.gather [hbm4b:s5+s22], $0x80, s24, s22, $0xb8;
	[tilespmem:$0x1C980] =	vst v63  }
0x37: {  	s11 =	sand.u32 @!p2 $0xFF, s11;
	s10 =	smul.u32 $0xA000, s10;
	_ =	swait.ge [sflag:s26], $0x2800  }
0x38: {  	s0 =	simm.s32 $0x1;
	s11 =	smul.u32 @!p2 $0xA000, s11;
	[sflag:s26] =	ssyncset.done $0x0  }
0x39: {  	s16 =	sshrl.u32 s10, $0x2;
	s10 =	smul.u32 $0xAB, s0;
	[sflag:s26] =	ssyncadd.s32 $0xFFFFD800  }
.LBB2_9:
0x3a: {  	s17 =	sadd.s32 $0x2, s0;
	s18 =	simm.s32 @!p4 $0x2;
	s19 =	smov.u32 s0  }
0x3b: {  	s0 =	smov.u32 s15;
	s15 =	sadd.s32 $0x1, s15;
	s10 =	sshrl.u32 s10, $0x9  }
0x3c: {  	s16 =	sadd.s32 $0x1900, s16;
	s11 =	sshrl.u32 @!p2 s11, $0x2;
	s10 =	sand.u32 $0x7F, s10  }
0x3d: {  	[spmem:s1] =	stream.indirect.scatter.add.f32 [tilespmem:s16], [sflag:$0x2], $0x80, s14, s22, $0xb8;
	[tilespmem:$0x1C980] =	vst v63  }
0x3e: {  	s10 =	smul.u32 $0x3, s10  }
0x3f: {  	s11 =	sadd.s32 @!p2 $0x1900, s11;
	s14 =	smul.u32 @!p3 $0xAB, s17;
	_ =	swait.ge @!p4 [sflag:s18], $0x2800  }
0x40: {  	s16 =	simm.s32 @!p2 $0x50;
	[sflag:s18] =	ssyncset.done @!p4 $0x0;
	s10 =	ssub.s32 s19, s10  }
0x41: {  	p5 =	sne.s32 s15, $0x19;
	[sflag:s18] =	ssyncadd.s32 @!p4 $0xFFFFD800;
	s10 =	sand.u32 $0xFF, s10  }
0x42: {  	[tilespmem:s11], [sflag:$0x1] =	stream.indirect.gather @!p2 [hbm4b:s5+s16], $0x80, s13, s16, $0xb8;
	[tilespmem:$0x1C980] =	vst v63  }
0x43: {  	s11 =	sshrl.u32 @!p3 s14, $0x9;
	s14 =	smov.u32 s3;
	s13 =	smov.u32 s31  }
0x44: {  	s10 =	smul.u32 $0xA000, s10;
	p2 =	por p3, p3;
	s11 =	sand.u32 @!p3 $0x7F, s11  }
0x45: {  	s11 =	smul.u32 @!p2 $0x3, s11  }
.Ltmp3:
0x46: {  	s3 =	sadd.s32 $0x80, s3;
	(pc) =	sbr.rel @p5 .LBB2_9-.Ltmp3, $4  }
0x47: {  	s31 =	sadd.s32 $0x80, s31;
	s16 =	sshrl.u32 s10, $0x2;
	_ =	swait.ge [sflag:s26], $0x2800  }
0x48: {  	s10 =	smul.u32 $0xAB, s0;
	s11 =	ssub.s32 @!p2 s17, s11;
	[sflag:s26] =	ssyncset.done $0x0  }
0x49: {  	p4 =	seq.s32 @!p2 s19, $0x0;
	s11 =	sand.u32 @!p2 $0xFF, s11;
	[sflag:s26] =	ssyncadd.s32 $0xFFFFD800  }
0x4a: {  	p3 =	sgt.u32 s0, $0x16;
	p4 =	por p4, p2;
	s11 =	smul.u32 @!p2 $0xA000, s11  }
0x4b: {  	s10 =	sshrl.u32 s10, $0x9;
	s16 =	sadd.s32 $0x1900, s16  }
0x4c: {  	[spmem:s1] =	stream.indirect.scatter.add.f32 [tilespmem:s16], [sflag:$0x2], $0x80, s14, s22, $0xb8;
	[tilespmem:$0x1C980] =	vst v63  }
0x4d: {  	s15 =	sadd.s32 $0x2, s0;
	s17 =	simm.s32 @!p4 $0x2;
	s10 =	sand.u32 $0x7F, s10  }
0x4e: {  	s11 =	sshrl.u32 @!p2 s11, $0x2;
	_ =	swait.ge @!p4 [sflag:s17], $0x2800;
	s10 =	smul.u32 $0x3, s10  }
0x4f: {  	s14 =	smul.u32 @!p3 $0xAB, s15;
	s16 =	simm.s32 @!p2 $0x50;
	[sflag:s17] =	ssyncset.done @!p4 $0x0  }
0x50: {  	s11 =	sadd.s32 @!p2 $0x1900, s11;
	[sflag:s17] =	ssyncadd.s32 @!p4 $0xFFFFD800;
	s10 =	ssub.s32 s0, s10  }
0x51: {  	[tilespmem:s11], [sflag:$0x1] =	stream.indirect.gather @!p2 [hbm4b:s5+s16], $0x80, s13, s16, $0xb8;
	[tilespmem:$0x1C980] =	vst v63  }
0x52: {  	s11 =	sshrl.u32 @!p3 s14, $0x9;
	s10 =	sand.u32 $0xFF, s10  }
0x53: {  	p2 =	por p3, p3;
	s11 =	sand.u32 @!p3 $0x7F, s11;
	s10 =	smul.u32 $0xA000, s10  }
0x54: {  	_ =	swait.ge [sflag:s26], $0x2800;
	s11 =	smul.u32 @!p2 $0x3, s11  }
0x55: {  	p3 =	seq.s32 @!p2 s0, $0x0;
	[sflag:s26] =	ssyncset.done $0x0  }
0x56: {  	p3 =	por p3, p2;
	s10 =	sshrl.u32 s10, $0x2;
	s11 =	ssub.s32 @!p2 s15, s11  }
0x57: {  	[sflag:s26] =	ssyncadd.s32 $0xFFFFD800;
	s10 =	sadd.s32 $0x1900, s10;
	s0 =	sand.u32 @!p2 $0xFF, s11  }
0x58: {  	[spmem:s1] =	stream.indirect.scatter.add.f32 [tilespmem:s10], [sflag:$0x2], $0x80, s3, s22, $0xb8;
	[tilespmem:$0x1C980] =	vst v63  }
0x59: {  	s11 =	simm.s32 @!p3 $0x2;
	s0 =	smul.u32 @!p2 $0xA000, s0  }
0x5a: {  	_ =	swait.ge @!p3 [sflag:s11], $0x2800  }
0x5b: {  	[sflag:s11] =	ssyncset.done @!p3 $0x0;
	s0 =	sshrl.u32 @!p2 s0, $0x2  }
0x5c: {  	s3 =	simm.s32 @!p2 $0x50;
	[sflag:s11] =	ssyncadd.s32 @!p3 $0xFFFFD800;
	s0 =	sadd.s32 @!p2 $0x1900, s0  }
0x5d: {  	[tilespmem:s0], [sflag:$0x1] =	stream.indirect.gather @!p2 [hbm4b:s5+s3], $0x80, s31, s3, $0xb8;
	[tilespmem:$0x1C980] =	vst v63  }
0x5e: {  	_ =	swait.ge [sflag:s28], $0x2800  }
0x5f: {  	[sflag:s28] =	ssyncset.done $0x0  }
0x60: {  	s30 =	sadd.s32 $0x1, s30;
	[sflag:s28] =	ssyncadd.s32 $0xFFFFD800  }
0x61: {  	p2 =	sne.s32 s30, $0x5;
	_ =	swait.ge [sflag:s28], $0x2800  }
.Ltmp4:
0x62: {  	[sflag:s28] =	ssyncset.done $0x0;
	(pc) =	sbr.rel @p2 .LBB2_8-.Ltmp4, $4  }
0x63: {  	[sflag:s28] =	ssyncadd.s32 $0xFFFFD800  }
0x64: {  	_ =	swait.ge [sflag:s28], $0x2800  }
0x65: {  	[sflag:s28] =	ssyncset.done $0x0  }
0x66: {  	[sflag:s28] =	ssyncadd.s32 $0xFFFFD800  }
0x67: {  	[bflag:$0x0] =	sbarrier.arrive $0xFFFF  }
0x68: {  	s3 =	rddreg [dreg:$0x8]  }
0x69: {  	s0 =	simm.s32 @p1 $0x1FC3;
	s11 =	rddreg [dreg:$0xa]  }
0x6a: {  	[hbm:s3], [sflag:s0] =	dma.local @p1 [spmem:s11], $0x2800  }
0x6b: {  	s0 =	simm.s32 @p1 $0x3  }
0x6c: {  	_ =	swait.ge @p1 [sflag:s0], $0x2800  }
0x6d: {  	[sflag:s0] =	ssyncset.done @p1 $0x0;
	s13 =	rddreg [dreg:$0xb]  }
0x6e: {  	[sflag:s0] =	ssyncadd.s32 @p1 $0xFFFFD800;
	s0 =	rddreg [dreg:$0x7]  }
0x6f: {  	[hbm:s0], [sflag:s13] =	dma.local @!p1 [spmem:s20], $0x2700  }
.Ltmp5:
0x70: {  	_ = 	snop;
	(pc) =	sbr.rel .LBB2_12-.Ltmp5, $4  }
0x71: {  	s0 =	simm.s32 @!p1 $0x3  }
0x72: {  	_ =	swait.ge @!p1 [sflag:s0], $0x2700  }
0x73: {  	[sflag:s0] =	ssyncset.done @!p1 $0x0  }
0x74: {  	[sflag:s0] =	ssyncadd.s32 @!p1 $0xFFFFD900  }
.LBB2_2:
0x75: {  	s0 =	simm.s32 @p1 $0x1FC3;
	s3 =	rddreg [dreg:$0x4]  }
0x76: {  	[spmem:s11], [sflag:s0] =	dma.local @p1 [hbm:s3], $0x2800  }
0x77: {  	s0 =	simm.s32 @p1 $0x3  }
0x78: {  	_ =	swait.ge @p1 [sflag:s0], $0x2800  }
0x79: {  	[sflag:s0] =	ssyncset.done @p1 $0x0  }
0x7a: {  	[sflag:s0] =	ssyncadd.s32 @p1 $0xFFFFD800;
	s0 =	rddreg [dreg:$0x3]  }
0x7b: {  	[spmem:s20], [sflag:s13] =	dma.local @!p1 [hbm:s0], $0x2700  }
0x7c: {  	s0 =	simm.s32 @!p1 $0x3  }
0x7d: {  	_ =	swait.ge @!p1 [sflag:s0], $0x2700  }
0x7e: {  	[sflag:s0] =	ssyncset.done @!p1 $0x0  }
0x7f: {  	[sflag:s0] =	ssyncadd.s32 @!p1 $0xFFFFD900  }
0x80: {  	s29 =	simm.s32 $0x0;
	s30 =	simm.s32 $0x0;
	[bflag:$0x0] =	sbarrier.arrive $0xFFFF  }
.LBB2_3:
0x81: {  	s0 =	smul.u32 $0xC80, s30;
	_ =	sdelay $0x1  }
0x82: {  	s0 =	sadd.s32 s12, s0  }
0x83: {  	s0 =	sshrl.u32 s0, $0x3  }
0x84: {  	s14 =	simm.s32 $0xC80;
	s19 =	smul.u32 $0xAB, s29;
	s3 =	sadd.s32 s6, s0  }
0x85: {  	[tilespmem:s29], [sflag:$0x3] =	stream.linear.gather [hbm4b:s3+s29], $0xC80, $0x38;
	[tilespmem:$0x1C980] =	vst v63  }
0x86: {  	p2 =	por $0x0, $0x0;
	s13 =	simm.s32 $0x100;
	_ =	swait.ge [sflag:s21], $0xC80  }
0x87: {  	s15 =	simm.s32 $0x2;
	s3 =	simm.s32 $0x2;
	[sflag:s21] =	ssyncset.done $0x0  }
0x88: {  	s0 =	sadd.s32 s7, s0;
	s3 =	smul.u32 @!p2 $0xAB, s3;
	[sflag:s21] =	ssyncadd.s32 $0xFFFFF380  }
0x89: {  	[tilespmem:s14], [sflag:$0x3] =	stream.linear.gather [hbm4b:s0+s29], $0xC80, $0x38;
	[tilespmem:$0x1C980] =	vst v63  }
0x8a: {  	s31 =	simm.s32 $0x180;
	s3 =	sshrl.u32 @!p2 s3, $0x9;
	s0 =	sshrl.u32 s19, $0x9  }
0x8b: {  	s3 =	sand.u32 @!p2 $0x7F, s3;
	p2 =	por p2, p2;
	_ =	swait.ge [sflag:s21], $0xC80  }
0x8c: {  	s0 =	sand.u32 $0x7F, s0;
	s11 =	smul.u32 @!p2 $0x3, s3;
	[sflag:s21] =	ssyncset.done $0x0  }
0x8d: {  	p3 =	por $0x0, $0x0;
	s0 =	smul.u32 $0x3, s0;
	[sflag:s21] =	ssyncadd.s32 $0xFFFFF380  }
0x8e: {  	[tilespmem:s23], [sflag:$0x1] =	stream.indirect.gather [hbm4b:s4+s22], $0x80, s29, s22, $0xb8;
	[tilespmem:$0x1C980] =	vst v63  }
0x8f: {  	s3 =	simm.s32 $0xD00;
	p4 =	por @!p2 $0x1, $0x1;
	s10 =	ssub.s32 $0x0, s0  }
0x90: {  	p4 =	por p4, p2;
	s11 =	ssub.s32 @!p2 $0x2, s11;
	s10 =	sand.u32 $0xFF, s10  }
0x91: {  	[tilespmem:s25], [sflag:$0x1] =	stream.indirect.gather [hbm4b:s4+s22], $0x80, s24, s22, $0xb8;
	[tilespmem:$0x1C980] =	vst v63  }
0x92: {  	s11 =	sand.u32 @!p2 $0xFF, s11;
	s10 =	smul.u32 $0xA000, s10;
	_ =	swait.ge [sflag:s26], $0x2800  }
0x93: {  	s0 =	simm.s32 $0x1;
	s11 =	smul.u32 @!p2 $0xA000, s11;
	[sflag:s26] =	ssyncset.done $0x0  }
0x94: {  	s16 =	sshrl.u32 s10, $0x2;
	s10 =	smul.u32 $0xAB, s0;
	[sflag:s26] =	ssyncadd.s32 $0xFFFFD800  }
.LBB2_4:
0x95: {  	s17 =	sadd.s32 $0x2, s0;
	s18 =	simm.s32 @!p4 $0x2;
	s19 =	smov.u32 s0  }
0x96: {  	s0 =	smov.u32 s15;
	s15 =	sadd.s32 $0x1, s15;
	s10 =	sshrl.u32 s10, $0x9  }
0x97: {  	s16 =	sadd.s32 $0x1900, s16;
	s11 =	sshrl.u32 @!p2 s11, $0x2;
	s10 =	sand.u32 $0x7F, s10  }
0x98: {  	[spmem:s1] =	stream.indirect.scatter.add.f32 [tilespmem:s16], [sflag:$0x2], $0x80, s14, s22, $0xb8;
	[tilespmem:$0x1C980] =	vst v63  }
0x99: {  	s10 =	smul.u32 $0x3, s10  }
0x9a: {  	s11 =	sadd.s32 @!p2 $0x1900, s11;
	s14 =	smul.u32 @!p3 $0xAB, s17;
	_ =	swait.ge @!p4 [sflag:s18], $0x2800  }
0x9b: {  	s16 =	simm.s32 @!p2 $0x50;
	[sflag:s18] =	ssyncset.done @!p4 $0x0;
	s10 =	ssub.s32 s19, s10  }
0x9c: {  	p5 =	sne.s32 s15, $0x19;
	[sflag:s18] =	ssyncadd.s32 @!p4 $0xFFFFD800;
	s10 =	sand.u32 $0xFF, s10  }
0x9d: {  	[tilespmem:s11], [sflag:$0x1] =	stream.indirect.gather @!p2 [hbm4b:s4+s16], $0x80, s13, s16, $0xb8;
	[tilespmem:$0x1C980] =	vst v63  }
0x9e: {  	s11 =	sshrl.u32 @!p3 s14, $0x9;
	s14 =	smov.u32 s3;
	s13 =	smov.u32 s31  }
0x9f: {  	s10 =	smul.u32 $0xA000, s10;
	p2 =	por p3, p3;
	s11 =	sand.u32 @!p3 $0x7F, s11  }
0xa0: {  	s11 =	smul.u32 @!p2 $0x3, s11  }
.Ltmp6:
0xa1: {  	s3 =	sadd.s32 $0x80, s3;
	(pc) =	sbr.rel @p5 .LBB2_4-.Ltmp6, $4  }
0xa2: {  	s31 =	sadd.s32 $0x80, s31;
	s16 =	sshrl.u32 s10, $0x2;
	_ =	swait.ge [sflag:s26], $0x2800  }
0xa3: {  	s10 =	smul.u32 $0xAB, s0;
	s11 =	ssub.s32 @!p2 s17, s11;
	[sflag:s26] =	ssyncset.done $0x0  }
0xa4: {  	p4 =	seq.s32 @!p2 s19, $0x0;
	s11 =	sand.u32 @!p2 $0xFF, s11;
	[sflag:s26] =	ssyncadd.s32 $0xFFFFD800  }
0xa5: {  	p3 =	sgt.u32 s0, $0x16;
	p4 =	por p4, p2;
	s11 =	smul.u32 @!p2 $0xA000, s11  }
0xa6: {  	s10 =	sshrl.u32 s10, $0x9;
	s16 =	sadd.s32 $0x1900, s16  }
0xa7: {  	[spmem:s1] =	stream.indirect.scatter.add.f32 [tilespmem:s16], [sflag:$0x2], $0x80, s14, s22, $0xb8;
	[tilespmem:$0x1C980] =	vst v63  }
0xa8: {  	s15 =	sadd.s32 $0x2, s0;
	s17 =	simm.s32 @!p4 $0x2;
	s10 =	sand.u32 $0x7F, s10  }
0xa9: {  	s11 =	sshrl.u32 @!p2 s11, $0x2;
	_ =	swait.ge @!p4 [sflag:s17], $0x2800;
	s10 =	smul.u32 $0x3, s10  }
0xaa: {  	s14 =	smul.u32 @!p3 $0xAB, s15;
	s16 =	simm.s32 @!p2 $0x50;
	[sflag:s17] =	ssyncset.done @!p4 $0x0  }
0xab: {  	s11 =	sadd.s32 @!p2 $0x1900, s11;
	[sflag:s17] =	ssyncadd.s32 @!p4 $0xFFFFD800;
	s10 =	ssub.s32 s0, s10  }
0xac: {  	[tilespmem:s11], [sflag:$0x1] =	stream.indirect.gather @!p2 [hbm4b:s4+s16], $0x80, s13, s16, $0xb8;
	[tilespmem:$0x1C980] =	vst v63  }
0xad: {  	s11 =	sshrl.u32 @!p3 s14, $0x9;
	s10 =	sand.u32 $0xFF, s10  }
0xae: {  	p2 =	por p3, p3;
	s11 =	sand.u32 @!p3 $0x7F, s11;
	s10 =	smul.u32 $0xA000, s10  }
0xaf: {  	_ =	swait.ge [sflag:s26], $0x2800;
	s11 =	smul.u32 @!p2 $0x3, s11  }
0xb0: {  	p3 =	seq.s32 @!p2 s0, $0x0;
	[sflag:s26] =	ssyncset.done $0x0  }
0xb1: {  	p3 =	por p3, p2;
	s10 =	sshrl.u32 s10, $0x2;
	s11 =	ssub.s32 @!p2 s15, s11  }
0xb2: {  	[sflag:s26] =	ssyncadd.s32 $0xFFFFD800;
	s10 =	sadd.s32 $0x1900, s10;
	s0 =	sand.u32 @!p2 $0xFF, s11  }
0xb3: {  	[spmem:s1] =	stream.indirect.scatter.add.f32 [tilespmem:s10], [sflag:$0x2], $0x80, s3, s22, $0xb8;
	[tilespmem:$0x1C980] =	vst v63  }
0xb4: {  	s11 =	simm.s32 @!p3 $0x2;
	s0 =	smul.u32 @!p2 $0xA000, s0  }
0xb5: {  	_ =	swait.ge @!p3 [sflag:s11], $0x2800  }
0xb6: {  	[sflag:s11] =	ssyncset.done @!p3 $0x0;
	s0 =	sshrl.u32 @!p2 s0, $0x2  }
0xb7: {  	s3 =	simm.s32 @!p2 $0x50;
	[sflag:s11] =	ssyncadd.s32 @!p3 $0xFFFFD800;
	s0 =	sadd.s32 @!p2 $0x1900, s0  }
0xb8: {  	[tilespmem:s0], [sflag:$0x1] =	stream.indirect.gather @!p2 [hbm4b:s4+s3], $0x80, s31, s3, $0xb8;
	[tilespmem:$0x1C980] =	vst v63  }
0xb9: {  	_ =	swait.ge [sflag:s28], $0x2800  }
0xba: {  	[sflag:s28] =	ssyncset.done $0x0  }
0xbb: {  	s30 =	sadd.s32 $0x1, s30;
	[sflag:s28] =	ssyncadd.s32 $0xFFFFD800  }
0xbc: {  	p2 =	sne.s32 s30, $0x5;
	_ =	swait.ge [sflag:s28], $0x2800  }
.Ltmp7:
0xbd: {  	[sflag:s28] =	ssyncset.done $0x0;
	(pc) =	sbr.rel @p2 .LBB2_3-.Ltmp7, $4  }
0xbe: {  	[sflag:s28] =	ssyncadd.s32 $0xFFFFD800  }
0xbf: {  	_ =	swait.ge [sflag:s28], $0x2800  }
0xc0: {  	[sflag:s28] =	ssyncset.done $0x0  }
0xc1: {  	[sflag:s28] =	ssyncadd.s32 $0xFFFFD800  }
0xc2: {  	[bflag:$0x0] =	sbarrier.arrive $0xFFFF  }
0xc3: {  	s3 =	rddreg [dreg:$0x6]  }
0xc4: {  	s0 =	simm.s32 @p1 $0x1FC3;
	s11 =	rddreg [dreg:$0xa]  }
0xc5: {  	[hbm:s3], [sflag:s0] =	dma.local @p1 [spmem:s11], $0x2800  }
0xc6: {  	s0 =	simm.s32 @p1 $0x3  }
0xc7: {  	_ =	swait.ge @p1 [sflag:s0], $0x2800  }
0xc8: {  	[sflag:s0] =	ssyncset.done @p1 $0x0;
	s13 =	rddreg [dreg:$0xb]  }
0xc9: {  	[sflag:s0] =	ssyncadd.s32 @p1 $0xFFFFD800;
	s0 =	rddreg [dreg:$0x5]  }
0xca: {  	[hbm:s0], [sflag:s13] =	dma.local @!p1 [spmem:s20], $0x2700  }
.Ltmp8:
0xcb: {  	_ = 	snop;
	(pc) =	sbr.rel .LBB2_12-.Ltmp8, $4  }
0xcc: {  	s0 =	simm.s32 @!p1 $0x3  }
0xcd: {  	_ =	swait.ge @!p1 [sflag:s0], $0x2700  }
0xce: {  	[sflag:s0] =	ssyncset.done @!p1 $0x0  }
0xcf: {  	[sflag:s0] =	ssyncadd.s32 @!p1 $0xFFFFD900  }
.LBB2_13:
0xd0: {  	_ =	sfence.sel $0x180000  }
0xd1: {  	[bflag:$0x0] =	sbarrier.arrive $0xFFFF  }
0xd2: {  	_ =	strace $0x9000004A  }
0xd3: {  	s0 =	stileid.u32;
	[bflag:$0x2] =	sbarrier.arrive $0xFFFF  }
0xd4: {  	p0 =	sne.s32 s0, $0x0;
	s0 =	rddreg [dreg:$0x2]  }
0xd5: {  	s0 =	sadd.s32 @!p0 $0x100000, s0  }
0xd6: {  	[sflag:s0] =	ssyncadd.tile.s32 @!p0 $0x1;
	_ =	shalt  }
.Lfunc_end2:
_tile_overlayer_lowered:
.L_overlay_start_2:
0xd7: {  	(tag) =	ssettag $0x2  }
0xd8: {  	s0 =	rddreg [dreg:$0x0];
	s2 =	stileid.u32  }
0xd9: {  	s1 =	rddreg [dreg:$0x1];
	p0 =	sne.s32 s2, $0x0  }
0xda: {  	s3 =	rddreg [dreg:$0x2];
	[bflag:$0x3] =	sbarrier.arrive $0xFFFF;
	s2 =	simm.s32 @!p0 $0x1C03  }
0xdb: {  	[timem:s3], [sflag:s2] =	dma.local @!p0 [hbm:s0], s1  }
0xdc: {  	s0 =	simm.s32 @!p0 $0x3  }
0xdd: {  	_ =	swait.ge @!p0 [sflag:s0], s1  }
0xde: {  	s1 =	ssub.s32 @!p0 $0x0, s1;
	[sflag:s0] =	ssyncset.done @!p0 $0x0  }
0xdf: {  	[sflag:s0] =	ssyncadd.s32 @!p0 s1  }
0xe0: {  	[bflag:$0x3] =	sbarrier.arrive $0xFFFF  }
0xe1: {  	_ =	shalt  }

// kernel: kernel.15.cloned.1.call-start
scs
__scs_entry_jumppad:
0x0: {  	(pc) =	sbr.rel $0x88, $3  }
0x1: {  	(tag) =	ssettag $0x0;
	lr =	simm.s32 $0x1  }
0x2: {  	[smem:$0x3F92] =	sst lr;
	_ =	strace $0xD0000000  }
0x3: {  	_ = 	snop  }
0x4: {  	_ = 	snop  }
0x5: {  	_ = 	snop  }
0x6: {  	_ = 	snop  }
0x7: {  	_ = 	snop  }
__scs_overlays_trampoline_lowered:
0x8: {  	[smem:$0x3FA1] =	sst s0  }
0x9: {  	[smem:$0x3FA2] =	sst s1  }
0xa: {  	[smem:$0x3FA3] =	sst s2  }
0xb: {  	[smem:$0x3FA4] =	sst s3  }
0xc: {  	[smem:$0x3FA5] =	sst s4  }
0xd: {  	[smem:$0x3FA6] =	sst s5  }
0xe: {  	[smem:$0x3FA7] =	sst s6  }
0xf: {  	[smem:$0x3FA8] =	sst s7  }
0x10: {  	[smem:$0x3FA9] =	sst s8  }
0x11: {  	[smem:$0x3FAA] =	sst s9;
	s0 =	simm.s32 @!p0 $0x0  }
0x12: {  	s1 =	sld [smem:$0x3F90];
	s0 =	simm.s32 @p0 $0x1  }
0x13: {  	[smem:$0x3FAB] =	sst s0;
	s0 =	simm.s32 @!p1 $0x0  }
0x14: {  	s2 =	sld [smem:$0x3F8F];
	s0 =	simm.s32 @p1 $0x1  }
0x15: {  	[smem:$0x3FAC] =	sst s0;
	s0 =	simm.s32 @!p2 $0x0  }
0x16: {  	s3 =	sld [smem:$0x3FDB];
	s0 =	simm.s32 @p2 $0x1  }
0x17: {  	s4 =	simm.s32 $0x1BF5;
	[smem:$0x3FAE] =	sst s0  }
0x18: {  	s0 =	sld [smem:$0x3F91];
	_ =	swait.ge [sflag:s4], $0x0  }
0x19: {  	s7 =	sld [smem:$0x3F92]  }
0x1a: {  	s8 =	sadd.s32 $0xFFFFE003, lr  }
0x1b: {  	s9 =	sadd.s32 $0xFFFFFEF7, lr;
	s5 =	simm.s32 $0xFFFFFFFF;
	p2 =	slt.u32 s8, $0xFFFFF086  }
0x1c: {  	p1 =	slt.u32 s9, $0xF7A;
	s5 =	simm.s32 @!p2 $0x0  }
0x1d: {  	s5 =	simm.s32 @p1 $0x1;
	p0 =	seq.s32 s7, s2  }
0x1e: {  	s7 =	smul.u32 @!p0 $0xF7A, s2;
	p2 =	seq.s32 @!p0 s5, $0x0  }
0x1f: {  	s9 =	smul.u32 $0xF7A, s1;
	s8 =	simm.s32 @!p0 $0x1BF5;
	p2 =	por !p2, p0  }
0x20: {  	[sflag:s8] =	ssyncset.s32 @!p0 $0xFFFFF086;
	s6 =	sadd.s32 @!p0 s3, s7;
	s7 =	simm.s32 @!p0 $0x108  }
0x21: {  	s3 =	sadd.s32 s3, s9;
	s6 =	sadd.s32 @!p0 $0x88, s6;
	s7 =	simm.s32 @p2 $0x1082  }
0x22: {  	[simem:s7], [sflag:s8] =	dma.local @!p0 [hbm:s6], $0xF7A  }
0x23: {  	s9 =	sor.u32 $0xD0000000, s2;
	s6 =	simm.s32 $0x108;
	_ =	swait.ge @!p0 [sflag:s8], $0x0  }
0x24: {  	s3 =	sadd.s32 $0x88, s3;
	s6 =	simm.s32 @!p1 $0x1082;
	[sflag:s4] =	ssyncset.s32 $0xFFFFF086  }
0x25: {  	[simem:s6], [sflag:s4] =	dma.local [hbm:s3], $0xF7A  }
0x26: {  	[smem:$0x3F92] =	sst s1;
	(tag) =	ssettag s2;
	_ =	strace s9  }
0x27: {  	s1 =	sld [smem:$0x3FA2]  }
0x28: {  	s2 =	sld [smem:$0x3FA3]  }
0x29: {  	s4 =	sld [smem:$0x3FA5]  }
0x2a: {  	p0 =	seq.s32 s5, $0x0;
	s5 =	sld [smem:$0x3FA6]  }
0x2b: {  	s6 =	sld [smem:$0x3FA7]  }
0x2c: {  	s7 =	sld [smem:$0x3FA8]  }
0x2d: {  	s3 =	simm.s32 $0x108;
	s8 =	sld [smem:$0x3FA9]  }
0x2e: {  	s3 =	simm.s32 @!p0 $0x1082;
	s9 =	sld [smem:$0x3FAA]  }
0x2f: {  	lr =	sadd.s32 s0, s3;
	s0 =	sld [smem:$0x3FA1]  }
0x30: {  	s3 =	sld [smem:$0x3FA4]  }
0x31: {  	[smem:$0x3FAD] =	sst s10  }
0x32: {  	s10 =	sld [smem:$0x3FAB];
	_ =	sdelay $0x3  }
0x33: {  	p0 =	seq.s32 s10, $0x1;
	s10 =	sld [smem:$0x3FAD];
	_ =	sdelay $0x3  }
0x34: {  	[smem:$0x3FAD] =	sst s10  }
0x35: {  	s10 =	sld [smem:$0x3FAC];
	_ =	sdelay $0x3  }
0x36: {  	p1 =	seq.s32 s10, $0x1;
	s10 =	sld [smem:$0x3FAD];
	_ =	sdelay $0x3  }
0x37: {  	[smem:$0x3FAD] =	sst s10  }
0x38: {  	s10 =	sld [smem:$0x3FAE]  }
0x39: {  	_ = 	snop;
	(pc) =	sbr.ind lr, $3  }
0x3a: {  	_ = 	snop  }
0x3b: {  	_ = 	snop  }
0x3c: {  	p2 =	seq.s32 s10, $0x1;
	s10 =	sld [smem:$0x3FAD]  }
0x3d: {  	_ =	shalt  }
0x3e: {  	_ =	shalt  }
0x3f: {  	_ =	shalt  }
0x40: {  	_ =	shalt  }
0x41: {  	_ =	shalt  }
0x42: {  	_ =	shalt  }
0x43: {  	_ =	shalt  }
0x44: {  	_ =	shalt  }
0x45: {  	_ =	shalt  }
0x46: {  	_ =	shalt  }
0x47: {  	_ =	shalt  }
0x48: {  	_ =	shalt  }
0x49: {  	_ =	shalt  }
0x4a: {  	_ =	shalt  }
0x4b: {  	_ =	shalt  }
0x4c: {  	_ =	shalt  }
0x4d: {  	_ =	shalt  }
0x4e: {  	_ =	shalt  }
0x4f: {  	_ =	shalt  }
0x50: {  	_ =	shalt  }
0x51: {  	_ =	shalt  }
0x52: {  	_ =	shalt  }
0x53: {  	_ =	shalt  }
0x54: {  	_ =	shalt  }
0x55: {  	_ =	shalt  }
0x56: {  	_ =	shalt  }
0x57: {  	_ =	shalt  }
0x58: {  	_ =	shalt  }
0x59: {  	_ =	shalt  }
0x5a: {  	_ =	shalt  }
0x5b: {  	_ =	shalt  }
0x5c: {  	_ =	shalt  }
0x5d: {  	_ =	shalt  }
0x5e: {  	_ =	shalt  }
0x5f: {  	_ =	shalt  }
0x60: {  	_ =	shalt  }
0x61: {  	_ =	shalt  }
0x62: {  	_ =	shalt  }
0x63: {  	_ =	shalt  }
0x64: {  	_ =	shalt  }
0x65: {  	_ =	shalt  }
0x66: {  	_ =	shalt  }
0x67: {  	_ =	shalt  }
0x68: {  	_ =	shalt  }
0x69: {  	_ =	shalt  }
0x6a: {  	_ =	shalt  }
0x6b: {  	_ =	shalt  }
0x6c: {  	_ =	shalt  }
0x6d: {  	_ =	shalt  }
0x6e: {  	_ =	shalt  }
0x6f: {  	_ =	shalt  }
0x70: {  	_ =	shalt  }
0x71: {  	_ =	shalt  }
0x72: {  	_ =	shalt  }
0x73: {  	_ =	shalt  }
0x74: {  	_ =	shalt  }
0x75: {  	_ =	shalt  }
0x76: {  	_ =	shalt  }
0x77: {  	_ =	shalt  }
0x78: {  	_ =	shalt  }
0x79: {  	_ =	shalt  }
0x7a: {  	_ =	shalt  }
0x7b: {  	_ =	shalt  }
0x7c: {  	_ =	shalt  }
0x7d: {  	_ =	shalt  }
0x7e: {  	_ =	shalt  }
0x7f: {  	_ =	shalt  }
0x80: {  	_ =	shalt  }
0x81: {  	_ =	shalt  }
0x82: {  	_ =	shalt  }
0x83: {  	_ =	shalt  }
0x84: {  	_ =	shalt  }
0x85: {  	_ =	shalt  }
0x86: {  	_ =	shalt  }
0x87: {  	_ =	shalt  }
.Lfunc_end0:
.L_simem_size_0:
called_computation.2_lowered:
.L_overlay_start_0:
0x88: {  	s2 =	sld [smem:$0x3FD9]  }
0x89: {  	s3 =	sld [smem:$0x3FFE];
	_ =	sdelay $0x1  }
0x8a: {  	s1 =	srdreg.scid  }
0x8b: {  	s0 =	sand.u32 $0x1, s1  }
0x8c: {  	s17 =	sshll.u32 s0, $0xA;
	s2 =	sadd.s32 s3, s2  }
0x8d: {  	s2 =	sadd.s32 s2, s17  }
0x8e: {  	[smem:$0x3FB9] =	sst s2  }
0x8f: {  	_ = 	snop  }
0x90: {  	s2 =	sld [smem:$0x3FD0];
	(tm) =	ssettm $0x1  }
0x91: {  	s18 =	sld [smem:$0x3FFB];
	_ =	sdelay $0x3  }
0x92: {  	_ =	strace s18  }
0x93: {  	s3 =	sld [smem:$0x3FFC];
	_ =	sdelay $0x3  }
0x94: {  	_ =	strace s3  }
0x95: {  	s3 =	sld [smem:$0x3FFD];
	_ =	sdelay $0x3  }
0x96: {  	_ =	strace s3  }
0x97: {  	_ =	strace $0x8FFFFFFF  }
0x98: {  	s19 =	sld [smem:$0x3FDB];
	_ =	sdelay $0x1  }
0x99: {  	s4 =	simm.s32 $_scs_section_size  }
0x9a: {  	s5 =	simm.s32 $_size__tile_overlayer_lowered;
	s6 =	simm.s32 $_tile_overlayer_lowered  }
0x9b: {  	s22 =	simm.s32 $0x1BFF;
	s21 =	sshll.u32 s6, $0x1;
	s3 =	sadd.s32 s4, s19  }
0x9c: {  	s7 =	simm.s32 $0x0;
	s20 =	sshll.u32 s5, $0x1;
	s5 =	sadd.s32 s21, s3  }
0x9d: {  	[timem:s7], [sflag:s22] =	dma.local [hbm:s5], s20  }
0x9e: {  	_ =	swait.ge [sflag:s22], s20  }
0x9f: {  	s4 =	ssub.s32 $0x0, s20;
	[sflag:s22] =	ssyncset.done $0x0  }
0xa0: {  	[sflag:s22] =	ssyncadd.s32 s4;
	_ =	sdelay $0x1  }
0xa1: {  	s23 =	simm.s32 $0x1B8B  }
0xa2: {  	_ =	swait.ge [sflag:s23], $0x1  }
0xa3: {  	[sflag:s23] =	ssyncset.done $0x0  }
0xa4: {  	s25 =	simm.s32 $0x1B8E;
	s24 =	sld [smem:$0x3FFE];
	[sflag:s23] =	ssyncadd.s32 $0xFFFFFFFF  }
0xa5: {  	s26 =	simm.s32 $execute0_lowered;
	[smem:$0x3FD2] =	sst s25  }
0xa6: {  	s5 =	sshll.u32 s26, $0x1;
	_ =	strace $0x8000004C;
	[dreg:$0x1] =	wrdreg $0xFFFFFFFF  }
0xa7: {  	s28 =	simm.s32 $_size_execute0_lowered;
	s3 =	sadd.s32 s3, s5;
	[dreg:$0x0] =	wrdreg $0x0  }
0xa8: {  	s5 =	sshll.u32 s28, $0x1;
	[dreg:$0x2] =	wrdreg s3  }
0xa9: {  	[dreg:$0x3] =	wrdreg s5  }
0xaa: {  	[dreg:$0x4] =	wrdreg $0xC0  }
0xab: {  	_ =	task [dreg:s7], $0x5FFFF  }
0xac: {  	[dreg:$0x1] =	wrdreg $0xFFFFFFFF  }
0xad: {  	[dreg:$0x0] =	wrdreg $0x60  }
0xae: {  	[dreg:$0x2] =	wrdreg s24  }
0xaf: {  	[dreg:$0x3] =	wrdreg s2  }
0xb0: {  	[dreg:$0x4] =	wrdreg $0x9  }
0xb1: {  	_ =	task.clear_ibuf [dreg:s7], $0x5FFFF;
	_ =	strace $0x9000004C  }
0xb2: {  	s29 =	simm.s32 $0x9;
	_ =	strace $0x8000004E  }
0xb3: {  	_ =	swait.ge [sflag:s29], $0x1  }
0xb4: {  	[sflag:s29] =	ssyncadd.s32 $0xFFFFFFFF  }
0xb5: {  	_ =	strace $0x9000004E  }
0xb6: {  	_ =	sfence  }
0xb7: {  	s30 =	sld [smem:$0x0];
	_ =	sdelay $0x2  }
0xb8: {  	s31 =	sshll.u32 s1, $0xD;
	s1 =	sshrl.u32 s1, $0x2  }
0xb9: {  	s3 =	sand.u32 $0x4000, s31;
	s1 =	sadd.s32 s1, s30  }
0xba: {  	s0 =	sor.u32 s3, s0;
	s1 =	sshll.u32 s1, $0x11  }
0xbb: {  	s0 =	sor.u32 s1, s0  }
0xbc: {  	s0 =	sadd.s32 $0x8F2B, s0  }
0xbd: {  	[sflag:s0] =	ssyncadd.remote.s32 $0x1  }
0xbe: {  	_ =	sfence.sel $0xFFFF  }
0xbf: {  	[dreg:$0x0] =	wrdreg $0xFFFFFFFF;
	(pc) =	sbr.abs _section_cstart, $3  }
0xc0: {  	[dreg:$0x1] =	wrdreg $0xFFFFFFFF  }
0xc1: {  	_ =	task.clear_ibuf [dreg:s7], $0x2FFFF;
	_ =	strace $0x9FFFFFFF  }
0xc2: {  	(tm) =	ssettm $0x7FFFFFFF  }
0xc3: {  	_ =	shalt  }
tec
execute0_lowered:
.L_overlay_start_1:
0x0: {  	(tag) =	ssettag $0x1  }
0x1: {  	s0 =	rddreg [dreg:$0x0]  }
0x2: {  	s9 =	rddreg [dreg:$0x1]  }
0x3: {  	s1 =	simm.s32 $0x0;
	s5 =	srdreg.scid;
	s2 =	stileid.u32  }
0x4: {  	s19 =	simm.s32 $0x12800;
	s20 =	simm.s32 $0x2;
	s21 =	simm.s32 $0x0  }
0x5: {  	[smem:$0x7FF] =	sst s1;
	s3 =	sadd.s32 $0x3600, s0;
	s4 =	sadd.s32 $0x2A800, s0  }
0x6: {  	s6 =	sadd.s32 $0x113000, s0;
	s7 =	sand.u32 $0x1, s5;
	s25 =	sshll.u32 s2, $0x1  }
0x7: {  	s8 =	sadd.s32 $0x10E000, s0;
	s0 =	sadd.s32 $0x384000, s0;
	p0 =	seq.s32 s2, $0xF  }
0x8: {  	s5 =	simm.s32 $0x28;
	s12 =	smul.u32 $0x50, s2;
	_ =	strace $0x8000004D  }
0x9: {  	[dreg:$0x3] =	wrdreg s6;
	s10 =	sor.u32 s7, s25;
	s26 =	ssub.s32 $0x2, s7  }
0xa: {  	[dreg:$0x4] =	wrdreg s0;
	s5 =	simm.s32 @!p0 $0x27;
	s14 =	smul.u32 $0x28, s7  }
0xb: {  	p0 =	sne.s32 s2, $0xF;
	s28 =	smul.u32 $0x27, s10;
	s29 =	sshrl.u32 s26, $0x1  }
0xc: {  	s11 =	smax.u32 s10, $0x1E;
	s30 =	smin.u32 s10, $0x1E;
	s0 =	ssub.s32 s26, s29  }
0xd: {  	s12 =	sadd.s32 s14, s12;
	s14 =	simm.s32 $0x80;
	s6 =	sadd.s32 s28, s11  }
0xe: {  	s10 =	smax.u32 s0, $0x1;
	s31 =	ssub.s32 s12, s30;
	s11 =	sshll.u32 s6, $0x4  }
0xf: {  	s12 =	simm.s32 $0x3;
	s13 =	sadd.s32 $0xFFFFFE20, s11;
	s11 =	sadd.s32 $0x90, s11  }
0x10: {  	s6 =	sadd.s32 s8, s13;
	s7 =	sadd.s32 s9, s13;
	s8 =	sadd.s32 s8, s11  }
0x11: {  	s9 =	sadd.s32 s9, s11;
	s11 =	sshll.u32 s31, $0xB;
	s13 =	simm.s32 $0x1400  }
.LBB2_1:
0x12: {  	[tilespmem:s1], [sflag:$0x3] =	stream.linear.gather [hbm4b:s6+s1], $0x1380, $0x38;
	[tilespmem:$0x1A800] =	vst v63  }
0x13: {  	_ =	swait.ge [sflag:s12], $0x1380  }
0x14: {  	[sflag:s12] =	ssyncset.done $0x0  }
0x15: {  	[sflag:s12] =	ssyncadd.s32 $0xFFFFEC80  }
0x16: {  	[tilespmem:s13], [sflag:$0x3] =	stream.linear.gather [hbm4b:s7+s1], $0x1380, $0x38;
	[tilespmem:$0x1A800] =	vst v63  }
0x17: {  	_ =	swait.ge [sflag:s12], $0x1380  }
0x18: {  	[sflag:s12] =	ssyncset.done $0x0  }
0x19: {  	s0 =	simm.s32 @!p0 $0x0;
	s22 =	simm.s32 @!p0 $0x1380;
	[sflag:s12] =	ssyncadd.s32 $0xFFFFEC80  }
0x1a: {  	[tilespmem:s22], [sflag:$0x3] =	stream.linear.gather @!p0 [hbm4b:s8+s0], $0x80, $0x38;
	[tilespmem:$0x1A800] =	vst v63  }
0x1b: {  	s22 =	simm.s32 @!p0 $0x3  }
0x1c: {  	_ =	swait.ge @!p0 [sflag:s22], $0x80  }
0x1d: {  	[sflag:s22] =	ssyncset.done @!p0 $0x0  }
0x1e: {  	s23 =	simm.s32 @!p0 $0x2780;
	p2 =	sle.u32 s5, $0x0;
	[sflag:s22] =	ssyncadd.s32 @!p0 $0xFFFFFF80  }
0x1f: {  	[tilespmem:s23], [sflag:$0x3] =	stream.linear.gather @!p0 [hbm4b:s9+s0], $0x80, $0x38;
	[tilespmem:$0x1A800] =	vst v63  }
0x20: {  	s24 =	simm.s32 $0xE800;
	p3 =	sle.u32 @!p2 s5, $0x2;
	_ =	swait.ge @!p0 [sflag:s22], $0x80  }
0x21: {  	s25 =	simm.s32 $0x6800;
	p1 =	por p3, p2;
	[sflag:s22] =	ssyncset.done @!p0 $0x0  }
0x22: {  	s23 =	simm.s32 $0x2800;
	s0 =	smul.u32 @!p2 $0xAB, s1;
	[sflag:s22] =	ssyncadd.s32 @!p0 $0xFFFFFF80  }
0x23: {  	[tilespmem:s23], [sflag:$0x1] =	stream.indirect.gather [hbm4b:s3+s14], $0x80, s1, s14, $0xb8;
	[tilespmem:$0x1A800] =	vst v63  }
0x24: {  	s26 =	simm.s32 $0x1480;
	p4 =	por @!p1 $0x1, $0x1;
	s0 =	sshrl.u32 @!p2 s0, $0x9  }
0x25: {  	[tilespmem:s24], [sflag:$0x1] =	stream.indirect.gather [hbm4b:s4+s14], $0x80, s13, s14, $0xb8;
	[tilespmem:$0x1A800] =	vst v63  }
0x26: {  	s28 =	sand.u32 @!p2 $0x1FFFF800, s11;
	p3 =	por @!p2 p4, p3;
	s0 =	sand.u32 @!p2 $0x7F, s0  }
0x27: {  	[tilespmem:s25], [sflag:$0x1] =	stream.indirect.gather [hbm4b:s3+s14], $0x80, s14, s14, $0xb8;
	[tilespmem:$0x1A800] =	vst v63  }
0x28: {  	p4 =	por p3, p2;
	s0 =	smul.u32 @!p2 $0x3, s0;
	s24 =	simm.s32 @!p2 $0x1  }
0x29: {  	[tilespmem:s19], [sflag:$0x1] =	stream.indirect.gather [hbm4b:s4+s14], $0x80, s26, s14, $0xb8;
	[tilespmem:$0x1A800] =	vst v63  }
0x2a: {  	s31 =	simm.s32 @!p2 $0x0;
	s30 =	simm.s32 @!p4 $0x2;
	_ =	swait.ge @!p2 [sflag:s24], $0x4000  }
0x2b: {  	s0 =	ssub.s32 @!p2 $0x0, s0;
	s25 =	simm.s32 @!p2 $0x2;
	[sflag:s24] =	ssyncset.done @!p2 $0x0  }
0x2c: {  	s0 =	sand.u32 @!p2 $0xFF, s0;
	s25 =	smul.u32 @!p1 $0xAB, s25;
	[sflag:s24] =	ssyncadd.s32 @!p2 $0xFFFFC000  }
0x2d: {  	s22 =	simm.s32 $0x1500;
	s0 =	sshll.u32 @!p2 s0, $0xE;
	_ =	swait.ge @!p2 [sflag:s24], $0x4000  }
0x2e: {  	s25 =	sshrl.u32 @!p1 s25, $0x9;
	[sflag:s24] =	ssyncset.done @!p2 $0x0;
	s26 =	rddreg [dreg:$0x3]  }
0x2f: {  	[sflag:s24] =	ssyncadd.s32 @!p2 $0xFFFFC000;
	s24 =	sor.u32 @!p2 $0x2800, s0;
	s26 =	sadd.s32 @!p2 s26, s28  }
0x30: {  	[hbm4b:s26+s31] =	stream.linear.scatter @!p2 [tilespmem:s24], [sflag:$0x2], $0x4000, $0x38;
	[tilespmem:$0x1A800] =	vst v63  }
0x31: {  	s23 =	simm.s32 $0x100;
	s29 =	rddreg [dreg:$0x4];
	s24 =	sand.u32 @!p1 $0x7F, s25  }
0x32: {  	s0 =	sadd.s32 @!p2 $0xE800, s0;
	s25 =	sadd.s32 @!p2 s29, s28;
	s26 =	smul.u32 @!p1 $0x3, s24  }
0x33: {  	[hbm4b:s25+s31] =	stream.linear.scatter @!p2 [tilespmem:s0], [sflag:$0x2], $0x4000, $0x38;
	[tilespmem:$0x1A800] =	vst v63  }
0x34: {  	s29 =	simm.s32 @!p1 $0x80;
	_ =	swait.ge @!p4 [sflag:s30], $0x4000;
	s0 =	ssub.s32 @!p1 $0x2, s26  }
0x35: {  	s28 =	simm.s32 $0x180;
	[sflag:s30] =	ssyncset.done @!p4 $0x0;
	s0 =	sand.u32 @!p1 $0xFF, s0  }
0x36: {  	s24 =	simm.s32 $0x1;
	[sflag:s30] =	ssyncadd.s32 @!p4 $0xFFFFC000;
	s26 =	sshll.u32 @!p1 s0, $0xE  }
0x37: {  	s25 =	simm.s32 $0x1580;
	_ =	swait.ge @!p4 [sflag:s30], $0x4000;
	s0 =	sor.u32 @!p1 $0x2800, s26  }
0x38: {  	s31 =	sadd.s32 @!p1 $0xE800, s26;
	s26 =	sadd.s32 $0x800, s11;
	[sflag:s30] =	ssyncset.done @!p4 $0x0  }
.LBB2_2:
0x39: {  	p2 =	sge.u32 s24, s5  }
0x3a: {  	[sflag:s30] =	ssyncadd.s32 @!p4 $0xFFFFC000;
	s30 =	smov.u32 s24;
	s24 =	sadd.s32 $0x1, s24  }
0x3b: {  	[tilespmem:s0], [sflag:$0x1] =	stream.indirect.gather @!p1 [hbm4b:s3+s29], $0x80, s23, s29, $0xb8;
	[tilespmem:$0x1A800] =	vst v63  }
0x3c: {  	s0 =	smul.u32 @!p2 $0xAB, s30;
	s2 =	simm.s32 @!p2 $0x1;
	s15 =	sadd.s32 @!p2 $0x2, s30  }
0x3d: {  	p3 =	sne.s32 s24, $0x28;
	s23 =	smov.u32 s28;
	s18 =	simm.s32 @!p2 $0x0  }
0x3e: {  	[tilespmem:s31], [sflag:$0x1] =	stream.indirect.gather @!p1 [hbm4b:s4+s29], $0x80, s22, s29, $0xb8;
	[tilespmem:$0x1A800] =	vst v63  }
0x3f: {  	s28 =	sadd.s32 $0x80, s28;
	p4 =	sge.u32 @!p2 s15, s5;
	s0 =	sshrl.u32 @!p2 s0, $0x9  }
0x40: {  	p1 =	por p4, p2;
	_ =	swait.ge @!p2 [sflag:s2], $0x4000;
	s0 =	sand.u32 @!p2 $0x7F, s0  }
0x41: {  	p5 =	seq.s32 @!p1 s30, $0x0;
	[sflag:s2] =	ssyncset.done @!p2 $0x0;
	s0 =	smul.u32 @!p2 $0x3, s0  }
0x42: {  	s31 =	sand.u32 @!p2 $0x1FFFF800, s26;
	p4 =	por @!p2 p5, p4;
	[sflag:s2] =	ssyncadd.s32 @!p2 $0xFFFFC000  }
0x43: {  	_ =	swait.ge @!p2 [sflag:s2], $0x4000;
	s0 =	ssub.s32 @!p2 s30, s0;
	s30 =	smul.u32 @!p1 $0xAB, s15  }
0x44: {  	[sflag:s2] =	ssyncset.done @!p2 $0x0;
	s29 =	rddreg [dreg:$0x3];
	s0 =	sand.u32 @!p2 $0xFF, s0  }
0x45: {  	s0 =	sshll.u32 @!p2 s0, $0xE;
	[sflag:s2] =	ssyncadd.s32 @!p2 $0xFFFFC000;
	s2 =	sadd.s32 @!p2 s29, s31  }
0x46: {  	s30 =	sshrl.u32 @!p1 s30, $0x9;
	s17 =	sadd.s32 @!p2 $0xE800, s0;
	s0 =	sor.u32 @!p2 $0x2800, s0  }
0x47: {  	[hbm4b:s2+s18] =	stream.linear.scatter @!p2 [tilespmem:s0], [sflag:$0x2], $0x4000, $0x38;
	[tilespmem:$0x1A800] =	vst v63  }
0x48: {  	p4 =	por p4, p2;
	s16 =	rddreg [dreg:$0x4];
	s0 =	sand.u32 @!p1 $0x7F, s30  }
0x49: {  	s16 =	sadd.s32 @!p2 s16, s31;
	s30 =	simm.s32 @!p4 $0x2;
	s0 =	smul.u32 @!p1 $0x3, s0  }
0x4a: {  	[hbm4b:s16+s18] =	stream.linear.scatter @!p2 [tilespmem:s17], [sflag:$0x2], $0x4000, $0x38;
	[tilespmem:$0x1A800] =	vst v63  }
.Ltmp0:
0x4b: {  	s22 =	smov.u32 s25;
	_ =	swait.ge @!p4 [sflag:s30], $0x4000;
	(pc) =	sbr.rel @p3 .LBB2_2-.Ltmp0, $4  }
0x4c: {  	s25 =	sadd.s32 $0x80, s25;
	s0 =	ssub.s32 @!p1 s15, s0;
	[sflag:s30] =	ssyncset.done @!p4 $0x0  }
0x4d: {  	s26 =	sadd.s32 $0x800, s26;
	s0 =	sand.u32 @!p1 $0xFF, s0;
	[sflag:s30] =	ssyncadd.s32 @!p4 $0xFFFFC000  }
0x4e: {  	s29 =	simm.s32 @!p1 $0x80;
	s2 =	sshll.u32 @!p1 s0, $0xE;
	_ =	swait.ge @!p4 [sflag:s30], $0x4000  }
0x4f: {  	s0 =	sor.u32 @!p1 $0x2800, s2;
	s31 =	sadd.s32 @!p1 $0xE800, s2;
	[sflag:s30] =	ssyncset.done @!p4 $0x0  }
0x50: {  	[sflag:s30] =	ssyncadd.s32 @!p4 $0xFFFFC000  }
0x51: {  	[tilespmem:s0], [sflag:$0x1] =	stream.indirect.gather @!p1 [hbm4b:s3+s29], $0x80, s23, s29, $0xb8;
	[tilespmem:$0x1A800] =	vst v63  }
0x52: {  	_ = 	snop  }
0x53: {  	[tilespmem:s31], [sflag:$0x1] =	stream.indirect.gather @!p1 [hbm4b:s4+s29], $0x80, s22, s29, $0xb8;
	[tilespmem:$0x1A800] =	vst v63  }
0x54: {  	_ =	swait.ge [sflag:s20], $0x4000  }
0x55: {  	[sflag:s20] =	ssyncset.done $0x0  }
0x56: {  	[sflag:s20] =	ssyncadd.s32 $0xFFFFC000  }
0x57: {  	_ =	swait.ge [sflag:s20], $0x4000  }
0x58: {  	[sflag:s20] =	ssyncset.done $0x0  }
0x59: {  	[sflag:s20] =	ssyncadd.s32 $0xFFFFC000  }
0x5a: {  	_ =	swait.ge [sflag:s20], $0x4000  }
0x5b: {  	[sflag:s20] =	ssyncset.done $0x0  }
0x5c: {  	[sflag:s20] =	ssyncadd.s32 $0xFFFFC000  }
0x5d: {  	_ =	swait.ge [sflag:s20], $0x4000  }
0x5e: {  	[sflag:s20] =	ssyncset.done $0x0  }
0x5f: {  	s21 =	sadd.s32 $0x1, s21;
	[sflag:s20] =	ssyncadd.s32 $0xFFFFC000  }
0x60: {  	p1 =	sne.s32 s21, s10;
	_ =	swait.ge [sflag:s20], $0x4000  }
.Ltmp1:
0x61: {  	[sflag:s20] =	ssyncset.done $0x0;
	(pc) =	sbr.rel @p1 .LBB2_1-.Ltmp1, $4  }
0x62: {  	[sflag:s20] =	ssyncadd.s32 $0xFFFFC000  }
0x63: {  	_ =	swait.ge [sflag:s20], $0x4000  }
0x64: {  	[sflag:s20] =	ssyncset.done $0x0  }
0x65: {  	[sflag:s20] =	ssyncadd.s32 $0xFFFFC000  }
0x66: {  	_ =	sfence.sel $0x180000  }
0x67: {  	[bflag:$0x0] =	sbarrier.arrive $0xFFFF  }
0x68: {  	_ =	strace $0x9000004D  }
0x69: {  	s0 =	stileid.u32;
	[bflag:$0x2] =	sbarrier.arrive $0xFFFF  }
0x6a: {  	p0 =	sne.s32 s0, $0x0;
	s0 =	rddreg [dreg:$0x2]  }
0x6b: {  	s0 =	sadd.s32 @!p0 $0x100000, s0  }
0x6c: {  	[sflag:s0] =	ssyncadd.tile.s32 @!p0 $0x1;
	_ =	shalt  }
.Lfunc_end2:
_tile_overlayer_lowered:
.L_overlay_start_2:
0x6d: {  	(tag) =	ssettag $0x2  }
0x6e: {  	s0 =	rddreg [dreg:$0x0];
	s2 =	stileid.u32  }
0x6f: {  	s1 =	rddreg [dreg:$0x1];
	p0 =	sne.s32 s2, $0x0  }
0x70: {  	s3 =	rddreg [dreg:$0x2];
	[bflag:$0x3] =	sbarrier.arrive $0xFFFF;
	s2 =	simm.s32 @!p0 $0x1C03  }
0x71: {  	[timem:s3], [sflag:s2] =	dma.local @!p0 [hbm:s0], s1  }
0x72: {  	s0 =	simm.s32 @!p0 $0x3  }
0x73: {  	_ =	swait.ge @!p0 [sflag:s0], s1  }
0x74: {  	s1 =	ssub.s32 @!p0 $0x0, s1;
	[sflag:s0] =	ssyncset.done @!p0 $0x0  }
0x75: {  	[sflag:s0] =	ssyncadd.s32 @!p0 s1  }
0x76: {  	[bflag:$0x3] =	sbarrier.arrive $0xFFFF  }
0x77: {  	_ =	shalt  }

// kernel: kernel.9.cloned.1.call-start
scs
__scs_entry_jumppad:
0x0: {  	(pc) =	sbr.rel $0x88, $3  }
0x1: {  	(tag) =	ssettag $0x0;
	lr =	simm.s32 $0x1  }
0x2: {  	[smem:$0x3F92] =	sst lr;
	_ =	strace $0xD0000000  }
0x3: {  	_ = 	snop  }
0x4: {  	_ = 	snop  }
0x5: {  	_ = 	snop  }
0x6: {  	_ = 	snop  }
0x7: {  	_ = 	snop  }
__scs_overlays_trampoline_lowered:
0x8: {  	[smem:$0x3FA1] =	sst s0  }
0x9: {  	[smem:$0x3FA2] =	sst s1  }
0xa: {  	[smem:$0x3FA3] =	sst s2  }
0xb: {  	[smem:$0x3FA4] =	sst s3  }
0xc: {  	[smem:$0x3FA5] =	sst s4  }
0xd: {  	[smem:$0x3FA6] =	sst s5  }
0xe: {  	[smem:$0x3FA7] =	sst s6  }
0xf: {  	[smem:$0x3FA8] =	sst s7  }
0x10: {  	[smem:$0x3FA9] =	sst s8  }
0x11: {  	[smem:$0x3FAA] =	sst s9;
	s0 =	simm.s32 @!p0 $0x0  }
0x12: {  	s1 =	sld [smem:$0x3F90];
	s0 =	simm.s32 @p0 $0x1  }
0x13: {  	[smem:$0x3FAB] =	sst s0;
	s0 =	simm.s32 @!p1 $0x0  }
0x14: {  	s2 =	sld [smem:$0x3F8F];
	s0 =	simm.s32 @p1 $0x1  }
0x15: {  	[smem:$0x3FAC] =	sst s0;
	s0 =	simm.s32 @!p2 $0x0  }
0x16: {  	s3 =	sld [smem:$0x3FDB];
	s0 =	simm.s32 @p2 $0x1  }
0x17: {  	s4 =	simm.s32 $0x1BF5;
	[smem:$0x3FAE] =	sst s0  }
0x18: {  	s0 =	sld [smem:$0x3F91];
	_ =	swait.ge [sflag:s4], $0x0  }
0x19: {  	s7 =	sld [smem:$0x3F92]  }
0x1a: {  	s8 =	sadd.s32 $0xFFFFE003, lr  }
0x1b: {  	s9 =	sadd.s32 $0xFFFFFEF7, lr;
	s5 =	simm.s32 $0xFFFFFFFF;
	p2 =	slt.u32 s8, $0xFFFFF086  }
0x1c: {  	p1 =	slt.u32 s9, $0xF7A;
	s5 =	simm.s32 @!p2 $0x0  }
0x1d: {  	s5 =	simm.s32 @p1 $0x1;
	p0 =	seq.s32 s7, s2  }
0x1e: {  	s7 =	smul.u32 @!p0 $0xF7A, s2;
	p2 =	seq.s32 @!p0 s5, $0x0  }
0x1f: {  	s9 =	smul.u32 $0xF7A, s1;
	s8 =	simm.s32 @!p0 $0x1BF5;
	p2 =	por !p2, p0  }
0x20: {  	[sflag:s8] =	ssyncset.s32 @!p0 $0xFFFFF086;
	s6 =	sadd.s32 @!p0 s3, s7;
	s7 =	simm.s32 @!p0 $0x108  }
0x21: {  	s3 =	sadd.s32 s3, s9;
	s6 =	sadd.s32 @!p0 $0x88, s6;
	s7 =	simm.s32 @p2 $0x1082  }
0x22: {  	[simem:s7], [sflag:s8] =	dma.local @!p0 [hbm:s6], $0xF7A  }
0x23: {  	s9 =	sor.u32 $0xD0000000, s2;
	s6 =	simm.s32 $0x108;
	_ =	swait.ge @!p0 [sflag:s8], $0x0  }
0x24: {  	s3 =	sadd.s32 $0x88, s3;
	s6 =	simm.s32 @!p1 $0x1082;
	[sflag:s4] =	ssyncset.s32 $0xFFFFF086  }
0x25: {  	[simem:s6], [sflag:s4] =	dma.local [hbm:s3], $0xF7A  }
0x26: {  	[smem:$0x3F92] =	sst s1;
	(tag) =	ssettag s2;
	_ =	strace s9  }
0x27: {  	s1 =	sld [smem:$0x3FA2]  }
0x28: {  	s2 =	sld [smem:$0x3FA3]  }
0x29: {  	s4 =	sld [smem:$0x3FA5]  }
0x2a: {  	p0 =	seq.s32 s5, $0x0;
	s5 =	sld [smem:$0x3FA6]  }
0x2b: {  	s6 =	sld [smem:$0x3FA7]  }
0x2c: {  	s7 =	sld [smem:$0x3FA8]  }
0x2d: {  	s3 =	simm.s32 $0x108;
	s8 =	sld [smem:$0x3FA9]  }
0x2e: {  	s3 =	simm.s32 @!p0 $0x1082;
	s9 =	sld [smem:$0x3FAA]  }
0x2f: {  	lr =	sadd.s32 s0, s3;
	s0 =	sld [smem:$0x3FA1]  }
0x30: {  	s3 =	sld [smem:$0x3FA4]  }
0x31: {  	[smem:$0x3FAD] =	sst s10  }
0x32: {  	s10 =	sld [smem:$0x3FAB];
	_ =	sdelay $0x3  }
0x33: {  	p0 =	seq.s32 s10, $0x1;
	s10 =	sld [smem:$0x3FAD];
	_ =	sdelay $0x3  }
0x34: {  	[smem:$0x3FAD] =	sst s10  }
0x35: {  	s10 =	sld [smem:$0x3FAC];
	_ =	sdelay $0x3  }
0x36: {  	p1 =	seq.s32 s10, $0x1;
	s10 =	sld [smem:$0x3FAD];
	_ =	sdelay $0x3  }
0x37: {  	[smem:$0x3FAD] =	sst s10  }
0x38: {  	s10 =	sld [smem:$0x3FAE]  }
0x39: {  	_ = 	snop;
	(pc) =	sbr.ind lr, $3  }
0x3a: {  	_ = 	snop  }
0x3b: {  	_ = 	snop  }
0x3c: {  	p2 =	seq.s32 s10, $0x1;
	s10 =	sld [smem:$0x3FAD]  }
0x3d: {  	_ =	shalt  }
0x3e: {  	_ =	shalt  }
0x3f: {  	_ =	shalt  }
0x40: {  	_ =	shalt  }
0x41: {  	_ =	shalt  }
0x42: {  	_ =	shalt  }
0x43: {  	_ =	shalt  }
0x44: {  	_ =	shalt  }
0x45: {  	_ =	shalt  }
0x46: {  	_ =	shalt  }
0x47: {  	_ =	shalt  }
0x48: {  	_ =	shalt  }
0x49: {  	_ =	shalt  }
0x4a: {  	_ =	shalt  }
0x4b: {  	_ =	shalt  }
0x4c: {  	_ =	shalt  }
0x4d: {  	_ =	shalt  }
0x4e: {  	_ =	shalt  }
0x4f: {  	_ =	shalt  }
0x50: {  	_ =	shalt  }
0x51: {  	_ =	shalt  }
0x52: {  	_ =	shalt  }
0x53: {  	_ =	shalt  }
0x54: {  	_ =	shalt  }
0x55: {  	_ =	shalt  }
0x56: {  	_ =	shalt  }
0x57: {  	_ =	shalt  }
0x58: {  	_ =	shalt  }
0x59: {  	_ =	shalt  }
0x5a: {  	_ =	shalt  }
0x5b: {  	_ =	shalt  }
0x5c: {  	_ =	shalt  }
0x5d: {  	_ =	shalt  }
0x5e: {  	_ =	shalt  }
0x5f: {  	_ =	shalt  }
0x60: {  	_ =	shalt  }
0x61: {  	_ =	shalt  }
0x62: {  	_ =	shalt  }
0x63: {  	_ =	shalt  }
0x64: {  	_ =	shalt  }
0x65: {  	_ =	shalt  }
0x66: {  	_ =	shalt  }
0x67: {  	_ =	shalt  }
0x68: {  	_ =	shalt  }
0x69: {  	_ =	shalt  }
0x6a: {  	_ =	shalt  }
0x6b: {  	_ =	shalt  }
0x6c: {  	_ =	shalt  }
0x6d: {  	_ =	shalt  }
0x6e: {  	_ =	shalt  }
0x6f: {  	_ =	shalt  }
0x70: {  	_ =	shalt  }
0x71: {  	_ =	shalt  }
0x72: {  	_ =	shalt  }
0x73: {  	_ =	shalt  }
0x74: {  	_ =	shalt  }
0x75: {  	_ =	shalt  }
0x76: {  	_ =	shalt  }
0x77: {  	_ =	shalt  }
0x78: {  	_ =	shalt  }
0x79: {  	_ =	shalt  }
0x7a: {  	_ =	shalt  }
0x7b: {  	_ =	shalt  }
0x7c: {  	_ =	shalt  }
0x7d: {  	_ =	shalt  }
0x7e: {  	_ =	shalt  }
0x7f: {  	_ =	shalt  }
0x80: {  	_ =	shalt  }
0x81: {  	_ =	shalt  }
0x82: {  	_ =	shalt  }
0x83: {  	_ =	shalt  }
0x84: {  	_ =	shalt  }
0x85: {  	_ =	shalt  }
0x86: {  	_ =	shalt  }
0x87: {  	_ =	shalt  }
.Lfunc_end0:
.L_simem_size_0:
called_computation_lowered:
.L_overlay_start_0:
0x88: {  	s2 =	sld [smem:$0x3FD9]  }
0x89: {  	s3 =	sld [smem:$0x3FFE];
	_ =	sdelay $0x1  }
0x8a: {  	s1 =	srdreg.scid  }
0x8b: {  	s0 =	sand.u32 $0x1, s1  }
0x8c: {  	s17 =	sshll.u32 s0, $0xA;
	s2 =	sadd.s32 s3, s2  }
0x8d: {  	s2 =	sadd.s32 s2, s17  }
0x8e: {  	[smem:$0x3FB9] =	sst s2  }
0x8f: {  	_ = 	snop  }
0x90: {  	s2 =	sld [smem:$0x3FD0];
	(tm) =	ssettm $0x1  }
0x91: {  	s18 =	sld [smem:$0x3FFB];
	_ =	sdelay $0x3  }
0x92: {  	_ =	strace s18  }
0x93: {  	s3 =	sld [smem:$0x3FFC];
	_ =	sdelay $0x3  }
0x94: {  	_ =	strace s3  }
0x95: {  	s3 =	sld [smem:$0x3FFD];
	_ =	sdelay $0x3  }
0x96: {  	_ =	strace s3  }
0x97: {  	_ =	strace $0x8FFFFFFF  }
0x98: {  	s19 =	sld [smem:$0x3FDB];
	_ =	sdelay $0x1  }
0x99: {  	s4 =	simm.s32 $_scs_section_size  }
0x9a: {  	s5 =	simm.s32 $_size__tile_overlayer_lowered;
	s6 =	simm.s32 $_tile_overlayer_lowered  }
0x9b: {  	s22 =	simm.s32 $0x1BFF;
	s21 =	sshll.u32 s6, $0x1;
	s3 =	sadd.s32 s4, s19  }
0x9c: {  	s7 =	simm.s32 $0x0;
	s20 =	sshll.u32 s5, $0x1;
	s5 =	sadd.s32 s21, s3  }
0x9d: {  	[timem:s7], [sflag:s22] =	dma.local [hbm:s5], s20  }
0x9e: {  	_ =	swait.ge [sflag:s22], s20  }
0x9f: {  	s4 =	ssub.s32 $0x0, s20;
	[sflag:s22] =	ssyncset.done $0x0  }
0xa0: {  	[sflag:s22] =	ssyncadd.s32 s4;
	_ =	sdelay $0x1  }
0xa1: {  	s23 =	simm.s32 $0x1B8B  }
0xa2: {  	_ =	swait.ge [sflag:s23], $0x1  }
0xa3: {  	[sflag:s23] =	ssyncset.done $0x0  }
0xa4: {  	s25 =	simm.s32 $0x1B8E;
	s24 =	sld [smem:$0x3FFE];
	[sflag:s23] =	ssyncadd.s32 $0xFFFFFFFF  }
0xa5: {  	s26 =	simm.s32 $execute0_lowered;
	[smem:$0x3FD2] =	sst s25  }
0xa6: {  	s5 =	sshll.u32 s26, $0x1;
	_ =	strace $0x80000046;
	[dreg:$0x1] =	wrdreg $0xFFFFFFFF  }
0xa7: {  	s28 =	simm.s32 $_size_execute0_lowered;
	s3 =	sadd.s32 s3, s5;
	[dreg:$0x0] =	wrdreg $0x0  }
0xa8: {  	s5 =	sshll.u32 s28, $0x1;
	[dreg:$0x2] =	wrdreg s3  }
0xa9: {  	[dreg:$0x3] =	wrdreg s5  }
0xaa: {  	[dreg:$0x4] =	wrdreg $0xC0  }
0xab: {  	_ =	task [dreg:s7], $0x5FFFF  }
0xac: {  	[dreg:$0x1] =	wrdreg $0xFFFFFFFF  }
0xad: {  	[dreg:$0x0] =	wrdreg $0x60  }
0xae: {  	[dreg:$0x2] =	wrdreg s24  }
0xaf: {  	[dreg:$0x3] =	wrdreg s2  }
0xb0: {  	[dreg:$0x4] =	wrdreg $0x91800  }
0xb1: {  	[dreg:$0x5] =	wrdreg $0x1CA000  }
0xb2: {  	[dreg:$0x6] =	wrdreg $0x9  }
0xb3: {  	_ =	task.clear_ibuf [dreg:s7], $0x7FFFF;
	_ =	strace $0x90000046  }
0xb4: {  	s29 =	simm.s32 $0x9;
	_ =	strace $0x80000048  }
0xb5: {  	_ =	swait.ge [sflag:s29], $0x1  }
0xb6: {  	[sflag:s29] =	ssyncadd.s32 $0xFFFFFFFF  }
0xb7: {  	_ =	strace $0x90000048  }
0xb8: {  	_ =	sfence  }
0xb9: {  	s30 =	sld [smem:$0x0];
	_ =	sdelay $0x2  }
0xba: {  	s31 =	sshll.u32 s1, $0xD;
	s1 =	sshrl.u32 s1, $0x2  }
0xbb: {  	s3 =	sand.u32 $0x4000, s31;
	s1 =	sadd.s32 s1, s30  }
0xbc: {  	s0 =	sor.u32 s3, s0;
	s1 =	sshll.u32 s1, $0x11  }
0xbd: {  	s0 =	sor.u32 s1, s0  }
0xbe: {  	s0 =	sadd.s32 $0x8F2B, s0  }
0xbf: {  	[sflag:s0] =	ssyncadd.remote.s32 $0x1  }
0xc0: {  	_ =	sfence.sel $0xFFFF  }
0xc1: {  	[dreg:$0x0] =	wrdreg $0xFFFFFFFF;
	(pc) =	sbr.abs _section_cstart, $3  }
0xc2: {  	[dreg:$0x1] =	wrdreg $0xFFFFFFFF  }
0xc3: {  	_ =	task.clear_ibuf [dreg:s7], $0x2FFFF;
	_ =	strace $0x9FFFFFFF  }
0xc4: {  	(tm) =	ssettm $0x7FFFFFFF  }
0xc5: {  	_ =	shalt  }
tec
execute0_lowered:
.L_overlay_start_1:
0x0: {  	(tag) =	ssettag $0x1  }
0x1: {  	s0 =	rddreg [dreg:$0x0]  }
0x2: {  	s2 =	rddreg [dreg:$0x2]  }
0x3: {  	s3 =	rddreg [dreg:$0x3]  }
0x4: {  	s4 =	simm.s32 $0x0;
	s15 =	stileid.u32;
	s1 =	srdreg.scid  }
0x5: {  	s28 =	simm.s32 $0xC80;
	s29 =	simm.s32 $0x50;
	s30 =	simm.s32 $0x1900  }
0x6: {  	s31 =	simm.s32 $0x80;
	s19 =	simm.s32 $0x9100;
	s20 =	simm.s32 $0x2  }
0x7: {  	[smem:$0x7FF] =	sst s4;
	s5 =	sadd.s32 $0x4A000, s0;
	s7 =	sadd.s32 $0x22E00, s0  }
0x8: {  	s8 =	sadd.s32 $0xB400, s0;
	s9 =	sadd.s32 $0x3600, s0;
	s10 =	sadd.s32 $0x1B000, s0  }
0x9: {  	s6 =	smul.u32 $0x2700, s15;
	s1 =	sand.u32 $0x1, s1;
	s11 =	sadd.s32 $0x13200, s0  }
0xa: {  	s13 =	smul.u32 $0x4E000, s15;
	s14 =	sadd.s32 $0x71200, s0;
	s16 =	sadd.s32 $0x98A00, s0  }
0xb: {  	s24 =	sadd.s32 $0x96100, s0;
	s18 =	smul.u32 $0x3E80, s15;
	s26 =	sadd.s32 $0xBD900, s0  }
0xc: {  	p1 =	sne.s32 s15, $0xF;
	_ =	strace $0x80000047;
	[dreg:$0x5] =	wrdreg s14  }
0xd: {  	p4 =	seq.s32 s15, $0xF;
	s12 =	ssub.s32 $0x2, s1;
	[dreg:$0x6] =	wrdreg s16  }
0xe: {  	p0 =	seq.s32 s1, $0x1;
	s16 =	sadd.s32 $0x124800, s2;
	[dreg:$0x9] =	wrdreg s24  }
0xf: {  	[dreg:$0xb] =	wrdreg s26;
	p3 =	sne.s32 @p1 s15, $0x0;
	s26 =	simm.s32 $0x4  }
0x10: {  	s6 =	sadd.s32 s6, s0;
	s22 =	sshrl.u32 s12, $0x1;
	s13 =	sshrl.u32 s13, $0x2  }
0x11: {  	s0 =	sadd.s32 $0xE4B00, s0;
	p2 =	por p3, !p1;
	p3 =	por !p3, !p1  }
0x12: {  	s12 =	ssub.s32 s12, s22;
	s23 =	sadd.s32 $0x71800, s6;
	[dreg:$0xd] =	wrdreg s0  }
.Ltmp0:
0x13: {  	s25 =	sadd.s32 $0x99000, s6;
	[dreg:$0x8] =	wrdreg s23;
	(pc) =	sbr.rel .LBB2_1-.Ltmp0, $4  }
0x14: {  	s1 =	sadd.s32 s13, s2;
	s6 =	sadd.s32 $0xC0200, s6;
	[dreg:$0xa] =	wrdreg s25  }
0x15: {  	s0 =	sshll.u32 @p1 s15, $0x6;
	s13 =	simm.s32 $0x3;
	[dreg:$0xc] =	wrdreg s6  }
0x16: {  	s23 =	smax.u32 s12, $0x1;
	s24 =	sor.u32 @p1 $0x1C04, s0;
	[dreg:$0x7] =	wrdreg s1  }
0x17: {  	s25 =	sshrl.u32 @p1 s1, $0x3;
	s0 =	simm.s32 $0x4100;
	s1 =	simm.s32 $0x1  }
.LBB2_22:
0x18: {  	s12 =	stileid.u32  }
0x19: {  	s12 =	sshll.u32 s12, $0x6  }
0x1a: {  	s14 =	sshrl.u32 s3, $0x3;
	s12 =	sor.u32 $0x1C04, s12  }
0x1b: {  	[hbm:s6], [sflag:s12] =	dma.local [spmem:s14], $0x4F0  }
0x1c: {  	_ =	swait.ge [sflag:s26], $0x4F0  }
0x1d: {  	[sflag:s26] =	ssyncset.done $0x0  }
0x1e: {  	[sflag:s26] =	ssyncadd.s32 $0xFFFFFB10  }
.LBB2_23:
0x1f: {  	s4 =	sadd.s32 $0x1, s4  }
0x20: {  	p5 =	sne.s32 s4, s23  }
.Ltmp1:
0x21: {  	_ = 	snop;
	(pc) =	sbr.rel @!p5 .LBB2_24-.Ltmp1, $1  }
0x22: {  	_ =	sdelay $0x3  }
.LBB2_1:
.Ltmp2:
0x23: {  	(pc) =	sbr.rel @!p0 .LBB2_2-.Ltmp2, $2  }
0x24: {  	_ =	sdelay $0x2  }
0x25: {  	s14 =	sshrl.u32 @!p2 s3, $0x3;
	s6 =	sshrl.u32 @!p1 s16, $0x3  }
0x26: {  	s12 =	rddreg [dreg:$0x8]  }
0x27: {  	[spmem:s25], [sflag:s24] =	dma.local @p1 [hbm:s12], $0x2700  }
0x28: {  	s12 =	simm.s32 @p1 $0x4  }
0x29: {  	_ =	swait.ge @p1 [sflag:s12], $0x2700  }
0x2a: {  	[sflag:s12] =	ssyncset.done @p1 $0x0  }
0x2b: {  	v0 =	vimm.f32 @p1 $1.000000000e+00;
	[sflag:s12] =	ssyncadd.s32 @p1 $0xFFFFD900  }
0x2c: {  	[tilespmem:$0x9100] =	vst @p1 v0  }
0x2d: {  	[tilespmem:$0x9110] =	vst @p1 v0  }
0x2e: {  	[tilespmem:$0x9120] =	vst @p1 v0  }
0x2f: {  	[tilespmem:$0x9130] =	vst @p1 v0  }
0x30: {  	s15 =	rddreg [dreg:$0x5];
	s12 =	simm.s32 @!p2 $0x1C04;
	[tilespmem:$0x9140] =	vst @p1 v0  }
0x31: {  	[spmem:s14], [sflag:s12] =	dma.local @!p2 [hbm:s15], $0x4F0  }
0x32: {  	s12 =	simm.s32 @!p2 $0x4  }
0x33: {  	_ =	swait.ge @!p2 [sflag:s12], $0x4F0  }
0x34: {  	[sflag:s12] =	ssyncset.done @!p2 $0x0  }
0x35: {  	s14 =	rddreg [dreg:$0x9];
	[sflag:s12] =	ssyncadd.s32 @!p2 $0xFFFFFB10;
	s12 =	simm.s32 @!p1 $0x1FC4  }
0x36: {  	[spmem:s6], [sflag:s12] =	dma.local @!p1 [hbm:s14], $0x2800  }
0x37: {  	s6 =	simm.s32 @!p1 $0x4  }
0x38: {  	_ =	swait.ge @!p1 [sflag:s6], $0x2800  }
0x39: {  	[sflag:s6] =	ssyncset.done @!p1 $0x0  }
0x3a: {  	v0 =	vimm.f32 @!p1 $1.000000000e+00;
	[sflag:s6] =	ssyncadd.s32 @!p1 $0xFFFFD800  }
0x3b: {  	[tilespmem:$0x9100] =	vst @!p1 v0  }
0x3c: {  	[tilespmem:$0x9110] =	vst @!p1 v0  }
.Ltmp3:
0x3d: {  	[tilespmem:$0x9120] =	vst @!p1 v0;
	(pc) =	sbr.rel .LBB2_13-.Ltmp3, $4  }
0x3e: {  	[tilespmem:$0x9130] =	vst @!p1 v0  }
0x3f: {  	p6 =	por @p1 $0x0, $0x0;
	p5 =	por @!p2 $0x1, $0x1;
	[tilespmem:$0x9140] =	vst @!p1 v0  }
0x40: {  	p5 =	por @!p3 p6, p6;
	p6 =	por @!p1 $0x0, $0x0;
	[bflag:$0x0] =	sbarrier.arrive $0xFFFF  }
0x41: {  	s21 =	simm.s32 $0x0;
	s22 =	simm.s32 $0x0;
	p5 =	por @!p1 p6, p6  }
.LBB2_20:
0x42: {  	_ =	swait.ge [sflag:s20], $0x2800  }
0x43: {  	[sflag:s20] =	ssyncset.done $0x0  }
0x44: {  	[sflag:s20] =	ssyncadd.s32 $0xFFFFD800  }
0x45: {  	_ =	swait.ge [sflag:s20], $0x2800  }
0x46: {  	[sflag:s20] =	ssyncset.done $0x0  }
0x47: {  	s22 =	sadd.s32 $0x1, s22;
	[sflag:s20] =	ssyncadd.s32 $0xFFFFD800  }
0x48: {  	p6 =	sne.s32 s22, $0x5;
	_ =	swait.ge [sflag:s20], $0x2800  }
.Ltmp4:
0x49: {  	[sflag:s20] =	ssyncset.done $0x0;
	(pc) =	sbr.rel @!p6 .LBB2_21-.Ltmp4, $4  }
0x4a: {  	[sflag:s20] =	ssyncadd.s32 $0xFFFFD800  }
0x4b: {  	_ =	swait.ge [sflag:s13], $0x50  }
0x4c: {  	[sflag:s13] =	ssyncset.done $0x0  }
0x4d: {  	[sflag:s13] =	ssyncadd.s32 $0xFFFFFFB0  }
.LBB2_13:
0x4e: {  	s6 =	smul.u32 $0xC80, s22;
	_ =	sdelay $0x1  }
0x4f: {  	s6 =	sadd.s32 s18, s6  }
0x50: {  	s6 =	sshrl.u32 s6, $0x3  }
0x51: {  	s12 =	sadd.s32 s10, s6  }
0x52: {  	[tilespmem:s21], [sflag:$0x4] =	stream.linear.gather [hbm4b:s12+s21], $0xC80, $0x38;
	[tilespmem:$0x1CC78] =	vst v63  }
0x53: {  	_ =	swait.ge [sflag:s26], $0xC80  }
0x54: {  	[sflag:s26] =	ssyncset.done $0x0  }
0x55: {  	s6 =	sadd.s32 s11, s6;
	[sflag:s26] =	ssyncadd.s32 $0xFFFFF380  }
0x56: {  	[tilespmem:s28], [sflag:$0x4] =	stream.linear.gather [hbm4b:s6+s21], $0xC80, $0x38;
	[tilespmem:$0x1CC78] =	vst v63  }
0x57: {  	_ =	swait.ge [sflag:s26], $0xC80  }
.Ltmp5:
0x58: {  	[sflag:s26] =	ssyncset.done $0x0;
	(pc) =	sbr.rel .LBB2_14-.Ltmp5, $4  }
0x59: {  	[sflag:s26] =	ssyncadd.s32 $0xFFFFF380  }
0x5a: {  	[tilespmem:s30], [sflag:$0x1] =	stream.indirect.gather [hbm4b:s7+s29], $0x80, s21, s29, $0xb8;
	[tilespmem:$0x1CC78] =	vst v63  }
0x5b: {  	s14 =	simm.s32 $0x0;
	s6 =	simm.s32 $0x400  }
0x5c: {  	[tilespmem:s0], [sflag:$0x1] =	stream.indirect.gather [hbm4b:s7+s29], $0x80, s31, s29, $0xb8;
	[tilespmem:$0x1CC78] =	vst v63  }
.LBB2_15:
0x5d: {  	[spmem:s3] =	stream.indirect.scatter.add.f32 [tilespmem:s19], [sflag:$0x3], $0x1, s12, s29, $0xb8;
	[tilespmem:$0x1CC78] =	vst v63  }
0x5e: {  	s12 =	simm.s32 $0x400;
	s15 =	simm.s32 $0x14000  }
.LBB2_18:
0x5f: {  	s15 =	sshrl.u32 s15, $0x2  }
0x60: {  	s12 =	sshra.s32 s12, $0x2;
	s15 =	sadd.s32 $0x1900, s15  }
0x61: {  	[tilespmem:s15], [sflag:$0x1] =	stream.indirect.gather [hbm4b:s7+s29], $0x80, s12, s29, $0xb8;
	[tilespmem:$0x1CC78] =	vst v63  }
.LBB2_19:
0x62: {  	s14 =	sadd.s32 $0x1, s14  }
0x63: {  	p6 =	sne.s32 s14, $0x19  }
.Ltmp6:
0x64: {  	_ = 	snop;
	(pc) =	sbr.rel @!p6 .LBB2_20-.Ltmp6, $2  }
0x65: {  	_ =	sdelay $0x2  }
0x66: {  	s6 =	sadd.s32 $0x200, s6  }
.LBB2_14:
0x67: {  	s12 =	smul.u32 $0xAB, s14;
	_ =	sdelay $0x1  }
0x68: {  	s12 =	sshrl.u32 s12, $0x9  }
0x69: {  	s12 =	sand.u32 $0x7F, s12  }
0x6a: {  	s12 =	smul.u32 $0x3, s12;
	_ =	sdelay $0x1  }
0x6b: {  	s12 =	ssub.s32 s14, s12  }
0x6c: {  	s12 =	sand.u32 $0xFF, s12  }
0x6d: {  	p6 =	sne.s32 s14, $0x0;
	s12 =	smul.u32 $0xA000, s12  }
.Ltmp7:
0x6e: {  	_ = 	snop;
	(pc) =	sbr.rel @!p6 .LBB2_15-.Ltmp7, $4  }
0x6f: {  	_ =	swait.ge [sflag:s1], $0x2800  }
0x70: {  	s15 =	sshra.s32 s6, $0x2;
	[sflag:s1] =	ssyncset.done $0x0;
	s12 =	sshrl.u32 s12, $0x2  }
0x71: {  	[sflag:s1] =	ssyncadd.s32 $0xFFFFD800;
	s17 =	sadd.s32 $0x1900, s12;
	s12 =	sadd.s32 $0xB80, s15  }
0x72: {  	[spmem:s2] =	stream.indirect.scatter.add.f32 [tilespmem:s17], [sflag:$0x2], $0x80, s12, s29, $0xb8;
	[tilespmem:$0x1CC78] =	vst v63  }
0x73: {  	p6 =	sgt.u32 s14, $0x16  }
.Ltmp8:
0x74: {  	_ = 	snop;
	(pc) =	sbr.rel @p6 .LBB2_19-.Ltmp8, $4  }
0x75: {  	_ =	swait.ge [sflag:s13], $0x50  }
0x76: {  	[sflag:s13] =	ssyncset.done $0x0  }
0x77: {  	[sflag:s13] =	ssyncadd.s32 $0xFFFFFFB0  }
0x78: {  	[spmem:s3] =	stream.indirect.scatter.add.f32 [tilespmem:s19], [sflag:$0x3], $0x1, s12, s29, $0xb8;
	[tilespmem:$0x1CC78] =	vst v63  }
0x79: {  	s12 =	sadd.s32 $0x2, s14  }
0x7a: {  	s15 =	smul.u32 $0xAB, s12;
	_ =	sdelay $0x1  }
0x7b: {  	s15 =	sshrl.u32 s15, $0x9  }
0x7c: {  	s15 =	sand.u32 $0x7F, s15  }
0x7d: {  	s15 =	smul.u32 $0x3, s15  }
.Ltmp9:
0x7e: {  	_ = 	snop;
	(pc) =	sbr.rel .LBB2_18-.Ltmp9, $4  }
0x7f: {  	s12 =	ssub.s32 s12, s15  }
0x80: {  	_ =	swait.ge [sflag:s20], $0x2800;
	s12 =	sand.u32 $0xFF, s12  }
0x81: {  	[sflag:s20] =	ssyncset.done $0x0;
	s15 =	smul.u32 $0xA000, s12  }
0x82: {  	[sflag:s20] =	ssyncadd.s32 $0xFFFFD800;
	s12 =	smov.u32 s6  }
.LBB2_2:
0x83: {  	s12 =	rddreg [dreg:$0x8]  }
0x84: {  	[spmem:s25], [sflag:s24] =	dma.local @p1 [hbm:s12], $0x2700  }
0x85: {  	s12 =	simm.s32 @p1 $0x4  }
0x86: {  	_ =	swait.ge @p1 [sflag:s12], $0x2700  }
0x87: {  	[sflag:s12] =	ssyncset.done @p1 $0x0  }
0x88: {  	v0 =	vimm.f32 @p1 $1.000000000e+00;
	[sflag:s12] =	ssyncadd.s32 @p1 $0xFFFFD900  }
0x89: {  	[tilespmem:$0x9100] =	vst @p1 v0  }
0x8a: {  	[tilespmem:$0x9110] =	vst @p1 v0  }
0x8b: {  	[tilespmem:$0x9120] =	vst @p1 v0  }
0x8c: {  	[tilespmem:$0x9130] =	vst @p1 v0  }
0x8d: {  	s15 =	rddreg [dreg:$0x5];
	s12 =	simm.s32 @!p2 $0x1C04;
	[tilespmem:$0x9140] =	vst @p1 v0  }
0x8e: {  	[spmem:s14], [sflag:s12] =	dma.local @!p2 [hbm:s15], $0x4F0  }
0x8f: {  	s12 =	simm.s32 @!p2 $0x4  }
0x90: {  	_ =	swait.ge @!p2 [sflag:s12], $0x4F0  }
0x91: {  	[sflag:s12] =	ssyncset.done @!p2 $0x0  }
0x92: {  	s14 =	rddreg [dreg:$0x9];
	[sflag:s12] =	ssyncadd.s32 @!p2 $0xFFFFFB10;
	s12 =	simm.s32 @!p1 $0x1FC4  }
0x93: {  	[spmem:s6], [sflag:s12] =	dma.local @!p1 [hbm:s14], $0x2800  }
0x94: {  	s6 =	simm.s32 @!p1 $0x4  }
0x95: {  	_ =	swait.ge @!p1 [sflag:s6], $0x2800  }
0x96: {  	[sflag:s6] =	ssyncset.done @!p1 $0x0  }
0x97: {  	v0 =	vimm.f32 @!p1 $1.000000000e+00;
	[sflag:s6] =	ssyncadd.s32 @!p1 $0xFFFFD800  }
0x98: {  	[tilespmem:$0x9100] =	vst @!p1 v0  }
0x99: {  	[tilespmem:$0x9110] =	vst @!p1 v0  }
.Ltmp10:
0x9a: {  	[tilespmem:$0x9120] =	vst @!p1 v0;
	(pc) =	sbr.rel .LBB2_3-.Ltmp10, $4  }
0x9b: {  	[tilespmem:$0x9130] =	vst @!p1 v0  }
0x9c: {  	p6 =	por @p1 $0x0, $0x0;
	p5 =	por @!p2 $0x1, $0x1;
	[tilespmem:$0x9140] =	vst @!p1 v0  }
0x9d: {  	p5 =	por @!p3 p6, p6;
	p6 =	por @!p1 $0x0, $0x0;
	[bflag:$0x0] =	sbarrier.arrive $0xFFFF  }
0x9e: {  	s21 =	simm.s32 $0x0;
	s22 =	simm.s32 $0x0;
	p5 =	por @!p1 p6, p6  }
.LBB2_10:
0x9f: {  	_ =	swait.ge [sflag:s20], $0x2800  }
0xa0: {  	[sflag:s20] =	ssyncset.done $0x0  }
0xa1: {  	[sflag:s20] =	ssyncadd.s32 $0xFFFFD800  }
0xa2: {  	_ =	swait.ge [sflag:s20], $0x2800  }
0xa3: {  	[sflag:s20] =	ssyncset.done $0x0  }
0xa4: {  	s22 =	sadd.s32 $0x1, s22;
	[sflag:s20] =	ssyncadd.s32 $0xFFFFD800  }
0xa5: {  	p6 =	sne.s32 s22, $0x5;
	_ =	swait.ge [sflag:s20], $0x2800  }
.Ltmp11:
0xa6: {  	[sflag:s20] =	ssyncset.done $0x0;
	(pc) =	sbr.rel @!p6 .LBB2_11-.Ltmp11, $4  }
0xa7: {  	[sflag:s20] =	ssyncadd.s32 $0xFFFFD800  }
0xa8: {  	_ =	swait.ge [sflag:s13], $0x50  }
0xa9: {  	[sflag:s13] =	ssyncset.done $0x0  }
0xaa: {  	[sflag:s13] =	ssyncadd.s32 $0xFFFFFFB0  }
.LBB2_3:
0xab: {  	s6 =	smul.u32 $0xC80, s22;
	_ =	sdelay $0x1  }
0xac: {  	s6 =	sadd.s32 s18, s6  }
0xad: {  	s6 =	sshrl.u32 s6, $0x3  }
0xae: {  	s12 =	sadd.s32 s8, s6  }
0xaf: {  	[tilespmem:s21], [sflag:$0x4] =	stream.linear.gather [hbm4b:s12+s21], $0xC80, $0x38;
	[tilespmem:$0x1CC78] =	vst v63  }
0xb0: {  	_ =	swait.ge [sflag:s26], $0xC80  }
0xb1: {  	[sflag:s26] =	ssyncset.done $0x0  }
0xb2: {  	s6 =	sadd.s32 s9, s6;
	[sflag:s26] =	ssyncadd.s32 $0xFFFFF380  }
0xb3: {  	[tilespmem:s28], [sflag:$0x4] =	stream.linear.gather [hbm4b:s6+s21], $0xC80, $0x38;
	[tilespmem:$0x1CC78] =	vst v63  }
0xb4: {  	_ =	swait.ge [sflag:s26], $0xC80  }
.Ltmp12:
0xb5: {  	[sflag:s26] =	ssyncset.done $0x0;
	(pc) =	sbr.rel .LBB2_4-.Ltmp12, $4  }
0xb6: {  	[sflag:s26] =	ssyncadd.s32 $0xFFFFF380  }
0xb7: {  	[tilespmem:s30], [sflag:$0x1] =	stream.indirect.gather [hbm4b:s5+s29], $0x80, s21, s29, $0xb8;
	[tilespmem:$0x1CC78] =	vst v63  }
0xb8: {  	s14 =	simm.s32 $0x0;
	s6 =	simm.s32 $0x400  }
0xb9: {  	[tilespmem:s0], [sflag:$0x1] =	stream.indirect.gather [hbm4b:s5+s29], $0x80, s31, s29, $0xb8;
	[tilespmem:$0x1CC78] =	vst v63  }
.LBB2_5:
0xba: {  	[spmem:s3] =	stream.indirect.scatter.add.f32 [tilespmem:s19], [sflag:$0x3], $0x1, s12, s29, $0xb8;
	[tilespmem:$0x1CC78] =	vst v63  }
0xbb: {  	s12 =	simm.s32 $0x400;
	s15 =	simm.s32 $0x14000  }
.LBB2_8:
0xbc: {  	s15 =	sshrl.u32 s15, $0x2  }
0xbd: {  	s12 =	sshra.s32 s12, $0x2;
	s15 =	sadd.s32 $0x1900, s15  }
0xbe: {  	[tilespmem:s15], [sflag:$0x1] =	stream.indirect.gather [hbm4b:s5+s29], $0x80, s12, s29, $0xb8;
	[tilespmem:$0x1CC78] =	vst v63  }
.LBB2_9:
0xbf: {  	s14 =	sadd.s32 $0x1, s14  }
0xc0: {  	p6 =	sne.s32 s14, $0x19  }
.Ltmp13:
0xc1: {  	_ = 	snop;
	(pc) =	sbr.rel @!p6 .LBB2_10-.Ltmp13, $2  }
0xc2: {  	_ =	sdelay $0x2  }
0xc3: {  	s6 =	sadd.s32 $0x200, s6  }
.LBB2_4:
0xc4: {  	s12 =	smul.u32 $0xAB, s14;
	_ =	sdelay $0x1  }
0xc5: {  	s12 =	sshrl.u32 s12, $0x9  }
0xc6: {  	s12 =	sand.u32 $0x7F, s12  }
0xc7: {  	s12 =	smul.u32 $0x3, s12;
	_ =	sdelay $0x1  }
0xc8: {  	s12 =	ssub.s32 s14, s12  }
0xc9: {  	s12 =	sand.u32 $0xFF, s12  }
0xca: {  	p6 =	sne.s32 s14, $0x0;
	s12 =	smul.u32 $0xA000, s12  }
.Ltmp14:
0xcb: {  	_ = 	snop;
	(pc) =	sbr.rel @!p6 .LBB2_5-.Ltmp14, $4  }
0xcc: {  	_ =	swait.ge [sflag:s1], $0x2800  }
0xcd: {  	s15 =	sshra.s32 s6, $0x2;
	[sflag:s1] =	ssyncset.done $0x0;
	s12 =	sshrl.u32 s12, $0x2  }
0xce: {  	[sflag:s1] =	ssyncadd.s32 $0xFFFFD800;
	s17 =	sadd.s32 $0x1900, s12;
	s12 =	sadd.s32 $0xB80, s15  }
0xcf: {  	[spmem:s2] =	stream.indirect.scatter.add.f32 [tilespmem:s17], [sflag:$0x2], $0x80, s12, s29, $0xb8;
	[tilespmem:$0x1CC78] =	vst v63  }
0xd0: {  	p6 =	sgt.u32 s14, $0x16  }
.Ltmp15:
0xd1: {  	_ = 	snop;
	(pc) =	sbr.rel @p6 .LBB2_9-.Ltmp15, $4  }
0xd2: {  	_ =	swait.ge [sflag:s13], $0x50  }
0xd3: {  	[sflag:s13] =	ssyncset.done $0x0  }
0xd4: {  	[sflag:s13] =	ssyncadd.s32 $0xFFFFFFB0  }
0xd5: {  	[spmem:s3] =	stream.indirect.scatter.add.f32 [tilespmem:s19], [sflag:$0x3], $0x1, s12, s29, $0xb8;
	[tilespmem:$0x1CC78] =	vst v63  }
0xd6: {  	s12 =	sadd.s32 $0x2, s14  }
0xd7: {  	s15 =	smul.u32 $0xAB, s12;
	_ =	sdelay $0x1  }
0xd8: {  	s15 =	sshrl.u32 s15, $0x9  }
0xd9: {  	s15 =	sand.u32 $0x7F, s15  }
0xda: {  	s15 =	smul.u32 $0x3, s15  }
.Ltmp16:
0xdb: {  	_ = 	snop;
	(pc) =	sbr.rel .LBB2_8-.Ltmp16, $4  }
0xdc: {  	s12 =	ssub.s32 s12, s15  }
0xdd: {  	_ =	swait.ge [sflag:s20], $0x2800;
	s12 =	sand.u32 $0xFF, s12  }
0xde: {  	[sflag:s20] =	ssyncset.done $0x0;
	s15 =	smul.u32 $0xA000, s12  }
0xdf: {  	[sflag:s20] =	ssyncadd.s32 $0xFFFFD800;
	s12 =	smov.u32 s6  }
.LBB2_21:
0xe0: {  	[bflag:$0x0] =	sbarrier.arrive $0xFFFF  }
0xe1: {  	s6 =	sshrl.u32 @p4 s16, $0x3;
	s12 =	simm.s32 @p4 $0x1FC4;
	s14 =	rddreg [dreg:$0xd]  }
0xe2: {  	[hbm:s14], [sflag:s12] =	dma.local @p4 [spmem:s6], $0x2800  }
0xe3: {  	s6 =	simm.s32 @p4 $0x4  }
0xe4: {  	s12 =	stileid.u32;
	_ =	swait.ge @p4 [sflag:s6], $0x2800  }
0xe5: {  	s12 =	sshll.u32 @!p4 s12, $0x6;
	[sflag:s6] =	ssyncset.done @p4 $0x0  }
0xe6: {  	[sflag:s6] =	ssyncadd.s32 @p4 $0xFFFFD800;
	s6 =	sor.u32 @!p4 $0x1C04, s12;
	s12 =	rddreg [dreg:$0x7]  }
0xe7: {  	s14 =	rddreg [dreg:$0xc];
	s12 =	sshrl.u32 @!p4 s12, $0x3  }
0xe8: {  	[hbm:s14], [sflag:s6] =	dma.local @!p4 [spmem:s12], $0x2700  }
.Ltmp17:
0xe9: {  	_ = 	snop;
	(pc) =	sbr.rel @!p5 .LBB2_23-.Ltmp17, $4  }
.Ltmp18:
0xea: {  	s6 =	simm.s32 @!p4 $0x4;
	(pc) =	sbr.rel @p5 .LBB2_22-.Ltmp18, $4  }
0xeb: {  	_ =	swait.ge @!p4 [sflag:s6], $0x2700  }
0xec: {  	[sflag:s6] =	ssyncset.done @!p4 $0x0  }
0xed: {  	[sflag:s6] =	ssyncadd.s32 @!p4 $0xFFFFD900;
	s6 =	rddreg [dreg:$0x6]  }
0xee: {  	_ = 	snop  }
.LBB2_11:
0xef: {  	[bflag:$0x0] =	sbarrier.arrive $0xFFFF  }
0xf0: {  	s6 =	sshrl.u32 @p4 s16, $0x3;
	s14 =	simm.s32 @p4 $0x1FC4;
	s12 =	rddreg @p4 [dreg:$0xb]  }
0xf1: {  	[hbm:s12], [sflag:s14] =	dma.local @p4 [spmem:s6], $0x2800  }
0xf2: {  	s6 =	stileid.u32 @!p4  }
0xf3: {  	_ =	swait.ge @p4 [sflag:s26], $0x2800;
	s6 =	sshll.u32 @!p4 s6, $0x6  }
0xf4: {  	[sflag:s26] =	ssyncset.done @p4 $0x0;
	s6 =	sor.u32 @!p4 $0x1C04, s6;
	s12 =	rddreg @!p4 [dreg:$0x7]  }
0xf5: {  	s14 =	rddreg @!p4 [dreg:$0xa];
	[sflag:s26] =	ssyncadd.s32 @p4 $0xFFFFD800;
	s12 =	sshrl.u32 @!p4 s12, $0x3  }
0xf6: {  	[hbm:s14], [sflag:s6] =	dma.local @!p4 [spmem:s12], $0x2700  }
.Ltmp19:
0xf7: {  	_ = 	snop;
	(pc) =	sbr.rel @p5 .LBB2_22-.Ltmp19, $4  }
.Ltmp20:
0xf8: {  	_ =	swait.ge @!p4 [sflag:s26], $0x2700;
	(pc) =	sbr.rel @!p5 .LBB2_23-.Ltmp20, $4  }
0xf9: {  	[sflag:s26] =	ssyncset.done @!p4 $0x0  }
0xfa: {  	[sflag:s26] =	ssyncadd.s32 @!p4 $0xFFFFD900  }
0xfb: {  	s6 =	rddreg [dreg:$0x1]  }
0xfc: {  	_ = 	snop  }
.LBB2_24:
0xfd: {  	_ =	sfence.sel $0x180000  }
0xfe: {  	[bflag:$0x0] =	sbarrier.arrive $0xFFFF  }
0xff: {  	_ =	strace $0x90000047  }
0x100: {  	s0 =	stileid.u32;
	[bflag:$0x2] =	sbarrier.arrive $0xFFFF  }
0x101: {  	p0 =	sne.s32 s0, $0x0;
	s0 =	rddreg [dreg:$0x4]  }
0x102: {  	s0 =	sadd.s32 @!p0 $0x100000, s0  }
0x103: {  	[sflag:s0] =	ssyncadd.tile.s32 @!p0 $0x1;
	_ =	shalt  }
.Lfunc_end2:
_tile_overlayer_lowered:
.L_overlay_start_2:
0x104: {  	(tag) =	ssettag $0x2  }
0x105: {  	s0 =	rddreg [dreg:$0x0];
	s2 =	stileid.u32  }
0x106: {  	s1 =	rddreg [dreg:$0x1];
	p0 =	sne.s32 s2, $0x0  }
0x107: {  	s3 =	rddreg [dreg:$0x2];
	[bflag:$0x3] =	sbarrier.arrive $0xFFFF;
	s2 =	simm.s32 @!p0 $0x1C04  }
0x108: {  	[timem:s3], [sflag:s2] =	dma.local @!p0 [hbm:s0], s1  }
0x109: {  	s0 =	simm.s32 @!p0 $0x4  }
0x10a: {  	_ =	swait.ge @!p0 [sflag:s0], s1  }
0x10b: {  	s1 =	ssub.s32 @!p0 $0x0, s1;
	[sflag:s0] =	ssyncset.done @!p0 $0x0  }
0x10c: {  	[sflag:s0] =	ssyncadd.s32 @!p0 s1  }
0x10d: {  	[bflag:$0x3] =	sbarrier.arrive $0xFFFF  }
0x10e: {  	_ =	shalt  }

</sc_bundles>
